<compile_context>
chip_gen: v7x
topology: tpu7x:2x2x1
jax: 0.10.2.dev20260603
libtpu: 0.0.44.dev20260713+nightly
codegen_flags: <defaults>
</compile_context>

<pallas_src>
import functools

import jax
import jax.numpy as jnp
from jax import lax
from jax.experimental import pallas as pl
from jax.experimental.pallas import tpu as pltpu
from jax.experimental.pallas import tpu_sc as plsc

N = 10000
B = 65536
IN_CH = 128
HID = 256
TBL = 128
BLK = 512

WRDS = 320
NWK = 32
PW = B // NWK
CH = 32
NCH = PW // CH



def _pair_body(bm_hbm, tar0_hbm, tar1_hbm, tar0b_hbm, tar1b_hbm, x_hbm,
               counts_hbm, xij_hbm,
               idx_i, idx_j, idx_ib, idx_jb, rows_i, rows_j, xi, xj,
               xij_buf, cnt_buf, sem):
    wid = lax.axis_index("s") * 2 + lax.axis_index("c")
    base = wid * PW

    def stage_and_fire(c, s):
        off = base + c * CH
        pltpu.sync_copy(tar0b_hbm.at[pl.ds(off, CH)], idx_ib.at[s])
        pltpu.sync_copy(tar1b_hbm.at[pl.ds(off, CH)], idx_jb.at[s])
        pltpu.sync_copy(tar0_hbm.at[pl.ds(off, CH)], idx_i.at[s])
        pltpu.sync_copy(tar1_hbm.at[pl.ds(off, CH)], idx_j.at[s])
        pltpu.async_copy(bm_hbm.at[idx_ib.at[s]], rows_i.at[s], sem)
        pltpu.async_copy(bm_hbm.at[idx_jb.at[s]], rows_j.at[s], sem)
        pltpu.async_copy(x_hbm.at[idx_i.at[s]], xi.at[s], sem)
        pltpu.async_copy(x_hbm.at[idx_j.at[s]], xj.at[s], sem)

    def drain(s):
        pltpu.make_async_copy(bm_hbm.at[pl.ds(0, CH)], rows_i.at[s],
                              sem).wait()
        pltpu.make_async_copy(bm_hbm.at[pl.ds(0, CH)], rows_j.at[s],
                              sem).wait()
        pltpu.make_async_copy(x_hbm.at[pl.ds(0, CH)], xi.at[s], sem).wait()
        pltpu.make_async_copy(x_hbm.at[pl.ds(0, CH)], xj.at[s], sem).wait()

    stage_and_fire(0, 0)

    def chunk(ch, carry):
        off = base + ch * CH
        cur = ch & 1
        nxt = (ch + 1) & 1
        c_next = jnp.where(ch < NCH - 1, ch + 1, 0)
        stage_and_fire(c_next, nxt)
        drain(cur)

        def pair(p, c2):
            acc = jnp.zeros((16,), jnp.int32)
            for k in range(WRDS // 16):
                v = (rows_i[cur, p, pl.ds(k * 16, 16)]
                     & rows_j[cur, p, pl.ds(k * 16, 16)])
                v = v - (lax.shift_right_logical(v, 1) & 0x55555555)
                v = ((v & 0x33333333)
                     + (lax.shift_right_logical(v, 2) & 0x33333333))
                v = (v + lax.shift_right_logical(v, 4)) & 0x0F0F0F0F
                acc = acc + v
            cnt_buf[p, :] = lax.shift_right_logical(
                acc * jnp.int32(0x01010101), 24)
            for k in range(IN_CH // 16):
                s = pl.ds(k * 16, 16)
                xij_buf[p, s] = xi[cur, p, s] * xj[cur, p, s]
            return c2
        lax.fori_loop(0, CH, pair, 0)
        pltpu.sync_copy(xij_buf, xij_hbm.at[pl.ds(off, CH)])
        pltpu.sync_copy(cnt_buf, counts_hbm.at[pl.ds(off, CH)])
        return carry

    lax.fori_loop(0, NCH, chunk, 0)
    drain(0)


def _sc_pairs(bm, tar0, tar1, tar0b, tar1b, x):
    mesh = plsc.VectorSubcoreMesh(core_axis_name="c", subcore_axis_name="s")
    f = pl.kernel(
        _pair_body,
        out_type=(jax.ShapeDtypeStruct((B, 16), jnp.int32),
                  jax.ShapeDtypeStruct((B, IN_CH), jnp.float32)),
        mesh=mesh,
        scratch_types=[
            pltpu.VMEM((2, CH), jnp.int32),
            pltpu.VMEM((2, CH), jnp.int32),
            pltpu.VMEM((2, CH), jnp.int32),
            pltpu.VMEM((2, CH), jnp.int32),
            pltpu.VMEM((2, CH, WRDS), jnp.int32),
            pltpu.VMEM((2, CH, WRDS), jnp.int32),
            pltpu.VMEM((2, CH, IN_CH), jnp.float32),
            pltpu.VMEM((2, CH, IN_CH), jnp.float32),
            pltpu.VMEM((CH, IN_CH), jnp.float32),
            pltpu.VMEM((CH, 16), jnp.int32),
            pltpu.SemaphoreType.DMA,
        ],
        compiler_params=pltpu.CompilerParams(use_tc_tiling_on_sc=False),
    )
    return f(bm, tar0, tar1, tar0b, tar1b, x)



def _table_body(w1, b1, w2, b2, w3, b3, beta, out_ref):
    c = lax.broadcasted_iota(jnp.int32, (TBL, 1), 0).astype(jnp.float32)
    h = jax.nn.relu(c * w1[...] + b1[...])
    h = jax.nn.relu(
        jax.lax.dot_general(h, w2[...], (((1,), (0,)), ((), ())),
                            preferred_element_type=jnp.float32) + b2[...])
    t = jax.lax.dot_general(h, w3[...], (((1,), (0,)), ((), ())),
                            preferred_element_type=jnp.float32) + b3[...]
    out_ref[...] = t * beta[...]


def _main_body(cnt_ref, xij_ref, table_ref, w1, b1, w2, b2, l1, lb1, l2, lb2,
               out_ref):
    xij = xij_ref[...]
    h = jax.nn.relu(
        jax.lax.dot_general(xij, w1[...], (((1,), (0,)), ((), ())),
                            preferred_element_type=jnp.float32) + b1[...])
    hij = jax.lax.dot_general(h, w2[...], (((1,), (0,)), ((), ())),
                              preferred_element_type=jnp.float32) + b2[...]
    c = jnp.sum(cnt_ref[...], axis=1, keepdims=True)
    onehot = (c == lax.broadcasted_iota(jnp.int32, (BLK, TBL), 1)
              ).astype(jnp.float32)
    hcn = jax.lax.dot_general(onehot, table_ref[...], (((1,), (0,)), ((), ())),
                              preferred_element_type=jnp.float32)
    z = hcn + hij
    h2 = jax.nn.relu(
        jax.lax.dot_general(z, l1[...], (((1,), (0,)), ((), ())),
                            preferred_element_type=jnp.float32) + lb1[...])
    out_ref[...] = jax.lax.dot_general(
        h2, l2[...], (((1,), (0,)), ((), ())),
        preferred_element_type=jnp.float32) + lb2[...]



EPAD = 320512
CE = 2048
ROWS_P = 1250
PLANE = ROWS_P * WRDS
DUMP = 4 * PLANE
CW = 2096
NCW = 12


def _build_body(srcp, dstp, out_hbm, spm, sbuf, dbuf, widx, wval, zbuf,
                pbuf, obuf, sem):
    cid = lax.axis_index("c")
    sid = lax.axis_index("s")

    def z16(i, c):
        zbuf[pl.ds(i * 16, 16)] = jnp.zeros((16,), jnp.int32)
        return c
    lax.fori_loop(0, 4000 // 16, z16, 0)

    def do_pass(p, carry):
        rlo = cid * 5000 + p * ROWS_P

        for g in range(5):
            hz = [pltpu.async_copy(
                zbuf,
                spm.at[pl.ds(sid * 100000 + (g * 5 + i) * 4000, 4000)], sem)
                for i in range(5)]
            for h in hz:
                h.wait()
        plsc.subcore_barrier()

        elim = sid * 20000 + 20000

        def chunk(ch, c):
            eoff = sid * 20000 + ch * CE
            pltpu.sync_copy(srcp.at[pl.ds(eoff, CE)], sbuf)
            pltpu.sync_copy(dstp.at[pl.ds(eoff, CE)], dbuf)

            hs = []
            for j in range(16):
                def vec(v8, c2):
                    v = j * 8 + v8
                    sl = pl.ds(v * 16, 16)
                    s = sbuf[sl]
                    d = dbuf[sl]
                    pos = eoff + v * 16 + lax.iota(jnp.int32, 16)
                    r = s - rlo
                    inr = (r >= 0) & (r < ROWS_P) & (pos < elim)
                    idx = (((d & 3) * ROWS_P + r) * WRDS
                           + lax.shift_right_logical(d, 5))
                    idx = jnp.where(inr, idx, DUMP + (pos & 127))
                    val = jnp.where(
                        inr,
                        jnp.int32(1)
                        << ((lax.shift_right_logical(d, 2) & 7) * 4),
                        0)
                    csl = pl.ds(v8 * 16, 16)
                    widx[j, csl] = idx
                    wval[j, csl] = val
                    return c2
                lax.fori_loop(0, 8, vec, 0)
                hs.append(pltpu.async_copy(
                    wval.at[j], spm.at[widx.at[j]], sem, add=True))
            for h in hs:
                h.wait()
            return c
        lax.fori_loop(0, 10, chunk, 0)
        plsc.subcore_barrier()

        def cchunk(k, c):
            poff = sid * 25000 + k * CW
            hp = [pltpu.async_copy(
                spm.at[pl.ds(q * PLANE + poff, CW)], pbuf.at[q], sem)
                for q in range(4)]
            for h in hp:
                h.wait()

            def cvec(v, c2):
                sl = pl.ds(v * 16, 16)
                o = jnp.zeros((16,), jnp.int32)
                for q in range(4):
                    w = pbuf[q, sl]
                    nz = ((w | lax.shift_right_logical(w, 1)
                           | lax.shift_right_logical(w, 2)
                           | lax.shift_right_logical(w, 3)) & 0x11111111)
                    o = o | (nz << q)
                obuf[sl] = o
                return c2
            lax.fori_loop(0, CW // 16, cvec, 0)
            pltpu.sync_copy(
                obuf, out_hbm.at[cid, pl.ds(p * PLANE + poff, CW)])
            return c
        lax.fori_loop(0, NCW, cchunk, 0)
        plsc.subcore_barrier()
        return carry

    lax.fori_loop(0, 4, do_pass, 0)


def _sc_build(edge_index):
    srcp = jnp.concatenate(
        [edge_index[0], jnp.zeros((EPAD - 320000,), jnp.int32)])
    dstp = jnp.concatenate(
        [edge_index[1], jnp.zeros((EPAD - 320000,), jnp.int32)])
    mesh = plsc.VectorSubcoreMesh(core_axis_name="c", subcore_axis_name="s")
    f = pl.kernel(
        _build_body,
        out_type=jax.ShapeDtypeStruct((2, 1600320), jnp.int32),
        mesh=mesh,
        scratch_types=[
            pltpu.VMEM_SHARED((4 * PLANE + 160,), jnp.int32),
            pltpu.VMEM((CE,), jnp.int32),
            pltpu.VMEM((CE,), jnp.int32),
            pltpu.VMEM((16, 128), jnp.int32),
            pltpu.VMEM((16, 128), jnp.int32),
            pltpu.VMEM((4000,), jnp.int32),
            pltpu.VMEM((4, CW), jnp.int32),
            pltpu.VMEM((CW,), jnp.int32),
            pltpu.SemaphoreType.DMA,
        ],
        compiler_params=pltpu.CompilerParams(use_tc_tiling_on_sc=False),
    )
    out = f(srcp, dstp)
    return out.reshape(10002, WRDS)


def kernel(x, edge_index, tar_ei, beta, xcn_w1, xcn_b1, xcn_w2, xcn_b2,
           xcn_w3, xcn_b3, xij_w1, xij_b1, xij_w2, xij_b2,
           lin_w1, lin_b1, lin_w2, lin_b2):
    bm = _sc_build(edge_index)
    tar0, tar1 = tar_ei[0], tar_ei[1]
    tar0b = tar0 + (tar0 >= 5000).astype(jnp.int32)
    tar1b = tar1 + (tar1 >= 5000).astype(jnp.int32)
    counts, xij = _sc_pairs(bm, tar0, tar1, tar0b, tar1b, x)

    full = lambda shape: pl.BlockSpec(shape, lambda *_: (0,) * len(shape))
    table = pl.pallas_call(
        _table_body,
        out_shape=jax.ShapeDtypeStruct((TBL, HID), jnp.float32),
        in_specs=[full((1, HID)), full((1, HID)), full((HID, HID)),
                  full((1, HID)), full((HID, HID)), full((1, HID)),
                  full((1, 1))],
        out_specs=full((TBL, HID)),
    )(xcn_w1, xcn_b1.reshape(1, HID), xcn_w2, xcn_b2.reshape(1, HID),
      xcn_w3, xcn_b3.reshape(1, HID), beta.reshape(1, 1))

    nb = B // BLK
    out = pl.pallas_call(
        _main_body,
        grid=(nb,),
        out_shape=jax.ShapeDtypeStruct((B, 1), jnp.float32),
        in_specs=[
            pl.BlockSpec((BLK, 16), lambda i: (i, 0)),
            pl.BlockSpec((BLK, IN_CH), lambda i: (i, 0)),
            full((TBL, HID)),
            full((IN_CH, HID)), full((1, HID)),
            full((HID, HID)), full((1, HID)),
            full((HID, HID)), full((1, HID)),
            full((HID, 1)), full((1, 1)),
        ],
        out_specs=pl.BlockSpec((BLK, 1), lambda i: (i, 0)),
    )(counts, xij, table,
      xij_w1, xij_b1.reshape(1, HID), xij_w2, xij_b2.reshape(1, HID),
      lin_w1, lin_b1.reshape(1, HID), lin_w2, lin_b2.reshape(1, 1))
    return out

# --- scband reference (transcript-rebuilt; emitter-appended) ---
"""Pipeline reference for scband-scnlink-predictor-29566554865988 (READ-ONLY COPY).

The authoritative reference and input builder live on the scoring server;
editing this copy changes nothing except your own understanding.
"""

import jax, jax.numpy as jnp
import numpy as np

N = 10000
E = 320000
B = 65536
DMAX = 96
IN_CH = 128
HID = 256
OUT_CH = 1


def _lin(k, fin, fout):
    kw, kb = jax.random.split(k)
    w = jax.random.normal(kw, (fin, fout), jnp.float32) / np.sqrt(fin)
    b = jax.random.normal(kb, (fout,), jnp.float32) * 0.01
    return w, b


def setup_inputs(seed: int = 0) -> dict:
    key = jax.random.key(seed)
    ks = jax.random.split(key, 12)
    x = jax.random.normal(ks[0], (N, IN_CH), jnp.float32)
    edge_index = jax.random.randint(ks[1], (2, E), 0, N, dtype=jnp.int32)
    tar_ei = jax.random.randint(ks[2], (2, B), 0, N, dtype=jnp.int32)
    beta = jnp.ones((1,), jnp.float32)
    xcn_w1, xcn_b1 = _lin(ks[3], 1, HID)
    xcn_w2, xcn_b2 = _lin(ks[4], HID, HID)
    xcn_w3, xcn_b3 = _lin(ks[5], HID, HID)
    xij_w1, xij_b1 = _lin(ks[6], IN_CH, HID)
    xij_w2, xij_b2 = _lin(ks[7], HID, HID)
    lin_w1, lin_b1 = _lin(ks[8], HID, HID)
    lin_w2, lin_b2 = _lin(ks[9], HID, OUT_CH)
    return {
        "x": x, "edge_index": edge_index, "tar_ei": tar_ei, "beta": beta,
        "xcn_w1": xcn_w1, "xcn_b1": xcn_b1, "xcn_w2": xcn_w2, "xcn_b2": xcn_b2,
        "xcn_w3": xcn_w3, "xcn_b3": xcn_b3,
        "xij_w1": xij_w1, "xij_b1": xij_b1, "xij_w2": xij_w2, "xij_b2": xij_b2,
        "lin_w1": lin_w1, "lin_b1": lin_b1, "lin_w2": lin_w2, "lin_b2": lin_b2,
    }


def _common_neighbor_counts(edge_index, tar_ei):
    # Mirrors adjoverlap/spmoverlap_: row-gather adjacency for both endpoints,
    # pack (row, col) keys, sorted-search intersection, then row-wise sum.
    src = edge_index[0]
    dst = edge_index[1]
    keyv = src * N + dst  # fits in int32 (max ~1e8)
    order = jnp.argsort(keyv)
    s = src[order]
    d = dst[order]
    rowcount = jnp.bincount(s, length=N)
    rowptr = jnp.cumsum(rowcount) - rowcount
    rank = jnp.arange(s.shape[0], dtype=rowptr.dtype) - rowptr[s]
    # padded CSR rows, sentinel N marks empty slots; rows stay sorted ascending
    padded = jnp.full((N, DMAX), N, dtype=jnp.int32).at[s, rank].set(d.astype(jnp.int32), mode="drop")
    a = padded[tar_ei[0]]  # [B, DMAX] neighbors of i
    b = padded[tar_ei[1]]  # [B, DMAX] neighbors of j

    def cnt(av, bv):
        idx = jnp.clip(jnp.searchsorted(av, bv), 0, DMAX - 1)
        found = av[idx] == bv
        validb = bv < N
        uniq = jnp.concatenate([jnp.ones((1,), bool), bv[1:] != bv[:-1]])
        return jnp.sum(jnp.logical_and(jnp.logical_and(found, validb), uniq))

    return jax.vmap(cnt)(a, b)


def reference(x, edge_index, tar_ei, beta,
              xcn_w1, xcn_b1, xcn_w2, xcn_b2, xcn_w3, xcn_b3,
              xij_w1, xij_b1, xij_w2, xij_b2,
              lin_w1, lin_b1, lin_w2, lin_b2):
    counts = _common_neighbor_counts(edge_index, tar_ei)
    xi = x[tar_ei[0]]
    xj = x[tar_ei[1]]
    xcn = counts.astype(jnp.float32).reshape(-1, 1)
    # xcnlin: Linear(1,H) -> ReLU -> Linear(H,H) -> ReLU -> Linear(H,H)
    h = jax.nn.relu(xcn @ xcn_w1 + xcn_b1)
    h = jax.nn.relu(h @ xcn_w2 + xcn_b2)
    hcn = h @ xcn_w3 + xcn_b3
    # xijlin: Linear(IN,H) -> ReLU -> Linear(H,H)
    hij = jax.nn.relu((xi * xj) @ xij_w1 + xij_b1) @ xij_w2 + xij_b2
    # lin: Linear(H,H) -> ReLU -> Linear(H,OUT)
    z = hcn * beta + hij
    out = jax.nn.relu(z @ lin_w1 + lin_b1) @ lin_w2 + lin_b2
    return out

if __name__ == "__main__":
    import jax
    _d = setup_inputs()
    print(jax.jit(kernel)(*tuple(_d.values())))

</pallas_src>

<mosaic_0001>
#map = affine_map<(d0, d1) -> (0, 0)>
#map1 = affine_map<(d0, d1) -> (0)>
module attributes {stable_mosaic.version = 14 : i64} {
  func.func @_pair_body(%arg0: i32, %arg1: i32, %arg2: memref<10002x320xi32, #tpu.memory_space<hbm>>, %arg3: memref<65536xi32, #tpu.memory_space<hbm>>, %arg4: memref<65536xi32, #tpu.memory_space<hbm>>, %arg5: memref<65536xi32, #tpu.memory_space<hbm>>, %arg6: memref<65536xi32, #tpu.memory_space<hbm>>, %arg7: memref<10000x128xf32, #tpu.memory_space<hbm>>, %arg8: memref<65536x16xi32, #tpu.memory_space<hbm>>, %arg9: memref<65536x128xf32, #tpu.memory_space<hbm>>, %arg10: memref<2x32xi32, #tpu.memory_space<vmem>>, %arg11: memref<2x32xi32, #tpu.memory_space<vmem>>, %arg12: memref<2x32xi32, #tpu.memory_space<vmem>>, %arg13: memref<2x32xi32, #tpu.memory_space<vmem>>, %arg14: memref<2x32x320xi32, #tpu.memory_space<vmem>>, %arg15: memref<2x32x320xi32, #tpu.memory_space<vmem>>, %arg16: memref<2x32x128xf32, #tpu.memory_space<vmem>>, %arg17: memref<2x32x128xf32, #tpu.memory_space<vmem>>, %arg18: memref<32x128xf32, #tpu.memory_space<vmem>>, %arg19: memref<32x16xi32, #tpu.memory_space<vmem>>, %arg20: memref<!tpu.dma_semaphore, #tpu.memory_space<semaphore_mem>>) attributes {dimension_semantics = [#tpu.dimension_semantics<core_parallel>, #tpu.dimension_semantics<subcore_parallel>], iteration_bounds = array<i64: 2, 16>, scalar_prefetch = 0 : i64, scratch_operands = 11 : i64, tpu.core_type = #tpu.core_type<sc_vector_subcore>, window_params = [{transform_indices = #map}, {transform_indices = #map1}, {transform_indices = #map1}, {transform_indices = #map1}, {transform_indices = #map1}, {transform_indices = #map}, {transform_indices = #map}, {transform_indices = #map}]} {
    %mul3A = arith.constant 2 : i32
    %mul3A_0 = arith.muli %arg1, %mul3A : i32
    %add3A = arith.addi %mul3A_0, %arg0 : i32
    %mul3A_1 = arith.constant 2048 : i32
    %mul3A_2 = arith.muli %add3A, %mul3A_1 : i32
    %add3A_3 = arith.constant 0 : i32
    %add3A_4 = arith.addi %mul3A_2, %add3A_3 : i32
    %run_scoped3A = arith.constant 0 : i32
    "tpu.region"() ({
      %run_scoped3A_119 = tpu.sem_alloc : memref<!tpu.dma_semaphore, #tpu.memory_space<semaphore_mem>>
      %dma_start3A_120 = arith.constant 0 : i32
      %dma_start3A_121 = tpu.memref_slice %arg12[%run_scoped3A, %dma_start3A_120] : memref<2x32xi32, #tpu.memory_space<vmem>> -> memref<1x32xi32, #tpu.memory_space<vmem>>
      %dma_start3A_122 = tpu.memref_squeeze %dma_start3A_121 : memref<1x32xi32, #tpu.memory_space<vmem>> -> memref<32xi32, #tpu.memory_space<vmem>>
      %dma_start3A_123 = tpu.memref_slice %arg5[%add3A_4] : memref<65536xi32, #tpu.memory_space<hbm>> -> memref<32xi32, #tpu.memory_space<hbm>>
      %dma_start3A_124 = arith.constant 0 : i32
      %dma_start3A_125 = tpu.memref_slice %arg12[%run_scoped3A, %dma_start3A_124] : memref<2x32xi32, #tpu.memory_space<vmem>> -> memref<1x32xi32, #tpu.memory_space<vmem>>
      %dma_start3A_126 = tpu.memref_squeeze %dma_start3A_125 : memref<1x32xi32, #tpu.memory_space<vmem>> -> memref<32xi32, #tpu.memory_space<vmem>>
      %dma_start3A_127 = tpu.memref_slice %arg5[%add3A_4] : memref<65536xi32, #tpu.memory_space<hbm>> -> memref<32xi32, #tpu.memory_space<hbm>>
      tpu.enqueue_dma source(%dma_start3A_127 : memref<32xi32, #tpu.memory_space<hbm>>) target(%dma_start3A_126 : memref<32xi32, #tpu.memory_space<vmem>>) target_semaphore(%run_scoped3A_119 : memref<!tpu.dma_semaphore, #tpu.memory_space<semaphore_mem>>)
      %dma_wait3A_128 = arith.constant 0 : i32
      %dma_wait3A_129 = tpu.memref_slice %arg12[%run_scoped3A, %dma_wait3A_128] : memref<2x32xi32, #tpu.memory_space<vmem>> -> memref<1x32xi32, #tpu.memory_space<vmem>>
      %dma_wait3A_130 = tpu.memref_squeeze %dma_wait3A_129 : memref<1x32xi32, #tpu.memory_space<vmem>> -> memref<32xi32, #tpu.memory_space<vmem>>
      %dma_wait3A_131 = tpu.memref_slice %arg5[%add3A_4] : memref<65536xi32, #tpu.memory_space<hbm>> -> memref<32xi32, #tpu.memory_space<hbm>>
      %dma_wait3A_132 = arith.constant 0 : i32
      %dma_wait3A_133 = tpu.memref_slice %arg12[%run_scoped3A, %dma_wait3A_132] : memref<2x32xi32, #tpu.memory_space<vmem>> -> memref<1x32xi32, #tpu.memory_space<vmem>>
      %dma_wait3A_134 = tpu.memref_squeeze %dma_wait3A_133 : memref<1x32xi32, #tpu.memory_space<vmem>> -> memref<32xi32, #tpu.memory_space<vmem>>
      %dma_wait3A_135 = tpu.memref_slice %arg5[%add3A_4] : memref<65536xi32, #tpu.memory_space<hbm>> -> memref<32xi32, #tpu.memory_space<hbm>>
      tpu.wait_dma2 semaphore(%run_scoped3A_119 : memref<!tpu.dma_semaphore, #tpu.memory_space<semaphore_mem>>) src(%dma_wait3A_135 : memref<32xi32, #tpu.memory_space<hbm>>) dst(%dma_wait3A_134 : memref<32xi32, #tpu.memory_space<vmem>>)
      tpu.yield
    }) : () -> ()
    %run_scoped3A_5 = arith.constant 0 : i32
    "tpu.region"() ({
      %run_scoped3A_119 = tpu.sem_alloc : memref<!tpu.dma_semaphore, #tpu.memory_space<semaphore_mem>>
      %dma_start3A_120 = arith.constant 0 : i32
      %dma_start3A_121 = tpu.memref_slice %arg13[%run_scoped3A_5, %dma_start3A_120] : memref<2x32xi32, #tpu.memory_space<vmem>> -> memref<1x32xi32, #tpu.memory_space<vmem>>
      %dma_start3A_122 = tpu.memref_squeeze %dma_start3A_121 : memref<1x32xi32, #tpu.memory_space<vmem>> -> memref<32xi32, #tpu.memory_space<vmem>>
      %dma_start3A_123 = tpu.memref_slice %arg6[%add3A_4] : memref<65536xi32, #tpu.memory_space<hbm>> -> memref<32xi32, #tpu.memory_space<hbm>>
      %dma_start3A_124 = arith.constant 0 : i32
      %dma_start3A_125 = tpu.memref_slice %arg13[%run_scoped3A_5, %dma_start3A_124] : memref<2x32xi32, #tpu.memory_space<vmem>> -> memref<1x32xi32, #tpu.memory_space<vmem>>
      %dma_start3A_126 = tpu.memref_squeeze %dma_start3A_125 : memref<1x32xi32, #tpu.memory_space<vmem>> -> memref<32xi32, #tpu.memory_space<vmem>>
      %dma_start3A_127 = tpu.memref_slice %arg6[%add3A_4] : memref<65536xi32, #tpu.memory_space<hbm>> -> memref<32xi32, #tpu.memory_space<hbm>>
      tpu.enqueue_dma source(%dma_start3A_127 : memref<32xi32, #tpu.memory_space<hbm>>) target(%dma_start3A_126 : memref<32xi32, #tpu.memory_space<vmem>>) target_semaphore(%run_scoped3A_119 : memref<!tpu.dma_semaphore, #tpu.memory_space<semaphore_mem>>)
      %dma_wait3A_128 = arith.constant 0 : i32
      %dma_wait3A_129 = tpu.memref_slice %arg13[%run_scoped3A_5, %dma_wait3A_128] : memref<2x32xi32, #tpu.memory_space<vmem>> -> memref<1x32xi32, #tpu.memory_space<vmem>>
      %dma_wait3A_130 = tpu.memref_squeeze %dma_wait3A_129 : memref<1x32xi32, #tpu.memory_space<vmem>> -> memref<32xi32, #tpu.memory_space<vmem>>
      %dma_wait3A_131 = tpu.memref_slice %arg6[%add3A_4] : memref<65536xi32, #tpu.memory_space<hbm>> -> memref<32xi32, #tpu.memory_space<hbm>>
      %dma_wait3A_132 = arith.constant 0 : i32
      %dma_wait3A_133 = tpu.memref_slice %arg13[%run_scoped3A_5, %dma_wait3A_132] : memref<2x32xi32, #tpu.memory_space<vmem>> -> memref<1x32xi32, #tpu.memory_space<vmem>>
      %dma_wait3A_134 = tpu.memref_squeeze %dma_wait3A_133 : memref<1x32xi32, #tpu.memory_space<vmem>> -> memref<32xi32, #tpu.memory_space<vmem>>
      %dma_wait3A_135 = tpu.memref_slice %arg6[%add3A_4] : memref<65536xi32, #tpu.memory_space<hbm>> -> memref<32xi32, #tpu.memory_space<hbm>>
      tpu.wait_dma2 semaphore(%run_scoped3A_119 : memref<!tpu.dma_semaphore, #tpu.memory_space<semaphore_mem>>) src(%dma_wait3A_135 : memref<32xi32, #tpu.memory_space<hbm>>) dst(%dma_wait3A_134 : memref<32xi32, #tpu.memory_space<vmem>>)
      tpu.yield
    }) : () -> ()
    %run_scoped3A_6 = arith.constant 0 : i32
    "tpu.region"() ({
      %run_scoped3A_119 = tpu.sem_alloc : memref<!tpu.dma_semaphore, #tpu.memory_space<semaphore_mem>>
      %dma_start3A_120 = arith.constant 0 : i32
      %dma_start3A_121 = tpu.memref_slice %arg10[%run_scoped3A_6, %dma_start3A_120] : memref<2x32xi32, #tpu.memory_space<vmem>> -> memref<1x32xi32, #tpu.memory_space<vmem>>
      %dma_start3A_122 = tpu.memref_squeeze %dma_start3A_121 : memref<1x32xi32, #tpu.memory_space<vmem>> -> memref<32xi32, #tpu.memory_space<vmem>>
      %dma_start3A_123 = tpu.memref_slice %arg3[%add3A_4] : memref<65536xi32, #tpu.memory_space<hbm>> -> memref<32xi32, #tpu.memory_space<hbm>>
      %dma_start3A_124 = arith.constant 0 : i32
      %dma_start3A_125 = tpu.memref_slice %arg10[%run_scoped3A_6, %dma_start3A_124] : memref<2x32xi32, #tpu.memory_space<vmem>> -> memref<1x32xi32, #tpu.memory_space<vmem>>
      %dma_start3A_126 = tpu.memref_squeeze %dma_start3A_125 : memref<1x32xi32, #tpu.memory_space<vmem>> -> memref<32xi32, #tpu.memory_space<vmem>>
      %dma_start3A_127 = tpu.memref_slice %arg3[%add3A_4] : memref<65536xi32, #tpu.memory_space<hbm>> -> memref<32xi32, #tpu.memory_space<hbm>>
      tpu.enqueue_dma source(%dma_start3A_127 : memref<32xi32, #tpu.memory_space<hbm>>) target(%dma_start3A_126 : memref<32xi32, #tpu.memory_space<vmem>>) target_semaphore(%run_scoped3A_119 : memref<!tpu.dma_semaphore, #tpu.memory_space<semaphore_mem>>)
      %dma_wait3A_128 = arith.constant 0 : i32
      %dma_wait3A_129 = tpu.memref_slice %arg10[%run_scoped3A_6, %dma_wait3A_128] : memref<2x32xi32, #tpu.memory_space<vmem>> -> memref<1x32xi32, #tpu.memory_space<vmem>>
      %dma_wait3A_130 = tpu.memref_squeeze %dma_wait3A_129 : memref<1x32xi32, #tpu.memory_space<vmem>> -> memref<32xi32, #tpu.memory_space<vmem>>
      %dma_wait3A_131 = tpu.memref_slice %arg3[%add3A_4] : memref<65536xi32, #tpu.memory_space<hbm>> -> memref<32xi32, #tpu.memory_space<hbm>>
      %dma_wait3A_132 = arith.constant 0 : i32
      %dma_wait3A_133 = tpu.memref_slice %arg10[%run_scoped3A_6, %dma_wait3A_132] : memref<2x32xi32, #tpu.memory_space<vmem>> -> memref<1x32xi32, #tpu.memory_space<vmem>>
      %dma_wait3A_134 = tpu.memref_squeeze %dma_wait3A_133 : memref<1x32xi32, #tpu.memory_space<vmem>> -> memref<32xi32, #tpu.memory_space<vmem>>
      %dma_wait3A_135 = tpu.memref_slice %arg3[%add3A_4] : memref<65536xi32, #tpu.memory_space<hbm>> -> memref<32xi32, #tpu.memory_space<hbm>>
      tpu.wait_dma2 semaphore(%run_scoped3A_119 : memref<!tpu.dma_semaphore, #tpu.memory_space<semaphore_mem>>) src(%dma_wait3A_135 : memref<32xi32, #tpu.memory_space<hbm>>) dst(%dma_wait3A_134 : memref<32xi32, #tpu.memory_space<vmem>>)
      tpu.yield
    }) : () -> ()
    %run_scoped3A_7 = arith.constant 0 : i32
    "tpu.region"() ({
      %run_scoped3A_119 = tpu.sem_alloc : memref<!tpu.dma_semaphore, #tpu.memory_space<semaphore_mem>>
      %dma_start3A_120 = arith.constant 0 : i32
      %dma_start3A_121 = tpu.memref_slice %arg11[%run_scoped3A_7, %dma_start3A_120] : memref<2x32xi32, #tpu.memory_space<vmem>> -> memref<1x32xi32, #tpu.memory_space<vmem>>
      %dma_start3A_122 = tpu.memref_squeeze %dma_start3A_121 : memref<1x32xi32, #tpu.memory_space<vmem>> -> memref<32xi32, #tpu.memory_space<vmem>>
      %dma_start3A_123 = tpu.memref_slice %arg4[%add3A_4] : memref<65536xi32, #tpu.memory_space<hbm>> -> memref<32xi32, #tpu.memory_space<hbm>>
      %dma_start3A_124 = arith.constant 0 : i32
      %dma_start3A_125 = tpu.memref_slice %arg11[%run_scoped3A_7, %dma_start3A_124] : memref<2x32xi32, #tpu.memory_space<vmem>> -> memref<1x32xi32, #tpu.memory_space<vmem>>
      %dma_start3A_126 = tpu.memref_squeeze %dma_start3A_125 : memref<1x32xi32, #tpu.memory_space<vmem>> -> memref<32xi32, #tpu.memory_space<vmem>>
      %dma_start3A_127 = tpu.memref_slice %arg4[%add3A_4] : memref<65536xi32, #tpu.memory_space<hbm>> -> memref<32xi32, #tpu.memory_space<hbm>>
      tpu.enqueue_dma source(%dma_start3A_127 : memref<32xi32, #tpu.memory_space<hbm>>) target(%dma_start3A_126 : memref<32xi32, #tpu.memory_space<vmem>>) target_semaphore(%run_scoped3A_119 : memref<!tpu.dma_semaphore, #tpu.memory_space<semaphore_mem>>)
      %dma_wait3A_128 = arith.constant 0 : i32
      %dma_wait3A_129 = tpu.memref_slice %arg11[%run_scoped3A_7, %dma_wait3A_128] : memref<2x32xi32, #tpu.memory_space<vmem>> -> memref<1x32xi32, #tpu.memory_space<vmem>>
      %dma_wait3A_130 = tpu.memref_squeeze %dma_wait3A_129 : memref<1x32xi32, #tpu.memory_space<vmem>> -> memref<32xi32, #tpu.memory_space<vmem>>
      %dma_wait3A_131 = tpu.memref_slice %arg4[%add3A_4] : memref<65536xi32, #tpu.memory_space<hbm>> -> memref<32xi32, #tpu.memory_space<hbm>>
      %dma_wait3A_132 = arith.constant 0 : i32
      %dma_wait3A_133 = tpu.memref_slice %arg11[%run_scoped3A_7, %dma_wait3A_132] : memref<2x32xi32, #tpu.memory_space<vmem>> -> memref<1x32xi32, #tpu.memory_space<vmem>>
      %dma_wait3A_134 = tpu.memref_squeeze %dma_wait3A_133 : memref<1x32xi32, #tpu.memory_space<vmem>> -> memref<32xi32, #tpu.memory_space<vmem>>
      %dma_wait3A_135 = tpu.memref_slice %arg4[%add3A_4] : memref<65536xi32, #tpu.memory_space<hbm>> -> memref<32xi32, #tpu.memory_space<hbm>>
      tpu.wait_dma2 semaphore(%run_scoped3A_119 : memref<!tpu.dma_semaphore, #tpu.memory_space<semaphore_mem>>) src(%dma_wait3A_135 : memref<32xi32, #tpu.memory_space<hbm>>) dst(%dma_wait3A_134 : memref<32xi32, #tpu.memory_space<vmem>>)
      tpu.yield
    }) : () -> ()
    %dma_start3A = arith.constant 0 : i32
    %dma_start3A_8 = arith.constant 0 : i32
    %dma_start3A_9 = arith.constant 0 : i32
    %dma_start3A_10 = arith.constant 0 : i32
    %dma_start3A_11 = tpu.memref_slice %arg14[%dma_start3A_8, %dma_start3A_9, %dma_start3A_10] : memref<2x32x320xi32, #tpu.memory_space<vmem>> -> memref<1x32x320xi32, #tpu.memory_space<vmem>>
    %dma_start3A_12 = tpu.memref_squeeze %dma_start3A_11 : memref<1x32x320xi32, #tpu.memory_space<vmem>> -> memref<32x320xi32, #tpu.memory_space<vmem>>
    %dma_start3A_13 = arith.constant 0 : i32
    %dma_start3A_14 = tpu.memref_slice %arg12[%dma_start3A, %dma_start3A_13] : memref<2x32xi32, #tpu.memory_space<vmem>> -> memref<1x32xi32, #tpu.memory_space<vmem>>
    %dma_start3A_15 = tpu.memref_squeeze %dma_start3A_14 : memref<1x32xi32, #tpu.memory_space<vmem>> -> memref<32xi32, #tpu.memory_space<vmem>>
    %dma_start3A_16 = arith.constant 0 : i32
    %dma_start3A_17 = arith.constant 0 : i32
    %dma_start3A_18 = tpu.memref_slice %arg2[%dma_start3A_16, %dma_start3A_17] : memref<10002x320xi32, #tpu.memory_space<hbm>> -> memref<10002x320xi32, #tpu.memory_space<hbm>>
    tpu.enqueue_indirect_dma source(%dma_start3A_18 : memref<10002x320xi32, #tpu.memory_space<hbm>>) target(%dma_start3A_12 : memref<32x320xi32, #tpu.memory_space<vmem>>) offsets(%dma_start3A_15 : memref<32xi32, #tpu.memory_space<vmem>>) semaphore(%arg20 : memref<!tpu.dma_semaphore, #tpu.memory_space<semaphore_mem>>)
    %dma_start3A_19 = arith.constant 0 : i32
    %dma_start3A_20 = arith.constant 0 : i32
    %dma_start3A_21 = arith.constant 0 : i32
    %dma_start3A_22 = arith.constant 0 : i32
    %dma_start3A_23 = tpu.memref_slice %arg15[%dma_start3A_20, %dma_start3A_21, %dma_start3A_22] : memref<2x32x320xi32, #tpu.memory_space<vmem>> -> memref<1x32x320xi32, #tpu.memory_space<vmem>>
    %dma_start3A_24 = tpu.memref_squeeze %dma_start3A_23 : memref<1x32x320xi32, #tpu.memory_space<vmem>> -> memref<32x320xi32, #tpu.memory_space<vmem>>
    %dma_start3A_25 = arith.constant 0 : i32
    %dma_start3A_26 = tpu.memref_slice %arg13[%dma_start3A_19, %dma_start3A_25] : memref<2x32xi32, #tpu.memory_space<vmem>> -> memref<1x32xi32, #tpu.memory_space<vmem>>
    %dma_start3A_27 = tpu.memref_squeeze %dma_start3A_26 : memref<1x32xi32, #tpu.memory_space<vmem>> -> memref<32xi32, #tpu.memory_space<vmem>>
    %dma_start3A_28 = arith.constant 0 : i32
    %dma_start3A_29 = arith.constant 0 : i32
    %dma_start3A_30 = tpu.memref_slice %arg2[%dma_start3A_28, %dma_start3A_29] : memref<10002x320xi32, #tpu.memory_space<hbm>> -> memref<10002x320xi32, #tpu.memory_space<hbm>>
    tpu.enqueue_indirect_dma source(%dma_start3A_30 : memref<10002x320xi32, #tpu.memory_space<hbm>>) target(%dma_start3A_24 : memref<32x320xi32, #tpu.memory_space<vmem>>) offsets(%dma_start3A_27 : memref<32xi32, #tpu.memory_space<vmem>>) semaphore(%arg20 : memref<!tpu.dma_semaphore, #tpu.memory_space<semaphore_mem>>)
    %dma_start3A_31 = arith.constant 0 : i32
    %dma_start3A_32 = arith.constant 0 : i32
    %dma_start3A_33 = arith.constant 0 : i32
    %dma_start3A_34 = arith.constant 0 : i32
    %dma_start3A_35 = tpu.memref_slice %arg16[%dma_start3A_32, %dma_start3A_33, %dma_start3A_34] : memref<2x32x128xf32, #tpu.memory_space<vmem>> -> memref<1x32x128xf32, #tpu.memory_space<vmem>>
    %dma_start3A_36 = tpu.memref_squeeze %dma_start3A_35 : memref<1x32x128xf32, #tpu.memory_space<vmem>> -> memref<32x128xf32, #tpu.memory_space<vmem>>
    %dma_start3A_37 = arith.constant 0 : i32
    %dma_start3A_38 = tpu.memref_slice %arg10[%dma_start3A_31, %dma_start3A_37] : memref<2x32xi32, #tpu.memory_space<vmem>> -> memref<1x32xi32, #tpu.memory_space<vmem>>
    %dma_start3A_39 = tpu.memref_squeeze %dma_start3A_38 : memref<1x32xi32, #tpu.memory_space<vmem>> -> memref<32xi32, #tpu.memory_space<vmem>>
    %dma_start3A_40 = arith.constant 0 : i32
    %dma_start3A_41 = arith.constant 0 : i32
    %dma_start3A_42 = tpu.memref_slice %arg7[%dma_start3A_40, %dma_start3A_41] : memref<10000x128xf32, #tpu.memory_space<hbm>> -> memref<10000x128xf32, #tpu.memory_space<hbm>>
    tpu.enqueue_indirect_dma source(%dma_start3A_42 : memref<10000x128xf32, #tpu.memory_space<hbm>>) target(%dma_start3A_36 : memref<32x128xf32, #tpu.memory_space<vmem>>) offsets(%dma_start3A_39 : memref<32xi32, #tpu.memory_space<vmem>>) semaphore(%arg20 : memref<!tpu.dma_semaphore, #tpu.memory_space<semaphore_mem>>)
    %dma_start3A_43 = arith.constant 0 : i32
    %dma_start3A_44 = arith.constant 0 : i32
    %dma_start3A_45 = arith.constant 0 : i32
    %dma_start3A_46 = arith.constant 0 : i32
    %dma_start3A_47 = tpu.memref_slice %arg17[%dma_start3A_44, %dma_start3A_45, %dma_start3A_46] : memref<2x32x128xf32, #tpu.memory_space<vmem>> -> memref<1x32x128xf32, #tpu.memory_space<vmem>>
    %dma_start3A_48 = tpu.memref_squeeze %dma_start3A_47 : memref<1x32x128xf32, #tpu.memory_space<vmem>> -> memref<32x128xf32, #tpu.memory_space<vmem>>
    %dma_start3A_49 = arith.constant 0 : i32
    %dma_start3A_50 = tpu.memref_slice %arg11[%dma_start3A_43, %dma_start3A_49] : memref<2x32xi32, #tpu.memory_space<vmem>> -> memref<1x32xi32, #tpu.memory_space<vmem>>
    %dma_start3A_51 = tpu.memref_squeeze %dma_start3A_50 : memref<1x32xi32, #tpu.memory_space<vmem>> -> memref<32xi32, #tpu.memory_space<vmem>>
    %dma_start3A_52 = arith.constant 0 : i32
    %dma_start3A_53 = arith.constant 0 : i32
    %dma_start3A_54 = tpu.memref_slice %arg7[%dma_start3A_52, %dma_start3A_53] : memref<10000x128xf32, #tpu.memory_space<hbm>> -> memref<10000x128xf32, #tpu.memory_space<hbm>>
    tpu.enqueue_indirect_dma source(%dma_start3A_54 : memref<10000x128xf32, #tpu.memory_space<hbm>>) target(%dma_start3A_48 : memref<32x128xf32, #tpu.memory_space<vmem>>) offsets(%dma_start3A_51 : memref<32xi32, #tpu.memory_space<vmem>>) semaphore(%arg20 : memref<!tpu.dma_semaphore, #tpu.memory_space<semaphore_mem>>)
    %scan3A = arith.constant 0 : i32
    %scan3A_55 = arith.constant 0 : i32
    %scan3A_56 = arith.constant 64 : i32
    %scan3A_57 = arith.addi %scan3A_55, %scan3A_56 : i32
    %scan3A_58 = arith.constant 1 : i32
    scf.for %scan3A_119 = %scan3A_55 to %scan3A_57 step %scan3A_58  : i32 {
      %mul3A_120 = arith.constant 32 : i32
      %mul3A_121 = arith.muli %scan3A_119, %mul3A_120 : i32
      %add3A_122 = arith.addi %mul3A_2, %mul3A_121 : i32
      %and3A = arith.constant 1 : i32
      %and3A_123 = arith.andi %scan3A_119, %and3A : i32
      %add3A_124 = arith.constant 1 : i32
      %add3A_125 = arith.addi %scan3A_119, %add3A_124 : i32
      %and3A_126 = arith.constant 1 : i32
      %and3A_127 = arith.andi %add3A_125, %and3A_126 : i32
      %lt3A = arith.constant 63 : i32
      %lt3A_128 = arith.cmpi slt, %scan3A_119, %lt3A : i32
      %add3A_129 = arith.constant 1 : i32
      %add3A_130 = arith.addi %scan3A_119, %add3A_129 : i32
      %jit3A = arith.constant 0 : i32
      %select_n3A = arith.select %lt3A_128, %add3A_130, %jit3A : i32
      %mul3A_131 = arith.constant 32 : i32
      %mul3A_132 = arith.muli %select_n3A, %mul3A_131 : i32
      %add3A_133 = arith.addi %mul3A_2, %mul3A_132 : i32
      "tpu.region"() ({
        %run_scoped3A_236 = tpu.sem_alloc : memref<!tpu.dma_semaphore, #tpu.memory_space<semaphore_mem>>
        %dma_start3A_237 = arith.constant 0 : i32
        %dma_start3A_238 = tpu.memref_slice %arg12[%and3A_127, %dma_start3A_237] : memref<2x32xi32, #tpu.memory_space<vmem>> -> memref<1x32xi32, #tpu.memory_space<vmem>>
        %dma_start3A_239 = tpu.memref_squeeze %dma_start3A_238 : memref<1x32xi32, #tpu.memory_space<vmem>> -> memref<32xi32, #tpu.memory_space<vmem>>
        %dma_start3A_240 = tpu.memref_slice %arg5[%add3A_133] : memref<65536xi32, #tpu.memory_space<hbm>> -> memref<32xi32, #tpu.memory_space<hbm>>
        %dma_start3A_241 = arith.constant 0 : i32
        %dma_start3A_242 = tpu.memref_slice %arg12[%and3A_127, %dma_start3A_241] : memref<2x32xi32, #tpu.memory_space<vmem>> -> memref<1x32xi32, #tpu.memory_space<vmem>>
        %dma_start3A_243 = tpu.memref_squeeze %dma_start3A_242 : memref<1x32xi32, #tpu.memory_space<vmem>> -> memref<32xi32, #tpu.memory_space<vmem>>
        %dma_start3A_244 = tpu.memref_slice %arg5[%add3A_133] : memref<65536xi32, #tpu.memory_space<hbm>> -> memref<32xi32, #tpu.memory_space<hbm>>
        tpu.enqueue_dma source(%dma_start3A_244 : memref<32xi32, #tpu.memory_space<hbm>>) target(%dma_start3A_243 : memref<32xi32, #tpu.memory_space<vmem>>) target_semaphore(%run_scoped3A_236 : memref<!tpu.dma_semaphore, #tpu.memory_space<semaphore_mem>>)
        %dma_wait3A_245 = arith.constant 0 : i32
        %dma_wait3A_246 = tpu.memref_slice %arg12[%and3A_127, %dma_wait3A_245] : memref<2x32xi32, #tpu.memory_space<vmem>> -> memref<1x32xi32, #tpu.memory_space<vmem>>
        %dma_wait3A_247 = tpu.memref_squeeze %dma_wait3A_246 : memref<1x32xi32, #tpu.memory_space<vmem>> -> memref<32xi32, #tpu.memory_space<vmem>>
        %dma_wait3A_248 = tpu.memref_slice %arg5[%add3A_133] : memref<65536xi32, #tpu.memory_space<hbm>> -> memref<32xi32, #tpu.memory_space<hbm>>
        %dma_wait3A_249 = arith.constant 0 : i32
        %dma_wait3A_250 = tpu.memref_slice %arg12[%and3A_127, %dma_wait3A_249] : memref<2x32xi32, #tpu.memory_space<vmem>> -> memref<1x32xi32, #tpu.memory_space<vmem>>
        %dma_wait3A_251 = tpu.memref_squeeze %dma_wait3A_250 : memref<1x32xi32, #tpu.memory_space<vmem>> -> memref<32xi32, #tpu.memory_space<vmem>>
        %dma_wait3A_252 = tpu.memref_slice %arg5[%add3A_133] : memref<65536xi32, #tpu.memory_space<hbm>> -> memref<32xi32, #tpu.memory_space<hbm>>
        tpu.wait_dma2 semaphore(%run_scoped3A_236 : memref<!tpu.dma_semaphore, #tpu.memory_space<semaphore_mem>>) src(%dma_wait3A_252 : memref<32xi32, #tpu.memory_space<hbm>>) dst(%dma_wait3A_251 : memref<32xi32, #tpu.memory_space<vmem>>)
        tpu.yield
      }) : () -> ()
      "tpu.region"() ({
        %run_scoped3A_236 = tpu.sem_alloc : memref<!tpu.dma_semaphore, #tpu.memory_space<semaphore_mem>>
        %dma_start3A_237 = arith.constant 0 : i32
        %dma_start3A_238 = tpu.memref_slice %arg13[%and3A_127, %dma_start3A_237] : memref<2x32xi32, #tpu.memory_space<vmem>> -> memref<1x32xi32, #tpu.memory_space<vmem>>
        %dma_start3A_239 = tpu.memref_squeeze %dma_start3A_238 : memref<1x32xi32, #tpu.memory_space<vmem>> -> memref<32xi32, #tpu.memory_space<vmem>>
        %dma_start3A_240 = tpu.memref_slice %arg6[%add3A_133] : memref<65536xi32, #tpu.memory_space<hbm>> -> memref<32xi32, #tpu.memory_space<hbm>>
        %dma_start3A_241 = arith.constant 0 : i32
        %dma_start3A_242 = tpu.memref_slice %arg13[%and3A_127, %dma_start3A_241] : memref<2x32xi32, #tpu.memory_space<vmem>> -> memref<1x32xi32, #tpu.memory_space<vmem>>
        %dma_start3A_243 = tpu.memref_squeeze %dma_start3A_242 : memref<1x32xi32, #tpu.memory_space<vmem>> -> memref<32xi32, #tpu.memory_space<vmem>>
        %dma_start3A_244 = tpu.memref_slice %arg6[%add3A_133] : memref<65536xi32, #tpu.memory_space<hbm>> -> memref<32xi32, #tpu.memory_space<hbm>>
        tpu.enqueue_dma source(%dma_start3A_244 : memref<32xi32, #tpu.memory_space<hbm>>) target(%dma_start3A_243 : memref<32xi32, #tpu.memory_space<vmem>>) target_semaphore(%run_scoped3A_236 : memref<!tpu.dma_semaphore, #tpu.memory_space<semaphore_mem>>)
        %dma_wait3A_245 = arith.constant 0 : i32
        %dma_wait3A_246 = tpu.memref_slice %arg13[%and3A_127, %dma_wait3A_245] : memref<2x32xi32, #tpu.memory_space<vmem>> -> memref<1x32xi32, #tpu.memory_space<vmem>>
        %dma_wait3A_247 = tpu.memref_squeeze %dma_wait3A_246 : memref<1x32xi32, #tpu.memory_space<vmem>> -> memref<32xi32, #tpu.memory_space<vmem>>
        %dma_wait3A_248 = tpu.memref_slice %arg6[%add3A_133] : memref<65536xi32, #tpu.memory_space<hbm>> -> memref<32xi32, #tpu.memory_space<hbm>>
        %dma_wait3A_249 = arith.constant 0 : i32
        %dma_wait3A_250 = tpu.memref_slice %arg13[%and3A_127, %dma_wait3A_249] : memref<2x32xi32, #tpu.memory_space<vmem>> -> memref<1x32xi32, #tpu.memory_space<vmem>>
        %dma_wait3A_251 = tpu.memref_squeeze %dma_wait3A_250 : memref<1x32xi32, #tpu.memory_space<vmem>> -> memref<32xi32, #tpu.memory_space<vmem>>
        %dma_wait3A_252 = tpu.memref_slice %arg6[%add3A_133] : memref<65536xi32, #tpu.memory_space<hbm>> -> memref<32xi32, #tpu.memory_space<hbm>>
        tpu.wait_dma2 semaphore(%run_scoped3A_236 : memref<!tpu.dma_semaphore, #tpu.memory_space<semaphore_mem>>) src(%dma_wait3A_252 : memref<32xi32, #tpu.memory_space<hbm>>) dst(%dma_wait3A_251 : memref<32xi32, #tpu.memory_space<vmem>>)
        tpu.yield
      }) : () -> ()
      "tpu.region"() ({
        %run_scoped3A_236 = tpu.sem_alloc : memref<!tpu.dma_semaphore, #tpu.memory_space<semaphore_mem>>
        %dma_start3A_237 = arith.constant 0 : i32
        %dma_start3A_238 = tpu.memref_slice %arg10[%and3A_127, %dma_start3A_237] : memref<2x32xi32, #tpu.memory_space<vmem>> -> memref<1x32xi32, #tpu.memory_space<vmem>>
        %dma_start3A_239 = tpu.memref_squeeze %dma_start3A_238 : memref<1x32xi32, #tpu.memory_space<vmem>> -> memref<32xi32, #tpu.memory_space<vmem>>
        %dma_start3A_240 = tpu.memref_slice %arg3[%add3A_133] : memref<65536xi32, #tpu.memory_space<hbm>> -> memref<32xi32, #tpu.memory_space<hbm>>
        %dma_start3A_241 = arith.constant 0 : i32
        %dma_start3A_242 = tpu.memref_slice %arg10[%and3A_127, %dma_start3A_241] : memref<2x32xi32, #tpu.memory_space<vmem>> -> memref<1x32xi32, #tpu.memory_space<vmem>>
        %dma_start3A_243 = tpu.memref_squeeze %dma_start3A_242 : memref<1x32xi32, #tpu.memory_space<vmem>> -> memref<32xi32, #tpu.memory_space<vmem>>
        %dma_start3A_244 = tpu.memref_slice %arg3[%add3A_133] : memref<65536xi32, #tpu.memory_space<hbm>> -> memref<32xi32, #tpu.memory_space<hbm>>
        tpu.enqueue_dma source(%dma_start3A_244 : memref<32xi32, #tpu.memory_space<hbm>>) target(%dma_start3A_243 : memref<32xi32, #tpu.memory_space<vmem>>) target_semaphore(%run_scoped3A_236 : memref<!tpu.dma_semaphore, #tpu.memory_space<semaphore_mem>>)
        %dma_wait3A_245 = arith.constant 0 : i32
        %dma_wait3A_246 = tpu.memref_slice %arg10[%and3A_127, %dma_wait3A_245] : memref<2x32xi32, #tpu.memory_space<vmem>> -> memref<1x32xi32, #tpu.memory_space<vmem>>
        %dma_wait3A_247 = tpu.memref_squeeze %dma_wait3A_246 : memref<1x32xi32, #tpu.memory_space<vmem>> -> memref<32xi32, #tpu.memory_space<vmem>>
        %dma_wait3A_248 = tpu.memref_slice %arg3[%add3A_133] : memref<65536xi32, #tpu.memory_space<hbm>> -> memref<32xi32, #tpu.memory_space<hbm>>
        %dma_wait3A_249 = arith.constant 0 : i32
        %dma_wait3A_250 = tpu.memref_slice %arg10[%and3A_127, %dma_wait3A_249] : memref<2x32xi32, #tpu.memory_space<vmem>> -> memref<1x32xi32, #tpu.memory_space<vmem>>
        %dma_wait3A_251 = tpu.memref_squeeze %dma_wait3A_250 : memref<1x32xi32, #tpu.memory_space<vmem>> -> memref<32xi32, #tpu.memory_space<vmem>>
        %dma_wait3A_252 = tpu.memref_slice %arg3[%add3A_133] : memref<65536xi32, #tpu.memory_space<hbm>> -> memref<32xi32, #tpu.memory_space<hbm>>
        tpu.wait_dma2 semaphore(%run_scoped3A_236 : memref<!tpu.dma_semaphore, #tpu.memory_space<semaphore_mem>>) src(%dma_wait3A_252 : memref<32xi32, #tpu.memory_space<hbm>>) dst(%dma_wait3A_251 : memref<32xi32, #tpu.memory_space<vmem>>)
        tpu.yield
      }) : () -> ()
      "tpu.region"() ({
        %run_scoped3A_236 = tpu.sem_alloc : memref<!tpu.dma_semaphore, #tpu.memory_space<semaphore_mem>>
        %dma_start3A_237 = arith.constant 0 : i32
        %dma_start3A_238 = tpu.memref_slice %arg11[%and3A_127, %dma_start3A_237] : memref<2x32xi32, #tpu.memory_space<vmem>> -> memref<1x32xi32, #tpu.memory_space<vmem>>
        %dma_start3A_239 = tpu.memref_squeeze %dma_start3A_238 : memref<1x32xi32, #tpu.memory_space<vmem>> -> memref<32xi32, #tpu.memory_space<vmem>>
        %dma_start3A_240 = tpu.memref_slice %arg4[%add3A_133] : memref<65536xi32, #tpu.memory_space<hbm>> -> memref<32xi32, #tpu.memory_space<hbm>>
        %dma_start3A_241 = arith.constant 0 : i32
        %dma_start3A_242 = tpu.memref_slice %arg11[%and3A_127, %dma_start3A_241] : memref<2x32xi32, #tpu.memory_space<vmem>> -> memref<1x32xi32, #tpu.memory_space<vmem>>
        %dma_start3A_243 = tpu.memref_squeeze %dma_start3A_242 : memref<1x32xi32, #tpu.memory_space<vmem>> -> memref<32xi32, #tpu.memory_space<vmem>>
        %dma_start3A_244 = tpu.memref_slice %arg4[%add3A_133] : memref<65536xi32, #tpu.memory_space<hbm>> -> memref<32xi32, #tpu.memory_space<hbm>>
        tpu.enqueue_dma source(%dma_start3A_244 : memref<32xi32, #tpu.memory_space<hbm>>) target(%dma_start3A_243 : memref<32xi32, #tpu.memory_space<vmem>>) target_semaphore(%run_scoped3A_236 : memref<!tpu.dma_semaphore, #tpu.memory_space<semaphore_mem>>)
        %dma_wait3A_245 = arith.constant 0 : i32
        %dma_wait3A_246 = tpu.memref_slice %arg11[%and3A_127, %dma_wait3A_245] : memref<2x32xi32, #tpu.memory_space<vmem>> -> memref<1x32xi32, #tpu.memory_space<vmem>>
        %dma_wait3A_247 = tpu.memref_squeeze %dma_wait3A_246 : memref<1x32xi32, #tpu.memory_space<vmem>> -> memref<32xi32, #tpu.memory_space<vmem>>
        %dma_wait3A_248 = tpu.memref_slice %arg4[%add3A_133] : memref<65536xi32, #tpu.memory_space<hbm>> -> memref<32xi32, #tpu.memory_space<hbm>>
        %dma_wait3A_249 = arith.constant 0 : i32
        %dma_wait3A_250 = tpu.memref_slice %arg11[%and3A_127, %dma_wait3A_249] : memref<2x32xi32, #tpu.memory_space<vmem>> -> memref<1x32xi32, #tpu.memory_space<vmem>>
        %dma_wait3A_251 = tpu.memref_squeeze %dma_wait3A_250 : memref<1x32xi32, #tpu.memory_space<vmem>> -> memref<32xi32, #tpu.memory_space<vmem>>
        %dma_wait3A_252 = tpu.memref_slice %arg4[%add3A_133] : memref<65536xi32, #tpu.memory_space<hbm>> -> memref<32xi32, #tpu.memory_space<hbm>>
        tpu.wait_dma2 semaphore(%run_scoped3A_236 : memref<!tpu.dma_semaphore, #tpu.memory_space<semaphore_mem>>) src(%dma_wait3A_252 : memref<32xi32, #tpu.memory_space<hbm>>) dst(%dma_wait3A_251 : memref<32xi32, #tpu.memory_space<vmem>>)
        tpu.yield
      }) : () -> ()
      %dma_start3A_134 = arith.constant 0 : i32
      %dma_start3A_135 = arith.constant 0 : i32
      %dma_start3A_136 = tpu.memref_slice %arg14[%and3A_127, %dma_start3A_134, %dma_start3A_135] : memref<2x32x320xi32, #tpu.memory_space<vmem>> -> memref<1x32x320xi32, #tpu.memory_space<vmem>>
      %dma_start3A_137 = tpu.memref_squeeze %dma_start3A_136 : memref<1x32x320xi32, #tpu.memory_space<vmem>> -> memref<32x320xi32, #tpu.memory_space<vmem>>
      %dma_start3A_138 = arith.constant 0 : i32
      %dma_start3A_139 = tpu.memref_slice %arg12[%and3A_127, %dma_start3A_138] : memref<2x32xi32, #tpu.memory_space<vmem>> -> memref<1x32xi32, #tpu.memory_space<vmem>>
      %dma_start3A_140 = tpu.memref_squeeze %dma_start3A_139 : memref<1x32xi32, #tpu.memory_space<vmem>> -> memref<32xi32, #tpu.memory_space<vmem>>
      %dma_start3A_141 = arith.constant 0 : i32
      %dma_start3A_142 = arith.constant 0 : i32
      %dma_start3A_143 = tpu.memref_slice %arg2[%dma_start3A_141, %dma_start3A_142] : memref<10002x320xi32, #tpu.memory_space<hbm>> -> memref<10002x320xi32, #tpu.memory_space<hbm>>
      tpu.enqueue_indirect_dma source(%dma_start3A_143 : memref<10002x320xi32, #tpu.memory_space<hbm>>) target(%dma_start3A_137 : memref<32x320xi32, #tpu.memory_space<vmem>>) offsets(%dma_start3A_140 : memref<32xi32, #tpu.memory_space<vmem>>) semaphore(%arg20 : memref<!tpu.dma_semaphore, #tpu.memory_space<semaphore_mem>>)
      %dma_start3A_144 = arith.constant 0 : i32
      %dma_start3A_145 = arith.constant 0 : i32
      %dma_start3A_146 = tpu.memref_slice %arg15[%and3A_127, %dma_start3A_144, %dma_start3A_145] : memref<2x32x320xi32, #tpu.memory_space<vmem>> -> memref<1x32x320xi32, #tpu.memory_space<vmem>>
      %dma_start3A_147 = tpu.memref_squeeze %dma_start3A_146 : memref<1x32x320xi32, #tpu.memory_space<vmem>> -> memref<32x320xi32, #tpu.memory_space<vmem>>
      %dma_start3A_148 = arith.constant 0 : i32
      %dma_start3A_149 = tpu.memref_slice %arg13[%and3A_127, %dma_start3A_148] : memref<2x32xi32, #tpu.memory_space<vmem>> -> memref<1x32xi32, #tpu.memory_space<vmem>>
      %dma_start3A_150 = tpu.memref_squeeze %dma_start3A_149 : memref<1x32xi32, #tpu.memory_space<vmem>> -> memref<32xi32, #tpu.memory_space<vmem>>
      %dma_start3A_151 = arith.constant 0 : i32
      %dma_start3A_152 = arith.constant 0 : i32
      %dma_start3A_153 = tpu.memref_slice %arg2[%dma_start3A_151, %dma_start3A_152] : memref<10002x320xi32, #tpu.memory_space<hbm>> -> memref<10002x320xi32, #tpu.memory_space<hbm>>
      tpu.enqueue_indirect_dma source(%dma_start3A_153 : memref<10002x320xi32, #tpu.memory_space<hbm>>) target(%dma_start3A_147 : memref<32x320xi32, #tpu.memory_space<vmem>>) offsets(%dma_start3A_150 : memref<32xi32, #tpu.memory_space<vmem>>) semaphore(%arg20 : memref<!tpu.dma_semaphore, #tpu.memory_space<semaphore_mem>>)
      %dma_start3A_154 = arith.constant 0 : i32
      %dma_start3A_155 = arith.constant 0 : i32
      %dma_start3A_156 = tpu.memref_slice %arg16[%and3A_127, %dma_start3A_154, %dma_start3A_155] : memref<2x32x128xf32, #tpu.memory_space<vmem>> -> memref<1x32x128xf32, #tpu.memory_space<vmem>>
      %dma_start3A_157 = tpu.memref_squeeze %dma_start3A_156 : memref<1x32x128xf32, #tpu.memory_space<vmem>> -> memref<32x128xf32, #tpu.memory_space<vmem>>
      %dma_start3A_158 = arith.constant 0 : i32
      %dma_start3A_159 = tpu.memref_slice %arg10[%and3A_127, %dma_start3A_158] : memref<2x32xi32, #tpu.memory_space<vmem>> -> memref<1x32xi32, #tpu.memory_space<vmem>>
      %dma_start3A_160 = tpu.memref_squeeze %dma_start3A_159 : memref<1x32xi32, #tpu.memory_space<vmem>> -> memref<32xi32, #tpu.memory_space<vmem>>
      %dma_start3A_161 = arith.constant 0 : i32
      %dma_start3A_162 = arith.constant 0 : i32
      %dma_start3A_163 = tpu.memref_slice %arg7[%dma_start3A_161, %dma_start3A_162] : memref<10000x128xf32, #tpu.memory_space<hbm>> -> memref<10000x128xf32, #tpu.memory_space<hbm>>
      tpu.enqueue_indirect_dma source(%dma_start3A_163 : memref<10000x128xf32, #tpu.memory_space<hbm>>) target(%dma_start3A_157 : memref<32x128xf32, #tpu.memory_space<vmem>>) offsets(%dma_start3A_160 : memref<32xi32, #tpu.memory_space<vmem>>) semaphore(%arg20 : memref<!tpu.dma_semaphore, #tpu.memory_space<semaphore_mem>>)
      %dma_start3A_164 = arith.constant 0 : i32
      %dma_start3A_165 = arith.constant 0 : i32
      %dma_start3A_166 = tpu.memref_slice %arg17[%and3A_127, %dma_start3A_164, %dma_start3A_165] : memref<2x32x128xf32, #tpu.memory_space<vmem>> -> memref<1x32x128xf32, #tpu.memory_space<vmem>>
      %dma_start3A_167 = tpu.memref_squeeze %dma_start3A_166 : memref<1x32x128xf32, #tpu.memory_space<vmem>> -> memref<32x128xf32, #tpu.memory_space<vmem>>
      %dma_start3A_168 = arith.constant 0 : i32
      %dma_start3A_169 = tpu.memref_slice %arg11[%and3A_127, %dma_start3A_168] : memref<2x32xi32, #tpu.memory_space<vmem>> -> memref<1x32xi32, #tpu.memory_space<vmem>>
      %dma_start3A_170 = tpu.memref_squeeze %dma_start3A_169 : memref<1x32xi32, #tpu.memory_space<vmem>> -> memref<32xi32, #tpu.memory_space<vmem>>
      %dma_start3A_171 = arith.constant 0 : i32
      %dma_start3A_172 = arith.constant 0 : i32
      %dma_start3A_173 = tpu.memref_slice %arg7[%dma_start3A_171, %dma_start3A_172] : memref<10000x128xf32, #tpu.memory_space<hbm>> -> memref<10000x128xf32, #tpu.memory_space<hbm>>
      tpu.enqueue_indirect_dma source(%dma_start3A_173 : memref<10000x128xf32, #tpu.memory_space<hbm>>) target(%dma_start3A_167 : memref<32x128xf32, #tpu.memory_space<vmem>>) offsets(%dma_start3A_170 : memref<32xi32, #tpu.memory_space<vmem>>) semaphore(%arg20 : memref<!tpu.dma_semaphore, #tpu.memory_space<semaphore_mem>>)
      %dma_wait3A_174 = arith.constant 0 : i32
      %dma_wait3A_175 = arith.constant 0 : i32
      %dma_wait3A_176 = tpu.memref_slice %arg14[%and3A_123, %dma_wait3A_174, %dma_wait3A_175] : memref<2x32x320xi32, #tpu.memory_space<vmem>> -> memref<1x32x320xi32, #tpu.memory_space<vmem>>
      %dma_wait3A_177 = tpu.memref_squeeze %dma_wait3A_176 : memref<1x32x320xi32, #tpu.memory_space<vmem>> -> memref<32x320xi32, #tpu.memory_space<vmem>>
      %dma_wait3A_178 = arith.constant 0 : i32
      %dma_wait3A_179 = arith.constant 0 : i32
      %dma_wait3A_180 = tpu.memref_slice %arg2[%dma_wait3A_178, %dma_wait3A_179] : memref<10002x320xi32, #tpu.memory_space<hbm>> -> memref<32x320xi32, #tpu.memory_space<hbm>>
      %dma_wait3A_181 = arith.constant 0 : i32
      %dma_wait3A_182 = arith.constant 0 : i32
      %dma_wait3A_183 = tpu.memref_slice %arg14[%and3A_123, %dma_wait3A_181, %dma_wait3A_182] : memref<2x32x320xi32, #tpu.memory_space<vmem>> -> memref<1x32x320xi32, #tpu.memory_space<vmem>>
      %dma_wait3A_184 = tpu.memref_squeeze %dma_wait3A_183 : memref<1x32x320xi32, #tpu.memory_space<vmem>> -> memref<32x320xi32, #tpu.memory_space<vmem>>
      %dma_wait3A_185 = arith.constant 0 : i32
      %dma_wait3A_186 = arith.constant 0 : i32
      %dma_wait3A_187 = tpu.memref_slice %arg2[%dma_wait3A_185, %dma_wait3A_186] : memref<10002x320xi32, #tpu.memory_space<hbm>> -> memref<32x320xi32, #tpu.memory_space<hbm>>
      tpu.wait_dma2 semaphore(%arg20 : memref<!tpu.dma_semaphore, #tpu.memory_space<semaphore_mem>>) src(%dma_wait3A_187 : memref<32x320xi32, #tpu.memory_space<hbm>>) dst(%dma_wait3A_184 : memref<32x320xi32, #tpu.memory_space<vmem>>)
      %dma_wait3A_188 = arith.constant 0 : i32
      %dma_wait3A_189 = arith.constant 0 : i32
      %dma_wait3A_190 = tpu.memref_slice %arg15[%and3A_123, %dma_wait3A_188, %dma_wait3A_189] : memref<2x32x320xi32, #tpu.memory_space<vmem>> -> memref<1x32x320xi32, #tpu.memory_space<vmem>>
      %dma_wait3A_191 = tpu.memref_squeeze %dma_wait3A_190 : memref<1x32x320xi32, #tpu.memory_space<vmem>> -> memref<32x320xi32, #tpu.memory_space<vmem>>
      %dma_wait3A_192 = arith.constant 0 : i32
      %dma_wait3A_193 = arith.constant 0 : i32
      %dma_wait3A_194 = tpu.memref_slice %arg2[%dma_wait3A_192, %dma_wait3A_193] : memref<10002x320xi32, #tpu.memory_space<hbm>> -> memref<32x320xi32, #tpu.memory_space<hbm>>
      %dma_wait3A_195 = arith.constant 0 : i32
      %dma_wait3A_196 = arith.constant 0 : i32
      %dma_wait3A_197 = tpu.memref_slice %arg15[%and3A_123, %dma_wait3A_195, %dma_wait3A_196] : memref<2x32x320xi32, #tpu.memory_space<vmem>> -> memref<1x32x320xi32, #tpu.memory_space<vmem>>
      %dma_wait3A_198 = tpu.memref_squeeze %dma_wait3A_197 : memref<1x32x320xi32, #tpu.memory_space<vmem>> -> memref<32x320xi32, #tpu.memory_space<vmem>>
      %dma_wait3A_199 = arith.constant 0 : i32
      %dma_wait3A_200 = arith.constant 0 : i32
      %dma_wait3A_201 = tpu.memref_slice %arg2[%dma_wait3A_199, %dma_wait3A_200] : memref<10002x320xi32, #tpu.memory_space<hbm>> -> memref<32x320xi32, #tpu.memory_space<hbm>>
      tpu.wait_dma2 semaphore(%arg20 : memref<!tpu.dma_semaphore, #tpu.memory_space<semaphore_mem>>) src(%dma_wait3A_201 : memref<32x320xi32, #tpu.memory_space<hbm>>) dst(%dma_wait3A_198 : memref<32x320xi32, #tpu.memory_space<vmem>>)
      %dma_wait3A_202 = arith.constant 0 : i32
      %dma_wait3A_203 = arith.constant 0 : i32
      %dma_wait3A_204 = tpu.memref_slice %arg16[%and3A_123, %dma_wait3A_202, %dma_wait3A_203] : memref<2x32x128xf32, #tpu.memory_space<vmem>> -> memref<1x32x128xf32, #tpu.memory_space<vmem>>
      %dma_wait3A_205 = tpu.memref_squeeze %dma_wait3A_204 : memref<1x32x128xf32, #tpu.memory_space<vmem>> -> memref<32x128xf32, #tpu.memory_space<vmem>>
      %dma_wait3A_206 = arith.constant 0 : i32
      %dma_wait3A_207 = arith.constant 0 : i32
      %dma_wait3A_208 = tpu.memref_slice %arg7[%dma_wait3A_206, %dma_wait3A_207] : memref<10000x128xf32, #tpu.memory_space<hbm>> -> memref<32x128xf32, #tpu.memory_space<hbm>>
      %dma_wait3A_209 = arith.constant 0 : i32
      %dma_wait3A_210 = arith.constant 0 : i32
      %dma_wait3A_211 = tpu.memref_slice %arg16[%and3A_123, %dma_wait3A_209, %dma_wait3A_210] : memref<2x32x128xf32, #tpu.memory_space<vmem>> -> memref<1x32x128xf32, #tpu.memory_space<vmem>>
      %dma_wait3A_212 = tpu.memref_squeeze %dma_wait3A_211 : memref<1x32x128xf32, #tpu.memory_space<vmem>> -> memref<32x128xf32, #tpu.memory_space<vmem>>
      %dma_wait3A_213 = arith.constant 0 : i32
      %dma_wait3A_214 = arith.constant 0 : i32
      %dma_wait3A_215 = tpu.memref_slice %arg7[%dma_wait3A_213, %dma_wait3A_214] : memref<10000x128xf32, #tpu.memory_space<hbm>> -> memref<32x128xf32, #tpu.memory_space<hbm>>
      tpu.wait_dma2 semaphore(%arg20 : memref<!tpu.dma_semaphore, #tpu.memory_space<semaphore_mem>>) src(%dma_wait3A_215 : memref<32x128xf32, #tpu.memory_space<hbm>>) dst(%dma_wait3A_212 : memref<32x128xf32, #tpu.memory_space<vmem>>)
      %dma_wait3A_216 = arith.constant 0 : i32
      %dma_wait3A_217 = arith.constant 0 : i32
      %dma_wait3A_218 = tpu.memref_slice %arg17[%and3A_123, %dma_wait3A_216, %dma_wait3A_217] : memref<2x32x128xf32, #tpu.memory_space<vmem>> -> memref<1x32x128xf32, #tpu.memory_space<vmem>>
      %dma_wait3A_219 = tpu.memref_squeeze %dma_wait3A_218 : memref<1x32x128xf32, #tpu.memory_space<vmem>> -> memref<32x128xf32, #tpu.memory_space<vmem>>
      %dma_wait3A_220 = arith.constant 0 : i32
      %dma_wait3A_221 = arith.constant 0 : i32
      %dma_wait3A_222 = tpu.memref_slice %arg7[%dma_wait3A_220, %dma_wait3A_221] : memref<10000x128xf32, #tpu.memory_space<hbm>> -> memref<32x128xf32, #tpu.memory_space<hbm>>
      %dma_wait3A_223 = arith.constant 0 : i32
      %dma_wait3A_224 = arith.constant 0 : i32
      %dma_wait3A_225 = tpu.memref_slice %arg17[%and3A_123, %dma_wait3A_223, %dma_wait3A_224] : memref<2x32x128xf32, #tpu.memory_space<vmem>> -> memref<1x32x128xf32, #tpu.memory_space<vmem>>
      %dma_wait3A_226 = tpu.memref_squeeze %dma_wait3A_225 : memref<1x32x128xf32, #tpu.memory_space<vmem>> -> memref<32x128xf32, #tpu.memory_space<vmem>>
      %dma_wait3A_227 = arith.constant 0 : i32
      %dma_wait3A_228 = arith.constant 0 : i32
      %dma_wait3A_229 = tpu.memref_slice %arg7[%dma_wait3A_227, %dma_wait3A_228] : memref<10000x128xf32, #tpu.memory_space<hbm>> -> memref<32x128xf32, #tpu.memory_space<hbm>>
      tpu.wait_dma2 semaphore(%arg20 : memref<!tpu.dma_semaphore, #tpu.memory_space<semaphore_mem>>) src(%dma_wait3A_229 : memref<32x128xf32, #tpu.memory_space<hbm>>) dst(%dma_wait3A_226 : memref<32x128xf32, #tpu.memory_space<vmem>>)
      %scan3A_230 = arith.constant 0 : i32
      %scan3A_231 = arith.constant 0 : i32
      %scan3A_232 = arith.constant 32 : i32
      %scan3A_233 = arith.addi %scan3A_231, %scan3A_232 : i32
      %scan3A_234 = arith.constant 1 : i32
      scf.for %scan3A_236 = %scan3A_231 to %scan3A_233 step %scan3A_234  : i32 {
        %broadcast_in_dim3A = arith.constant 0 : i32
        %broadcast_in_dim3A_237 = vector.broadcast %broadcast_in_dim3A : i32 to vector<16xi32>
        %get3A = arith.index_cast %and3A_123 : i32 to index
        %get3A_238 = arith.index_cast %scan3A_236 : i32 to index
        %get3A_239 = arith.constant 0 : index
        %get3A_240 = tpu.vector_load %arg14[%get3A, %get3A_238, %get3A_239] {strides = array<i32>} : memref<2x32x320xi32, #tpu.memory_space<vmem>>, vector<1x1x16xi32>,
        %get3A_241 = vector.shape_cast %get3A_240 : vector<1x1x16xi32> to vector<16xi32>
        %get3A_242 = arith.index_cast %and3A_123 : i32 to index
        %get3A_243 = arith.index_cast %scan3A_236 : i32 to index
        %get3A_244 = arith.constant 0 : index
        %get3A_245 = tpu.vector_load %arg15[%get3A_242, %get3A_243, %get3A_244] {strides = array<i32>} : memref<2x32x320xi32, #tpu.memory_space<vmem>>, vector<1x1x16xi32>,
        %get3A_246 = vector.shape_cast %get3A_245 : vector<1x1x16xi32> to vector<16xi32>
        %and3A_247 = arith.andi %get3A_241, %get3A_246 : vector<16xi32>
        %shift_right_logical3A = arith.constant 1 : i32
        %shift_right_logical3A_248 = vector.broadcast %shift_right_logical3A : i32 to vector<16xi32>
        %shift_right_logical3A_249 = arith.shrui %and3A_247, %shift_right_logical3A_248 : vector<16xi32>
        %and3A_250 = arith.constant 1431655765 : i32
        %and3A_251 = vector.broadcast %and3A_250 : i32 to vector<16xi32>
        %and3A_252 = arith.andi %shift_right_logical3A_249, %and3A_251 : vector<16xi32>
        %sub3A = arith.subi %and3A_247, %and3A_252 : vector<16xi32>
        %and3A_253 = arith.constant 858993459 : i32
        %and3A_254 = vector.broadcast %and3A_253 : i32 to vector<16xi32>
        %and3A_255 = arith.andi %sub3A, %and3A_254 : vector<16xi32>
        %shift_right_logical3A_256 = arith.constant 2 : i32
        %shift_right_logical3A_257 = vector.broadcast %shift_right_logical3A_256 : i32 to vector<16xi32>
        %shift_right_logical3A_258 = arith.shrui %sub3A, %shift_right_logical3A_257 : vector<16xi32>
        %and3A_259 = arith.constant 858993459 : i32
        %and3A_260 = vector.broadcast %and3A_259 : i32 to vector<16xi32>
        %and3A_261 = arith.andi %shift_right_logical3A_258, %and3A_260 : vector<16xi32>
        %add3A_262 = arith.addi %and3A_255, %and3A_261 : vector<16xi32>
        %shift_right_logical3A_263 = arith.constant 4 : i32
        %shift_right_logical3A_264 = vector.broadcast %shift_right_logical3A_263 : i32 to vector<16xi32>
        %shift_right_logical3A_265 = arith.shrui %add3A_262, %shift_right_logical3A_264 : vector<16xi32>
        %add3A_266 = arith.addi %add3A_262, %shift_right_logical3A_265 : vector<16xi32>
        %and3A_267 = arith.constant 252645135 : i32
        %and3A_268 = vector.broadcast %and3A_267 : i32 to vector<16xi32>
        %and3A_269 = arith.andi %add3A_266, %and3A_268 : vector<16xi32>
        %add3A_270 = arith.addi %broadcast_in_dim3A_237, %and3A_269 : vector<16xi32>
        %get3A_271 = arith.index_cast %and3A_123 : i32 to index
        %get3A_272 = arith.index_cast %scan3A_236 : i32 to index
        %get3A_273 = arith.constant 16 : index
        %get3A_274 = tpu.vector_load %arg14[%get3A_271, %get3A_272, %get3A_273] {strides = array<i32>} : memref<2x32x320xi32, #tpu.memory_space<vmem>>, vector<1x1x16xi32>,
        %get3A_275 = vector.shape_cast %get3A_274 : vector<1x1x16xi32> to vector<16xi32>
        %get3A_276 = arith.index_cast %and3A_123 : i32 to index
        %get3A_277 = arith.index_cast %scan3A_236 : i32 to index
        %get3A_278 = arith.constant 16 : index
        %get3A_279 = tpu.vector_load %arg15[%get3A_276, %get3A_277, %get3A_278] {strides = array<i32>} : memref<2x32x320xi32, #tpu.memory_space<vmem>>, vector<1x1x16xi32>,
        %get3A_280 = vector.shape_cast %get3A_279 : vector<1x1x16xi32> to vector<16xi32>
        %and3A_281 = arith.andi %get3A_275, %get3A_280 : vector<16xi32>
        %shift_right_logical3A_282 = arith.constant 1 : i32
        %shift_right_logical3A_283 = vector.broadcast %shift_right_logical3A_282 : i32 to vector<16xi32>
        %shift_right_logical3A_284 = arith.shrui %and3A_281, %shift_right_logical3A_283 : vector<16xi32>
        %and3A_285 = arith.constant 1431655765 : i32
        %and3A_286 = vector.broadcast %and3A_285 : i32 to vector<16xi32>
        %and3A_287 = arith.andi %shift_right_logical3A_284, %and3A_286 : vector<16xi32>
        %sub3A_288 = arith.subi %and3A_281, %and3A_287 : vector<16xi32>
        %and3A_289 = arith.constant 858993459 : i32
        %and3A_290 = vector.broadcast %and3A_289 : i32 to vector<16xi32>
        %and3A_291 = arith.andi %sub3A_288, %and3A_290 : vector<16xi32>
        %shift_right_logical3A_292 = arith.constant 2 : i32
        %shift_right_logical3A_293 = vector.broadcast %shift_right_logical3A_292 : i32 to vector<16xi32>
        %shift_right_logical3A_294 = arith.shrui %sub3A_288, %shift_right_logical3A_293 : vector<16xi32>
        %and3A_295 = arith.constant 858993459 : i32
        %and3A_296 = vector.broadcast %and3A_295 : i32 to vector<16xi32>
        %and3A_297 = arith.andi %shift_right_logical3A_294, %and3A_296 : vector<16xi32>
        %add3A_298 = arith.addi %and3A_291, %and3A_297 : vector<16xi32>
        %shift_right_logical3A_299 = arith.constant 4 : i32
        %shift_right_logical3A_300 = vector.broadcast %shift_right_logical3A_299 : i32 to vector<16xi32>
        %shift_right_logical3A_301 = arith.shrui %add3A_298, %shift_right_logical3A_300 : vector<16xi32>
        %add3A_302 = arith.addi %add3A_298, %shift_right_logical3A_301 : vector<16xi32>
        %and3A_303 = arith.constant 252645135 : i32
        %and3A_304 = vector.broadcast %and3A_303 : i32 to vector<16xi32>
        %and3A_305 = arith.andi %add3A_302, %and3A_304 : vector<16xi32>
        %add3A_306 = arith.addi %add3A_270, %and3A_305 : vector<16xi32>
        %get3A_307 = arith.index_cast %and3A_123 : i32 to index
        %get3A_308 = arith.index_cast %scan3A_236 : i32 to index
        %get3A_309 = arith.constant 32 : index
        %get3A_310 = tpu.vector_load %arg14[%get3A_307, %get3A_308, %get3A_309] {strides = array<i32>} : memref<2x32x320xi32, #tpu.memory_space<vmem>>, vector<1x1x16xi32>,
        %get3A_311 = vector.shape_cast %get3A_310 : vector<1x1x16xi32> to vector<16xi32>
        %get3A_312 = arith.index_cast %and3A_123 : i32 to index
        %get3A_313 = arith.index_cast %scan3A_236 : i32 to index
        %get3A_314 = arith.constant 32 : index
        %get3A_315 = tpu.vector_load %arg15[%get3A_312, %get3A_313, %get3A_314] {strides = array<i32>} : memref<2x32x320xi32, #tpu.memory_space<vmem>>, vector<1x1x16xi32>,
        %get3A_316 = vector.shape_cast %get3A_315 : vector<1x1x16xi32> to vector<16xi32>
        %and3A_317 = arith.andi %get3A_311, %get3A_316 : vector<16xi32>
        %shift_right_logical3A_318 = arith.constant 1 : i32
        %shift_right_logical3A_319 = vector.broadcast %shift_right_logical3A_318 : i32 to vector<16xi32>
        %shift_right_logical3A_320 = arith.shrui %and3A_317, %shift_right_logical3A_319 : vector<16xi32>
        %and3A_321 = arith.constant 1431655765 : i32
        %and3A_322 = vector.broadcast %and3A_321 : i32 to vector<16xi32>
        %and3A_323 = arith.andi %shift_right_logical3A_320, %and3A_322 : vector<16xi32>
        %sub3A_324 = arith.subi %and3A_317, %and3A_323 : vector<16xi32>
        %and3A_325 = arith.constant 858993459 : i32
        %and3A_326 = vector.broadcast %and3A_325 : i32 to vector<16xi32>
        %and3A_327 = arith.andi %sub3A_324, %and3A_326 : vector<16xi32>
        %shift_right_logical3A_328 = arith.constant 2 : i32
        %shift_right_logical3A_329 = vector.broadcast %shift_right_logical3A_328 : i32 to vector<16xi32>
        %shift_right_logical3A_330 = arith.shrui %sub3A_324, %shift_right_logical3A_329 : vector<16xi32>
        %and3A_331 = arith.constant 858993459 : i32
        %and3A_332 = vector.broadcast %and3A_331 : i32 to vector<16xi32>
        %and3A_333 = arith.andi %shift_right_logical3A_330, %and3A_332 : vector<16xi32>
        %add3A_334 = arith.addi %and3A_327, %and3A_333 : vector<16xi32>
        %shift_right_logical3A_335 = arith.constant 4 : i32
        %shift_right_logical3A_336 = vector.broadcast %shift_right_logical3A_335 : i32 to vector<16xi32>
        %shift_right_logical3A_337 = arith.shrui %add3A_334, %shift_right_logical3A_336 : vector<16xi32>
        %add3A_338 = arith.addi %add3A_334, %shift_right_logical3A_337 : vector<16xi32>
        %and3A_339 = arith.constant 252645135 : i32
        %and3A_340 = vector.broadcast %and3A_339 : i32 to vector<16xi32>
        %and3A_341 = arith.andi %add3A_338, %and3A_340 : vector<16xi32>
        %add3A_342 = arith.addi %add3A_306, %and3A_341 : vector<16xi32>
        %get3A_343 = arith.index_cast %and3A_123 : i32 to index
        %get3A_344 = arith.index_cast %scan3A_236 : i32 to index
        %get3A_345 = arith.constant 48 : index
        %get3A_346 = tpu.vector_load %arg14[%get3A_343, %get3A_344, %get3A_345] {strides = array<i32>} : memref<2x32x320xi32, #tpu.memory_space<vmem>>, vector<1x1x16xi32>,
        %get3A_347 = vector.shape_cast %get3A_346 : vector<1x1x16xi32> to vector<16xi32>
        %get3A_348 = arith.index_cast %and3A_123 : i32 to index
        %get3A_349 = arith.index_cast %scan3A_236 : i32 to index
        %get3A_350 = arith.constant 48 : index
        %get3A_351 = tpu.vector_load %arg15[%get3A_348, %get3A_349, %get3A_350] {strides = array<i32>} : memref<2x32x320xi32, #tpu.memory_space<vmem>>, vector<1x1x16xi32>,
        %get3A_352 = vector.shape_cast %get3A_351 : vector<1x1x16xi32> to vector<16xi32>
        %and3A_353 = arith.andi %get3A_347, %get3A_352 : vector<16xi32>
        %shift_right_logical3A_354 = arith.constant 1 : i32
        %shift_right_logical3A_355 = vector.broadcast %shift_right_logical3A_354 : i32 to vector<16xi32>
        %shift_right_logical3A_356 = arith.shrui %and3A_353, %shift_right_logical3A_355 : vector<16xi32>
        %and3A_357 = arith.constant 1431655765 : i32
        %and3A_358 = vector.broadcast %and3A_357 : i32 to vector<16xi32>
        %and3A_359 = arith.andi %shift_right_logical3A_356, %and3A_358 : vector<16xi32>
        %sub3A_360 = arith.subi %and3A_353, %and3A_359 : vector<16xi32>
        %and3A_361 = arith.constant 858993459 : i32
        %and3A_362 = vector.broadcast %and3A_361 : i32 to vector<16xi32>
        %and3A_363 = arith.andi %sub3A_360, %and3A_362 : vector<16xi32>
        %shift_right_logical3A_364 = arith.constant 2 : i32
        %shift_right_logical3A_365 = vector.broadcast %shift_right_logical3A_364 : i32 to vector<16xi32>
        %shift_right_logical3A_366 = arith.shrui %sub3A_360, %shift_right_logical3A_365 : vector<16xi32>
        %and3A_367 = arith.constant 858993459 : i32
        %and3A_368 = vector.broadcast %and3A_367 : i32 to vector<16xi32>
        %and3A_369 = arith.andi %shift_right_logical3A_366, %and3A_368 : vector<16xi32>
        %add3A_370 = arith.addi %and3A_363, %and3A_369 : vector<16xi32>
        %shift_right_logical3A_371 = arith.constant 4 : i32
        %shift_right_logical3A_372 = vector.broadcast %shift_right_logical3A_371 : i32 to vector<16xi32>
        %shift_right_logical3A_373 = arith.shrui %add3A_370, %shift_right_logical3A_372 : vector<16xi32>
        %add3A_374 = arith.addi %add3A_370, %shift_right_logical3A_373 : vector<16xi32>
        %and3A_375 = arith.constant 252645135 : i32
        %and3A_376 = vector.broadcast %and3A_375 : i32 to vector<16xi32>
        %and3A_377 = arith.andi %add3A_374, %and3A_376 : vector<16xi32>
        %add3A_378 = arith.addi %add3A_342, %and3A_377 : vector<16xi32>
        %get3A_379 = arith.index_cast %and3A_123 : i32 to index
        %get3A_380 = arith.index_cast %scan3A_236 : i32 to index
        %get3A_381 = arith.constant 64 : index
        %get3A_382 = tpu.vector_load %arg14[%get3A_379, %get3A_380, %get3A_381] {strides = array<i32>} : memref<2x32x320xi32, #tpu.memory_space<vmem>>, vector<1x1x16xi32>,
        %get3A_383 = vector.shape_cast %get3A_382 : vector<1x1x16xi32> to vector<16xi32>
        %get3A_384 = arith.index_cast %and3A_123 : i32 to index
        %get3A_385 = arith.index_cast %scan3A_236 : i32 to index
        %get3A_386 = arith.constant 64 : index
        %get3A_387 = tpu.vector_load %arg15[%get3A_384, %get3A_385, %get3A_386] {strides = array<i32>} : memref<2x32x320xi32, #tpu.memory_space<vmem>>, vector<1x1x16xi32>,
        %get3A_388 = vector.shape_cast %get3A_387 : vector<1x1x16xi32> to vector<16xi32>
        %and3A_389 = arith.andi %get3A_383, %get3A_388 : vector<16xi32>
        %shift_right_logical3A_390 = arith.constant 1 : i32
        %shift_right_logical3A_391 = vector.broadcast %shift_right_logical3A_390 : i32 to vector<16xi32>
        %shift_right_logical3A_392 = arith.shrui %and3A_389, %shift_right_logical3A_391 : vector<16xi32>
        %and3A_393 = arith.constant 1431655765 : i32
        %and3A_394 = vector.broadcast %and3A_393 : i32 to vector<16xi32>
        %and3A_395 = arith.andi %shift_right_logical3A_392, %and3A_394 : vector<16xi32>
        %sub3A_396 = arith.subi %and3A_389, %and3A_395 : vector<16xi32>
        %and3A_397 = arith.constant 858993459 : i32
        %and3A_398 = vector.broadcast %and3A_397 : i32 to vector<16xi32>
        %and3A_399 = arith.andi %sub3A_396, %and3A_398 : vector<16xi32>
        %shift_right_logical3A_400 = arith.constant 2 : i32
        %shift_right_logical3A_401 = vector.broadcast %shift_right_logical3A_400 : i32 to vector<16xi32>
        %shift_right_logical3A_402 = arith.shrui %sub3A_396, %shift_right_logical3A_401 : vector<16xi32>
        %and3A_403 = arith.constant 858993459 : i32
        %and3A_404 = vector.broadcast %and3A_403 : i32 to vector<16xi32>
        %and3A_405 = arith.andi %shift_right_logical3A_402, %and3A_404 : vector<16xi32>
        %add3A_406 = arith.addi %and3A_399, %and3A_405 : vector<16xi32>
        %shift_right_logical3A_407 = arith.constant 4 : i32
        %shift_right_logical3A_408 = vector.broadcast %shift_right_logical3A_407 : i32 to vector<16xi32>
        %shift_right_logical3A_409 = arith.shrui %add3A_406, %shift_right_logical3A_408 : vector<16xi32>
        %add3A_410 = arith.addi %add3A_406, %shift_right_logical3A_409 : vector<16xi32>
        %and3A_411 = arith.constant 252645135 : i32
        %and3A_412 = vector.broadcast %and3A_411 : i32 to vector<16xi32>
        %and3A_413 = arith.andi %add3A_410, %and3A_412 : vector<16xi32>
        %add3A_414 = arith.addi %add3A_378, %and3A_413 : vector<16xi32>
        %get3A_415 = arith.index_cast %and3A_123 : i32 to index
        %get3A_416 = arith.index_cast %scan3A_236 : i32 to index
        %get3A_417 = arith.constant 80 : index
        %get3A_418 = tpu.vector_load %arg14[%get3A_415, %get3A_416, %get3A_417] {strides = array<i32>} : memref<2x32x320xi32, #tpu.memory_space<vmem>>, vector<1x1x16xi32>,
        %get3A_419 = vector.shape_cast %get3A_418 : vector<1x1x16xi32> to vector<16xi32>
        %get3A_420 = arith.index_cast %and3A_123 : i32 to index
        %get3A_421 = arith.index_cast %scan3A_236 : i32 to index
        %get3A_422 = arith.constant 80 : index
        %get3A_423 = tpu.vector_load %arg15[%get3A_420, %get3A_421, %get3A_422] {strides = array<i32>} : memref<2x32x320xi32, #tpu.memory_space<vmem>>, vector<1x1x16xi32>,
        %get3A_424 = vector.shape_cast %get3A_423 : vector<1x1x16xi32> to vector<16xi32>
        %and3A_425 = arith.andi %get3A_419, %get3A_424 : vector<16xi32>
        %shift_right_logical3A_426 = arith.constant 1 : i32
        %shift_right_logical3A_427 = vector.broadcast %shift_right_logical3A_426 : i32 to vector<16xi32>
        %shift_right_logical3A_428 = arith.shrui %and3A_425, %shift_right_logical3A_427 : vector<16xi32>
        %and3A_429 = arith.constant 1431655765 : i32
        %and3A_430 = vector.broadcast %and3A_429 : i32 to vector<16xi32>
        %and3A_431 = arith.andi %shift_right_logical3A_428, %and3A_430 : vector<16xi32>
        %sub3A_432 = arith.subi %and3A_425, %and3A_431 : vector<16xi32>
        %and3A_433 = arith.constant 858993459 : i32
        %and3A_434 = vector.broadcast %and3A_433 : i32 to vector<16xi32>
        %and3A_435 = arith.andi %sub3A_432, %and3A_434 : vector<16xi32>
        %shift_right_logical3A_436 = arith.constant 2 : i32
        %shift_right_logical3A_437 = vector.broadcast %shift_right_logical3A_436 : i32 to vector<16xi32>
        %shift_right_logical3A_438 = arith.shrui %sub3A_432, %shift_right_logical3A_437 : vector<16xi32>
        %and3A_439 = arith.constant 858993459 : i32
        %and3A_440 = vector.broadcast %and3A_439 : i32 to vector<16xi32>
        %and3A_441 = arith.andi %shift_right_logical3A_438, %and3A_440 : vector<16xi32>
        %add3A_442 = arith.addi %and3A_435, %and3A_441 : vector<16xi32>
        %shift_right_logical3A_443 = arith.constant 4 : i32
        %shift_right_logical3A_444 = vector.broadcast %shift_right_logical3A_443 : i32 to vector<16xi32>
        %shift_right_logical3A_445 = arith.shrui %add3A_442, %shift_right_logical3A_444 : vector<16xi32>
        %add3A_446 = arith.addi %add3A_442, %shift_right_logical3A_445 : vector<16xi32>
        %and3A_447 = arith.constant 252645135 : i32
        %and3A_448 = vector.broadcast %and3A_447 : i32 to vector<16xi32>
        %and3A_449 = arith.andi %add3A_446, %and3A_448 : vector<16xi32>
        %add3A_450 = arith.addi %add3A_414, %and3A_449 : vector<16xi32>
        %get3A_451 = arith.index_cast %and3A_123 : i32 to index
        %get3A_452 = arith.index_cast %scan3A_236 : i32 to index
        %get3A_453 = arith.constant 96 : index
        %get3A_454 = tpu.vector_load %arg14[%get3A_451, %get3A_452, %get3A_453] {strides = array<i32>} : memref<2x32x320xi32, #tpu.memory_space<vmem>>, vector<1x1x16xi32>,
        %get3A_455 = vector.shape_cast %get3A_454 : vector<1x1x16xi32> to vector<16xi32>
        %get3A_456 = arith.index_cast %and3A_123 : i32 to index
        %get3A_457 = arith.index_cast %scan3A_236 : i32 to index
        %get3A_458 = arith.constant 96 : index
        %get3A_459 = tpu.vector_load %arg15[%get3A_456, %get3A_457, %get3A_458] {strides = array<i32>} : memref<2x32x320xi32, #tpu.memory_space<vmem>>, vector<1x1x16xi32>,
        %get3A_460 = vector.shape_cast %get3A_459 : vector<1x1x16xi32> to vector<16xi32>
        %and3A_461 = arith.andi %get3A_455, %get3A_460 : vector<16xi32>
        %shift_right_logical3A_462 = arith.constant 1 : i32
        %shift_right_logical3A_463 = vector.broadcast %shift_right_logical3A_462 : i32 to vector<16xi32>
        %shift_right_logical3A_464 = arith.shrui %and3A_461, %shift_right_logical3A_463 : vector<16xi32>
        %and3A_465 = arith.constant 1431655765 : i32
        %and3A_466 = vector.broadcast %and3A_465 : i32 to vector<16xi32>
        %and3A_467 = arith.andi %shift_right_logical3A_464, %and3A_466 : vector<16xi32>
        %sub3A_468 = arith.subi %and3A_461, %and3A_467 : vector<16xi32>
        %and3A_469 = arith.constant 858993459 : i32
        %and3A_470 = vector.broadcast %and3A_469 : i32 to vector<16xi32>
        %and3A_471 = arith.andi %sub3A_468, %and3A_470 : vector<16xi32>
        %shift_right_logical3A_472 = arith.constant 2 : i32
        %shift_right_logical3A_473 = vector.broadcast %shift_right_logical3A_472 : i32 to vector<16xi32>
        %shift_right_logical3A_474 = arith.shrui %sub3A_468, %shift_right_logical3A_473 : vector<16xi32>
        %and3A_475 = arith.constant 858993459 : i32
        %and3A_476 = vector.broadcast %and3A_475 : i32 to vector<16xi32>
        %and3A_477 = arith.andi %shift_right_logical3A_474, %and3A_476 : vector<16xi32>
        %add3A_478 = arith.addi %and3A_471, %and3A_477 : vector<16xi32>
        %shift_right_logical3A_479 = arith.constant 4 : i32
        %shift_right_logical3A_480 = vector.broadcast %shift_right_logical3A_479 : i32 to vector<16xi32>
        %shift_right_logical3A_481 = arith.shrui %add3A_478, %shift_right_logical3A_480 : vector<16xi32>
        %add3A_482 = arith.addi %add3A_478, %shift_right_logical3A_481 : vector<16xi32>
        %and3A_483 = arith.constant 252645135 : i32
        %and3A_484 = vector.broadcast %and3A_483 : i32 to vector<16xi32>
        %and3A_485 = arith.andi %add3A_482, %and3A_484 : vector<16xi32>
        %add3A_486 = arith.addi %add3A_450, %and3A_485 : vector<16xi32>
        %get3A_487 = arith.index_cast %and3A_123 : i32 to index
        %get3A_488 = arith.index_cast %scan3A_236 : i32 to index
        %get3A_489 = arith.constant 112 : index
        %get3A_490 = tpu.vector_load %arg14[%get3A_487, %get3A_488, %get3A_489] {strides = array<i32>} : memref<2x32x320xi32, #tpu.memory_space<vmem>>, vector<1x1x16xi32>,
        %get3A_491 = vector.shape_cast %get3A_490 : vector<1x1x16xi32> to vector<16xi32>
        %get3A_492 = arith.index_cast %and3A_123 : i32 to index
        %get3A_493 = arith.index_cast %scan3A_236 : i32 to index
        %get3A_494 = arith.constant 112 : index
        %get3A_495 = tpu.vector_load %arg15[%get3A_492, %get3A_493, %get3A_494] {strides = array<i32>} : memref<2x32x320xi32, #tpu.memory_space<vmem>>, vector<1x1x16xi32>,
        %get3A_496 = vector.shape_cast %get3A_495 : vector<1x1x16xi32> to vector<16xi32>
        %and3A_497 = arith.andi %get3A_491, %get3A_496 : vector<16xi32>
        %shift_right_logical3A_498 = arith.constant 1 : i32
        %shift_right_logical3A_499 = vector.broadcast %shift_right_logical3A_498 : i32 to vector<16xi32>
        %shift_right_logical3A_500 = arith.shrui %and3A_497, %shift_right_logical3A_499 : vector<16xi32>
        %and3A_501 = arith.constant 1431655765 : i32
        %and3A_502 = vector.broadcast %and3A_501 : i32 to vector<16xi32>
        %and3A_503 = arith.andi %shift_right_logical3A_500, %and3A_502 : vector<16xi32>
        %sub3A_504 = arith.subi %and3A_497, %and3A_503 : vector<16xi32>
        %and3A_505 = arith.constant 858993459 : i32
        %and3A_506 = vector.broadcast %and3A_505 : i32 to vector<16xi32>
        %and3A_507 = arith.andi %sub3A_504, %and3A_506 : vector<16xi32>
        %shift_right_logical3A_508 = arith.constant 2 : i32
        %shift_right_logical3A_509 = vector.broadcast %shift_right_logical3A_508 : i32 to vector<16xi32>
        %shift_right_logical3A_510 = arith.shrui %sub3A_504, %shift_right_logical3A_509 : vector<16xi32>
        %and3A_511 = arith.constant 858993459 : i32
        %and3A_512 = vector.broadcast %and3A_511 : i32 to vector<16xi32>
        %and3A_513 = arith.andi %shift_right_logical3A_510, %and3A_512 : vector<16xi32>
        %add3A_514 = arith.addi %and3A_507, %and3A_513 : vector<16xi32>
        %shift_right_logical3A_515 = arith.constant 4 : i32
        %shift_right_logical3A_516 = vector.broadcast %shift_right_logical3A_515 : i32 to vector<16xi32>
        %shift_right_logical3A_517 = arith.shrui %add3A_514, %shift_right_logical3A_516 : vector<16xi32>
        %add3A_518 = arith.addi %add3A_514, %shift_right_logical3A_517 : vector<16xi32>
        %and3A_519 = arith.constant 252645135 : i32
        %and3A_520 = vector.broadcast %and3A_519 : i32 to vector<16xi32>
        %and3A_521 = arith.andi %add3A_518, %and3A_520 : vector<16xi32>
        %add3A_522 = arith.addi %add3A_486, %and3A_521 : vector<16xi32>
        %get3A_523 = arith.index_cast %and3A_123 : i32 to index
        %get3A_524 = arith.index_cast %scan3A_236 : i32 to index
        %get3A_525 = arith.constant 128 : index
        %get3A_526 = tpu.vector_load %arg14[%get3A_523, %get3A_524, %get3A_525] {strides = array<i32>} : memref<2x32x320xi32, #tpu.memory_space<vmem>>, vector<1x1x16xi32>,
        %get3A_527 = vector.shape_cast %get3A_526 : vector<1x1x16xi32> to vector<16xi32>
        %get3A_528 = arith.index_cast %and3A_123 : i32 to index
        %get3A_529 = arith.index_cast %scan3A_236 : i32 to index
        %get3A_530 = arith.constant 128 : index
        %get3A_531 = tpu.vector_load %arg15[%get3A_528, %get3A_529, %get3A_530] {strides = array<i32>} : memref<2x32x320xi32, #tpu.memory_space<vmem>>, vector<1x1x16xi32>,
        %get3A_532 = vector.shape_cast %get3A_531 : vector<1x1x16xi32> to vector<16xi32>
        %and3A_533 = arith.andi %get3A_527, %get3A_532 : vector<16xi32>
        %shift_right_logical3A_534 = arith.constant 1 : i32
        %shift_right_logical3A_535 = vector.broadcast %shift_right_logical3A_534 : i32 to vector<16xi32>
        %shift_right_logical3A_536 = arith.shrui %and3A_533, %shift_right_logical3A_535 : vector<16xi32>
        %and3A_537 = arith.constant 1431655765 : i32
        %and3A_538 = vector.broadcast %and3A_537 : i32 to vector<16xi32>
        %and3A_539 = arith.andi %shift_right_logical3A_536, %and3A_538 : vector<16xi32>
        %sub3A_540 = arith.subi %and3A_533, %and3A_539 : vector<16xi32>
        %and3A_541 = arith.constant 858993459 : i32
        %and3A_542 = vector.broadcast %and3A_541 : i32 to vector<16xi32>
        %and3A_543 = arith.andi %sub3A_540, %and3A_542 : vector<16xi32>
        %shift_right_logical3A_544 = arith.constant 2 : i32
        %shift_right_logical3A_545 = vector.broadcast %shift_right_logical3A_544 : i32 to vector<16xi32>
        %shift_right_logical3A_546 = arith.shrui %sub3A_540, %shift_right_logical3A_545 : vector<16xi32>
        %and3A_547 = arith.constant 858993459 : i32
        %and3A_548 = vector.broadcast %and3A_547 : i32 to vector<16xi32>
        %and3A_549 = arith.andi %shift_right_logical3A_546, %and3A_548 : vector<16xi32>
        %add3A_550 = arith.addi %and3A_543, %and3A_549 : vector<16xi32>
        %shift_right_logical3A_551 = arith.constant 4 : i32
        %shift_right_logical3A_552 = vector.broadcast %shift_right_logical3A_551 : i32 to vector<16xi32>
        %shift_right_logical3A_553 = arith.shrui %add3A_550, %shift_right_logical3A_552 : vector<16xi32>
        %add3A_554 = arith.addi %add3A_550, %shift_right_logical3A_553 : vector<16xi32>
        %and3A_555 = arith.constant 252645135 : i32
        %and3A_556 = vector.broadcast %and3A_555 : i32 to vector<16xi32>
        %and3A_557 = arith.andi %add3A_554, %and3A_556 : vector<16xi32>
        %add3A_558 = arith.addi %add3A_522, %and3A_557 : vector<16xi32>
        %get3A_559 = arith.index_cast %and3A_123 : i32 to index
        %get3A_560 = arith.index_cast %scan3A_236 : i32 to index
        %get3A_561 = arith.constant 144 : index
        %get3A_562 = tpu.vector_load %arg14[%get3A_559, %get3A_560, %get3A_561] {strides = array<i32>} : memref<2x32x320xi32, #tpu.memory_space<vmem>>, vector<1x1x16xi32>,
        %get3A_563 = vector.shape_cast %get3A_562 : vector<1x1x16xi32> to vector<16xi32>
        %get3A_564 = arith.index_cast %and3A_123 : i32 to index
        %get3A_565 = arith.index_cast %scan3A_236 : i32 to index
        %get3A_566 = arith.constant 144 : index
        %get3A_567 = tpu.vector_load %arg15[%get3A_564, %get3A_565, %get3A_566] {strides = array<i32>} : memref<2x32x320xi32, #tpu.memory_space<vmem>>, vector<1x1x16xi32>,
        %get3A_568 = vector.shape_cast %get3A_567 : vector<1x1x16xi32> to vector<16xi32>
        %and3A_569 = arith.andi %get3A_563, %get3A_568 : vector<16xi32>
        %shift_right_logical3A_570 = arith.constant 1 : i32
        %shift_right_logical3A_571 = vector.broadcast %shift_right_logical3A_570 : i32 to vector<16xi32>
        %shift_right_logical3A_572 = arith.shrui %and3A_569, %shift_right_logical3A_571 : vector<16xi32>
        %and3A_573 = arith.constant 1431655765 : i32
        %and3A_574 = vector.broadcast %and3A_573 : i32 to vector<16xi32>
        %and3A_575 = arith.andi %shift_right_logical3A_572, %and3A_574 : vector<16xi32>
        %sub3A_576 = arith.subi %and3A_569, %and3A_575 : vector<16xi32>
        %and3A_577 = arith.constant 858993459 : i32
        %and3A_578 = vector.broadcast %and3A_577 : i32 to vector<16xi32>
        %and3A_579 = arith.andi %sub3A_576, %and3A_578 : vector<16xi32>
        %shift_right_logical3A_580 = arith.constant 2 : i32
        %shift_right_logical3A_581 = vector.broadcast %shift_right_logical3A_580 : i32 to vector<16xi32>
        %shift_right_logical3A_582 = arith.shrui %sub3A_576, %shift_right_logical3A_581 : vector<16xi32>
        %and3A_583 = arith.constant 858993459 : i32
        %and3A_584 = vector.broadcast %and3A_583 : i32 to vector<16xi32>
        %and3A_585 = arith.andi %shift_right_logical3A_582, %and3A_584 : vector<16xi32>
        %add3A_586 = arith.addi %and3A_579, %and3A_585 : vector<16xi32>
        %shift_right_logical3A_587 = arith.constant 4 : i32
        %shift_right_logical3A_588 = vector.broadcast %shift_right_logical3A_587 : i32 to vector<16xi32>
        %shift_right_logical3A_589 = arith.shrui %add3A_586, %shift_right_logical3A_588 : vector<16xi32>
        %add3A_590 = arith.addi %add3A_586, %shift_right_logical3A_589 : vector<16xi32>
        %and3A_591 = arith.constant 252645135 : i32
        %and3A_592 = vector.broadcast %and3A_591 : i32 to vector<16xi32>
        %and3A_593 = arith.andi %add3A_590, %and3A_592 : vector<16xi32>
        %add3A_594 = arith.addi %add3A_558, %and3A_593 : vector<16xi32>
        %get3A_595 = arith.index_cast %and3A_123 : i32 to index
        %get3A_596 = arith.index_cast %scan3A_236 : i32 to index
        %get3A_597 = arith.constant 160 : index
        %get3A_598 = tpu.vector_load %arg14[%get3A_595, %get3A_596, %get3A_597] {strides = array<i32>} : memref<2x32x320xi32, #tpu.memory_space<vmem>>, vector<1x1x16xi32>,
        %get3A_599 = vector.shape_cast %get3A_598 : vector<1x1x16xi32> to vector<16xi32>
        %get3A_600 = arith.index_cast %and3A_123 : i32 to index
        %get3A_601 = arith.index_cast %scan3A_236 : i32 to index
        %get3A_602 = arith.constant 160 : index
        %get3A_603 = tpu.vector_load %arg15[%get3A_600, %get3A_601, %get3A_602] {strides = array<i32>} : memref<2x32x320xi32, #tpu.memory_space<vmem>>, vector<1x1x16xi32>,
        %get3A_604 = vector.shape_cast %get3A_603 : vector<1x1x16xi32> to vector<16xi32>
        %and3A_605 = arith.andi %get3A_599, %get3A_604 : vector<16xi32>
        %shift_right_logical3A_606 = arith.constant 1 : i32
        %shift_right_logical3A_607 = vector.broadcast %shift_right_logical3A_606 : i32 to vector<16xi32>
        %shift_right_logical3A_608 = arith.shrui %and3A_605, %shift_right_logical3A_607 : vector<16xi32>
        %and3A_609 = arith.constant 1431655765 : i32
        %and3A_610 = vector.broadcast %and3A_609 : i32 to vector<16xi32>
        %and3A_611 = arith.andi %shift_right_logical3A_608, %and3A_610 : vector<16xi32>
        %sub3A_612 = arith.subi %and3A_605, %and3A_611 : vector<16xi32>
        %and3A_613 = arith.constant 858993459 : i32
        %and3A_614 = vector.broadcast %and3A_613 : i32 to vector<16xi32>
        %and3A_615 = arith.andi %sub3A_612, %and3A_614 : vector<16xi32>
        %shift_right_logical3A_616 = arith.constant 2 : i32
        %shift_right_logical3A_617 = vector.broadcast %shift_right_logical3A_616 : i32 to vector<16xi32>
        %shift_right_logical3A_618 = arith.shrui %sub3A_612, %shift_right_logical3A_617 : vector<16xi32>
        %and3A_619 = arith.constant 858993459 : i32
        %and3A_620 = vector.broadcast %and3A_619 : i32 to vector<16xi32>
        %and3A_621 = arith.andi %shift_right_logical3A_618, %and3A_620 : vector<16xi32>
        %add3A_622 = arith.addi %and3A_615, %and3A_621 : vector<16xi32>
        %shift_right_logical3A_623 = arith.constant 4 : i32
        %shift_right_logical3A_624 = vector.broadcast %shift_right_logical3A_623 : i32 to vector<16xi32>
        %shift_right_logical3A_625 = arith.shrui %add3A_622, %shift_right_logical3A_624 : vector<16xi32>
        %add3A_626 = arith.addi %add3A_622, %shift_right_logical3A_625 : vector<16xi32>
        %and3A_627 = arith.constant 252645135 : i32
        %and3A_628 = vector.broadcast %and3A_627 : i32 to vector<16xi32>
        %and3A_629 = arith.andi %add3A_626, %and3A_628 : vector<16xi32>
        %add3A_630 = arith.addi %add3A_594, %and3A_629 : vector<16xi32>
        %get3A_631 = arith.index_cast %and3A_123 : i32 to index
        %get3A_632 = arith.index_cast %scan3A_236 : i32 to index
        %get3A_633 = arith.constant 176 : index
        %get3A_634 = tpu.vector_load %arg14[%get3A_631, %get3A_632, %get3A_633] {strides = array<i32>} : memref<2x32x320xi32, #tpu.memory_space<vmem>>, vector<1x1x16xi32>,
        %get3A_635 = vector.shape_cast %get3A_634 : vector<1x1x16xi32> to vector<16xi32>
        %get3A_636 = arith.index_cast %and3A_123 : i32 to index
        %get3A_637 = arith.index_cast %scan3A_236 : i32 to index
        %get3A_638 = arith.constant 176 : index
        %get3A_639 = tpu.vector_load %arg15[%get3A_636, %get3A_637, %get3A_638] {strides = array<i32>} : memref<2x32x320xi32, #tpu.memory_space<vmem>>, vector<1x1x16xi32>,
        %get3A_640 = vector.shape_cast %get3A_639 : vector<1x1x16xi32> to vector<16xi32>
        %and3A_641 = arith.andi %get3A_635, %get3A_640 : vector<16xi32>
        %shift_right_logical3A_642 = arith.constant 1 : i32
        %shift_right_logical3A_643 = vector.broadcast %shift_right_logical3A_642 : i32 to vector<16xi32>
        %shift_right_logical3A_644 = arith.shrui %and3A_641, %shift_right_logical3A_643 : vector<16xi32>
        %and3A_645 = arith.constant 1431655765 : i32
        %and3A_646 = vector.broadcast %and3A_645 : i32 to vector<16xi32>
        %and3A_647 = arith.andi %shift_right_logical3A_644, %and3A_646 : vector<16xi32>
        %sub3A_648 = arith.subi %and3A_641, %and3A_647 : vector<16xi32>
        %and3A_649 = arith.constant 858993459 : i32
        %and3A_650 = vector.broadcast %and3A_649 : i32 to vector<16xi32>
        %and3A_651 = arith.andi %sub3A_648, %and3A_650 : vector<16xi32>
        %shift_right_logical3A_652 = arith.constant 2 : i32
        %shift_right_logical3A_653 = vector.broadcast %shift_right_logical3A_652 : i32 to vector<16xi32>
        %shift_right_logical3A_654 = arith.shrui %sub3A_648, %shift_right_logical3A_653 : vector<16xi32>
        %and3A_655 = arith.constant 858993459 : i32
        %and3A_656 = vector.broadcast %and3A_655 : i32 to vector<16xi32>
        %and3A_657 = arith.andi %shift_right_logical3A_654, %and3A_656 : vector<16xi32>
        %add3A_658 = arith.addi %and3A_651, %and3A_657 : vector<16xi32>
        %shift_right_logical3A_659 = arith.constant 4 : i32
        %shift_right_logical3A_660 = vector.broadcast %shift_right_logical3A_659 : i32 to vector<16xi32>
        %shift_right_logical3A_661 = arith.shrui %add3A_658, %shift_right_logical3A_660 : vector<16xi32>
        %add3A_662 = arith.addi %add3A_658, %shift_right_logical3A_661 : vector<16xi32>
        %and3A_663 = arith.constant 252645135 : i32
        %and3A_664 = vector.broadcast %and3A_663 : i32 to vector<16xi32>
        %and3A_665 = arith.andi %add3A_662, %and3A_664 : vector<16xi32>
        %add3A_666 = arith.addi %add3A_630, %and3A_665 : vector<16xi32>
        %get3A_667 = arith.index_cast %and3A_123 : i32 to index
        %get3A_668 = arith.index_cast %scan3A_236 : i32 to index
        %get3A_669 = arith.constant 192 : index
        %get3A_670 = tpu.vector_load %arg14[%get3A_667, %get3A_668, %get3A_669] {strides = array<i32>} : memref<2x32x320xi32, #tpu.memory_space<vmem>>, vector<1x1x16xi32>,
        %get3A_671 = vector.shape_cast %get3A_670 : vector<1x1x16xi32> to vector<16xi32>
        %get3A_672 = arith.index_cast %and3A_123 : i32 to index
        %get3A_673 = arith.index_cast %scan3A_236 : i32 to index
        %get3A_674 = arith.constant 192 : index
        %get3A_675 = tpu.vector_load %arg15[%get3A_672, %get3A_673, %get3A_674] {strides = array<i32>} : memref<2x32x320xi32, #tpu.memory_space<vmem>>, vector<1x1x16xi32>,
        %get3A_676 = vector.shape_cast %get3A_675 : vector<1x1x16xi32> to vector<16xi32>
        %and3A_677 = arith.andi %get3A_671, %get3A_676 : vector<16xi32>
        %shift_right_logical3A_678 = arith.constant 1 : i32
        %shift_right_logical3A_679 = vector.broadcast %shift_right_logical3A_678 : i32 to vector<16xi32>
        %shift_right_logical3A_680 = arith.shrui %and3A_677, %shift_right_logical3A_679 : vector<16xi32>
        %and3A_681 = arith.constant 1431655765 : i32
        %and3A_682 = vector.broadcast %and3A_681 : i32 to vector<16xi32>
        %and3A_683 = arith.andi %shift_right_logical3A_680, %and3A_682 : vector<16xi32>
        %sub3A_684 = arith.subi %and3A_677, %and3A_683 : vector<16xi32>
        %and3A_685 = arith.constant 858993459 : i32
        %and3A_686 = vector.broadcast %and3A_685 : i32 to vector<16xi32>
        %and3A_687 = arith.andi %sub3A_684, %and3A_686 : vector<16xi32>
        %shift_right_logical3A_688 = arith.constant 2 : i32
        %shift_right_logical3A_689 = vector.broadcast %shift_right_logical3A_688 : i32 to vector<16xi32>
        %shift_right_logical3A_690 = arith.shrui %sub3A_684, %shift_right_logical3A_689 : vector<16xi32>
        %and3A_691 = arith.constant 858993459 : i32
        %and3A_692 = vector.broadcast %and3A_691 : i32 to vector<16xi32>
        %and3A_693 = arith.andi %shift_right_logical3A_690, %and3A_692 : vector<16xi32>
        %add3A_694 = arith.addi %and3A_687, %and3A_693 : vector<16xi32>
        %shift_right_logical3A_695 = arith.constant 4 : i32
        %shift_right_logical3A_696 = vector.broadcast %shift_right_logical3A_695 : i32 to vector<16xi32>
        %shift_right_logical3A_697 = arith.shrui %add3A_694, %shift_right_logical3A_696 : vector<16xi32>
        %add3A_698 = arith.addi %add3A_694, %shift_right_logical3A_697 : vector<16xi32>
        %and3A_699 = arith.constant 252645135 : i32
        %and3A_700 = vector.broadcast %and3A_699 : i32 to vector<16xi32>
        %and3A_701 = arith.andi %add3A_698, %and3A_700 : vector<16xi32>
        %add3A_702 = arith.addi %add3A_666, %and3A_701 : vector<16xi32>
        %get3A_703 = arith.index_cast %and3A_123 : i32 to index
        %get3A_704 = arith.index_cast %scan3A_236 : i32 to index
        %get3A_705 = arith.constant 208 : index
        %get3A_706 = tpu.vector_load %arg14[%get3A_703, %get3A_704, %get3A_705] {strides = array<i32>} : memref<2x32x320xi32, #tpu.memory_space<vmem>>, vector<1x1x16xi32>,
        %get3A_707 = vector.shape_cast %get3A_706 : vector<1x1x16xi32> to vector<16xi32>
        %get3A_708 = arith.index_cast %and3A_123 : i32 to index
        %get3A_709 = arith.index_cast %scan3A_236 : i32 to index
        %get3A_710 = arith.constant 208 : index
        %get3A_711 = tpu.vector_load %arg15[%get3A_708, %get3A_709, %get3A_710] {strides = array<i32>} : memref<2x32x320xi32, #tpu.memory_space<vmem>>, vector<1x1x16xi32>,
        %get3A_712 = vector.shape_cast %get3A_711 : vector<1x1x16xi32> to vector<16xi32>
        %and3A_713 = arith.andi %get3A_707, %get3A_712 : vector<16xi32>
        %shift_right_logical3A_714 = arith.constant 1 : i32
        %shift_right_logical3A_715 = vector.broadcast %shift_right_logical3A_714 : i32 to vector<16xi32>
        %shift_right_logical3A_716 = arith.shrui %and3A_713, %shift_right_logical3A_715 : vector<16xi32>
        %and3A_717 = arith.constant 1431655765 : i32
        %and3A_718 = vector.broadcast %and3A_717 : i32 to vector<16xi32>
        %and3A_719 = arith.andi %shift_right_logical3A_716, %and3A_718 : vector<16xi32>
        %sub3A_720 = arith.subi %and3A_713, %and3A_719 : vector<16xi32>
        %and3A_721 = arith.constant 858993459 : i32
        %and3A_722 = vector.broadcast %and3A_721 : i32 to vector<16xi32>
        %and3A_723 = arith.andi %sub3A_720, %and3A_722 : vector<16xi32>
        %shift_right_logical3A_724 = arith.constant 2 : i32
        %shift_right_logical3A_725 = vector.broadcast %shift_right_logical3A_724 : i32 to vector<16xi32>
        %shift_right_logical3A_726 = arith.shrui %sub3A_720, %shift_right_logical3A_725 : vector<16xi32>
        %and3A_727 = arith.constant 858993459 : i32
        %and3A_728 = vector.broadcast %and3A_727 : i32 to vector<16xi32>
        %and3A_729 = arith.andi %shift_right_logical3A_726, %and3A_728 : vector<16xi32>
        %add3A_730 = arith.addi %and3A_723, %and3A_729 : vector<16xi32>
        %shift_right_logical3A_731 = arith.constant 4 : i32
        %shift_right_logical3A_732 = vector.broadcast %shift_right_logical3A_731 : i32 to vector<16xi32>
        %shift_right_logical3A_733 = arith.shrui %add3A_730, %shift_right_logical3A_732 : vector<16xi32>
        %add3A_734 = arith.addi %add3A_730, %shift_right_logical3A_733 : vector<16xi32>
        %and3A_735 = arith.constant 252645135 : i32
        %and3A_736 = vector.broadcast %and3A_735 : i32 to vector<16xi32>
        %and3A_737 = arith.andi %add3A_734, %and3A_736 : vector<16xi32>
        %add3A_738 = arith.addi %add3A_702, %and3A_737 : vector<16xi32>
        %get3A_739 = arith.index_cast %and3A_123 : i32 to index
        %get3A_740 = arith.index_cast %scan3A_236 : i32 to index
        %get3A_741 = arith.constant 224 : index
        %get3A_742 = tpu.vector_load %arg14[%get3A_739, %get3A_740, %get3A_741] {strides = array<i32>} : memref<2x32x320xi32, #tpu.memory_space<vmem>>, vector<1x1x16xi32>,
        %get3A_743 = vector.shape_cast %get3A_742 : vector<1x1x16xi32> to vector<16xi32>
        %get3A_744 = arith.index_cast %and3A_123 : i32 to index
        %get3A_745 = arith.index_cast %scan3A_236 : i32 to index
        %get3A_746 = arith.constant 224 : index
        %get3A_747 = tpu.vector_load %arg15[%get3A_744, %get3A_745, %get3A_746] {strides = array<i32>} : memref<2x32x320xi32, #tpu.memory_space<vmem>>, vector<1x1x16xi32>,
        %get3A_748 = vector.shape_cast %get3A_747 : vector<1x1x16xi32> to vector<16xi32>
        %and3A_749 = arith.andi %get3A_743, %get3A_748 : vector<16xi32>
        %shift_right_logical3A_750 = arith.constant 1 : i32
        %shift_right_logical3A_751 = vector.broadcast %shift_right_logical3A_750 : i32 to vector<16xi32>
        %shift_right_logical3A_752 = arith.shrui %and3A_749, %shift_right_logical3A_751 : vector<16xi32>
        %and3A_753 = arith.constant 1431655765 : i32
        %and3A_754 = vector.broadcast %and3A_753 : i32 to vector<16xi32>
        %and3A_755 = arith.andi %shift_right_logical3A_752, %and3A_754 : vector<16xi32>
        %sub3A_756 = arith.subi %and3A_749, %and3A_755 : vector<16xi32>
        %and3A_757 = arith.constant 858993459 : i32
        %and3A_758 = vector.broadcast %and3A_757 : i32 to vector<16xi32>
        %and3A_759 = arith.andi %sub3A_756, %and3A_758 : vector<16xi32>
        %shift_right_logical3A_760 = arith.constant 2 : i32
        %shift_right_logical3A_761 = vector.broadcast %shift_right_logical3A_760 : i32 to vector<16xi32>
        %shift_right_logical3A_762 = arith.shrui %sub3A_756, %shift_right_logical3A_761 : vector<16xi32>
        %and3A_763 = arith.constant 858993459 : i32
        %and3A_764 = vector.broadcast %and3A_763 : i32 to vector<16xi32>
        %and3A_765 = arith.andi %shift_right_logical3A_762, %and3A_764 : vector<16xi32>
        %add3A_766 = arith.addi %and3A_759, %and3A_765 : vector<16xi32>
        %shift_right_logical3A_767 = arith.constant 4 : i32
        %shift_right_logical3A_768 = vector.broadcast %shift_right_logical3A_767 : i32 to vector<16xi32>
        %shift_right_logical3A_769 = arith.shrui %add3A_766, %shift_right_logical3A_768 : vector<16xi32>
        %add3A_770 = arith.addi %add3A_766, %shift_right_logical3A_769 : vector<16xi32>
        %and3A_771 = arith.constant 252645135 : i32
        %and3A_772 = vector.broadcast %and3A_771 : i32 to vector<16xi32>
        %and3A_773 = arith.andi %add3A_770, %and3A_772 : vector<16xi32>
        %add3A_774 = arith.addi %add3A_738, %and3A_773 : vector<16xi32>
        %get3A_775 = arith.index_cast %and3A_123 : i32 to index
        %get3A_776 = arith.index_cast %scan3A_236 : i32 to index
        %get3A_777 = arith.constant 240 : index
        %get3A_778 = tpu.vector_load %arg14[%get3A_775, %get3A_776, %get3A_777] {strides = array<i32>} : memref<2x32x320xi32, #tpu.memory_space<vmem>>, vector<1x1x16xi32>,
        %get3A_779 = vector.shape_cast %get3A_778 : vector<1x1x16xi32> to vector<16xi32>
        %get3A_780 = arith.index_cast %and3A_123 : i32 to index
        %get3A_781 = arith.index_cast %scan3A_236 : i32 to index
        %get3A_782 = arith.constant 240 : index
        %get3A_783 = tpu.vector_load %arg15[%get3A_780, %get3A_781, %get3A_782] {strides = array<i32>} : memref<2x32x320xi32, #tpu.memory_space<vmem>>, vector<1x1x16xi32>,
        %get3A_784 = vector.shape_cast %get3A_783 : vector<1x1x16xi32> to vector<16xi32>
        %and3A_785 = arith.andi %get3A_779, %get3A_784 : vector<16xi32>
        %shift_right_logical3A_786 = arith.constant 1 : i32
        %shift_right_logical3A_787 = vector.broadcast %shift_right_logical3A_786 : i32 to vector<16xi32>
        %shift_right_logical3A_788 = arith.shrui %and3A_785, %shift_right_logical3A_787 : vector<16xi32>
        %and3A_789 = arith.constant 1431655765 : i32
        %and3A_790 = vector.broadcast %and3A_789 : i32 to vector<16xi32>
        %and3A_791 = arith.andi %shift_right_logical3A_788, %and3A_790 : vector<16xi32>
        %sub3A_792 = arith.subi %and3A_785, %and3A_791 : vector<16xi32>
        %and3A_793 = arith.constant 858993459 : i32
        %and3A_794 = vector.broadcast %and3A_793 : i32 to vector<16xi32>
        %and3A_795 = arith.andi %sub3A_792, %and3A_794 : vector<16xi32>
        %shift_right_logical3A_796 = arith.constant 2 : i32
        %shift_right_logical3A_797 = vector.broadcast %shift_right_logical3A_796 : i32 to vector<16xi32>
        %shift_right_logical3A_798 = arith.shrui %sub3A_792, %shift_right_logical3A_797 : vector<16xi32>
        %and3A_799 = arith.constant 858993459 : i32
        %and3A_800 = vector.broadcast %and3A_799 : i32 to vector<16xi32>
        %and3A_801 = arith.andi %shift_right_logical3A_798, %and3A_800 : vector<16xi32>
        %add3A_802 = arith.addi %and3A_795, %and3A_801 : vector<16xi32>
        %shift_right_logical3A_803 = arith.constant 4 : i32
        %shift_right_logical3A_804 = vector.broadcast %shift_right_logical3A_803 : i32 to vector<16xi32>
        %shift_right_logical3A_805 = arith.shrui %add3A_802, %shift_right_logical3A_804 : vector<16xi32>
        %add3A_806 = arith.addi %add3A_802, %shift_right_logical3A_805 : vector<16xi32>
        %and3A_807 = arith.constant 252645135 : i32
        %and3A_808 = vector.broadcast %and3A_807 : i32 to vector<16xi32>
        %and3A_809 = arith.andi %add3A_806, %and3A_808 : vector<16xi32>
        %add3A_810 = arith.addi %add3A_774, %and3A_809 : vector<16xi32>
        %get3A_811 = arith.index_cast %and3A_123 : i32 to index
        %get3A_812 = arith.index_cast %scan3A_236 : i32 to index
        %get3A_813 = arith.constant 256 : index
        %get3A_814 = tpu.vector_load %arg14[%get3A_811, %get3A_812, %get3A_813] {strides = array<i32>} : memref<2x32x320xi32, #tpu.memory_space<vmem>>, vector<1x1x16xi32>,
        %get3A_815 = vector.shape_cast %get3A_814 : vector<1x1x16xi32> to vector<16xi32>
        %get3A_816 = arith.index_cast %and3A_123 : i32 to index
        %get3A_817 = arith.index_cast %scan3A_236 : i32 to index
        %get3A_818 = arith.constant 256 : index
        %get3A_819 = tpu.vector_load %arg15[%get3A_816, %get3A_817, %get3A_818] {strides = array<i32>} : memref<2x32x320xi32, #tpu.memory_space<vmem>>, vector<1x1x16xi32>,
        %get3A_820 = vector.shape_cast %get3A_819 : vector<1x1x16xi32> to vector<16xi32>
        %and3A_821 = arith.andi %get3A_815, %get3A_820 : vector<16xi32>
        %shift_right_logical3A_822 = arith.constant 1 : i32
        %shift_right_logical3A_823 = vector.broadcast %shift_right_logical3A_822 : i32 to vector<16xi32>
        %shift_right_logical3A_824 = arith.shrui %and3A_821, %shift_right_logical3A_823 : vector<16xi32>
        %and3A_825 = arith.constant 1431655765 : i32
        %and3A_826 = vector.broadcast %and3A_825 : i32 to vector<16xi32>
        %and3A_827 = arith.andi %shift_right_logical3A_824, %and3A_826 : vector<16xi32>
        %sub3A_828 = arith.subi %and3A_821, %and3A_827 : vector<16xi32>
        %and3A_829 = arith.constant 858993459 : i32
        %and3A_830 = vector.broadcast %and3A_829 : i32 to vector<16xi32>
        %and3A_831 = arith.andi %sub3A_828, %and3A_830 : vector<16xi32>
        %shift_right_logical3A_832 = arith.constant 2 : i32
        %shift_right_logical3A_833 = vector.broadcast %shift_right_logical3A_832 : i32 to vector<16xi32>
        %shift_right_logical3A_834 = arith.shrui %sub3A_828, %shift_right_logical3A_833 : vector<16xi32>
        %and3A_835 = arith.constant 858993459 : i32
        %and3A_836 = vector.broadcast %and3A_835 : i32 to vector<16xi32>
        %and3A_837 = arith.andi %shift_right_logical3A_834, %and3A_836 : vector<16xi32>
        %add3A_838 = arith.addi %and3A_831, %and3A_837 : vector<16xi32>
        %shift_right_logical3A_839 = arith.constant 4 : i32
        %shift_right_logical3A_840 = vector.broadcast %shift_right_logical3A_839 : i32 to vector<16xi32>
        %shift_right_logical3A_841 = arith.shrui %add3A_838, %shift_right_logical3A_840 : vector<16xi32>
        %add3A_842 = arith.addi %add3A_838, %shift_right_logical3A_841 : vector<16xi32>
        %and3A_843 = arith.constant 252645135 : i32
        %and3A_844 = vector.broadcast %and3A_843 : i32 to vector<16xi32>
        %and3A_845 = arith.andi %add3A_842, %and3A_844 : vector<16xi32>
        %add3A_846 = arith.addi %add3A_810, %and3A_845 : vector<16xi32>
        %get3A_847 = arith.index_cast %and3A_123 : i32 to index
        %get3A_848 = arith.index_cast %scan3A_236 : i32 to index
        %get3A_849 = arith.constant 272 : index
        %get3A_850 = tpu.vector_load %arg14[%get3A_847, %get3A_848, %get3A_849] {strides = array<i32>} : memref<2x32x320xi32, #tpu.memory_space<vmem>>, vector<1x1x16xi32>,
        %get3A_851 = vector.shape_cast %get3A_850 : vector<1x1x16xi32> to vector<16xi32>
        %get3A_852 = arith.index_cast %and3A_123 : i32 to index
        %get3A_853 = arith.index_cast %scan3A_236 : i32 to index
        %get3A_854 = arith.constant 272 : index
        %get3A_855 = tpu.vector_load %arg15[%get3A_852, %get3A_853, %get3A_854] {strides = array<i32>} : memref<2x32x320xi32, #tpu.memory_space<vmem>>, vector<1x1x16xi32>,
        %get3A_856 = vector.shape_cast %get3A_855 : vector<1x1x16xi32> to vector<16xi32>
        %and3A_857 = arith.andi %get3A_851, %get3A_856 : vector<16xi32>
        %shift_right_logical3A_858 = arith.constant 1 : i32
        %shift_right_logical3A_859 = vector.broadcast %shift_right_logical3A_858 : i32 to vector<16xi32>
        %shift_right_logical3A_860 = arith.shrui %and3A_857, %shift_right_logical3A_859 : vector<16xi32>
        %and3A_861 = arith.constant 1431655765 : i32
        %and3A_862 = vector.broadcast %and3A_861 : i32 to vector<16xi32>
        %and3A_863 = arith.andi %shift_right_logical3A_860, %and3A_862 : vector<16xi32>
        %sub3A_864 = arith.subi %and3A_857, %and3A_863 : vector<16xi32>
        %and3A_865 = arith.constant 858993459 : i32
        %and3A_866 = vector.broadcast %and3A_865 : i32 to vector<16xi32>
        %and3A_867 = arith.andi %sub3A_864, %and3A_866 : vector<16xi32>
        %shift_right_logical3A_868 = arith.constant 2 : i32
        %shift_right_logical3A_869 = vector.broadcast %shift_right_logical3A_868 : i32 to vector<16xi32>
        %shift_right_logical3A_870 = arith.shrui %sub3A_864, %shift_right_logical3A_869 : vector<16xi32>
        %and3A_871 = arith.constant 858993459 : i32
        %and3A_872 = vector.broadcast %and3A_871 : i32 to vector<16xi32>
        %and3A_873 = arith.andi %shift_right_logical3A_870, %and3A_872 : vector<16xi32>
        %add3A_874 = arith.addi %and3A_867, %and3A_873 : vector<16xi32>
        %shift_right_logical3A_875 = arith.constant 4 : i32
        %shift_right_logical3A_876 = vector.broadcast %shift_right_logical3A_875 : i32 to vector<16xi32>
        %shift_right_logical3A_877 = arith.shrui %add3A_874, %shift_right_logical3A_876 : vector<16xi32>
        %add3A_878 = arith.addi %add3A_874, %shift_right_logical3A_877 : vector<16xi32>
        %and3A_879 = arith.constant 252645135 : i32
        %and3A_880 = vector.broadcast %and3A_879 : i32 to vector<16xi32>
        %and3A_881 = arith.andi %add3A_878, %and3A_880 : vector<16xi32>
        %add3A_882 = arith.addi %add3A_846, %and3A_881 : vector<16xi32>
        %get3A_883 = arith.index_cast %and3A_123 : i32 to index
        %get3A_884 = arith.index_cast %scan3A_236 : i32 to index
        %get3A_885 = arith.constant 288 : index
        %get3A_886 = tpu.vector_load %arg14[%get3A_883, %get3A_884, %get3A_885] {strides = array<i32>} : memref<2x32x320xi32, #tpu.memory_space<vmem>>, vector<1x1x16xi32>,
        %get3A_887 = vector.shape_cast %get3A_886 : vector<1x1x16xi32> to vector<16xi32>
        %get3A_888 = arith.index_cast %and3A_123 : i32 to index
        %get3A_889 = arith.index_cast %scan3A_236 : i32 to index
        %get3A_890 = arith.constant 288 : index
        %get3A_891 = tpu.vector_load %arg15[%get3A_888, %get3A_889, %get3A_890] {strides = array<i32>} : memref<2x32x320xi32, #tpu.memory_space<vmem>>, vector<1x1x16xi32>,
        %get3A_892 = vector.shape_cast %get3A_891 : vector<1x1x16xi32> to vector<16xi32>
        %and3A_893 = arith.andi %get3A_887, %get3A_892 : vector<16xi32>
        %shift_right_logical3A_894 = arith.constant 1 : i32
        %shift_right_logical3A_895 = vector.broadcast %shift_right_logical3A_894 : i32 to vector<16xi32>
        %shift_right_logical3A_896 = arith.shrui %and3A_893, %shift_right_logical3A_895 : vector<16xi32>
        %and3A_897 = arith.constant 1431655765 : i32
        %and3A_898 = vector.broadcast %and3A_897 : i32 to vector<16xi32>
        %and3A_899 = arith.andi %shift_right_logical3A_896, %and3A_898 : vector<16xi32>
        %sub3A_900 = arith.subi %and3A_893, %and3A_899 : vector<16xi32>
        %and3A_901 = arith.constant 858993459 : i32
        %and3A_902 = vector.broadcast %and3A_901 : i32 to vector<16xi32>
        %and3A_903 = arith.andi %sub3A_900, %and3A_902 : vector<16xi32>
        %shift_right_logical3A_904 = arith.constant 2 : i32
        %shift_right_logical3A_905 = vector.broadcast %shift_right_logical3A_904 : i32 to vector<16xi32>
        %shift_right_logical3A_906 = arith.shrui %sub3A_900, %shift_right_logical3A_905 : vector<16xi32>
        %and3A_907 = arith.constant 858993459 : i32
        %and3A_908 = vector.broadcast %and3A_907 : i32 to vector<16xi32>
        %and3A_909 = arith.andi %shift_right_logical3A_906, %and3A_908 : vector<16xi32>
        %add3A_910 = arith.addi %and3A_903, %and3A_909 : vector<16xi32>
        %shift_right_logical3A_911 = arith.constant 4 : i32
        %shift_right_logical3A_912 = vector.broadcast %shift_right_logical3A_911 : i32 to vector<16xi32>
        %shift_right_logical3A_913 = arith.shrui %add3A_910, %shift_right_logical3A_912 : vector<16xi32>
        %add3A_914 = arith.addi %add3A_910, %shift_right_logical3A_913 : vector<16xi32>
        %and3A_915 = arith.constant 252645135 : i32
        %and3A_916 = vector.broadcast %and3A_915 : i32 to vector<16xi32>
        %and3A_917 = arith.andi %add3A_914, %and3A_916 : vector<16xi32>
        %add3A_918 = arith.addi %add3A_882, %and3A_917 : vector<16xi32>
        %get3A_919 = arith.index_cast %and3A_123 : i32 to index
        %get3A_920 = arith.index_cast %scan3A_236 : i32 to index
        %get3A_921 = arith.constant 304 : index
        %get3A_922 = tpu.vector_load %arg14[%get3A_919, %get3A_920, %get3A_921] {strides = array<i32>} : memref<2x32x320xi32, #tpu.memory_space<vmem>>, vector<1x1x16xi32>,
        %get3A_923 = vector.shape_cast %get3A_922 : vector<1x1x16xi32> to vector<16xi32>
        %get3A_924 = arith.index_cast %and3A_123 : i32 to index
        %get3A_925 = arith.index_cast %scan3A_236 : i32 to index
        %get3A_926 = arith.constant 304 : index
        %get3A_927 = tpu.vector_load %arg15[%get3A_924, %get3A_925, %get3A_926] {strides = array<i32>} : memref<2x32x320xi32, #tpu.memory_space<vmem>>, vector<1x1x16xi32>,
        %get3A_928 = vector.shape_cast %get3A_927 : vector<1x1x16xi32> to vector<16xi32>
        %and3A_929 = arith.andi %get3A_923, %get3A_928 : vector<16xi32>
        %shift_right_logical3A_930 = arith.constant 1 : i32
        %shift_right_logical3A_931 = vector.broadcast %shift_right_logical3A_930 : i32 to vector<16xi32>
        %shift_right_logical3A_932 = arith.shrui %and3A_929, %shift_right_logical3A_931 : vector<16xi32>
        %and3A_933 = arith.constant 1431655765 : i32
        %and3A_934 = vector.broadcast %and3A_933 : i32 to vector<16xi32>
        %and3A_935 = arith.andi %shift_right_logical3A_932, %and3A_934 : vector<16xi32>
        %sub3A_936 = arith.subi %and3A_929, %and3A_935 : vector<16xi32>
        %and3A_937 = arith.constant 858993459 : i32
        %and3A_938 = vector.broadcast %and3A_937 : i32 to vector<16xi32>
        %and3A_939 = arith.andi %sub3A_936, %and3A_938 : vector<16xi32>
        %shift_right_logical3A_940 = arith.constant 2 : i32
        %shift_right_logical3A_941 = vector.broadcast %shift_right_logical3A_940 : i32 to vector<16xi32>
        %shift_right_logical3A_942 = arith.shrui %sub3A_936, %shift_right_logical3A_941 : vector<16xi32>
        %and3A_943 = arith.constant 858993459 : i32
        %and3A_944 = vector.broadcast %and3A_943 : i32 to vector<16xi32>
        %and3A_945 = arith.andi %shift_right_logical3A_942, %and3A_944 : vector<16xi32>
        %add3A_946 = arith.addi %and3A_939, %and3A_945 : vector<16xi32>
        %shift_right_logical3A_947 = arith.constant 4 : i32
        %shift_right_logical3A_948 = vector.broadcast %shift_right_logical3A_947 : i32 to vector<16xi32>
        %shift_right_logical3A_949 = arith.shrui %add3A_946, %shift_right_logical3A_948 : vector<16xi32>
        %add3A_950 = arith.addi %add3A_946, %shift_right_logical3A_949 : vector<16xi32>
        %and3A_951 = arith.constant 252645135 : i32
        %and3A_952 = vector.broadcast %and3A_951 : i32 to vector<16xi32>
        %and3A_953 = arith.andi %add3A_950, %and3A_952 : vector<16xi32>
        %add3A_954 = arith.addi %add3A_918, %and3A_953 : vector<16xi32>
        %mul3A_955 = arith.constant 16843009 : i32
        %mul3A_956 = vector.broadcast %mul3A_955 : i32 to vector<16xi32>
        %mul3A_957 = arith.muli %add3A_954, %mul3A_956 : vector<16xi32>
        %shift_right_logical3A_958 = arith.constant 24 : i32
        %shift_right_logical3A_959 = vector.broadcast %shift_right_logical3A_958 : i32 to vector<16xi32>
        %shift_right_logical3A_960 = arith.shrui %mul3A_957, %shift_right_logical3A_959 : vector<16xi32>
        %swap3A = arith.index_cast %scan3A_236 : i32 to index
        %swap3A_961 = arith.constant 0 : index
        %swap3A_962 = tpu.vector_load %arg19[%swap3A, %swap3A_961] {strides = array<i32>} : memref<32x16xi32, #tpu.memory_space<vmem>>, vector<1x16xi32>,
        %swap3A_963 = vector.shape_cast %swap3A_962 : vector<1x16xi32> to vector<16xi32>
        %swap3A_964 = vector.shape_cast %shift_right_logical3A_960 : vector<16xi32> to vector<1x16xi32>
        tpu.vector_store %arg19[%swap3A, %swap3A_961], %swap3A_964 {strides = array<i32>} : memref<32x16xi32, #tpu.memory_space<vmem>>, vector<1x16xi32>,
        %get3A_965 = arith.index_cast %and3A_123 : i32 to index
        %get3A_966 = arith.index_cast %scan3A_236 : i32 to index
        %get3A_967 = arith.constant 0 : index
        %get3A_968 = tpu.vector_load %arg16[%get3A_965, %get3A_966, %get3A_967] {strides = array<i32>} : memref<2x32x128xf32, #tpu.memory_space<vmem>>, vector<1x1x16xf32>,
        %get3A_969 = vector.shape_cast %get3A_968 : vector<1x1x16xf32> to vector<16xf32>
        %get3A_970 = arith.index_cast %and3A_123 : i32 to index
        %get3A_971 = arith.index_cast %scan3A_236 : i32 to index
        %get3A_972 = arith.constant 0 : index
        %get3A_973 = tpu.vector_load %arg17[%get3A_970, %get3A_971, %get3A_972] {strides = array<i32>} : memref<2x32x128xf32, #tpu.memory_space<vmem>>, vector<1x1x16xf32>,
        %get3A_974 = vector.shape_cast %get3A_973 : vector<1x1x16xf32> to vector<16xf32>
        %mul3A_975 = arith.mulf %get3A_969, %get3A_974 : vector<16xf32>
        %swap3A_976 = arith.index_cast %scan3A_236 : i32 to index
        %swap3A_977 = arith.constant 0 : index
        %swap3A_978 = tpu.vector_load %arg18[%swap3A_976, %swap3A_977] {strides = array<i32>} : memref<32x128xf32, #tpu.memory_space<vmem>>, vector<1x16xf32>,
        %swap3A_979 = vector.shape_cast %swap3A_978 : vector<1x16xf32> to vector<16xf32>
        %swap3A_980 = vector.shape_cast %mul3A_975 : vector<16xf32> to vector<1x16xf32>
        tpu.vector_store %arg18[%swap3A_976, %swap3A_977], %swap3A_980 {strides = array<i32>} : memref<32x128xf32, #tpu.memory_space<vmem>>, vector<1x16xf32>,
        %get3A_981 = arith.index_cast %and3A_123 : i32 to index
        %get3A_982 = arith.index_cast %scan3A_236 : i32 to index
        %get3A_983 = arith.constant 16 : index
        %get3A_984 = tpu.vector_load %arg16[%get3A_981, %get3A_982, %get3A_983] {strides = array<i32>} : memref<2x32x128xf32, #tpu.memory_space<vmem>>, vector<1x1x16xf32>,
        %get3A_985 = vector.shape_cast %get3A_984 : vector<1x1x16xf32> to vector<16xf32>
        %get3A_986 = arith.index_cast %and3A_123 : i32 to index
        %get3A_987 = arith.index_cast %scan3A_236 : i32 to index
        %get3A_988 = arith.constant 16 : index
        %get3A_989 = tpu.vector_load %arg17[%get3A_986, %get3A_987, %get3A_988] {strides = array<i32>} : memref<2x32x128xf32, #tpu.memory_space<vmem>>, vector<1x1x16xf32>,
        %get3A_990 = vector.shape_cast %get3A_989 : vector<1x1x16xf32> to vector<16xf32>
        %mul3A_991 = arith.mulf %get3A_985, %get3A_990 : vector<16xf32>
        %swap3A_992 = arith.index_cast %scan3A_236 : i32 to index
        %swap3A_993 = arith.constant 16 : index
        %swap3A_994 = tpu.vector_load %arg18[%swap3A_992, %swap3A_993] {strides = array<i32>} : memref<32x128xf32, #tpu.memory_space<vmem>>, vector<1x16xf32>,
        %swap3A_995 = vector.shape_cast %swap3A_994 : vector<1x16xf32> to vector<16xf32>
        %swap3A_996 = vector.shape_cast %mul3A_991 : vector<16xf32> to vector<1x16xf32>
        tpu.vector_store %arg18[%swap3A_992, %swap3A_993], %swap3A_996 {strides = array<i32>} : memref<32x128xf32, #tpu.memory_space<vmem>>, vector<1x16xf32>,
        %get3A_997 = arith.index_cast %and3A_123 : i32 to index
        %get3A_998 = arith.index_cast %scan3A_236 : i32 to index
        %get3A_999 = arith.constant 32 : index
        %get3A_1000 = tpu.vector_load %arg16[%get3A_997, %get3A_998, %get3A_999] {strides = array<i32>} : memref<2x32x128xf32, #tpu.memory_space<vmem>>, vector<1x1x16xf32>,
        %get3A_1001 = vector.shape_cast %get3A_1000 : vector<1x1x16xf32> to vector<16xf32>
        %get3A_1002 = arith.index_cast %and3A_123 : i32 to index
        %get3A_1003 = arith.index_cast %scan3A_236 : i32 to index
        %get3A_1004 = arith.constant 32 : index
        %get3A_1005 = tpu.vector_load %arg17[%get3A_1002, %get3A_1003, %get3A_1004] {strides = array<i32>} : memref<2x32x128xf32, #tpu.memory_space<vmem>>, vector<1x1x16xf32>,
        %get3A_1006 = vector.shape_cast %get3A_1005 : vector<1x1x16xf32> to vector<16xf32>
        %mul3A_1007 = arith.mulf %get3A_1001, %get3A_1006 : vector<16xf32>
        %swap3A_1008 = arith.index_cast %scan3A_236 : i32 to index
        %swap3A_1009 = arith.constant 32 : index
        %swap3A_1010 = tpu.vector_load %arg18[%swap3A_1008, %swap3A_1009] {strides = array<i32>} : memref<32x128xf32, #tpu.memory_space<vmem>>, vector<1x16xf32>,
        %swap3A_1011 = vector.shape_cast %swap3A_1010 : vector<1x16xf32> to vector<16xf32>
        %swap3A_1012 = vector.shape_cast %mul3A_1007 : vector<16xf32> to vector<1x16xf32>
        tpu.vector_store %arg18[%swap3A_1008, %swap3A_1009], %swap3A_1012 {strides = array<i32>} : memref<32x128xf32, #tpu.memory_space<vmem>>, vector<1x16xf32>,
        %get3A_1013 = arith.index_cast %and3A_123 : i32 to index
        %get3A_1014 = arith.index_cast %scan3A_236 : i32 to index
        %get3A_1015 = arith.constant 48 : index
        %get3A_1016 = tpu.vector_load %arg16[%get3A_1013, %get3A_1014, %get3A_1015] {strides = array<i32>} : memref<2x32x128xf32, #tpu.memory_space<vmem>>, vector<1x1x16xf32>,
        %get3A_1017 = vector.shape_cast %get3A_1016 : vector<1x1x16xf32> to vector<16xf32>
        %get3A_1018 = arith.index_cast %and3A_123 : i32 to index
        %get3A_1019 = arith.index_cast %scan3A_236 : i32 to index
        %get3A_1020 = arith.constant 48 : index
        %get3A_1021 = tpu.vector_load %arg17[%get3A_1018, %get3A_1019, %get3A_1020] {strides = array<i32>} : memref<2x32x128xf32, #tpu.memory_space<vmem>>, vector<1x1x16xf32>,
        %get3A_1022 = vector.shape_cast %get3A_1021 : vector<1x1x16xf32> to vector<16xf32>
        %mul3A_1023 = arith.mulf %get3A_1017, %get3A_1022 : vector<16xf32>
        %swap3A_1024 = arith.index_cast %scan3A_236 : i32 to index
        %swap3A_1025 = arith.constant 48 : index
        %swap3A_1026 = tpu.vector_load %arg18[%swap3A_1024, %swap3A_1025] {strides = array<i32>} : memref<32x128xf32, #tpu.memory_space<vmem>>, vector<1x16xf32>,
        %swap3A_1027 = vector.shape_cast %swap3A_1026 : vector<1x16xf32> to vector<16xf32>
        %swap3A_1028 = vector.shape_cast %mul3A_1023 : vector<16xf32> to vector<1x16xf32>
        tpu.vector_store %arg18[%swap3A_1024, %swap3A_1025], %swap3A_1028 {strides = array<i32>} : memref<32x128xf32, #tpu.memory_space<vmem>>, vector<1x16xf32>,
        %get3A_1029 = arith.index_cast %and3A_123 : i32 to index
        %get3A_1030 = arith.index_cast %scan3A_236 : i32 to index
        %get3A_1031 = arith.constant 64 : index
        %get3A_1032 = tpu.vector_load %arg16[%get3A_1029, %get3A_1030, %get3A_1031] {strides = array<i32>} : memref<2x32x128xf32, #tpu.memory_space<vmem>>, vector<1x1x16xf32>,
        %get3A_1033 = vector.shape_cast %get3A_1032 : vector<1x1x16xf32> to vector<16xf32>
        %get3A_1034 = arith.index_cast %and3A_123 : i32 to index
        %get3A_1035 = arith.index_cast %scan3A_236 : i32 to index
        %get3A_1036 = arith.constant 64 : index
        %get3A_1037 = tpu.vector_load %arg17[%get3A_1034, %get3A_1035, %get3A_1036] {strides = array<i32>} : memref<2x32x128xf32, #tpu.memory_space<vmem>>, vector<1x1x16xf32>,
        %get3A_1038 = vector.shape_cast %get3A_1037 : vector<1x1x16xf32> to vector<16xf32>
        %mul3A_1039 = arith.mulf %get3A_1033, %get3A_1038 : vector<16xf32>
        %swap3A_1040 = arith.index_cast %scan3A_236 : i32 to index
        %swap3A_1041 = arith.constant 64 : index
        %swap3A_1042 = tpu.vector_load %arg18[%swap3A_1040, %swap3A_1041] {strides = array<i32>} : memref<32x128xf32, #tpu.memory_space<vmem>>, vector<1x16xf32>,
        %swap3A_1043 = vector.shape_cast %swap3A_1042 : vector<1x16xf32> to vector<16xf32>
        %swap3A_1044 = vector.shape_cast %mul3A_1039 : vector<16xf32> to vector<1x16xf32>
        tpu.vector_store %arg18[%swap3A_1040, %swap3A_1041], %swap3A_1044 {strides = array<i32>} : memref<32x128xf32, #tpu.memory_space<vmem>>, vector<1x16xf32>,
        %get3A_1045 = arith.index_cast %and3A_123 : i32 to index
        %get3A_1046 = arith.index_cast %scan3A_236 : i32 to index
        %get3A_1047 = arith.constant 80 : index
        %get3A_1048 = tpu.vector_load %arg16[%get3A_1045, %get3A_1046, %get3A_1047] {strides = array<i32>} : memref<2x32x128xf32, #tpu.memory_space<vmem>>, vector<1x1x16xf32>,
        %get3A_1049 = vector.shape_cast %get3A_1048 : vector<1x1x16xf32> to vector<16xf32>
        %get3A_1050 = arith.index_cast %and3A_123 : i32 to index
        %get3A_1051 = arith.index_cast %scan3A_236 : i32 to index
        %get3A_1052 = arith.constant 80 : index
        %get3A_1053 = tpu.vector_load %arg17[%get3A_1050, %get3A_1051, %get3A_1052] {strides = array<i32>} : memref<2x32x128xf32, #tpu.memory_space<vmem>>, vector<1x1x16xf32>,
        %get3A_1054 = vector.shape_cast %get3A_1053 : vector<1x1x16xf32> to vector<16xf32>
        %mul3A_1055 = arith.mulf %get3A_1049, %get3A_1054 : vector<16xf32>
        %swap3A_1056 = arith.index_cast %scan3A_236 : i32 to index
        %swap3A_1057 = arith.constant 80 : index
        %swap3A_1058 = tpu.vector_load %arg18[%swap3A_1056, %swap3A_1057] {strides = array<i32>} : memref<32x128xf32, #tpu.memory_space<vmem>>, vector<1x16xf32>,
        %swap3A_1059 = vector.shape_cast %swap3A_1058 : vector<1x16xf32> to vector<16xf32>
        %swap3A_1060 = vector.shape_cast %mul3A_1055 : vector<16xf32> to vector<1x16xf32>
        tpu.vector_store %arg18[%swap3A_1056, %swap3A_1057], %swap3A_1060 {strides = array<i32>} : memref<32x128xf32, #tpu.memory_space<vmem>>, vector<1x16xf32>,
        %get3A_1061 = arith.index_cast %and3A_123 : i32 to index
        %get3A_1062 = arith.index_cast %scan3A_236 : i32 to index
        %get3A_1063 = arith.constant 96 : index
        %get3A_1064 = tpu.vector_load %arg16[%get3A_1061, %get3A_1062, %get3A_1063] {strides = array<i32>} : memref<2x32x128xf32, #tpu.memory_space<vmem>>, vector<1x1x16xf32>,
        %get3A_1065 = vector.shape_cast %get3A_1064 : vector<1x1x16xf32> to vector<16xf32>
        %get3A_1066 = arith.index_cast %and3A_123 : i32 to index
        %get3A_1067 = arith.index_cast %scan3A_236 : i32 to index
        %get3A_1068 = arith.constant 96 : index
        %get3A_1069 = tpu.vector_load %arg17[%get3A_1066, %get3A_1067, %get3A_1068] {strides = array<i32>} : memref<2x32x128xf32, #tpu.memory_space<vmem>>, vector<1x1x16xf32>,
        %get3A_1070 = vector.shape_cast %get3A_1069 : vector<1x1x16xf32> to vector<16xf32>
        %mul3A_1071 = arith.mulf %get3A_1065, %get3A_1070 : vector<16xf32>
        %swap3A_1072 = arith.index_cast %scan3A_236 : i32 to index
        %swap3A_1073 = arith.constant 96 : index
        %swap3A_1074 = tpu.vector_load %arg18[%swap3A_1072, %swap3A_1073] {strides = array<i32>} : memref<32x128xf32, #tpu.memory_space<vmem>>, vector<1x16xf32>,
        %swap3A_1075 = vector.shape_cast %swap3A_1074 : vector<1x16xf32> to vector<16xf32>
        %swap3A_1076 = vector.shape_cast %mul3A_1071 : vector<16xf32> to vector<1x16xf32>
        tpu.vector_store %arg18[%swap3A_1072, %swap3A_1073], %swap3A_1076 {strides = array<i32>} : memref<32x128xf32, #tpu.memory_space<vmem>>, vector<1x16xf32>,
        %get3A_1077 = arith.index_cast %and3A_123 : i32 to index
        %get3A_1078 = arith.index_cast %scan3A_236 : i32 to index
        %get3A_1079 = arith.constant 112 : index
        %get3A_1080 = tpu.vector_load %arg16[%get3A_1077, %get3A_1078, %get3A_1079] {strides = array<i32>} : memref<2x32x128xf32, #tpu.memory_space<vmem>>, vector<1x1x16xf32>,
        %get3A_1081 = vector.shape_cast %get3A_1080 : vector<1x1x16xf32> to vector<16xf32>
        %get3A_1082 = arith.index_cast %and3A_123 : i32 to index
        %get3A_1083 = arith.index_cast %scan3A_236 : i32 to index
        %get3A_1084 = arith.constant 112 : index
        %get3A_1085 = tpu.vector_load %arg17[%get3A_1082, %get3A_1083, %get3A_1084] {strides = array<i32>} : memref<2x32x128xf32, #tpu.memory_space<vmem>>, vector<1x1x16xf32>,
        %get3A_1086 = vector.shape_cast %get3A_1085 : vector<1x1x16xf32> to vector<16xf32>
        %mul3A_1087 = arith.mulf %get3A_1081, %get3A_1086 : vector<16xf32>
        %swap3A_1088 = arith.index_cast %scan3A_236 : i32 to index
        %swap3A_1089 = arith.constant 112 : index
        %swap3A_1090 = tpu.vector_load %arg18[%swap3A_1088, %swap3A_1089] {strides = array<i32>} : memref<32x128xf32, #tpu.memory_space<vmem>>, vector<1x16xf32>,
        %swap3A_1091 = vector.shape_cast %swap3A_1090 : vector<1x16xf32> to vector<16xf32>
        %swap3A_1092 = vector.shape_cast %mul3A_1087 : vector<16xf32> to vector<1x16xf32>
        tpu.vector_store %arg18[%swap3A_1088, %swap3A_1089], %swap3A_1092 {strides = array<i32>} : memref<32x128xf32, #tpu.memory_space<vmem>>, vector<1x16xf32>,
      }
      %scan3A_235 = arith.constant 32 : i32
      "tpu.region"() ({
        %run_scoped3A_236 = tpu.sem_alloc : memref<!tpu.dma_semaphore, #tpu.memory_space<semaphore_mem>>
        %dma_start3A_237 = arith.constant 0 : i32
        %dma_start3A_238 = tpu.memref_slice %arg9[%add3A_122, %dma_start3A_237] : memref<65536x128xf32, #tpu.memory_space<hbm>> -> memref<32x128xf32, #tpu.memory_space<hbm>>
        %dma_start3A_239 = arith.constant 0 : i32
        %dma_start3A_240 = tpu.memref_slice %arg9[%add3A_122, %dma_start3A_239] : memref<65536x128xf32, #tpu.memory_space<hbm>> -> memref<32x128xf32, #tpu.memory_space<hbm>>
        tpu.enqueue_dma source(%arg18 : memref<32x128xf32, #tpu.memory_space<vmem>>) target(%dma_start3A_240 : memref<32x128xf32, #tpu.memory_space<hbm>>) target_semaphore(%run_scoped3A_236 : memref<!tpu.dma_semaphore, #tpu.memory_space<semaphore_mem>>)
        %dma_wait3A_241 = arith.constant 0 : i32
        %dma_wait3A_242 = tpu.memref_slice %arg9[%add3A_122, %dma_wait3A_241] : memref<65536x128xf32, #tpu.memory_space<hbm>> -> memref<32x128xf32, #tpu.memory_space<hbm>>
        %dma_wait3A_243 = arith.constant 0 : i32
        %dma_wait3A_244 = tpu.memref_slice %arg9[%add3A_122, %dma_wait3A_243] : memref<65536x128xf32, #tpu.memory_space<hbm>> -> memref<32x128xf32, #tpu.memory_space<hbm>>
        tpu.wait_dma2 semaphore(%run_scoped3A_236 : memref<!tpu.dma_semaphore, #tpu.memory_space<semaphore_mem>>) src(%arg18 : memref<32x128xf32, #tpu.memory_space<vmem>>) dst(%dma_wait3A_244 : memref<32x128xf32, #tpu.memory_space<hbm>>)
        tpu.yield
      }) : () -> ()
      "tpu.region"() ({
        %run_scoped3A_236 = tpu.sem_alloc : memref<!tpu.dma_semaphore, #tpu.memory_space<semaphore_mem>>
        %dma_start3A_237 = arith.constant 0 : i32
        %dma_start3A_238 = tpu.memref_slice %arg8[%add3A_122, %dma_start3A_237] : memref<65536x16xi32, #tpu.memory_space<hbm>> -> memref<32x16xi32, #tpu.memory_space<hbm>>
        %dma_start3A_239 = arith.constant 0 : i32
        %dma_start3A_240 = tpu.memref_slice %arg8[%add3A_122, %dma_start3A_239] : memref<65536x16xi32, #tpu.memory_space<hbm>> -> memref<32x16xi32, #tpu.memory_space<hbm>>
        tpu.enqueue_dma source(%arg19 : memref<32x16xi32, #tpu.memory_space<vmem>>) target(%dma_start3A_240 : memref<32x16xi32, #tpu.memory_space<hbm>>) target_semaphore(%run_scoped3A_236 : memref<!tpu.dma_semaphore, #tpu.memory_space<semaphore_mem>>)
        %dma_wait3A_241 = arith.constant 0 : i32
        %dma_wait3A_242 = tpu.memref_slice %arg8[%add3A_122, %dma_wait3A_241] : memref<65536x16xi32, #tpu.memory_space<hbm>> -> memref<32x16xi32, #tpu.memory_space<hbm>>
        %dma_wait3A_243 = arith.constant 0 : i32
        %dma_wait3A_244 = tpu.memref_slice %arg8[%add3A_122, %dma_wait3A_243] : memref<65536x16xi32, #tpu.memory_space<hbm>> -> memref<32x16xi32, #tpu.memory_space<hbm>>
        tpu.wait_dma2 semaphore(%run_scoped3A_236 : memref<!tpu.dma_semaphore, #tpu.memory_space<semaphore_mem>>) src(%arg19 : memref<32x16xi32, #tpu.memory_space<vmem>>) dst(%dma_wait3A_244 : memref<32x16xi32, #tpu.memory_space<hbm>>)
        tpu.yield
      }) : () -> ()
    }
    %scan3A_59 = arith.constant 64 : i32
    %dma_wait3A = arith.constant 0 : i32
    %dma_wait3A_60 = arith.constant 0 : i32
    %dma_wait3A_61 = arith.constant 0 : i32
    %dma_wait3A_62 = tpu.memref_slice %arg14[%dma_wait3A, %dma_wait3A_60, %dma_wait3A_61] : memref<2x32x320xi32, #tpu.memory_space<vmem>> -> memref<1x32x320xi32, #tpu.memory_space<vmem>>
    %dma_wait3A_63 = tpu.memref_squeeze %dma_wait3A_62 : memref<1x32x320xi32, #tpu.memory_space<vmem>> -> memref<32x320xi32, #tpu.memory_space<vmem>>
    %dma_wait3A_64 = arith.constant 0 : i32
    %dma_wait3A_65 = arith.constant 0 : i32
    %dma_wait3A_66 = tpu.memref_slice %arg2[%dma_wait3A_64, %dma_wait3A_65] : memref<10002x320xi32, #tpu.memory_space<hbm>> -> memref<32x320xi32, #tpu.memory_space<hbm>>
    %dma_wait3A_67 = arith.constant 0 : i32
    %dma_wait3A_68 = arith.constant 0 : i32
    %dma_wait3A_69 = tpu.memref_slice %arg14[%dma_wait3A, %dma_wait3A_67, %dma_wait3A_68] : memref<2x32x320xi32, #tpu.memory_space<vmem>> -> memref<1x32x320xi32, #tpu.memory_space<vmem>>
    %dma_wait3A_70 = tpu.memref_squeeze %dma_wait3A_69 : memref<1x32x320xi32, #tpu.memory_space<vmem>> -> memref<32x320xi32, #tpu.memory_space<vmem>>
    %dma_wait3A_71 = arith.constant 0 : i32
    %dma_wait3A_72 = arith.constant 0 : i32
    %dma_wait3A_73 = tpu.memref_slice %arg2[%dma_wait3A_71, %dma_wait3A_72] : memref<10002x320xi32, #tpu.memory_space<hbm>> -> memref<32x320xi32, #tpu.memory_space<hbm>>
    tpu.wait_dma2 semaphore(%arg20 : memref<!tpu.dma_semaphore, #tpu.memory_space<semaphore_mem>>) src(%dma_wait3A_73 : memref<32x320xi32, #tpu.memory_space<hbm>>) dst(%dma_wait3A_70 : memref<32x320xi32, #tpu.memory_space<vmem>>)
    %dma_wait3A_74 = arith.constant 0 : i32
    %dma_wait3A_75 = arith.constant 0 : i32
    %dma_wait3A_76 = arith.constant 0 : i32
    %dma_wait3A_77 = tpu.memref_slice %arg15[%dma_wait3A_74, %dma_wait3A_75, %dma_wait3A_76] : memref<2x32x320xi32, #tpu.memory_space<vmem>> -> memref<1x32x320xi32, #tpu.memory_space<vmem>>
    %dma_wait3A_78 = tpu.memref_squeeze %dma_wait3A_77 : memref<1x32x320xi32, #tpu.memory_space<vmem>> -> memref<32x320xi32, #tpu.memory_space<vmem>>
    %dma_wait3A_79 = arith.constant 0 : i32
    %dma_wait3A_80 = arith.constant 0 : i32
    %dma_wait3A_81 = tpu.memref_slice %arg2[%dma_wait3A_79, %dma_wait3A_80] : memref<10002x320xi32, #tpu.memory_space<hbm>> -> memref<32x320xi32, #tpu.memory_space<hbm>>
    %dma_wait3A_82 = arith.constant 0 : i32
    %dma_wait3A_83 = arith.constant 0 : i32
    %dma_wait3A_84 = tpu.memref_slice %arg15[%dma_wait3A_74, %dma_wait3A_82, %dma_wait3A_83] : memref<2x32x320xi32, #tpu.memory_space<vmem>> -> memref<1x32x320xi32, #tpu.memory_space<vmem>>
    %dma_wait3A_85 = tpu.memref_squeeze %dma_wait3A_84 : memref<1x32x320xi32, #tpu.memory_space<vmem>> -> memref<32x320xi32, #tpu.memory_space<vmem>>
    %dma_wait3A_86 = arith.constant 0 : i32
    %dma_wait3A_87 = arith.constant 0 : i32
    %dma_wait3A_88 = tpu.memref_slice %arg2[%dma_wait3A_86, %dma_wait3A_87] : memref<10002x320xi32, #tpu.memory_space<hbm>> -> memref<32x320xi32, #tpu.memory_space<hbm>>
    tpu.wait_dma2 semaphore(%arg20 : memref<!tpu.dma_semaphore, #tpu.memory_space<semaphore_mem>>) src(%dma_wait3A_88 : memref<32x320xi32, #tpu.memory_space<hbm>>) dst(%dma_wait3A_85 : memref<32x320xi32, #tpu.memory_space<vmem>>)
    %dma_wait3A_89 = arith.constant 0 : i32
    %dma_wait3A_90 = arith.constant 0 : i32
    %dma_wait3A_91 = arith.constant 0 : i32
    %dma_wait3A_92 = tpu.memref_slice %arg16[%dma_wait3A_89, %dma_wait3A_90, %dma_wait3A_91] : memref<2x32x128xf32, #tpu.memory_space<vmem>> -> memref<1x32x128xf32, #tpu.memory_space<vmem>>
    %dma_wait3A_93 = tpu.memref_squeeze %dma_wait3A_92 : memref<1x32x128xf32, #tpu.memory_space<vmem>> -> memref<32x128xf32, #tpu.memory_space<vmem>>
    %dma_wait3A_94 = arith.constant 0 : i32
    %dma_wait3A_95 = arith.constant 0 : i32
    %dma_wait3A_96 = tpu.memref_slice %arg7[%dma_wait3A_94, %dma_wait3A_95] : memref<10000x128xf32, #tpu.memory_space<hbm>> -> memref<32x128xf32, #tpu.memory_space<hbm>>
    %dma_wait3A_97 = arith.constant 0 : i32
    %dma_wait3A_98 = arith.constant 0 : i32
    %dma_wait3A_99 = tpu.memref_slice %arg16[%dma_wait3A_89, %dma_wait3A_97, %dma_wait3A_98] : memref<2x32x128xf32, #tpu.memory_space<vmem>> -> memref<1x32x128xf32, #tpu.memory_space<vmem>>
    %dma_wait3A_100 = tpu.memref_squeeze %dma_wait3A_99 : memref<1x32x128xf32, #tpu.memory_space<vmem>> -> memref<32x128xf32, #tpu.memory_space<vmem>>
    %dma_wait3A_101 = arith.constant 0 : i32
    %dma_wait3A_102 = arith.constant 0 : i32
    %dma_wait3A_103 = tpu.memref_slice %arg7[%dma_wait3A_101, %dma_wait3A_102] : memref<10000x128xf32, #tpu.memory_space<hbm>> -> memref<32x128xf32, #tpu.memory_space<hbm>>
    tpu.wait_dma2 semaphore(%arg20 : memref<!tpu.dma_semaphore, #tpu.memory_space<semaphore_mem>>) src(%dma_wait3A_103 : memref<32x128xf32, #tpu.memory_space<hbm>>) dst(%dma_wait3A_100 : memref<32x128xf32, #tpu.memory_space<vmem>>)
    %dma_wait3A_104 = arith.constant 0 : i32
    %dma_wait3A_105 = arith.constant 0 : i32
    %dma_wait3A_106 = arith.constant 0 : i32
    %dma_wait3A_107 = tpu.memref_slice %arg17[%dma_wait3A_104, %dma_wait3A_105, %dma_wait3A_106] : memref<2x32x128xf32, #tpu.memory_space<vmem>> -> memref<1x32x128xf32, #tpu.memory_space<vmem>>
    %dma_wait3A_108 = tpu.memref_squeeze %dma_wait3A_107 : memref<1x32x128xf32, #tpu.memory_space<vmem>> -> memref<32x128xf32, #tpu.memory_space<vmem>>
    %dma_wait3A_109 = arith.constant 0 : i32
    %dma_wait3A_110 = arith.constant 0 : i32
    %dma_wait3A_111 = tpu.memref_slice %arg7[%dma_wait3A_109, %dma_wait3A_110] : memref<10000x128xf32, #tpu.memory_space<hbm>> -> memref<32x128xf32, #tpu.memory_space<hbm>>
    %dma_wait3A_112 = arith.constant 0 : i32
    %dma_wait3A_113 = arith.constant 0 : i32
    %dma_wait3A_114 = tpu.memref_slice %arg17[%dma_wait3A_104, %dma_wait3A_112, %dma_wait3A_113] : memref<2x32x128xf32, #tpu.memory_space<vmem>> -> memref<1x32x128xf32, #tpu.memory_space<vmem>>
    %dma_wait3A_115 = tpu.memref_squeeze %dma_wait3A_114 : memref<1x32x128xf32, #tpu.memory_space<vmem>> -> memref<32x128xf32, #tpu.memory_space<vmem>>
    %dma_wait3A_116 = arith.constant 0 : i32
    %dma_wait3A_117 = arith.constant 0 : i32
    %dma_wait3A_118 = tpu.memref_slice %arg7[%dma_wait3A_116, %dma_wait3A_117] : memref<10000x128xf32, #tpu.memory_space<hbm>> -> memref<32x128xf32, #tpu.memory_space<hbm>>
    tpu.wait_dma2 semaphore(%arg20 : memref<!tpu.dma_semaphore, #tpu.memory_space<semaphore_mem>>) src(%dma_wait3A_118 : memref<32x128xf32, #tpu.memory_space<hbm>>) dst(%dma_wait3A_115 : memref<32x128xf32, #tpu.memory_space<vmem>>)
    return
  }
}

#map = affine_map<(d0, d1) -> (0)>
#map1 = affine_map<(d0, d1) -> (0, 0)>
module attributes {stable_mosaic.version = 14 : i64} {
  func.func @_build_body(%arg0: i32, %arg1: i32, %arg2: memref<320512xi32, #tpu.memory_space<hbm>>, %arg3: memref<320512xi32, #tpu.memory_space<hbm>>, %arg4: memref<2x1600320xi32, #tpu.memory_space<hbm>>, %arg5: memref<1600160xi32, #tpu.memory_space<vmem_shared>>, %arg6: memref<2048xi32, #tpu.memory_space<vmem>>, %arg7: memref<2048xi32, #tpu.memory_space<vmem>>, %arg8: memref<16x128xi32, #tpu.memory_space<vmem>>, %arg9: memref<16x128xi32, #tpu.memory_space<vmem>>, %arg10: memref<4000xi32, #tpu.memory_space<vmem>>, %arg11: memref<4x2096xi32, #tpu.memory_space<vmem>>, %arg12: memref<2096xi32, #tpu.memory_space<vmem>>, %arg13: memref<!tpu.dma_semaphore, #tpu.memory_space<semaphore_mem>>) attributes {dimension_semantics = [#tpu.dimension_semantics<core_parallel>, #tpu.dimension_semantics<subcore_parallel>], iteration_bounds = array<i64: 2, 16>, scalar_prefetch = 0 : i64, scratch_operands = 9 : i64, tpu.core_type = #tpu.core_type<sc_vector_subcore>, window_params = [{transform_indices = #map}, {transform_indices = #map}, {transform_indices = #map1}]} {
    %scan3A = arith.constant 0 : i32
    %scan3A_0 = arith.constant 0 : i32
    %scan3A_1 = arith.constant 250 : i32
    %scan3A_2 = arith.addi %scan3A_0, %scan3A_1 : i32
    %scan3A_3 = arith.constant 1 : i32
    scf.for %scan3A_11 = %scan3A_0 to %scan3A_2 step %scan3A_3  : i32 {
      %broadcast_in_dim3A = arith.constant 0 : i32
      %broadcast_in_dim3A_12 = vector.broadcast %broadcast_in_dim3A : i32 to vector<16xi32>
      %mul3A = arith.constant 16 : i32
      %mul3A_13 = arith.muli %scan3A_11, %mul3A : i32
      %swap3A = arith.index_cast %mul3A_13 : i32 to index
      %swap3A_14 = tpu.vector_load %arg10[%swap3A] {strides = array<i32>} : memref<4000xi32, #tpu.memory_space<vmem>>, vector<16xi32>,
      %swap3A_15 = vector.shape_cast %swap3A_14 : vector<16xi32> to vector<16xi32>
      %swap3A_16 = vector.shape_cast %broadcast_in_dim3A_12 : vector<16xi32> to vector<16xi32>
      tpu.vector_store %arg10[%swap3A], %swap3A_16 {strides = array<i32>} : memref<4000xi32, #tpu.memory_space<vmem>>, vector<16xi32>,
    }
    %scan3A_4 = arith.constant 250 : i32
    %scan3A_5 = arith.constant 0 : i32
    %scan3A_6 = arith.constant 0 : i32
    %scan3A_7 = arith.constant 4 : i32
    %scan3A_8 = arith.addi %scan3A_6, %scan3A_7 : i32
    %scan3A_9 = arith.constant 1 : i32
    scf.for %scan3A_11 = %scan3A_6 to %scan3A_8 step %scan3A_9  : i32 {
      %mul3A = arith.constant 5000 : i32
      %mul3A_12 = arith.muli %arg0, %mul3A : i32
      %mul3A_13 = arith.constant 1250 : i32
      %mul3A_14 = arith.muli %scan3A_11, %mul3A_13 : i32
      %add3A = arith.addi %mul3A_12, %mul3A_14 : i32
      %mul3A_15 = arith.constant 100000 : i32
      %mul3A_16 = arith.muli %arg1, %mul3A_15 : i32
      %add3A_17 = arith.constant 0 : i32
      %add3A_18 = arith.addi %mul3A_16, %add3A_17 : i32
      %dma_start3A = tpu.memref_slice %arg5[%add3A_18] : memref<1600160xi32, #tpu.memory_space<vmem_shared>> -> memref<4000xi32, #tpu.memory_space<vmem_shared>>
      %dma_start3A_19 = tpu.memref_slice %arg5[%add3A_18] : memref<1600160xi32, #tpu.memory_space<vmem_shared>> -> memref<4000xi32, #tpu.memory_space<vmem_shared>>
      tpu.enqueue_dma source(%arg10 : memref<4000xi32, #tpu.memory_space<vmem>>) target(%dma_start3A_19 : memref<4000xi32, #tpu.memory_space<vmem_shared>>) target_semaphore(%arg13 : memref<!tpu.dma_semaphore, #tpu.memory_space<semaphore_mem>>)
      %mul3A_20 = arith.constant 100000 : i32
      %mul3A_21 = arith.muli %arg1, %mul3A_20 : i32
      %add3A_22 = arith.constant 4000 : i32
      %add3A_23 = arith.addi %mul3A_21, %add3A_22 : i32
      %dma_start3A_24 = tpu.memref_slice %arg5[%add3A_23] : memref<1600160xi32, #tpu.memory_space<vmem_shared>> -> memref<4000xi32, #tpu.memory_space<vmem_shared>>
      %dma_start3A_25 = tpu.memref_slice %arg5[%add3A_23] : memref<1600160xi32, #tpu.memory_space<vmem_shared>> -> memref<4000xi32, #tpu.memory_space<vmem_shared>>
      tpu.enqueue_dma source(%arg10 : memref<4000xi32, #tpu.memory_space<vmem>>) target(%dma_start3A_25 : memref<4000xi32, #tpu.memory_space<vmem_shared>>) target_semaphore(%arg13 : memref<!tpu.dma_semaphore, #tpu.memory_space<semaphore_mem>>)
      %mul3A_26 = arith.constant 100000 : i32
      %mul3A_27 = arith.muli %arg1, %mul3A_26 : i32
      %add3A_28 = arith.constant 8000 : i32
      %add3A_29 = arith.addi %mul3A_27, %add3A_28 : i32
      %dma_start3A_30 = tpu.memref_slice %arg5[%add3A_29] : memref<1600160xi32, #tpu.memory_space<vmem_shared>> -> memref<4000xi32, #tpu.memory_space<vmem_shared>>
      %dma_start3A_31 = tpu.memref_slice %arg5[%add3A_29] : memref<1600160xi32, #tpu.memory_space<vmem_shared>> -> memref<4000xi32, #tpu.memory_space<vmem_shared>>
      tpu.enqueue_dma source(%arg10 : memref<4000xi32, #tpu.memory_space<vmem>>) target(%dma_start3A_31 : memref<4000xi32, #tpu.memory_space<vmem_shared>>) target_semaphore(%arg13 : memref<!tpu.dma_semaphore, #tpu.memory_space<semaphore_mem>>)
      %mul3A_32 = arith.constant 100000 : i32
      %mul3A_33 = arith.muli %arg1, %mul3A_32 : i32
      %add3A_34 = arith.constant 12000 : i32
      %add3A_35 = arith.addi %mul3A_33, %add3A_34 : i32
      %dma_start3A_36 = tpu.memref_slice %arg5[%add3A_35] : memref<1600160xi32, #tpu.memory_space<vmem_shared>> -> memref<4000xi32, #tpu.memory_space<vmem_shared>>
      %dma_start3A_37 = tpu.memref_slice %arg5[%add3A_35] : memref<1600160xi32, #tpu.memory_space<vmem_shared>> -> memref<4000xi32, #tpu.memory_space<vmem_shared>>
      tpu.enqueue_dma source(%arg10 : memref<4000xi32, #tpu.memory_space<vmem>>) target(%dma_start3A_37 : memref<4000xi32, #tpu.memory_space<vmem_shared>>) target_semaphore(%arg13 : memref<!tpu.dma_semaphore, #tpu.memory_space<semaphore_mem>>)
      %mul3A_38 = arith.constant 100000 : i32
      %mul3A_39 = arith.muli %arg1, %mul3A_38 : i32
      %add3A_40 = arith.constant 16000 : i32
      %add3A_41 = arith.addi %mul3A_39, %add3A_40 : i32
      %dma_start3A_42 = tpu.memref_slice %arg5[%add3A_41] : memref<1600160xi32, #tpu.memory_space<vmem_shared>> -> memref<4000xi32, #tpu.memory_space<vmem_shared>>
      %dma_start3A_43 = tpu.memref_slice %arg5[%add3A_41] : memref<1600160xi32, #tpu.memory_space<vmem_shared>> -> memref<4000xi32, #tpu.memory_space<vmem_shared>>
      tpu.enqueue_dma source(%arg10 : memref<4000xi32, #tpu.memory_space<vmem>>) target(%dma_start3A_43 : memref<4000xi32, #tpu.memory_space<vmem_shared>>) target_semaphore(%arg13 : memref<!tpu.dma_semaphore, #tpu.memory_space<semaphore_mem>>)
      %dma_wait3A = tpu.memref_slice %arg5[%add3A_18] : memref<1600160xi32, #tpu.memory_space<vmem_shared>> -> memref<4000xi32, #tpu.memory_space<vmem_shared>>
      %dma_wait3A_44 = tpu.memref_slice %arg5[%add3A_18] : memref<1600160xi32, #tpu.memory_space<vmem_shared>> -> memref<4000xi32, #tpu.memory_space<vmem_shared>>
      tpu.wait_dma2 semaphore(%arg13 : memref<!tpu.dma_semaphore, #tpu.memory_space<semaphore_mem>>) src(%arg10 : memref<4000xi32, #tpu.memory_space<vmem>>) dst(%dma_wait3A_44 : memref<4000xi32, #tpu.memory_space<vmem_shared>>)
      %dma_wait3A_45 = tpu.memref_slice %arg5[%add3A_23] : memref<1600160xi32, #tpu.memory_space<vmem_shared>> -> memref<4000xi32, #tpu.memory_space<vmem_shared>>
      %dma_wait3A_46 = tpu.memref_slice %arg5[%add3A_23] : memref<1600160xi32, #tpu.memory_space<vmem_shared>> -> memref<4000xi32, #tpu.memory_space<vmem_shared>>
      tpu.wait_dma2 semaphore(%arg13 : memref<!tpu.dma_semaphore, #tpu.memory_space<semaphore_mem>>) src(%arg10 : memref<4000xi32, #tpu.memory_space<vmem>>) dst(%dma_wait3A_46 : memref<4000xi32, #tpu.memory_space<vmem_shared>>)
      %dma_wait3A_47 = tpu.memref_slice %arg5[%add3A_29] : memref<1600160xi32, #tpu.memory_space<vmem_shared>> -> memref<4000xi32, #tpu.memory_space<vmem_shared>>
      %dma_wait3A_48 = tpu.memref_slice %arg5[%add3A_29] : memref<1600160xi32, #tpu.memory_space<vmem_shared>> -> memref<4000xi32, #tpu.memory_space<vmem_shared>>
      tpu.wait_dma2 semaphore(%arg13 : memref<!tpu.dma_semaphore, #tpu.memory_space<semaphore_mem>>) src(%arg10 : memref<4000xi32, #tpu.memory_space<vmem>>) dst(%dma_wait3A_48 : memref<4000xi32, #tpu.memory_space<vmem_shared>>)
      %dma_wait3A_49 = tpu.memref_slice %arg5[%add3A_35] : memref<1600160xi32, #tpu.memory_space<vmem_shared>> -> memref<4000xi32, #tpu.memory_space<vmem_shared>>
      %dma_wait3A_50 = tpu.memref_slice %arg5[%add3A_35] : memref<1600160xi32, #tpu.memory_space<vmem_shared>> -> memref<4000xi32, #tpu.memory_space<vmem_shared>>
      tpu.wait_dma2 semaphore(%arg13 : memref<!tpu.dma_semaphore, #tpu.memory_space<semaphore_mem>>) src(%arg10 : memref<4000xi32, #tpu.memory_space<vmem>>) dst(%dma_wait3A_50 : memref<4000xi32, #tpu.memory_space<vmem_shared>>)
      %dma_wait3A_51 = tpu.memref_slice %arg5[%add3A_41] : memref<1600160xi32, #tpu.memory_space<vmem_shared>> -> memref<4000xi32, #tpu.memory_space<vmem_shared>>
      %dma_wait3A_52 = tpu.memref_slice %arg5[%add3A_41] : memref<1600160xi32, #tpu.memory_space<vmem_shared>> -> memref<4000xi32, #tpu.memory_space<vmem_shared>>
      tpu.wait_dma2 semaphore(%arg13 : memref<!tpu.dma_semaphore, #tpu.memory_space<semaphore_mem>>) src(%arg10 : memref<4000xi32, #tpu.memory_space<vmem>>) dst(%dma_wait3A_52 : memref<4000xi32, #tpu.memory_space<vmem_shared>>)
      %mul3A_53 = arith.constant 100000 : i32
      %mul3A_54 = arith.muli %arg1, %mul3A_53 : i32
      %add3A_55 = arith.constant 20000 : i32
      %add3A_56 = arith.addi %mul3A_54, %add3A_55 : i32
      %dma_start3A_57 = tpu.memref_slice %arg5[%add3A_56] : memref<1600160xi32, #tpu.memory_space<vmem_shared>> -> memref<4000xi32, #tpu.memory_space<vmem_shared>>
      %dma_start3A_58 = tpu.memref_slice %arg5[%add3A_56] : memref<1600160xi32, #tpu.memory_space<vmem_shared>> -> memref<4000xi32, #tpu.memory_space<vmem_shared>>
      tpu.enqueue_dma source(%arg10 : memref<4000xi32, #tpu.memory_space<vmem>>) target(%dma_start3A_58 : memref<4000xi32, #tpu.memory_space<vmem_shared>>) target_semaphore(%arg13 : memref<!tpu.dma_semaphore, #tpu.memory_space<semaphore_mem>>)
      %mul3A_59 = arith.constant 100000 : i32
      %mul3A_60 = arith.muli %arg1, %mul3A_59 : i32
      %add3A_61 = arith.constant 24000 : i32
      %add3A_62 = arith.addi %mul3A_60, %add3A_61 : i32
      %dma_start3A_63 = tpu.memref_slice %arg5[%add3A_62] : memref<1600160xi32, #tpu.memory_space<vmem_shared>> -> memref<4000xi32, #tpu.memory_space<vmem_shared>>
      %dma_start3A_64 = tpu.memref_slice %arg5[%add3A_62] : memref<1600160xi32, #tpu.memory_space<vmem_shared>> -> memref<4000xi32, #tpu.memory_space<vmem_shared>>
      tpu.enqueue_dma source(%arg10 : memref<4000xi32, #tpu.memory_space<vmem>>) target(%dma_start3A_64 : memref<4000xi32, #tpu.memory_space<vmem_shared>>) target_semaphore(%arg13 : memref<!tpu.dma_semaphore, #tpu.memory_space<semaphore_mem>>)
      %mul3A_65 = arith.constant 100000 : i32
      %mul3A_66 = arith.muli %arg1, %mul3A_65 : i32
      %add3A_67 = arith.constant 28000 : i32
      %add3A_68 = arith.addi %mul3A_66, %add3A_67 : i32
      %dma_start3A_69 = tpu.memref_slice %arg5[%add3A_68] : memref<1600160xi32, #tpu.memory_space<vmem_shared>> -> memref<4000xi32, #tpu.memory_space<vmem_shared>>
      %dma_start3A_70 = tpu.memref_slice %arg5[%add3A_68] : memref<1600160xi32, #tpu.memory_space<vmem_shared>> -> memref<4000xi32, #tpu.memory_space<vmem_shared>>
      tpu.enqueue_dma source(%arg10 : memref<4000xi32, #tpu.memory_space<vmem>>) target(%dma_start3A_70 : memref<4000xi32, #tpu.memory_space<vmem_shared>>) target_semaphore(%arg13 : memref<!tpu.dma_semaphore, #tpu.memory_space<semaphore_mem>>)
      %mul3A_71 = arith.constant 100000 : i32
      %mul3A_72 = arith.muli %arg1, %mul3A_71 : i32
      %add3A_73 = arith.constant 32000 : i32
      %add3A_74 = arith.addi %mul3A_72, %add3A_73 : i32
      %dma_start3A_75 = tpu.memref_slice %arg5[%add3A_74] : memref<1600160xi32, #tpu.memory_space<vmem_shared>> -> memref<4000xi32, #tpu.memory_space<vmem_shared>>
      %dma_start3A_76 = tpu.memref_slice %arg5[%add3A_74] : memref<1600160xi32, #tpu.memory_space<vmem_shared>> -> memref<4000xi32, #tpu.memory_space<vmem_shared>>
      tpu.enqueue_dma source(%arg10 : memref<4000xi32, #tpu.memory_space<vmem>>) target(%dma_start3A_76 : memref<4000xi32, #tpu.memory_space<vmem_shared>>) target_semaphore(%arg13 : memref<!tpu.dma_semaphore, #tpu.memory_space<semaphore_mem>>)
      %mul3A_77 = arith.constant 100000 : i32
      %mul3A_78 = arith.muli %arg1, %mul3A_77 : i32
      %add3A_79 = arith.constant 36000 : i32
      %add3A_80 = arith.addi %mul3A_78, %add3A_79 : i32
      %dma_start3A_81 = tpu.memref_slice %arg5[%add3A_80] : memref<1600160xi32, #tpu.memory_space<vmem_shared>> -> memref<4000xi32, #tpu.memory_space<vmem_shared>>
      %dma_start3A_82 = tpu.memref_slice %arg5[%add3A_80] : memref<1600160xi32, #tpu.memory_space<vmem_shared>> -> memref<4000xi32, #tpu.memory_space<vmem_shared>>
      tpu.enqueue_dma source(%arg10 : memref<4000xi32, #tpu.memory_space<vmem>>) target(%dma_start3A_82 : memref<4000xi32, #tpu.memory_space<vmem_shared>>) target_semaphore(%arg13 : memref<!tpu.dma_semaphore, #tpu.memory_space<semaphore_mem>>)
      %dma_wait3A_83 = tpu.memref_slice %arg5[%add3A_56] : memref<1600160xi32, #tpu.memory_space<vmem_shared>> -> memref<4000xi32, #tpu.memory_space<vmem_shared>>
      %dma_wait3A_84 = tpu.memref_slice %arg5[%add3A_56] : memref<1600160xi32, #tpu.memory_space<vmem_shared>> -> memref<4000xi32, #tpu.memory_space<vmem_shared>>
      tpu.wait_dma2 semaphore(%arg13 : memref<!tpu.dma_semaphore, #tpu.memory_space<semaphore_mem>>) src(%arg10 : memref<4000xi32, #tpu.memory_space<vmem>>) dst(%dma_wait3A_84 : memref<4000xi32, #tpu.memory_space<vmem_shared>>)
      %dma_wait3A_85 = tpu.memref_slice %arg5[%add3A_62] : memref<1600160xi32, #tpu.memory_space<vmem_shared>> -> memref<4000xi32, #tpu.memory_space<vmem_shared>>
      %dma_wait3A_86 = tpu.memref_slice %arg5[%add3A_62] : memref<1600160xi32, #tpu.memory_space<vmem_shared>> -> memref<4000xi32, #tpu.memory_space<vmem_shared>>
      tpu.wait_dma2 semaphore(%arg13 : memref<!tpu.dma_semaphore, #tpu.memory_space<semaphore_mem>>) src(%arg10 : memref<4000xi32, #tpu.memory_space<vmem>>) dst(%dma_wait3A_86 : memref<4000xi32, #tpu.memory_space<vmem_shared>>)
      %dma_wait3A_87 = tpu.memref_slice %arg5[%add3A_68] : memref<1600160xi32, #tpu.memory_space<vmem_shared>> -> memref<4000xi32, #tpu.memory_space<vmem_shared>>
      %dma_wait3A_88 = tpu.memref_slice %arg5[%add3A_68] : memref<1600160xi32, #tpu.memory_space<vmem_shared>> -> memref<4000xi32, #tpu.memory_space<vmem_shared>>
      tpu.wait_dma2 semaphore(%arg13 : memref<!tpu.dma_semaphore, #tpu.memory_space<semaphore_mem>>) src(%arg10 : memref<4000xi32, #tpu.memory_space<vmem>>) dst(%dma_wait3A_88 : memref<4000xi32, #tpu.memory_space<vmem_shared>>)
      %dma_wait3A_89 = tpu.memref_slice %arg5[%add3A_74] : memref<1600160xi32, #tpu.memory_space<vmem_shared>> -> memref<4000xi32, #tpu.memory_space<vmem_shared>>
      %dma_wait3A_90 = tpu.memref_slice %arg5[%add3A_74] : memref<1600160xi32, #tpu.memory_space<vmem_shared>> -> memref<4000xi32, #tpu.memory_space<vmem_shared>>
      tpu.wait_dma2 semaphore(%arg13 : memref<!tpu.dma_semaphore, #tpu.memory_space<semaphore_mem>>) src(%arg10 : memref<4000xi32, #tpu.memory_space<vmem>>) dst(%dma_wait3A_90 : memref<4000xi32, #tpu.memory_space<vmem_shared>>)
      %dma_wait3A_91 = tpu.memref_slice %arg5[%add3A_80] : memref<1600160xi32, #tpu.memory_space<vmem_shared>> -> memref<4000xi32, #tpu.memory_space<vmem_shared>>
      %dma_wait3A_92 = tpu.memref_slice %arg5[%add3A_80] : memref<1600160xi32, #tpu.memory_space<vmem_shared>> -> memref<4000xi32, #tpu.memory_space<vmem_shared>>
      tpu.wait_dma2 semaphore(%arg13 : memref<!tpu.dma_semaphore, #tpu.memory_space<semaphore_mem>>) src(%arg10 : memref<4000xi32, #tpu.memory_space<vmem>>) dst(%dma_wait3A_92 : memref<4000xi32, #tpu.memory_space<vmem_shared>>)
      %mul3A_93 = arith.constant 100000 : i32
      %mul3A_94 = arith.muli %arg1, %mul3A_93 : i32
      %add3A_95 = arith.constant 40000 : i32
      %add3A_96 = arith.addi %mul3A_94, %add3A_95 : i32
      %dma_start3A_97 = tpu.memref_slice %arg5[%add3A_96] : memref<1600160xi32, #tpu.memory_space<vmem_shared>> -> memref<4000xi32, #tpu.memory_space<vmem_shared>>
      %dma_start3A_98 = tpu.memref_slice %arg5[%add3A_96] : memref<1600160xi32, #tpu.memory_space<vmem_shared>> -> memref<4000xi32, #tpu.memory_space<vmem_shared>>
      tpu.enqueue_dma source(%arg10 : memref<4000xi32, #tpu.memory_space<vmem>>) target(%dma_start3A_98 : memref<4000xi32, #tpu.memory_space<vmem_shared>>) target_semaphore(%arg13 : memref<!tpu.dma_semaphore, #tpu.memory_space<semaphore_mem>>)
      %mul3A_99 = arith.constant 100000 : i32
      %mul3A_100 = arith.muli %arg1, %mul3A_99 : i32
      %add3A_101 = arith.constant 44000 : i32
      %add3A_102 = arith.addi %mul3A_100, %add3A_101 : i32
      %dma_start3A_103 = tpu.memref_slice %arg5[%add3A_102] : memref<1600160xi32, #tpu.memory_space<vmem_shared>> -> memref<4000xi32, #tpu.memory_space<vmem_shared>>
      %dma_start3A_104 = tpu.memref_slice %arg5[%add3A_102] : memref<1600160xi32, #tpu.memory_space<vmem_shared>> -> memref<4000xi32, #tpu.memory_space<vmem_shared>>
      tpu.enqueue_dma source(%arg10 : memref<4000xi32, #tpu.memory_space<vmem>>) target(%dma_start3A_104 : memref<4000xi32, #tpu.memory_space<vmem_shared>>) target_semaphore(%arg13 : memref<!tpu.dma_semaphore, #tpu.memory_space<semaphore_mem>>)
      %mul3A_105 = arith.constant 100000 : i32
      %mul3A_106 = arith.muli %arg1, %mul3A_105 : i32
      %add3A_107 = arith.constant 48000 : i32
      %add3A_108 = arith.addi %mul3A_106, %add3A_107 : i32
      %dma_start3A_109 = tpu.memref_slice %arg5[%add3A_108] : memref<1600160xi32, #tpu.memory_space<vmem_shared>> -> memref<4000xi32, #tpu.memory_space<vmem_shared>>
      %dma_start3A_110 = tpu.memref_slice %arg5[%add3A_108] : memref<1600160xi32, #tpu.memory_space<vmem_shared>> -> memref<4000xi32, #tpu.memory_space<vmem_shared>>
      tpu.enqueue_dma source(%arg10 : memref<4000xi32, #tpu.memory_space<vmem>>) target(%dma_start3A_110 : memref<4000xi32, #tpu.memory_space<vmem_shared>>) target_semaphore(%arg13 : memref<!tpu.dma_semaphore, #tpu.memory_space<semaphore_mem>>)
      %mul3A_111 = arith.constant 100000 : i32
      %mul3A_112 = arith.muli %arg1, %mul3A_111 : i32
      %add3A_113 = arith.constant 52000 : i32
      %add3A_114 = arith.addi %mul3A_112, %add3A_113 : i32
      %dma_start3A_115 = tpu.memref_slice %arg5[%add3A_114] : memref<1600160xi32, #tpu.memory_space<vmem_shared>> -> memref<4000xi32, #tpu.memory_space<vmem_shared>>
      %dma_start3A_116 = tpu.memref_slice %arg5[%add3A_114] : memref<1600160xi32, #tpu.memory_space<vmem_shared>> -> memref<4000xi32, #tpu.memory_space<vmem_shared>>
      tpu.enqueue_dma source(%arg10 : memref<4000xi32, #tpu.memory_space<vmem>>) target(%dma_start3A_116 : memref<4000xi32, #tpu.memory_space<vmem_shared>>) target_semaphore(%arg13 : memref<!tpu.dma_semaphore, #tpu.memory_space<semaphore_mem>>)
      %mul3A_117 = arith.constant 100000 : i32
      %mul3A_118 = arith.muli %arg1, %mul3A_117 : i32
      %add3A_119 = arith.constant 56000 : i32
      %add3A_120 = arith.addi %mul3A_118, %add3A_119 : i32
      %dma_start3A_121 = tpu.memref_slice %arg5[%add3A_120] : memref<1600160xi32, #tpu.memory_space<vmem_shared>> -> memref<4000xi32, #tpu.memory_space<vmem_shared>>
      %dma_start3A_122 = tpu.memref_slice %arg5[%add3A_120] : memref<1600160xi32, #tpu.memory_space<vmem_shared>> -> memref<4000xi32, #tpu.memory_space<vmem_shared>>
      tpu.enqueue_dma source(%arg10 : memref<4000xi32, #tpu.memory_space<vmem>>) target(%dma_start3A_122 : memref<4000xi32, #tpu.memory_space<vmem_shared>>) target_semaphore(%arg13 : memref<!tpu.dma_semaphore, #tpu.memory_space<semaphore_mem>>)
      %dma_wait3A_123 = tpu.memref_slice %arg5[%add3A_96] : memref<1600160xi32, #tpu.memory_space<vmem_shared>> -> memref<4000xi32, #tpu.memory_space<vmem_shared>>
      %dma_wait3A_124 = tpu.memref_slice %arg5[%add3A_96] : memref<1600160xi32, #tpu.memory_space<vmem_shared>> -> memref<4000xi32, #tpu.memory_space<vmem_shared>>
      tpu.wait_dma2 semaphore(%arg13 : memref<!tpu.dma_semaphore, #tpu.memory_space<semaphore_mem>>) src(%arg10 : memref<4000xi32, #tpu.memory_space<vmem>>) dst(%dma_wait3A_124 : memref<4000xi32, #tpu.memory_space<vmem_shared>>)
      %dma_wait3A_125 = tpu.memref_slice %arg5[%add3A_102] : memref<1600160xi32, #tpu.memory_space<vmem_shared>> -> memref<4000xi32, #tpu.memory_space<vmem_shared>>
      %dma_wait3A_126 = tpu.memref_slice %arg5[%add3A_102] : memref<1600160xi32, #tpu.memory_space<vmem_shared>> -> memref<4000xi32, #tpu.memory_space<vmem_shared>>
      tpu.wait_dma2 semaphore(%arg13 : memref<!tpu.dma_semaphore, #tpu.memory_space<semaphore_mem>>) src(%arg10 : memref<4000xi32, #tpu.memory_space<vmem>>) dst(%dma_wait3A_126 : memref<4000xi32, #tpu.memory_space<vmem_shared>>)
      %dma_wait3A_127 = tpu.memref_slice %arg5[%add3A_108] : memref<1600160xi32, #tpu.memory_space<vmem_shared>> -> memref<4000xi32, #tpu.memory_space<vmem_shared>>
      %dma_wait3A_128 = tpu.memref_slice %arg5[%add3A_108] : memref<1600160xi32, #tpu.memory_space<vmem_shared>> -> memref<4000xi32, #tpu.memory_space<vmem_shared>>
      tpu.wait_dma2 semaphore(%arg13 : memref<!tpu.dma_semaphore, #tpu.memory_space<semaphore_mem>>) src(%arg10 : memref<4000xi32, #tpu.memory_space<vmem>>) dst(%dma_wait3A_128 : memref<4000xi32, #tpu.memory_space<vmem_shared>>)
      %dma_wait3A_129 = tpu.memref_slice %arg5[%add3A_114] : memref<1600160xi32, #tpu.memory_space<vmem_shared>> -> memref<4000xi32, #tpu.memory_space<vmem_shared>>
      %dma_wait3A_130 = tpu.memref_slice %arg5[%add3A_114] : memref<1600160xi32, #tpu.memory_space<vmem_shared>> -> memref<4000xi32, #tpu.memory_space<vmem_shared>>
      tpu.wait_dma2 semaphore(%arg13 : memref<!tpu.dma_semaphore, #tpu.memory_space<semaphore_mem>>) src(%arg10 : memref<4000xi32, #tpu.memory_space<vmem>>) dst(%dma_wait3A_130 : memref<4000xi32, #tpu.memory_space<vmem_shared>>)
      %dma_wait3A_131 = tpu.memref_slice %arg5[%add3A_120] : memref<1600160xi32, #tpu.memory_space<vmem_shared>> -> memref<4000xi32, #tpu.memory_space<vmem_shared>>
      %dma_wait3A_132 = tpu.memref_slice %arg5[%add3A_120] : memref<1600160xi32, #tpu.memory_space<vmem_shared>> -> memref<4000xi32, #tpu.memory_space<vmem_shared>>
      tpu.wait_dma2 semaphore(%arg13 : memref<!tpu.dma_semaphore, #tpu.memory_space<semaphore_mem>>) src(%arg10 : memref<4000xi32, #tpu.memory_space<vmem>>) dst(%dma_wait3A_132 : memref<4000xi32, #tpu.memory_space<vmem_shared>>)
      %mul3A_133 = arith.constant 100000 : i32
      %mul3A_134 = arith.muli %arg1, %mul3A_133 : i32
      %add3A_135 = arith.constant 60000 : i32
      %add3A_136 = arith.addi %mul3A_134, %add3A_135 : i32
      %dma_start3A_137 = tpu.memref_slice %arg5[%add3A_136] : memref<1600160xi32, #tpu.memory_space<vmem_shared>> -> memref<4000xi32, #tpu.memory_space<vmem_shared>>
      %dma_start3A_138 = tpu.memref_slice %arg5[%add3A_136] : memref<1600160xi32, #tpu.memory_space<vmem_shared>> -> memref<4000xi32, #tpu.memory_space<vmem_shared>>
      tpu.enqueue_dma source(%arg10 : memref<4000xi32, #tpu.memory_space<vmem>>) target(%dma_start3A_138 : memref<4000xi32, #tpu.memory_space<vmem_shared>>) target_semaphore(%arg13 : memref<!tpu.dma_semaphore, #tpu.memory_space<semaphore_mem>>)
      %mul3A_139 = arith.constant 100000 : i32
      %mul3A_140 = arith.muli %arg1, %mul3A_139 : i32
      %add3A_141 = arith.constant 64000 : i32
      %add3A_142 = arith.addi %mul3A_140, %add3A_141 : i32
      %dma_start3A_143 = tpu.memref_slice %arg5[%add3A_142] : memref<1600160xi32, #tpu.memory_space<vmem_shared>> -> memref<4000xi32, #tpu.memory_space<vmem_shared>>
      %dma_start3A_144 = tpu.memref_slice %arg5[%add3A_142] : memref<1600160xi32, #tpu.memory_space<vmem_shared>> -> memref<4000xi32, #tpu.memory_space<vmem_shared>>
      tpu.enqueue_dma source(%arg10 : memref<4000xi32, #tpu.memory_space<vmem>>) target(%dma_start3A_144 : memref<4000xi32, #tpu.memory_space<vmem_shared>>) target_semaphore(%arg13 : memref<!tpu.dma_semaphore, #tpu.memory_space<semaphore_mem>>)
      %mul3A_145 = arith.constant 100000 : i32
      %mul3A_146 = arith.muli %arg1, %mul3A_145 : i32
      %add3A_147 = arith.constant 68000 : i32
      %add3A_148 = arith.addi %mul3A_146, %add3A_147 : i32
      %dma_start3A_149 = tpu.memref_slice %arg5[%add3A_148] : memref<1600160xi32, #tpu.memory_space<vmem_shared>> -> memref<4000xi32, #tpu.memory_space<vmem_shared>>
      %dma_start3A_150 = tpu.memref_slice %arg5[%add3A_148] : memref<1600160xi32, #tpu.memory_space<vmem_shared>> -> memref<4000xi32, #tpu.memory_space<vmem_shared>>
      tpu.enqueue_dma source(%arg10 : memref<4000xi32, #tpu.memory_space<vmem>>) target(%dma_start3A_150 : memref<4000xi32, #tpu.memory_space<vmem_shared>>) target_semaphore(%arg13 : memref<!tpu.dma_semaphore, #tpu.memory_space<semaphore_mem>>)
      %mul3A_151 = arith.constant 100000 : i32
      %mul3A_152 = arith.muli %arg1, %mul3A_151 : i32
      %add3A_153 = arith.constant 72000 : i32
      %add3A_154 = arith.addi %mul3A_152, %add3A_153 : i32
      %dma_start3A_155 = tpu.memref_slice %arg5[%add3A_154] : memref<1600160xi32, #tpu.memory_space<vmem_shared>> -> memref<4000xi32, #tpu.memory_space<vmem_shared>>
      %dma_start3A_156 = tpu.memref_slice %arg5[%add3A_154] : memref<1600160xi32, #tpu.memory_space<vmem_shared>> -> memref<4000xi32, #tpu.memory_space<vmem_shared>>
      tpu.enqueue_dma source(%arg10 : memref<4000xi32, #tpu.memory_space<vmem>>) target(%dma_start3A_156 : memref<4000xi32, #tpu.memory_space<vmem_shared>>) target_semaphore(%arg13 : memref<!tpu.dma_semaphore, #tpu.memory_space<semaphore_mem>>)
      %mul3A_157 = arith.constant 100000 : i32
      %mul3A_158 = arith.muli %arg1, %mul3A_157 : i32
      %add3A_159 = arith.constant 76000 : i32
      %add3A_160 = arith.addi %mul3A_158, %add3A_159 : i32
      %dma_start3A_161 = tpu.memref_slice %arg5[%add3A_160] : memref<1600160xi32, #tpu.memory_space<vmem_shared>> -> memref<4000xi32, #tpu.memory_space<vmem_shared>>
      %dma_start3A_162 = tpu.memref_slice %arg5[%add3A_160] : memref<1600160xi32, #tpu.memory_space<vmem_shared>> -> memref<4000xi32, #tpu.memory_space<vmem_shared>>
      tpu.enqueue_dma source(%arg10 : memref<4000xi32, #tpu.memory_space<vmem>>) target(%dma_start3A_162 : memref<4000xi32, #tpu.memory_space<vmem_shared>>) target_semaphore(%arg13 : memref<!tpu.dma_semaphore, #tpu.memory_space<semaphore_mem>>)
      %dma_wait3A_163 = tpu.memref_slice %arg5[%add3A_136] : memref<1600160xi32, #tpu.memory_space<vmem_shared>> -> memref<4000xi32, #tpu.memory_space<vmem_shared>>
      %dma_wait3A_164 = tpu.memref_slice %arg5[%add3A_136] : memref<1600160xi32, #tpu.memory_space<vmem_shared>> -> memref<4000xi32, #tpu.memory_space<vmem_shared>>
      tpu.wait_dma2 semaphore(%arg13 : memref<!tpu.dma_semaphore, #tpu.memory_space<semaphore_mem>>) src(%arg10 : memref<4000xi32, #tpu.memory_space<vmem>>) dst(%dma_wait3A_164 : memref<4000xi32, #tpu.memory_space<vmem_shared>>)
      %dma_wait3A_165 = tpu.memref_slice %arg5[%add3A_142] : memref<1600160xi32, #tpu.memory_space<vmem_shared>> -> memref<4000xi32, #tpu.memory_space<vmem_shared>>
      %dma_wait3A_166 = tpu.memref_slice %arg5[%add3A_142] : memref<1600160xi32, #tpu.memory_space<vmem_shared>> -> memref<4000xi32, #tpu.memory_space<vmem_shared>>
      tpu.wait_dma2 semaphore(%arg13 : memref<!tpu.dma_semaphore, #tpu.memory_space<semaphore_mem>>) src(%arg10 : memref<4000xi32, #tpu.memory_space<vmem>>) dst(%dma_wait3A_166 : memref<4000xi32, #tpu.memory_space<vmem_shared>>)
      %dma_wait3A_167 = tpu.memref_slice %arg5[%add3A_148] : memref<1600160xi32, #tpu.memory_space<vmem_shared>> -> memref<4000xi32, #tpu.memory_space<vmem_shared>>
      %dma_wait3A_168 = tpu.memref_slice %arg5[%add3A_148] : memref<1600160xi32, #tpu.memory_space<vmem_shared>> -> memref<4000xi32, #tpu.memory_space<vmem_shared>>
      tpu.wait_dma2 semaphore(%arg13 : memref<!tpu.dma_semaphore, #tpu.memory_space<semaphore_mem>>) src(%arg10 : memref<4000xi32, #tpu.memory_space<vmem>>) dst(%dma_wait3A_168 : memref<4000xi32, #tpu.memory_space<vmem_shared>>)
      %dma_wait3A_169 = tpu.memref_slice %arg5[%add3A_154] : memref<1600160xi32, #tpu.memory_space<vmem_shared>> -> memref<4000xi32, #tpu.memory_space<vmem_shared>>
      %dma_wait3A_170 = tpu.memref_slice %arg5[%add3A_154] : memref<1600160xi32, #tpu.memory_space<vmem_shared>> -> memref<4000xi32, #tpu.memory_space<vmem_shared>>
      tpu.wait_dma2 semaphore(%arg13 : memref<!tpu.dma_semaphore, #tpu.memory_space<semaphore_mem>>) src(%arg10 : memref<4000xi32, #tpu.memory_space<vmem>>) dst(%dma_wait3A_170 : memref<4000xi32, #tpu.memory_space<vmem_shared>>)
      %dma_wait3A_171 = tpu.memref_slice %arg5[%add3A_160] : memref<1600160xi32, #tpu.memory_space<vmem_shared>> -> memref<4000xi32, #tpu.memory_space<vmem_shared>>
      %dma_wait3A_172 = tpu.memref_slice %arg5[%add3A_160] : memref<1600160xi32, #tpu.memory_space<vmem_shared>> -> memref<4000xi32, #tpu.memory_space<vmem_shared>>
      tpu.wait_dma2 semaphore(%arg13 : memref<!tpu.dma_semaphore, #tpu.memory_space<semaphore_mem>>) src(%arg10 : memref<4000xi32, #tpu.memory_space<vmem>>) dst(%dma_wait3A_172 : memref<4000xi32, #tpu.memory_space<vmem_shared>>)
      %mul3A_173 = arith.constant 100000 : i32
      %mul3A_174 = arith.muli %arg1, %mul3A_173 : i32
      %add3A_175 = arith.constant 80000 : i32
      %add3A_176 = arith.addi %mul3A_174, %add3A_175 : i32
      %dma_start3A_177 = tpu.memref_slice %arg5[%add3A_176] : memref<1600160xi32, #tpu.memory_space<vmem_shared>> -> memref<4000xi32, #tpu.memory_space<vmem_shared>>
      %dma_start3A_178 = tpu.memref_slice %arg5[%add3A_176] : memref<1600160xi32, #tpu.memory_space<vmem_shared>> -> memref<4000xi32, #tpu.memory_space<vmem_shared>>
      tpu.enqueue_dma source(%arg10 : memref<4000xi32, #tpu.memory_space<vmem>>) target(%dma_start3A_178 : memref<4000xi32, #tpu.memory_space<vmem_shared>>) target_semaphore(%arg13 : memref<!tpu.dma_semaphore, #tpu.memory_space<semaphore_mem>>)
      %mul3A_179 = arith.constant 100000 : i32
      %mul3A_180 = arith.muli %arg1, %mul3A_179 : i32
      %add3A_181 = arith.constant 84000 : i32
      %add3A_182 = arith.addi %mul3A_180, %add3A_181 : i32
      %dma_start3A_183 = tpu.memref_slice %arg5[%add3A_182] : memref<1600160xi32, #tpu.memory_space<vmem_shared>> -> memref<4000xi32, #tpu.memory_space<vmem_shared>>
      %dma_start3A_184 = tpu.memref_slice %arg5[%add3A_182] : memref<1600160xi32, #tpu.memory_space<vmem_shared>> -> memref<4000xi32, #tpu.memory_space<vmem_shared>>
      tpu.enqueue_dma source(%arg10 : memref<4000xi32, #tpu.memory_space<vmem>>) target(%dma_start3A_184 : memref<4000xi32, #tpu.memory_space<vmem_shared>>) target_semaphore(%arg13 : memref<!tpu.dma_semaphore, #tpu.memory_space<semaphore_mem>>)
      %mul3A_185 = arith.constant 100000 : i32
      %mul3A_186 = arith.muli %arg1, %mul3A_185 : i32
      %add3A_187 = arith.constant 88000 : i32
      %add3A_188 = arith.addi %mul3A_186, %add3A_187 : i32
      %dma_start3A_189 = tpu.memref_slice %arg5[%add3A_188] : memref<1600160xi32, #tpu.memory_space<vmem_shared>> -> memref<4000xi32, #tpu.memory_space<vmem_shared>>
      %dma_start3A_190 = tpu.memref_slice %arg5[%add3A_188] : memref<1600160xi32, #tpu.memory_space<vmem_shared>> -> memref<4000xi32, #tpu.memory_space<vmem_shared>>
      tpu.enqueue_dma source(%arg10 : memref<4000xi32, #tpu.memory_space<vmem>>) target(%dma_start3A_190 : memref<4000xi32, #tpu.memory_space<vmem_shared>>) target_semaphore(%arg13 : memref<!tpu.dma_semaphore, #tpu.memory_space<semaphore_mem>>)
      %mul3A_191 = arith.constant 100000 : i32
      %mul3A_192 = arith.muli %arg1, %mul3A_191 : i32
      %add3A_193 = arith.constant 92000 : i32
      %add3A_194 = arith.addi %mul3A_192, %add3A_193 : i32
      %dma_start3A_195 = tpu.memref_slice %arg5[%add3A_194] : memref<1600160xi32, #tpu.memory_space<vmem_shared>> -> memref<4000xi32, #tpu.memory_space<vmem_shared>>
      %dma_start3A_196 = tpu.memref_slice %arg5[%add3A_194] : memref<1600160xi32, #tpu.memory_space<vmem_shared>> -> memref<4000xi32, #tpu.memory_space<vmem_shared>>
      tpu.enqueue_dma source(%arg10 : memref<4000xi32, #tpu.memory_space<vmem>>) target(%dma_start3A_196 : memref<4000xi32, #tpu.memory_space<vmem_shared>>) target_semaphore(%arg13 : memref<!tpu.dma_semaphore, #tpu.memory_space<semaphore_mem>>)
      %mul3A_197 = arith.constant 100000 : i32
      %mul3A_198 = arith.muli %arg1, %mul3A_197 : i32
      %add3A_199 = arith.constant 96000 : i32
      %add3A_200 = arith.addi %mul3A_198, %add3A_199 : i32
      %dma_start3A_201 = tpu.memref_slice %arg5[%add3A_200] : memref<1600160xi32, #tpu.memory_space<vmem_shared>> -> memref<4000xi32, #tpu.memory_space<vmem_shared>>
      %dma_start3A_202 = tpu.memref_slice %arg5[%add3A_200] : memref<1600160xi32, #tpu.memory_space<vmem_shared>> -> memref<4000xi32, #tpu.memory_space<vmem_shared>>
      tpu.enqueue_dma source(%arg10 : memref<4000xi32, #tpu.memory_space<vmem>>) target(%dma_start3A_202 : memref<4000xi32, #tpu.memory_space<vmem_shared>>) target_semaphore(%arg13 : memref<!tpu.dma_semaphore, #tpu.memory_space<semaphore_mem>>)
      %dma_wait3A_203 = tpu.memref_slice %arg5[%add3A_176] : memref<1600160xi32, #tpu.memory_space<vmem_shared>> -> memref<4000xi32, #tpu.memory_space<vmem_shared>>
      %dma_wait3A_204 = tpu.memref_slice %arg5[%add3A_176] : memref<1600160xi32, #tpu.memory_space<vmem_shared>> -> memref<4000xi32, #tpu.memory_space<vmem_shared>>
      tpu.wait_dma2 semaphore(%arg13 : memref<!tpu.dma_semaphore, #tpu.memory_space<semaphore_mem>>) src(%arg10 : memref<4000xi32, #tpu.memory_space<vmem>>) dst(%dma_wait3A_204 : memref<4000xi32, #tpu.memory_space<vmem_shared>>)
      %dma_wait3A_205 = tpu.memref_slice %arg5[%add3A_182] : memref<1600160xi32, #tpu.memory_space<vmem_shared>> -> memref<4000xi32, #tpu.memory_space<vmem_shared>>
      %dma_wait3A_206 = tpu.memref_slice %arg5[%add3A_182] : memref<1600160xi32, #tpu.memory_space<vmem_shared>> -> memref<4000xi32, #tpu.memory_space<vmem_shared>>
      tpu.wait_dma2 semaphore(%arg13 : memref<!tpu.dma_semaphore, #tpu.memory_space<semaphore_mem>>) src(%arg10 : memref<4000xi32, #tpu.memory_space<vmem>>) dst(%dma_wait3A_206 : memref<4000xi32, #tpu.memory_space<vmem_shared>>)
      %dma_wait3A_207 = tpu.memref_slice %arg5[%add3A_188] : memref<1600160xi32, #tpu.memory_space<vmem_shared>> -> memref<4000xi32, #tpu.memory_space<vmem_shared>>
      %dma_wait3A_208 = tpu.memref_slice %arg5[%add3A_188] : memref<1600160xi32, #tpu.memory_space<vmem_shared>> -> memref<4000xi32, #tpu.memory_space<vmem_shared>>
      tpu.wait_dma2 semaphore(%arg13 : memref<!tpu.dma_semaphore, #tpu.memory_space<semaphore_mem>>) src(%arg10 : memref<4000xi32, #tpu.memory_space<vmem>>) dst(%dma_wait3A_208 : memref<4000xi32, #tpu.memory_space<vmem_shared>>)
      %dma_wait3A_209 = tpu.memref_slice %arg5[%add3A_194] : memref<1600160xi32, #tpu.memory_space<vmem_shared>> -> memref<4000xi32, #tpu.memory_space<vmem_shared>>
      %dma_wait3A_210 = tpu.memref_slice %arg5[%add3A_194] : memref<1600160xi32, #tpu.memory_space<vmem_shared>> -> memref<4000xi32, #tpu.memory_space<vmem_shared>>
      tpu.wait_dma2 semaphore(%arg13 : memref<!tpu.dma_semaphore, #tpu.memory_space<semaphore_mem>>) src(%arg10 : memref<4000xi32, #tpu.memory_space<vmem>>) dst(%dma_wait3A_210 : memref<4000xi32, #tpu.memory_space<vmem_shared>>)
      %dma_wait3A_211 = tpu.memref_slice %arg5[%add3A_200] : memref<1600160xi32, #tpu.memory_space<vmem_shared>> -> memref<4000xi32, #tpu.memory_space<vmem_shared>>
      %dma_wait3A_212 = tpu.memref_slice %arg5[%add3A_200] : memref<1600160xi32, #tpu.memory_space<vmem_shared>> -> memref<4000xi32, #tpu.memory_space<vmem_shared>>
      tpu.wait_dma2 semaphore(%arg13 : memref<!tpu.dma_semaphore, #tpu.memory_space<semaphore_mem>>) src(%arg10 : memref<4000xi32, #tpu.memory_space<vmem>>) dst(%dma_wait3A_212 : memref<4000xi32, #tpu.memory_space<vmem_shared>>)
      %barrier3A = arith.constant 0 : index
      tpu.barrier barrier_id(%barrier3A)
      %mul3A_213 = arith.constant 20000 : i32
      %mul3A_214 = arith.muli %arg1, %mul3A_213 : i32
      %add3A_215 = arith.constant 20000 : i32
      %add3A_216 = arith.addi %mul3A_214, %add3A_215 : i32
      %scan3A_217 = arith.constant 0 : i32
      %scan3A_218 = arith.constant 0 : i32
      %scan3A_219 = arith.constant 10 : i32
      %scan3A_220 = arith.addi %scan3A_218, %scan3A_219 : i32
      %scan3A_221 = arith.constant 1 : i32
      scf.for %scan3A_231 = %scan3A_218 to %scan3A_220 step %scan3A_221  : i32 {
        %mul3A_232 = arith.constant 20000 : i32
        %mul3A_233 = arith.muli %arg1, %mul3A_232 : i32
        %mul3A_234 = arith.constant 2048 : i32
        %mul3A_235 = arith.muli %scan3A_231, %mul3A_234 : i32
        %add3A_236 = arith.addi %mul3A_233, %mul3A_235 : i32
        "tpu.region"() ({
          %run_scoped3A = tpu.sem_alloc : memref<!tpu.dma_semaphore, #tpu.memory_space<semaphore_mem>>
          %dma_start3A_653 = tpu.memref_slice %arg2[%add3A_236] : memref<320512xi32, #tpu.memory_space<hbm>> -> memref<2048xi32, #tpu.memory_space<hbm>>
          %dma_start3A_654 = tpu.memref_slice %arg2[%add3A_236] : memref<320512xi32, #tpu.memory_space<hbm>> -> memref<2048xi32, #tpu.memory_space<hbm>>
          tpu.enqueue_dma source(%dma_start3A_654 : memref<2048xi32, #tpu.memory_space<hbm>>) target(%arg6 : memref<2048xi32, #tpu.memory_space<vmem>>) target_semaphore(%run_scoped3A : memref<!tpu.dma_semaphore, #tpu.memory_space<semaphore_mem>>)
          %dma_wait3A_655 = tpu.memref_slice %arg2[%add3A_236] : memref<320512xi32, #tpu.memory_space<hbm>> -> memref<2048xi32, #tpu.memory_space<hbm>>
          %dma_wait3A_656 = tpu.memref_slice %arg2[%add3A_236] : memref<320512xi32, #tpu.memory_space<hbm>> -> memref<2048xi32, #tpu.memory_space<hbm>>
          tpu.wait_dma2 semaphore(%run_scoped3A : memref<!tpu.dma_semaphore, #tpu.memory_space<semaphore_mem>>) src(%dma_wait3A_656 : memref<2048xi32, #tpu.memory_space<hbm>>) dst(%arg6 : memref<2048xi32, #tpu.memory_space<vmem>>)
          tpu.yield
        }) : () -> ()
        "tpu.region"() ({
          %run_scoped3A = tpu.sem_alloc : memref<!tpu.dma_semaphore, #tpu.memory_space<semaphore_mem>>
          %dma_start3A_653 = tpu.memref_slice %arg3[%add3A_236] : memref<320512xi32, #tpu.memory_space<hbm>> -> memref<2048xi32, #tpu.memory_space<hbm>>
          %dma_start3A_654 = tpu.memref_slice %arg3[%add3A_236] : memref<320512xi32, #tpu.memory_space<hbm>> -> memref<2048xi32, #tpu.memory_space<hbm>>
          tpu.enqueue_dma source(%dma_start3A_654 : memref<2048xi32, #tpu.memory_space<hbm>>) target(%arg7 : memref<2048xi32, #tpu.memory_space<vmem>>) target_semaphore(%run_scoped3A : memref<!tpu.dma_semaphore, #tpu.memory_space<semaphore_mem>>)
          %dma_wait3A_655 = tpu.memref_slice %arg3[%add3A_236] : memref<320512xi32, #tpu.memory_space<hbm>> -> memref<2048xi32, #tpu.memory_space<hbm>>
          %dma_wait3A_656 = tpu.memref_slice %arg3[%add3A_236] : memref<320512xi32, #tpu.memory_space<hbm>> -> memref<2048xi32, #tpu.memory_space<hbm>>
          tpu.wait_dma2 semaphore(%run_scoped3A : memref<!tpu.dma_semaphore, #tpu.memory_space<semaphore_mem>>) src(%dma_wait3A_656 : memref<2048xi32, #tpu.memory_space<hbm>>) dst(%arg7 : memref<2048xi32, #tpu.memory_space<vmem>>)
          tpu.yield
        }) : () -> ()
        %scan3A_237 = arith.constant 0 : i32
        %scan3A_238 = arith.constant 0 : i32
        %scan3A_239 = arith.constant 8 : i32
        %scan3A_240 = arith.addi %scan3A_238, %scan3A_239 : i32
        %scan3A_241 = arith.constant 1 : i32
        scf.for %scan3A_653 = %scan3A_238 to %scan3A_240 step %scan3A_241  : i32 {
          %add3A_654 = arith.constant 0 : i32
          %add3A_655 = arith.addi %add3A_654, %scan3A_653 : i32
          %mul3A_656 = arith.constant 16 : i32
          %mul3A_657 = arith.muli %add3A_655, %mul3A_656 : i32
          %get3A = arith.index_cast %mul3A_657 : i32 to index
          %get3A_658 = tpu.vector_load %arg6[%get3A] {strides = array<i32>} : memref<2048xi32, #tpu.memory_space<vmem>>, vector<16xi32>,
          %get3A_659 = vector.shape_cast %get3A_658 : vector<16xi32> to vector<16xi32>
          %get3A_660 = arith.index_cast %mul3A_657 : i32 to index
          %get3A_661 = tpu.vector_load %arg7[%get3A_660] {strides = array<i32>} : memref<2048xi32, #tpu.memory_space<vmem>>, vector<16xi32>,
          %get3A_662 = vector.shape_cast %get3A_661 : vector<16xi32> to vector<16xi32>
          %mul3A_663 = arith.constant 16 : i32
          %mul3A_664 = arith.muli %add3A_655, %mul3A_663 : i32
          %add3A_665 = arith.addi %add3A_236, %mul3A_664 : i32
          %iota3A = tpu.iota {dimensions = array<i32: 0>} : vector<16xi32>
          %add3A_666 = vector.broadcast %add3A_665 : i32 to vector<16xi32>
          %add3A_667 = arith.addi %add3A_666, %iota3A : vector<16xi32>
          %sub3A = vector.broadcast %add3A : i32 to vector<16xi32>
          %sub3A_668 = arith.subi %get3A_659, %sub3A : vector<16xi32>
          %ge3A = arith.constant 0 : i32
          %ge3A_669 = vector.broadcast %ge3A : i32 to vector<16xi32>
          %ge3A_670 = arith.cmpi sge, %sub3A_668, %ge3A_669 : vector<16xi32>
          %lt3A = arith.constant 1250 : i32
          %lt3A_671 = vector.broadcast %lt3A : i32 to vector<16xi32>
          %lt3A_672 = arith.cmpi slt, %sub3A_668, %lt3A_671 : vector<16xi32>
          %and3A = arith.andi %ge3A_670, %lt3A_672 : vector<16xi1>
          %lt3A_673 = vector.broadcast %add3A_216 : i32 to vector<16xi32>
          %lt3A_674 = arith.cmpi slt, %add3A_667, %lt3A_673 : vector<16xi32>
          %and3A_675 = arith.andi %and3A, %lt3A_674 : vector<16xi1>
          %and3A_676 = arith.constant 3 : i32
          %and3A_677 = vector.broadcast %and3A_676 : i32 to vector<16xi32>
          %and3A_678 = arith.andi %get3A_662, %and3A_677 : vector<16xi32>
          %mul3A_679 = arith.constant 1250 : i32
          %mul3A_680 = vector.broadcast %mul3A_679 : i32 to vector<16xi32>
          %mul3A_681 = arith.muli %and3A_678, %mul3A_680 : vector<16xi32>
          %add3A_682 = arith.addi %mul3A_681, %sub3A_668 : vector<16xi32>
          %mul3A_683 = arith.constant 320 : i32
          %mul3A_684 = vector.broadcast %mul3A_683 : i32 to vector<16xi32>
          %mul3A_685 = arith.muli %add3A_682, %mul3A_684 : vector<16xi32>
          %shift_right_logical3A = arith.constant 5 : i32
          %shift_right_logical3A_686 = vector.broadcast %shift_right_logical3A : i32 to vector<16xi32>
          %shift_right_logical3A_687 = arith.shrui %get3A_662, %shift_right_logical3A_686 : vector<16xi32>
          %add3A_688 = arith.addi %mul3A_685, %shift_right_logical3A_687 : vector<16xi32>
          %and3A_689 = arith.constant 127 : i32
          %and3A_690 = vector.broadcast %and3A_689 : i32 to vector<16xi32>
          %and3A_691 = arith.andi %add3A_667, %and3A_690 : vector<16xi32>
          %add3A_692 = arith.constant 1600000 : i32
          %add3A_693 = vector.broadcast %add3A_692 : i32 to vector<16xi32>
          %add3A_694 = arith.addi %add3A_693, %and3A_691 : vector<16xi32>
          %select_n3A = arith.select %and3A_675, %add3A_688, %add3A_694 : vector<16xi1>, vector<16xi32>
          %shift_right_logical3A_695 = arith.constant 2 : i32
          %shift_right_logical3A_696 = vector.broadcast %shift_right_logical3A_695 : i32 to vector<16xi32>
          %shift_right_logical3A_697 = arith.shrui %get3A_662, %shift_right_logical3A_696 : vector<16xi32>
          %and3A_698 = arith.constant 7 : i32
          %and3A_699 = vector.broadcast %and3A_698 : i32 to vector<16xi32>
          %and3A_700 = arith.andi %shift_right_logical3A_697, %and3A_699 : vector<16xi32>
          %mul3A_701 = arith.constant 4 : i32
          %mul3A_702 = vector.broadcast %mul3A_701 : i32 to vector<16xi32>
          %mul3A_703 = arith.muli %and3A_700, %mul3A_702 : vector<16xi32>
          %shift_left3A = arith.constant 1 : i32
          %shift_left3A_704 = vector.broadcast %shift_left3A : i32 to vector<16xi32>
          %shift_left3A_705 = arith.shli %shift_left3A_704, %mul3A_703 : vector<16xi32>
          %jit3A = arith.constant 0 : i32
          %broadcast_in_dim3A = vector.broadcast %jit3A : i32 to vector<16xi32>
          %select_n3A_706 = arith.select %and3A_675, %shift_left3A_705, %broadcast_in_dim3A : vector<16xi1>, vector<16xi32>
          %mul3A_707 = arith.constant 16 : i32
          %mul3A_708 = arith.muli %scan3A_653, %mul3A_707 : i32
          %swap3A = arith.constant 0 : i32
          %swap3A_709 = arith.index_cast %swap3A : i32 to index
          %swap3A_710 = arith.index_cast %mul3A_708 : i32 to index
          %swap3A_711 = tpu.vector_load %arg8[%swap3A_709, %swap3A_710] {strides = array<i32>} : memref<16x128xi32, #tpu.memory_space<vmem>>, vector<1x16xi32>,
          %swap3A_712 = vector.shape_cast %swap3A_711 : vector<1x16xi32> to vector<16xi32>
          %swap3A_713 = vector.shape_cast %select_n3A : vector<16xi32> to vector<1x16xi32>
          tpu.vector_store %arg8[%swap3A_709, %swap3A_710], %swap3A_713 {strides = array<i32>} : memref<16x128xi32, #tpu.memory_space<vmem>>, vector<1x16xi32>,
          %swap3A_714 = arith.constant 0 : i32
          %swap3A_715 = arith.index_cast %swap3A_714 : i32 to index
          %swap3A_716 = arith.index_cast %mul3A_708 : i32 to index
          %swap3A_717 = tpu.vector_load %arg9[%swap3A_715, %swap3A_716] {strides = array<i32>} : memref<16x128xi32, #tpu.memory_space<vmem>>, vector<1x16xi32>,
          %swap3A_718 = vector.shape_cast %swap3A_717 : vector<1x16xi32> to vector<16xi32>
          %swap3A_719 = vector.shape_cast %select_n3A_706 : vector<16xi32> to vector<1x16xi32>
          tpu.vector_store %arg9[%swap3A_715, %swap3A_716], %swap3A_719 {strides = array<i32>} : memref<16x128xi32, #tpu.memory_space<vmem>>, vector<1x16xi32>,
        }
        %scan3A_242 = arith.constant 8 : i32
        %dma_start3A_243 = arith.constant 0 : i32
        %dma_start3A_244 = arith.constant 0 : i32
        %dma_start3A_245 = arith.constant 0 : i32
        %dma_start3A_246 = tpu.memref_slice %arg9[%dma_start3A_243, %dma_start3A_245] : memref<16x128xi32, #tpu.memory_space<vmem>> -> memref<1x128xi32, #tpu.memory_space<vmem>>
        %dma_start3A_247 = tpu.memref_squeeze %dma_start3A_246 : memref<1x128xi32, #tpu.memory_space<vmem>> -> memref<128xi32, #tpu.memory_space<vmem>>
        %dma_start3A_248 = arith.constant 0 : i32
        %dma_start3A_249 = tpu.memref_slice %arg8[%dma_start3A_244, %dma_start3A_248] : memref<16x128xi32, #tpu.memory_space<vmem>> -> memref<1x128xi32, #tpu.memory_space<vmem>>
        %dma_start3A_250 = tpu.memref_squeeze %dma_start3A_249 : memref<1x128xi32, #tpu.memory_space<vmem>> -> memref<128xi32, #tpu.memory_space<vmem>>
        %dma_start3A_251 = arith.constant 0 : i32
        %dma_start3A_252 = tpu.memref_slice %arg5[%dma_start3A_251] : memref<1600160xi32, #tpu.memory_space<vmem_shared>> -> memref<1600160xi32, #tpu.memory_space<vmem_shared>>
        tpu.enqueue_indirect_dma source(%dma_start3A_247 : memref<128xi32, #tpu.memory_space<vmem>>) target(%dma_start3A_252 : memref<1600160xi32, #tpu.memory_space<vmem_shared>>) offsets(%dma_start3A_250 : memref<128xi32, #tpu.memory_space<vmem>>) semaphore(%arg13 : memref<!tpu.dma_semaphore, #tpu.memory_space<semaphore_mem>>) {add = true}
        %scan3A_253 = arith.constant 0 : i32
        %scan3A_254 = arith.constant 0 : i32
        %scan3A_255 = arith.constant 8 : i32
        %scan3A_256 = arith.addi %scan3A_254, %scan3A_255 : i32
        %scan3A_257 = arith.constant 1 : i32
        scf.for %scan3A_653 = %scan3A_254 to %scan3A_256 step %scan3A_257  : i32 {
          %add3A_654 = arith.constant 8 : i32
          %add3A_655 = arith.addi %add3A_654, %scan3A_653 : i32
          %mul3A_656 = arith.constant 16 : i32
          %mul3A_657 = arith.muli %add3A_655, %mul3A_656 : i32
          %get3A = arith.index_cast %mul3A_657 : i32 to index
          %get3A_658 = tpu.vector_load %arg6[%get3A] {strides = array<i32>} : memref<2048xi32, #tpu.memory_space<vmem>>, vector<16xi32>,
          %get3A_659 = vector.shape_cast %get3A_658 : vector<16xi32> to vector<16xi32>
          %get3A_660 = arith.index_cast %mul3A_657 : i32 to index
          %get3A_661 = tpu.vector_load %arg7[%get3A_660] {strides = array<i32>} : memref<2048xi32, #tpu.memory_space<vmem>>, vector<16xi32>,
          %get3A_662 = vector.shape_cast %get3A_661 : vector<16xi32> to vector<16xi32>
          %mul3A_663 = arith.constant 16 : i32
          %mul3A_664 = arith.muli %add3A_655, %mul3A_663 : i32
          %add3A_665 = arith.addi %add3A_236, %mul3A_664 : i32
          %iota3A = tpu.iota {dimensions = array<i32: 0>} : vector<16xi32>
          %add3A_666 = vector.broadcast %add3A_665 : i32 to vector<16xi32>
          %add3A_667 = arith.addi %add3A_666, %iota3A : vector<16xi32>
          %sub3A = vector.broadcast %add3A : i32 to vector<16xi32>
          %sub3A_668 = arith.subi %get3A_659, %sub3A : vector<16xi32>
          %ge3A = arith.constant 0 : i32
          %ge3A_669 = vector.broadcast %ge3A : i32 to vector<16xi32>
          %ge3A_670 = arith.cmpi sge, %sub3A_668, %ge3A_669 : vector<16xi32>
          %lt3A = arith.constant 1250 : i32
          %lt3A_671 = vector.broadcast %lt3A : i32 to vector<16xi32>
          %lt3A_672 = arith.cmpi slt, %sub3A_668, %lt3A_671 : vector<16xi32>
          %and3A = arith.andi %ge3A_670, %lt3A_672 : vector<16xi1>
          %lt3A_673 = vector.broadcast %add3A_216 : i32 to vector<16xi32>
          %lt3A_674 = arith.cmpi slt, %add3A_667, %lt3A_673 : vector<16xi32>
          %and3A_675 = arith.andi %and3A, %lt3A_674 : vector<16xi1>
          %and3A_676 = arith.constant 3 : i32
          %and3A_677 = vector.broadcast %and3A_676 : i32 to vector<16xi32>
          %and3A_678 = arith.andi %get3A_662, %and3A_677 : vector<16xi32>
          %mul3A_679 = arith.constant 1250 : i32
          %mul3A_680 = vector.broadcast %mul3A_679 : i32 to vector<16xi32>
          %mul3A_681 = arith.muli %and3A_678, %mul3A_680 : vector<16xi32>
          %add3A_682 = arith.addi %mul3A_681, %sub3A_668 : vector<16xi32>
          %mul3A_683 = arith.constant 320 : i32
          %mul3A_684 = vector.broadcast %mul3A_683 : i32 to vector<16xi32>
          %mul3A_685 = arith.muli %add3A_682, %mul3A_684 : vector<16xi32>
          %shift_right_logical3A = arith.constant 5 : i32
          %shift_right_logical3A_686 = vector.broadcast %shift_right_logical3A : i32 to vector<16xi32>
          %shift_right_logical3A_687 = arith.shrui %get3A_662, %shift_right_logical3A_686 : vector<16xi32>
          %add3A_688 = arith.addi %mul3A_685, %shift_right_logical3A_687 : vector<16xi32>
          %and3A_689 = arith.constant 127 : i32
          %and3A_690 = vector.broadcast %and3A_689 : i32 to vector<16xi32>
          %and3A_691 = arith.andi %add3A_667, %and3A_690 : vector<16xi32>
          %add3A_692 = arith.constant 1600000 : i32
          %add3A_693 = vector.broadcast %add3A_692 : i32 to vector<16xi32>
          %add3A_694 = arith.addi %add3A_693, %and3A_691 : vector<16xi32>
          %select_n3A = arith.select %and3A_675, %add3A_688, %add3A_694 : vector<16xi1>, vector<16xi32>
          %shift_right_logical3A_695 = arith.constant 2 : i32
          %shift_right_logical3A_696 = vector.broadcast %shift_right_logical3A_695 : i32 to vector<16xi32>
          %shift_right_logical3A_697 = arith.shrui %get3A_662, %shift_right_logical3A_696 : vector<16xi32>
          %and3A_698 = arith.constant 7 : i32
          %and3A_699 = vector.broadcast %and3A_698 : i32 to vector<16xi32>
          %and3A_700 = arith.andi %shift_right_logical3A_697, %and3A_699 : vector<16xi32>
          %mul3A_701 = arith.constant 4 : i32
          %mul3A_702 = vector.broadcast %mul3A_701 : i32 to vector<16xi32>
          %mul3A_703 = arith.muli %and3A_700, %mul3A_702 : vector<16xi32>
          %shift_left3A = arith.constant 1 : i32
          %shift_left3A_704 = vector.broadcast %shift_left3A : i32 to vector<16xi32>
          %shift_left3A_705 = arith.shli %shift_left3A_704, %mul3A_703 : vector<16xi32>
          %jit3A = arith.constant 0 : i32
          %broadcast_in_dim3A = vector.broadcast %jit3A : i32 to vector<16xi32>
          %select_n3A_706 = arith.select %and3A_675, %shift_left3A_705, %broadcast_in_dim3A : vector<16xi1>, vector<16xi32>
          %mul3A_707 = arith.constant 16 : i32
          %mul3A_708 = arith.muli %scan3A_653, %mul3A_707 : i32
          %swap3A = arith.constant 1 : i32
          %swap3A_709 = arith.index_cast %swap3A : i32 to index
          %swap3A_710 = arith.index_cast %mul3A_708 : i32 to index
          %swap3A_711 = tpu.vector_load %arg8[%swap3A_709, %swap3A_710] {strides = array<i32>} : memref<16x128xi32, #tpu.memory_space<vmem>>, vector<1x16xi32>,
          %swap3A_712 = vector.shape_cast %swap3A_711 : vector<1x16xi32> to vector<16xi32>
          %swap3A_713 = vector.shape_cast %select_n3A : vector<16xi32> to vector<1x16xi32>
          tpu.vector_store %arg8[%swap3A_709, %swap3A_710], %swap3A_713 {strides = array<i32>} : memref<16x128xi32, #tpu.memory_space<vmem>>, vector<1x16xi32>,
          %swap3A_714 = arith.constant 1 : i32
          %swap3A_715 = arith.index_cast %swap3A_714 : i32 to index
          %swap3A_716 = arith.index_cast %mul3A_708 : i32 to index
          %swap3A_717 = tpu.vector_load %arg9[%swap3A_715, %swap3A_716] {strides = array<i32>} : memref<16x128xi32, #tpu.memory_space<vmem>>, vector<1x16xi32>,
          %swap3A_718 = vector.shape_cast %swap3A_717 : vector<1x16xi32> to vector<16xi32>
          %swap3A_719 = vector.shape_cast %select_n3A_706 : vector<16xi32> to vector<1x16xi32>
          tpu.vector_store %arg9[%swap3A_715, %swap3A_716], %swap3A_719 {strides = array<i32>} : memref<16x128xi32, #tpu.memory_space<vmem>>, vector<1x16xi32>,
        }
        %scan3A_258 = arith.constant 8 : i32
        %dma_start3A_259 = arith.constant 1 : i32
        %dma_start3A_260 = arith.constant 1 : i32
        %dma_start3A_261 = arith.constant 0 : i32
        %dma_start3A_262 = tpu.memref_slice %arg9[%dma_start3A_259, %dma_start3A_261] : memref<16x128xi32, #tpu.memory_space<vmem>> -> memref<1x128xi32, #tpu.memory_space<vmem>>
        %dma_start3A_263 = tpu.memref_squeeze %dma_start3A_262 : memref<1x128xi32, #tpu.memory_space<vmem>> -> memref<128xi32, #tpu.memory_space<vmem>>
        %dma_start3A_264 = arith.constant 0 : i32
        %dma_start3A_265 = tpu.memref_slice %arg8[%dma_start3A_260, %dma_start3A_264] : memref<16x128xi32, #tpu.memory_space<vmem>> -> memref<1x128xi32, #tpu.memory_space<vmem>>
        %dma_start3A_266 = tpu.memref_squeeze %dma_start3A_265 : memref<1x128xi32, #tpu.memory_space<vmem>> -> memref<128xi32, #tpu.memory_space<vmem>>
        %dma_start3A_267 = arith.constant 0 : i32
        %dma_start3A_268 = tpu.memref_slice %arg5[%dma_start3A_267] : memref<1600160xi32, #tpu.memory_space<vmem_shared>> -> memref<1600160xi32, #tpu.memory_space<vmem_shared>>
        tpu.enqueue_indirect_dma source(%dma_start3A_263 : memref<128xi32, #tpu.memory_space<vmem>>) target(%dma_start3A_268 : memref<1600160xi32, #tpu.memory_space<vmem_shared>>) offsets(%dma_start3A_266 : memref<128xi32, #tpu.memory_space<vmem>>) semaphore(%arg13 : memref<!tpu.dma_semaphore, #tpu.memory_space<semaphore_mem>>) {add = true}
        %scan3A_269 = arith.constant 0 : i32
        %scan3A_270 = arith.constant 0 : i32
        %scan3A_271 = arith.constant 8 : i32
        %scan3A_272 = arith.addi %scan3A_270, %scan3A_271 : i32
        %scan3A_273 = arith.constant 1 : i32
        scf.for %scan3A_653 = %scan3A_270 to %scan3A_272 step %scan3A_273  : i32 {
          %add3A_654 = arith.constant 16 : i32
          %add3A_655 = arith.addi %add3A_654, %scan3A_653 : i32
          %mul3A_656 = arith.constant 16 : i32
          %mul3A_657 = arith.muli %add3A_655, %mul3A_656 : i32
          %get3A = arith.index_cast %mul3A_657 : i32 to index
          %get3A_658 = tpu.vector_load %arg6[%get3A] {strides = array<i32>} : memref<2048xi32, #tpu.memory_space<vmem>>, vector<16xi32>,
          %get3A_659 = vector.shape_cast %get3A_658 : vector<16xi32> to vector<16xi32>
          %get3A_660 = arith.index_cast %mul3A_657 : i32 to index
          %get3A_661 = tpu.vector_load %arg7[%get3A_660] {strides = array<i32>} : memref<2048xi32, #tpu.memory_space<vmem>>, vector<16xi32>,
          %get3A_662 = vector.shape_cast %get3A_661 : vector<16xi32> to vector<16xi32>
          %mul3A_663 = arith.constant 16 : i32
          %mul3A_664 = arith.muli %add3A_655, %mul3A_663 : i32
          %add3A_665 = arith.addi %add3A_236, %mul3A_664 : i32
          %iota3A = tpu.iota {dimensions = array<i32: 0>} : vector<16xi32>
          %add3A_666 = vector.broadcast %add3A_665 : i32 to vector<16xi32>
          %add3A_667 = arith.addi %add3A_666, %iota3A : vector<16xi32>
          %sub3A = vector.broadcast %add3A : i32 to vector<16xi32>
          %sub3A_668 = arith.subi %get3A_659, %sub3A : vector<16xi32>
          %ge3A = arith.constant 0 : i32
          %ge3A_669 = vector.broadcast %ge3A : i32 to vector<16xi32>
          %ge3A_670 = arith.cmpi sge, %sub3A_668, %ge3A_669 : vector<16xi32>
          %lt3A = arith.constant 1250 : i32
          %lt3A_671 = vector.broadcast %lt3A : i32 to vector<16xi32>
          %lt3A_672 = arith.cmpi slt, %sub3A_668, %lt3A_671 : vector<16xi32>
          %and3A = arith.andi %ge3A_670, %lt3A_672 : vector<16xi1>
          %lt3A_673 = vector.broadcast %add3A_216 : i32 to vector<16xi32>
          %lt3A_674 = arith.cmpi slt, %add3A_667, %lt3A_673 : vector<16xi32>
          %and3A_675 = arith.andi %and3A, %lt3A_674 : vector<16xi1>
          %and3A_676 = arith.constant 3 : i32
          %and3A_677 = vector.broadcast %and3A_676 : i32 to vector<16xi32>
          %and3A_678 = arith.andi %get3A_662, %and3A_677 : vector<16xi32>
          %mul3A_679 = arith.constant 1250 : i32
          %mul3A_680 = vector.broadcast %mul3A_679 : i32 to vector<16xi32>
          %mul3A_681 = arith.muli %and3A_678, %mul3A_680 : vector<16xi32>
          %add3A_682 = arith.addi %mul3A_681, %sub3A_668 : vector<16xi32>
          %mul3A_683 = arith.constant 320 : i32
          %mul3A_684 = vector.broadcast %mul3A_683 : i32 to vector<16xi32>
          %mul3A_685 = arith.muli %add3A_682, %mul3A_684 : vector<16xi32>
          %shift_right_logical3A = arith.constant 5 : i32
          %shift_right_logical3A_686 = vector.broadcast %shift_right_logical3A : i32 to vector<16xi32>
          %shift_right_logical3A_687 = arith.shrui %get3A_662, %shift_right_logical3A_686 : vector<16xi32>
          %add3A_688 = arith.addi %mul3A_685, %shift_right_logical3A_687 : vector<16xi32>
          %and3A_689 = arith.constant 127 : i32
          %and3A_690 = vector.broadcast %and3A_689 : i32 to vector<16xi32>
          %and3A_691 = arith.andi %add3A_667, %and3A_690 : vector<16xi32>
          %add3A_692 = arith.constant 1600000 : i32
          %add3A_693 = vector.broadcast %add3A_692 : i32 to vector<16xi32>
          %add3A_694 = arith.addi %add3A_693, %and3A_691 : vector<16xi32>
          %select_n3A = arith.select %and3A_675, %add3A_688, %add3A_694 : vector<16xi1>, vector<16xi32>
          %shift_right_logical3A_695 = arith.constant 2 : i32
          %shift_right_logical3A_696 = vector.broadcast %shift_right_logical3A_695 : i32 to vector<16xi32>
          %shift_right_logical3A_697 = arith.shrui %get3A_662, %shift_right_logical3A_696 : vector<16xi32>
          %and3A_698 = arith.constant 7 : i32
          %and3A_699 = vector.broadcast %and3A_698 : i32 to vector<16xi32>
          %and3A_700 = arith.andi %shift_right_logical3A_697, %and3A_699 : vector<16xi32>
          %mul3A_701 = arith.constant 4 : i32
          %mul3A_702 = vector.broadcast %mul3A_701 : i32 to vector<16xi32>
          %mul3A_703 = arith.muli %and3A_700, %mul3A_702 : vector<16xi32>
          %shift_left3A = arith.constant 1 : i32
          %shift_left3A_704 = vector.broadcast %shift_left3A : i32 to vector<16xi32>
          %shift_left3A_705 = arith.shli %shift_left3A_704, %mul3A_703 : vector<16xi32>
          %jit3A = arith.constant 0 : i32
          %broadcast_in_dim3A = vector.broadcast %jit3A : i32 to vector<16xi32>
          %select_n3A_706 = arith.select %and3A_675, %shift_left3A_705, %broadcast_in_dim3A : vector<16xi1>, vector<16xi32>
          %mul3A_707 = arith.constant 16 : i32
          %mul3A_708 = arith.muli %scan3A_653, %mul3A_707 : i32
          %swap3A = arith.constant 2 : i32
          %swap3A_709 = arith.index_cast %swap3A : i32 to index
          %swap3A_710 = arith.index_cast %mul3A_708 : i32 to index
          %swap3A_711 = tpu.vector_load %arg8[%swap3A_709, %swap3A_710] {strides = array<i32>} : memref<16x128xi32, #tpu.memory_space<vmem>>, vector<1x16xi32>,
          %swap3A_712 = vector.shape_cast %swap3A_711 : vector<1x16xi32> to vector<16xi32>
          %swap3A_713 = vector.shape_cast %select_n3A : vector<16xi32> to vector<1x16xi32>
          tpu.vector_store %arg8[%swap3A_709, %swap3A_710], %swap3A_713 {strides = array<i32>} : memref<16x128xi32, #tpu.memory_space<vmem>>, vector<1x16xi32>,
          %swap3A_714 = arith.constant 2 : i32
          %swap3A_715 = arith.index_cast %swap3A_714 : i32 to index
          %swap3A_716 = arith.index_cast %mul3A_708 : i32 to index
          %swap3A_717 = tpu.vector_load %arg9[%swap3A_715, %swap3A_716] {strides = array<i32>} : memref<16x128xi32, #tpu.memory_space<vmem>>, vector<1x16xi32>,
          %swap3A_718 = vector.shape_cast %swap3A_717 : vector<1x16xi32> to vector<16xi32>
          %swap3A_719 = vector.shape_cast %select_n3A_706 : vector<16xi32> to vector<1x16xi32>
          tpu.vector_store %arg9[%swap3A_715, %swap3A_716], %swap3A_719 {strides = array<i32>} : memref<16x128xi32, #tpu.memory_space<vmem>>, vector<1x16xi32>,
        }
        %scan3A_274 = arith.constant 8 : i32
        %dma_start3A_275 = arith.constant 2 : i32
        %dma_start3A_276 = arith.constant 2 : i32
        %dma_start3A_277 = arith.constant 0 : i32
        %dma_start3A_278 = tpu.memref_slice %arg9[%dma_start3A_275, %dma_start3A_277] : memref<16x128xi32, #tpu.memory_space<vmem>> -> memref<1x128xi32, #tpu.memory_space<vmem>>
        %dma_start3A_279 = tpu.memref_squeeze %dma_start3A_278 : memref<1x128xi32, #tpu.memory_space<vmem>> -> memref<128xi32, #tpu.memory_space<vmem>>
        %dma_start3A_280 = arith.constant 0 : i32
        %dma_start3A_281 = tpu.memref_slice %arg8[%dma_start3A_276, %dma_start3A_280] : memref<16x128xi32, #tpu.memory_space<vmem>> -> memref<1x128xi32, #tpu.memory_space<vmem>>
        %dma_start3A_282 = tpu.memref_squeeze %dma_start3A_281 : memref<1x128xi32, #tpu.memory_space<vmem>> -> memref<128xi32, #tpu.memory_space<vmem>>
        %dma_start3A_283 = arith.constant 0 : i32
        %dma_start3A_284 = tpu.memref_slice %arg5[%dma_start3A_283] : memref<1600160xi32, #tpu.memory_space<vmem_shared>> -> memref<1600160xi32, #tpu.memory_space<vmem_shared>>
        tpu.enqueue_indirect_dma source(%dma_start3A_279 : memref<128xi32, #tpu.memory_space<vmem>>) target(%dma_start3A_284 : memref<1600160xi32, #tpu.memory_space<vmem_shared>>) offsets(%dma_start3A_282 : memref<128xi32, #tpu.memory_space<vmem>>) semaphore(%arg13 : memref<!tpu.dma_semaphore, #tpu.memory_space<semaphore_mem>>) {add = true}
        %scan3A_285 = arith.constant 0 : i32
        %scan3A_286 = arith.constant 0 : i32
        %scan3A_287 = arith.constant 8 : i32
        %scan3A_288 = arith.addi %scan3A_286, %scan3A_287 : i32
        %scan3A_289 = arith.constant 1 : i32
        scf.for %scan3A_653 = %scan3A_286 to %scan3A_288 step %scan3A_289  : i32 {
          %add3A_654 = arith.constant 24 : i32
          %add3A_655 = arith.addi %add3A_654, %scan3A_653 : i32
          %mul3A_656 = arith.constant 16 : i32
          %mul3A_657 = arith.muli %add3A_655, %mul3A_656 : i32
          %get3A = arith.index_cast %mul3A_657 : i32 to index
          %get3A_658 = tpu.vector_load %arg6[%get3A] {strides = array<i32>} : memref<2048xi32, #tpu.memory_space<vmem>>, vector<16xi32>,
          %get3A_659 = vector.shape_cast %get3A_658 : vector<16xi32> to vector<16xi32>
          %get3A_660 = arith.index_cast %mul3A_657 : i32 to index
          %get3A_661 = tpu.vector_load %arg7[%get3A_660] {strides = array<i32>} : memref<2048xi32, #tpu.memory_space<vmem>>, vector<16xi32>,
          %get3A_662 = vector.shape_cast %get3A_661 : vector<16xi32> to vector<16xi32>
          %mul3A_663 = arith.constant 16 : i32
          %mul3A_664 = arith.muli %add3A_655, %mul3A_663 : i32
          %add3A_665 = arith.addi %add3A_236, %mul3A_664 : i32
          %iota3A = tpu.iota {dimensions = array<i32: 0>} : vector<16xi32>
          %add3A_666 = vector.broadcast %add3A_665 : i32 to vector<16xi32>
          %add3A_667 = arith.addi %add3A_666, %iota3A : vector<16xi32>
          %sub3A = vector.broadcast %add3A : i32 to vector<16xi32>
          %sub3A_668 = arith.subi %get3A_659, %sub3A : vector<16xi32>
          %ge3A = arith.constant 0 : i32
          %ge3A_669 = vector.broadcast %ge3A : i32 to vector<16xi32>
          %ge3A_670 = arith.cmpi sge, %sub3A_668, %ge3A_669 : vector<16xi32>
          %lt3A = arith.constant 1250 : i32
          %lt3A_671 = vector.broadcast %lt3A : i32 to vector<16xi32>
          %lt3A_672 = arith.cmpi slt, %sub3A_668, %lt3A_671 : vector<16xi32>
          %and3A = arith.andi %ge3A_670, %lt3A_672 : vector<16xi1>
          %lt3A_673 = vector.broadcast %add3A_216 : i32 to vector<16xi32>
          %lt3A_674 = arith.cmpi slt, %add3A_667, %lt3A_673 : vector<16xi32>
          %and3A_675 = arith.andi %and3A, %lt3A_674 : vector<16xi1>
          %and3A_676 = arith.constant 3 : i32
          %and3A_677 = vector.broadcast %and3A_676 : i32 to vector<16xi32>
          %and3A_678 = arith.andi %get3A_662, %and3A_677 : vector<16xi32>
          %mul3A_679 = arith.constant 1250 : i32
          %mul3A_680 = vector.broadcast %mul3A_679 : i32 to vector<16xi32>
          %mul3A_681 = arith.muli %and3A_678, %mul3A_680 : vector<16xi32>
          %add3A_682 = arith.addi %mul3A_681, %sub3A_668 : vector<16xi32>
          %mul3A_683 = arith.constant 320 : i32
          %mul3A_684 = vector.broadcast %mul3A_683 : i32 to vector<16xi32>
          %mul3A_685 = arith.muli %add3A_682, %mul3A_684 : vector<16xi32>
          %shift_right_logical3A = arith.constant 5 : i32
          %shift_right_logical3A_686 = vector.broadcast %shift_right_logical3A : i32 to vector<16xi32>
          %shift_right_logical3A_687 = arith.shrui %get3A_662, %shift_right_logical3A_686 : vector<16xi32>
          %add3A_688 = arith.addi %mul3A_685, %shift_right_logical3A_687 : vector<16xi32>
          %and3A_689 = arith.constant 127 : i32
          %and3A_690 = vector.broadcast %and3A_689 : i32 to vector<16xi32>
          %and3A_691 = arith.andi %add3A_667, %and3A_690 : vector<16xi32>
          %add3A_692 = arith.constant 1600000 : i32
          %add3A_693 = vector.broadcast %add3A_692 : i32 to vector<16xi32>
          %add3A_694 = arith.addi %add3A_693, %and3A_691 : vector<16xi32>
          %select_n3A = arith.select %and3A_675, %add3A_688, %add3A_694 : vector<16xi1>, vector<16xi32>
          %shift_right_logical3A_695 = arith.constant 2 : i32
          %shift_right_logical3A_696 = vector.broadcast %shift_right_logical3A_695 : i32 to vector<16xi32>
          %shift_right_logical3A_697 = arith.shrui %get3A_662, %shift_right_logical3A_696 : vector<16xi32>
          %and3A_698 = arith.constant 7 : i32
          %and3A_699 = vector.broadcast %and3A_698 : i32 to vector<16xi32>
          %and3A_700 = arith.andi %shift_right_logical3A_697, %and3A_699 : vector<16xi32>
          %mul3A_701 = arith.constant 4 : i32
          %mul3A_702 = vector.broadcast %mul3A_701 : i32 to vector<16xi32>
          %mul3A_703 = arith.muli %and3A_700, %mul3A_702 : vector<16xi32>
          %shift_left3A = arith.constant 1 : i32
          %shift_left3A_704 = vector.broadcast %shift_left3A : i32 to vector<16xi32>
          %shift_left3A_705 = arith.shli %shift_left3A_704, %mul3A_703 : vector<16xi32>
          %jit3A = arith.constant 0 : i32
          %broadcast_in_dim3A = vector.broadcast %jit3A : i32 to vector<16xi32>
          %select_n3A_706 = arith.select %and3A_675, %shift_left3A_705, %broadcast_in_dim3A : vector<16xi1>, vector<16xi32>
          %mul3A_707 = arith.constant 16 : i32
          %mul3A_708 = arith.muli %scan3A_653, %mul3A_707 : i32
          %swap3A = arith.constant 3 : i32
          %swap3A_709 = arith.index_cast %swap3A : i32 to index
          %swap3A_710 = arith.index_cast %mul3A_708 : i32 to index
          %swap3A_711 = tpu.vector_load %arg8[%swap3A_709, %swap3A_710] {strides = array<i32>} : memref<16x128xi32, #tpu.memory_space<vmem>>, vector<1x16xi32>,
          %swap3A_712 = vector.shape_cast %swap3A_711 : vector<1x16xi32> to vector<16xi32>
          %swap3A_713 = vector.shape_cast %select_n3A : vector<16xi32> to vector<1x16xi32>
          tpu.vector_store %arg8[%swap3A_709, %swap3A_710], %swap3A_713 {strides = array<i32>} : memref<16x128xi32, #tpu.memory_space<vmem>>, vector<1x16xi32>,
          %swap3A_714 = arith.constant 3 : i32
          %swap3A_715 = arith.index_cast %swap3A_714 : i32 to index
          %swap3A_716 = arith.index_cast %mul3A_708 : i32 to index
          %swap3A_717 = tpu.vector_load %arg9[%swap3A_715, %swap3A_716] {strides = array<i32>} : memref<16x128xi32, #tpu.memory_space<vmem>>, vector<1x16xi32>,
          %swap3A_718 = vector.shape_cast %swap3A_717 : vector<1x16xi32> to vector<16xi32>
          %swap3A_719 = vector.shape_cast %select_n3A_706 : vector<16xi32> to vector<1x16xi32>
          tpu.vector_store %arg9[%swap3A_715, %swap3A_716], %swap3A_719 {strides = array<i32>} : memref<16x128xi32, #tpu.memory_space<vmem>>, vector<1x16xi32>,
        }
        %scan3A_290 = arith.constant 8 : i32
        %dma_start3A_291 = arith.constant 3 : i32
        %dma_start3A_292 = arith.constant 3 : i32
        %dma_start3A_293 = arith.constant 0 : i32
        %dma_start3A_294 = tpu.memref_slice %arg9[%dma_start3A_291, %dma_start3A_293] : memref<16x128xi32, #tpu.memory_space<vmem>> -> memref<1x128xi32, #tpu.memory_space<vmem>>
        %dma_start3A_295 = tpu.memref_squeeze %dma_start3A_294 : memref<1x128xi32, #tpu.memory_space<vmem>> -> memref<128xi32, #tpu.memory_space<vmem>>
        %dma_start3A_296 = arith.constant 0 : i32
        %dma_start3A_297 = tpu.memref_slice %arg8[%dma_start3A_292, %dma_start3A_296] : memref<16x128xi32, #tpu.memory_space<vmem>> -> memref<1x128xi32, #tpu.memory_space<vmem>>
        %dma_start3A_298 = tpu.memref_squeeze %dma_start3A_297 : memref<1x128xi32, #tpu.memory_space<vmem>> -> memref<128xi32, #tpu.memory_space<vmem>>
        %dma_start3A_299 = arith.constant 0 : i32
        %dma_start3A_300 = tpu.memref_slice %arg5[%dma_start3A_299] : memref<1600160xi32, #tpu.memory_space<vmem_shared>> -> memref<1600160xi32, #tpu.memory_space<vmem_shared>>
        tpu.enqueue_indirect_dma source(%dma_start3A_295 : memref<128xi32, #tpu.memory_space<vmem>>) target(%dma_start3A_300 : memref<1600160xi32, #tpu.memory_space<vmem_shared>>) offsets(%dma_start3A_298 : memref<128xi32, #tpu.memory_space<vmem>>) semaphore(%arg13 : memref<!tpu.dma_semaphore, #tpu.memory_space<semaphore_mem>>) {add = true}
        %scan3A_301 = arith.constant 0 : i32
        %scan3A_302 = arith.constant 0 : i32
        %scan3A_303 = arith.constant 8 : i32
        %scan3A_304 = arith.addi %scan3A_302, %scan3A_303 : i32
        %scan3A_305 = arith.constant 1 : i32
        scf.for %scan3A_653 = %scan3A_302 to %scan3A_304 step %scan3A_305  : i32 {
          %add3A_654 = arith.constant 32 : i32
          %add3A_655 = arith.addi %add3A_654, %scan3A_653 : i32
          %mul3A_656 = arith.constant 16 : i32
          %mul3A_657 = arith.muli %add3A_655, %mul3A_656 : i32
          %get3A = arith.index_cast %mul3A_657 : i32 to index
          %get3A_658 = tpu.vector_load %arg6[%get3A] {strides = array<i32>} : memref<2048xi32, #tpu.memory_space<vmem>>, vector<16xi32>,
          %get3A_659 = vector.shape_cast %get3A_658 : vector<16xi32> to vector<16xi32>
          %get3A_660 = arith.index_cast %mul3A_657 : i32 to index
          %get3A_661 = tpu.vector_load %arg7[%get3A_660] {strides = array<i32>} : memref<2048xi32, #tpu.memory_space<vmem>>, vector<16xi32>,
          %get3A_662 = vector.shape_cast %get3A_661 : vector<16xi32> to vector<16xi32>
          %mul3A_663 = arith.constant 16 : i32
          %mul3A_664 = arith.muli %add3A_655, %mul3A_663 : i32
          %add3A_665 = arith.addi %add3A_236, %mul3A_664 : i32
          %iota3A = tpu.iota {dimensions = array<i32: 0>} : vector<16xi32>
          %add3A_666 = vector.broadcast %add3A_665 : i32 to vector<16xi32>
          %add3A_667 = arith.addi %add3A_666, %iota3A : vector<16xi32>
          %sub3A = vector.broadcast %add3A : i32 to vector<16xi32>
          %sub3A_668 = arith.subi %get3A_659, %sub3A : vector<16xi32>
          %ge3A = arith.constant 0 : i32
          %ge3A_669 = vector.broadcast %ge3A : i32 to vector<16xi32>
          %ge3A_670 = arith.cmpi sge, %sub3A_668, %ge3A_669 : vector<16xi32>
          %lt3A = arith.constant 1250 : i32
          %lt3A_671 = vector.broadcast %lt3A : i32 to vector<16xi32>
          %lt3A_672 = arith.cmpi slt, %sub3A_668, %lt3A_671 : vector<16xi32>
          %and3A = arith.andi %ge3A_670, %lt3A_672 : vector<16xi1>
          %lt3A_673 = vector.broadcast %add3A_216 : i32 to vector<16xi32>
          %lt3A_674 = arith.cmpi slt, %add3A_667, %lt3A_673 : vector<16xi32>
          %and3A_675 = arith.andi %and3A, %lt3A_674 : vector<16xi1>
          %and3A_676 = arith.constant 3 : i32
          %and3A_677 = vector.broadcast %and3A_676 : i32 to vector<16xi32>
          %and3A_678 = arith.andi %get3A_662, %and3A_677 : vector<16xi32>
          %mul3A_679 = arith.constant 1250 : i32
          %mul3A_680 = vector.broadcast %mul3A_679 : i32 to vector<16xi32>
          %mul3A_681 = arith.muli %and3A_678, %mul3A_680 : vector<16xi32>
          %add3A_682 = arith.addi %mul3A_681, %sub3A_668 : vector<16xi32>
          %mul3A_683 = arith.constant 320 : i32
          %mul3A_684 = vector.broadcast %mul3A_683 : i32 to vector<16xi32>
          %mul3A_685 = arith.muli %add3A_682, %mul3A_684 : vector<16xi32>
          %shift_right_logical3A = arith.constant 5 : i32
          %shift_right_logical3A_686 = vector.broadcast %shift_right_logical3A : i32 to vector<16xi32>
          %shift_right_logical3A_687 = arith.shrui %get3A_662, %shift_right_logical3A_686 : vector<16xi32>
          %add3A_688 = arith.addi %mul3A_685, %shift_right_logical3A_687 : vector<16xi32>
          %and3A_689 = arith.constant 127 : i32
          %and3A_690 = vector.broadcast %and3A_689 : i32 to vector<16xi32>
          %and3A_691 = arith.andi %add3A_667, %and3A_690 : vector<16xi32>
          %add3A_692 = arith.constant 1600000 : i32
          %add3A_693 = vector.broadcast %add3A_692 : i32 to vector<16xi32>
          %add3A_694 = arith.addi %add3A_693, %and3A_691 : vector<16xi32>
          %select_n3A = arith.select %and3A_675, %add3A_688, %add3A_694 : vector<16xi1>, vector<16xi32>
          %shift_right_logical3A_695 = arith.constant 2 : i32
          %shift_right_logical3A_696 = vector.broadcast %shift_right_logical3A_695 : i32 to vector<16xi32>
          %shift_right_logical3A_697 = arith.shrui %get3A_662, %shift_right_logical3A_696 : vector<16xi32>
          %and3A_698 = arith.constant 7 : i32
          %and3A_699 = vector.broadcast %and3A_698 : i32 to vector<16xi32>
          %and3A_700 = arith.andi %shift_right_logical3A_697, %and3A_699 : vector<16xi32>
          %mul3A_701 = arith.constant 4 : i32
          %mul3A_702 = vector.broadcast %mul3A_701 : i32 to vector<16xi32>
          %mul3A_703 = arith.muli %and3A_700, %mul3A_702 : vector<16xi32>
          %shift_left3A = arith.constant 1 : i32
          %shift_left3A_704 = vector.broadcast %shift_left3A : i32 to vector<16xi32>
          %shift_left3A_705 = arith.shli %shift_left3A_704, %mul3A_703 : vector<16xi32>
          %jit3A = arith.constant 0 : i32
          %broadcast_in_dim3A = vector.broadcast %jit3A : i32 to vector<16xi32>
          %select_n3A_706 = arith.select %and3A_675, %shift_left3A_705, %broadcast_in_dim3A : vector<16xi1>, vector<16xi32>
          %mul3A_707 = arith.constant 16 : i32
          %mul3A_708 = arith.muli %scan3A_653, %mul3A_707 : i32
          %swap3A = arith.constant 4 : i32
          %swap3A_709 = arith.index_cast %swap3A : i32 to index
          %swap3A_710 = arith.index_cast %mul3A_708 : i32 to index
          %swap3A_711 = tpu.vector_load %arg8[%swap3A_709, %swap3A_710] {strides = array<i32>} : memref<16x128xi32, #tpu.memory_space<vmem>>, vector<1x16xi32>,
          %swap3A_712 = vector.shape_cast %swap3A_711 : vector<1x16xi32> to vector<16xi32>
          %swap3A_713 = vector.shape_cast %select_n3A : vector<16xi32> to vector<1x16xi32>
          tpu.vector_store %arg8[%swap3A_709, %swap3A_710], %swap3A_713 {strides = array<i32>} : memref<16x128xi32, #tpu.memory_space<vmem>>, vector<1x16xi32>,
          %swap3A_714 = arith.constant 4 : i32
          %swap3A_715 = arith.index_cast %swap3A_714 : i32 to index
          %swap3A_716 = arith.index_cast %mul3A_708 : i32 to index
          %swap3A_717 = tpu.vector_load %arg9[%swap3A_715, %swap3A_716] {strides = array<i32>} : memref<16x128xi32, #tpu.memory_space<vmem>>, vector<1x16xi32>,
          %swap3A_718 = vector.shape_cast %swap3A_717 : vector<1x16xi32> to vector<16xi32>
          %swap3A_719 = vector.shape_cast %select_n3A_706 : vector<16xi32> to vector<1x16xi32>
          tpu.vector_store %arg9[%swap3A_715, %swap3A_716], %swap3A_719 {strides = array<i32>} : memref<16x128xi32, #tpu.memory_space<vmem>>, vector<1x16xi32>,
        }
        %scan3A_306 = arith.constant 8 : i32
        %dma_start3A_307 = arith.constant 4 : i32
        %dma_start3A_308 = arith.constant 4 : i32
        %dma_start3A_309 = arith.constant 0 : i32
        %dma_start3A_310 = tpu.memref_slice %arg9[%dma_start3A_307, %dma_start3A_309] : memref<16x128xi32, #tpu.memory_space<vmem>> -> memref<1x128xi32, #tpu.memory_space<vmem>>
        %dma_start3A_311 = tpu.memref_squeeze %dma_start3A_310 : memref<1x128xi32, #tpu.memory_space<vmem>> -> memref<128xi32, #tpu.memory_space<vmem>>
        %dma_start3A_312 = arith.constant 0 : i32
        %dma_start3A_313 = tpu.memref_slice %arg8[%dma_start3A_308, %dma_start3A_312] : memref<16x128xi32, #tpu.memory_space<vmem>> -> memref<1x128xi32, #tpu.memory_space<vmem>>
        %dma_start3A_314 = tpu.memref_squeeze %dma_start3A_313 : memref<1x128xi32, #tpu.memory_space<vmem>> -> memref<128xi32, #tpu.memory_space<vmem>>
        %dma_start3A_315 = arith.constant 0 : i32
        %dma_start3A_316 = tpu.memref_slice %arg5[%dma_start3A_315] : memref<1600160xi32, #tpu.memory_space<vmem_shared>> -> memref<1600160xi32, #tpu.memory_space<vmem_shared>>
        tpu.enqueue_indirect_dma source(%dma_start3A_311 : memref<128xi32, #tpu.memory_space<vmem>>) target(%dma_start3A_316 : memref<1600160xi32, #tpu.memory_space<vmem_shared>>) offsets(%dma_start3A_314 : memref<128xi32, #tpu.memory_space<vmem>>) semaphore(%arg13 : memref<!tpu.dma_semaphore, #tpu.memory_space<semaphore_mem>>) {add = true}
        %scan3A_317 = arith.constant 0 : i32
        %scan3A_318 = arith.constant 0 : i32
        %scan3A_319 = arith.constant 8 : i32
        %scan3A_320 = arith.addi %scan3A_318, %scan3A_319 : i32
        %scan3A_321 = arith.constant 1 : i32
        scf.for %scan3A_653 = %scan3A_318 to %scan3A_320 step %scan3A_321  : i32 {
          %add3A_654 = arith.constant 40 : i32
          %add3A_655 = arith.addi %add3A_654, %scan3A_653 : i32
          %mul3A_656 = arith.constant 16 : i32
          %mul3A_657 = arith.muli %add3A_655, %mul3A_656 : i32
          %get3A = arith.index_cast %mul3A_657 : i32 to index
          %get3A_658 = tpu.vector_load %arg6[%get3A] {strides = array<i32>} : memref<2048xi32, #tpu.memory_space<vmem>>, vector<16xi32>,
          %get3A_659 = vector.shape_cast %get3A_658 : vector<16xi32> to vector<16xi32>
          %get3A_660 = arith.index_cast %mul3A_657 : i32 to index
          %get3A_661 = tpu.vector_load %arg7[%get3A_660] {strides = array<i32>} : memref<2048xi32, #tpu.memory_space<vmem>>, vector<16xi32>,
          %get3A_662 = vector.shape_cast %get3A_661 : vector<16xi32> to vector<16xi32>
          %mul3A_663 = arith.constant 16 : i32
          %mul3A_664 = arith.muli %add3A_655, %mul3A_663 : i32
          %add3A_665 = arith.addi %add3A_236, %mul3A_664 : i32
          %iota3A = tpu.iota {dimensions = array<i32: 0>} : vector<16xi32>
          %add3A_666 = vector.broadcast %add3A_665 : i32 to vector<16xi32>
          %add3A_667 = arith.addi %add3A_666, %iota3A : vector<16xi32>
          %sub3A = vector.broadcast %add3A : i32 to vector<16xi32>
          %sub3A_668 = arith.subi %get3A_659, %sub3A : vector<16xi32>
          %ge3A = arith.constant 0 : i32
          %ge3A_669 = vector.broadcast %ge3A : i32 to vector<16xi32>
          %ge3A_670 = arith.cmpi sge, %sub3A_668, %ge3A_669 : vector<16xi32>
          %lt3A = arith.constant 1250 : i32
          %lt3A_671 = vector.broadcast %lt3A : i32 to vector<16xi32>
          %lt3A_672 = arith.cmpi slt, %sub3A_668, %lt3A_671 : vector<16xi32>
          %and3A = arith.andi %ge3A_670, %lt3A_672 : vector<16xi1>
          %lt3A_673 = vector.broadcast %add3A_216 : i32 to vector<16xi32>
          %lt3A_674 = arith.cmpi slt, %add3A_667, %lt3A_673 : vector<16xi32>
          %and3A_675 = arith.andi %and3A, %lt3A_674 : vector<16xi1>
          %and3A_676 = arith.constant 3 : i32
          %and3A_677 = vector.broadcast %and3A_676 : i32 to vector<16xi32>
          %and3A_678 = arith.andi %get3A_662, %and3A_677 : vector<16xi32>
          %mul3A_679 = arith.constant 1250 : i32
          %mul3A_680 = vector.broadcast %mul3A_679 : i32 to vector<16xi32>
          %mul3A_681 = arith.muli %and3A_678, %mul3A_680 : vector<16xi32>
          %add3A_682 = arith.addi %mul3A_681, %sub3A_668 : vector<16xi32>
          %mul3A_683 = arith.constant 320 : i32
          %mul3A_684 = vector.broadcast %mul3A_683 : i32 to vector<16xi32>
          %mul3A_685 = arith.muli %add3A_682, %mul3A_684 : vector<16xi32>
          %shift_right_logical3A = arith.constant 5 : i32
          %shift_right_logical3A_686 = vector.broadcast %shift_right_logical3A : i32 to vector<16xi32>
          %shift_right_logical3A_687 = arith.shrui %get3A_662, %shift_right_logical3A_686 : vector<16xi32>
          %add3A_688 = arith.addi %mul3A_685, %shift_right_logical3A_687 : vector<16xi32>
          %and3A_689 = arith.constant 127 : i32
          %and3A_690 = vector.broadcast %and3A_689 : i32 to vector<16xi32>
          %and3A_691 = arith.andi %add3A_667, %and3A_690 : vector<16xi32>
          %add3A_692 = arith.constant 1600000 : i32
          %add3A_693 = vector.broadcast %add3A_692 : i32 to vector<16xi32>
          %add3A_694 = arith.addi %add3A_693, %and3A_691 : vector<16xi32>
          %select_n3A = arith.select %and3A_675, %add3A_688, %add3A_694 : vector<16xi1>, vector<16xi32>
          %shift_right_logical3A_695 = arith.constant 2 : i32
          %shift_right_logical3A_696 = vector.broadcast %shift_right_logical3A_695 : i32 to vector<16xi32>
          %shift_right_logical3A_697 = arith.shrui %get3A_662, %shift_right_logical3A_696 : vector<16xi32>
          %and3A_698 = arith.constant 7 : i32
          %and3A_699 = vector.broadcast %and3A_698 : i32 to vector<16xi32>
          %and3A_700 = arith.andi %shift_right_logical3A_697, %and3A_699 : vector<16xi32>
          %mul3A_701 = arith.constant 4 : i32
          %mul3A_702 = vector.broadcast %mul3A_701 : i32 to vector<16xi32>
          %mul3A_703 = arith.muli %and3A_700, %mul3A_702 : vector<16xi32>
          %shift_left3A = arith.constant 1 : i32
          %shift_left3A_704 = vector.broadcast %shift_left3A : i32 to vector<16xi32>
          %shift_left3A_705 = arith.shli %shift_left3A_704, %mul3A_703 : vector<16xi32>
          %jit3A = arith.constant 0 : i32
          %broadcast_in_dim3A = vector.broadcast %jit3A : i32 to vector<16xi32>
          %select_n3A_706 = arith.select %and3A_675, %shift_left3A_705, %broadcast_in_dim3A : vector<16xi1>, vector<16xi32>
          %mul3A_707 = arith.constant 16 : i32
          %mul3A_708 = arith.muli %scan3A_653, %mul3A_707 : i32
          %swap3A = arith.constant 5 : i32
          %swap3A_709 = arith.index_cast %swap3A : i32 to index
          %swap3A_710 = arith.index_cast %mul3A_708 : i32 to index
          %swap3A_711 = tpu.vector_load %arg8[%swap3A_709, %swap3A_710] {strides = array<i32>} : memref<16x128xi32, #tpu.memory_space<vmem>>, vector<1x16xi32>,
          %swap3A_712 = vector.shape_cast %swap3A_711 : vector<1x16xi32> to vector<16xi32>
          %swap3A_713 = vector.shape_cast %select_n3A : vector<16xi32> to vector<1x16xi32>
          tpu.vector_store %arg8[%swap3A_709, %swap3A_710], %swap3A_713 {strides = array<i32>} : memref<16x128xi32, #tpu.memory_space<vmem>>, vector<1x16xi32>,
          %swap3A_714 = arith.constant 5 : i32
          %swap3A_715 = arith.index_cast %swap3A_714 : i32 to index
          %swap3A_716 = arith.index_cast %mul3A_708 : i32 to index
          %swap3A_717 = tpu.vector_load %arg9[%swap3A_715, %swap3A_716] {strides = array<i32>} : memref<16x128xi32, #tpu.memory_space<vmem>>, vector<1x16xi32>,
          %swap3A_718 = vector.shape_cast %swap3A_717 : vector<1x16xi32> to vector<16xi32>
          %swap3A_719 = vector.shape_cast %select_n3A_706 : vector<16xi32> to vector<1x16xi32>
          tpu.vector_store %arg9[%swap3A_715, %swap3A_716], %swap3A_719 {strides = array<i32>} : memref<16x128xi32, #tpu.memory_space<vmem>>, vector<1x16xi32>,
        }
        %scan3A_322 = arith.constant 8 : i32
        %dma_start3A_323 = arith.constant 5 : i32
        %dma_start3A_324 = arith.constant 5 : i32
        %dma_start3A_325 = arith.constant 0 : i32
        %dma_start3A_326 = tpu.memref_slice %arg9[%dma_start3A_323, %dma_start3A_325] : memref<16x128xi32, #tpu.memory_space<vmem>> -> memref<1x128xi32, #tpu.memory_space<vmem>>
        %dma_start3A_327 = tpu.memref_squeeze %dma_start3A_326 : memref<1x128xi32, #tpu.memory_space<vmem>> -> memref<128xi32, #tpu.memory_space<vmem>>
        %dma_start3A_328 = arith.constant 0 : i32
        %dma_start3A_329 = tpu.memref_slice %arg8[%dma_start3A_324, %dma_start3A_328] : memref<16x128xi32, #tpu.memory_space<vmem>> -> memref<1x128xi32, #tpu.memory_space<vmem>>
        %dma_start3A_330 = tpu.memref_squeeze %dma_start3A_329 : memref<1x128xi32, #tpu.memory_space<vmem>> -> memref<128xi32, #tpu.memory_space<vmem>>
        %dma_start3A_331 = arith.constant 0 : i32
        %dma_start3A_332 = tpu.memref_slice %arg5[%dma_start3A_331] : memref<1600160xi32, #tpu.memory_space<vmem_shared>> -> memref<1600160xi32, #tpu.memory_space<vmem_shared>>
        tpu.enqueue_indirect_dma source(%dma_start3A_327 : memref<128xi32, #tpu.memory_space<vmem>>) target(%dma_start3A_332 : memref<1600160xi32, #tpu.memory_space<vmem_shared>>) offsets(%dma_start3A_330 : memref<128xi32, #tpu.memory_space<vmem>>) semaphore(%arg13 : memref<!tpu.dma_semaphore, #tpu.memory_space<semaphore_mem>>) {add = true}
        %scan3A_333 = arith.constant 0 : i32
        %scan3A_334 = arith.constant 0 : i32
        %scan3A_335 = arith.constant 8 : i32
        %scan3A_336 = arith.addi %scan3A_334, %scan3A_335 : i32
        %scan3A_337 = arith.constant 1 : i32
        scf.for %scan3A_653 = %scan3A_334 to %scan3A_336 step %scan3A_337  : i32 {
          %add3A_654 = arith.constant 48 : i32
          %add3A_655 = arith.addi %add3A_654, %scan3A_653 : i32
          %mul3A_656 = arith.constant 16 : i32
          %mul3A_657 = arith.muli %add3A_655, %mul3A_656 : i32
          %get3A = arith.index_cast %mul3A_657 : i32 to index
          %get3A_658 = tpu.vector_load %arg6[%get3A] {strides = array<i32>} : memref<2048xi32, #tpu.memory_space<vmem>>, vector<16xi32>,
          %get3A_659 = vector.shape_cast %get3A_658 : vector<16xi32> to vector<16xi32>
          %get3A_660 = arith.index_cast %mul3A_657 : i32 to index
          %get3A_661 = tpu.vector_load %arg7[%get3A_660] {strides = array<i32>} : memref<2048xi32, #tpu.memory_space<vmem>>, vector<16xi32>,
          %get3A_662 = vector.shape_cast %get3A_661 : vector<16xi32> to vector<16xi32>
          %mul3A_663 = arith.constant 16 : i32
          %mul3A_664 = arith.muli %add3A_655, %mul3A_663 : i32
          %add3A_665 = arith.addi %add3A_236, %mul3A_664 : i32
          %iota3A = tpu.iota {dimensions = array<i32: 0>} : vector<16xi32>
          %add3A_666 = vector.broadcast %add3A_665 : i32 to vector<16xi32>
          %add3A_667 = arith.addi %add3A_666, %iota3A : vector<16xi32>
          %sub3A = vector.broadcast %add3A : i32 to vector<16xi32>
          %sub3A_668 = arith.subi %get3A_659, %sub3A : vector<16xi32>
          %ge3A = arith.constant 0 : i32
          %ge3A_669 = vector.broadcast %ge3A : i32 to vector<16xi32>
          %ge3A_670 = arith.cmpi sge, %sub3A_668, %ge3A_669 : vector<16xi32>
          %lt3A = arith.constant 1250 : i32
          %lt3A_671 = vector.broadcast %lt3A : i32 to vector<16xi32>
          %lt3A_672 = arith.cmpi slt, %sub3A_668, %lt3A_671 : vector<16xi32>
          %and3A = arith.andi %ge3A_670, %lt3A_672 : vector<16xi1>
          %lt3A_673 = vector.broadcast %add3A_216 : i32 to vector<16xi32>
          %lt3A_674 = arith.cmpi slt, %add3A_667, %lt3A_673 : vector<16xi32>
          %and3A_675 = arith.andi %and3A, %lt3A_674 : vector<16xi1>
          %and3A_676 = arith.constant 3 : i32
          %and3A_677 = vector.broadcast %and3A_676 : i32 to vector<16xi32>
          %and3A_678 = arith.andi %get3A_662, %and3A_677 : vector<16xi32>
          %mul3A_679 = arith.constant 1250 : i32
          %mul3A_680 = vector.broadcast %mul3A_679 : i32 to vector<16xi32>
          %mul3A_681 = arith.muli %and3A_678, %mul3A_680 : vector<16xi32>
          %add3A_682 = arith.addi %mul3A_681, %sub3A_668 : vector<16xi32>
          %mul3A_683 = arith.constant 320 : i32
          %mul3A_684 = vector.broadcast %mul3A_683 : i32 to vector<16xi32>
          %mul3A_685 = arith.muli %add3A_682, %mul3A_684 : vector<16xi32>
          %shift_right_logical3A = arith.constant 5 : i32
          %shift_right_logical3A_686 = vector.broadcast %shift_right_logical3A : i32 to vector<16xi32>
          %shift_right_logical3A_687 = arith.shrui %get3A_662, %shift_right_logical3A_686 : vector<16xi32>
          %add3A_688 = arith.addi %mul3A_685, %shift_right_logical3A_687 : vector<16xi32>
          %and3A_689 = arith.constant 127 : i32
          %and3A_690 = vector.broadcast %and3A_689 : i32 to vector<16xi32>
          %and3A_691 = arith.andi %add3A_667, %and3A_690 : vector<16xi32>
          %add3A_692 = arith.constant 1600000 : i32
          %add3A_693 = vector.broadcast %add3A_692 : i32 to vector<16xi32>
          %add3A_694 = arith.addi %add3A_693, %and3A_691 : vector<16xi32>
          %select_n3A = arith.select %and3A_675, %add3A_688, %add3A_694 : vector<16xi1>, vector<16xi32>
          %shift_right_logical3A_695 = arith.constant 2 : i32
          %shift_right_logical3A_696 = vector.broadcast %shift_right_logical3A_695 : i32 to vector<16xi32>
          %shift_right_logical3A_697 = arith.shrui %get3A_662, %shift_right_logical3A_696 : vector<16xi32>
          %and3A_698 = arith.constant 7 : i32
          %and3A_699 = vector.broadcast %and3A_698 : i32 to vector<16xi32>
          %and3A_700 = arith.andi %shift_right_logical3A_697, %and3A_699 : vector<16xi32>
          %mul3A_701 = arith.constant 4 : i32
          %mul3A_702 = vector.broadcast %mul3A_701 : i32 to vector<16xi32>
          %mul3A_703 = arith.muli %and3A_700, %mul3A_702 : vector<16xi32>
          %shift_left3A = arith.constant 1 : i32
          %shift_left3A_704 = vector.broadcast %shift_left3A : i32 to vector<16xi32>
          %shift_left3A_705 = arith.shli %shift_left3A_704, %mul3A_703 : vector<16xi32>
          %jit3A = arith.constant 0 : i32
          %broadcast_in_dim3A = vector.broadcast %jit3A : i32 to vector<16xi32>
          %select_n3A_706 = arith.select %and3A_675, %shift_left3A_705, %broadcast_in_dim3A : vector<16xi1>, vector<16xi32>
          %mul3A_707 = arith.constant 16 : i32
          %mul3A_708 = arith.muli %scan3A_653, %mul3A_707 : i32
          %swap3A = arith.constant 6 : i32
          %swap3A_709 = arith.index_cast %swap3A : i32 to index
          %swap3A_710 = arith.index_cast %mul3A_708 : i32 to index
          %swap3A_711 = tpu.vector_load %arg8[%swap3A_709, %swap3A_710] {strides = array<i32>} : memref<16x128xi32, #tpu.memory_space<vmem>>, vector<1x16xi32>,
          %swap3A_712 = vector.shape_cast %swap3A_711 : vector<1x16xi32> to vector<16xi32>
          %swap3A_713 = vector.shape_cast %select_n3A : vector<16xi32> to vector<1x16xi32>
          tpu.vector_store %arg8[%swap3A_709, %swap3A_710], %swap3A_713 {strides = array<i32>} : memref<16x128xi32, #tpu.memory_space<vmem>>, vector<1x16xi32>,
          %swap3A_714 = arith.constant 6 : i32
          %swap3A_715 = arith.index_cast %swap3A_714 : i32 to index
          %swap3A_716 = arith.index_cast %mul3A_708 : i32 to index
          %swap3A_717 = tpu.vector_load %arg9[%swap3A_715, %swap3A_716] {strides = array<i32>} : memref<16x128xi32, #tpu.memory_space<vmem>>, vector<1x16xi32>,
          %swap3A_718 = vector.shape_cast %swap3A_717 : vector<1x16xi32> to vector<16xi32>
          %swap3A_719 = vector.shape_cast %select_n3A_706 : vector<16xi32> to vector<1x16xi32>
          tpu.vector_store %arg9[%swap3A_715, %swap3A_716], %swap3A_719 {strides = array<i32>} : memref<16x128xi32, #tpu.memory_space<vmem>>, vector<1x16xi32>,
        }
        %scan3A_338 = arith.constant 8 : i32
        %dma_start3A_339 = arith.constant 6 : i32
        %dma_start3A_340 = arith.constant 6 : i32
        %dma_start3A_341 = arith.constant 0 : i32
        %dma_start3A_342 = tpu.memref_slice %arg9[%dma_start3A_339, %dma_start3A_341] : memref<16x128xi32, #tpu.memory_space<vmem>> -> memref<1x128xi32, #tpu.memory_space<vmem>>
        %dma_start3A_343 = tpu.memref_squeeze %dma_start3A_342 : memref<1x128xi32, #tpu.memory_space<vmem>> -> memref<128xi32, #tpu.memory_space<vmem>>
        %dma_start3A_344 = arith.constant 0 : i32
        %dma_start3A_345 = tpu.memref_slice %arg8[%dma_start3A_340, %dma_start3A_344] : memref<16x128xi32, #tpu.memory_space<vmem>> -> memref<1x128xi32, #tpu.memory_space<vmem>>
        %dma_start3A_346 = tpu.memref_squeeze %dma_start3A_345 : memref<1x128xi32, #tpu.memory_space<vmem>> -> memref<128xi32, #tpu.memory_space<vmem>>
        %dma_start3A_347 = arith.constant 0 : i32
        %dma_start3A_348 = tpu.memref_slice %arg5[%dma_start3A_347] : memref<1600160xi32, #tpu.memory_space<vmem_shared>> -> memref<1600160xi32, #tpu.memory_space<vmem_shared>>
        tpu.enqueue_indirect_dma source(%dma_start3A_343 : memref<128xi32, #tpu.memory_space<vmem>>) target(%dma_start3A_348 : memref<1600160xi32, #tpu.memory_space<vmem_shared>>) offsets(%dma_start3A_346 : memref<128xi32, #tpu.memory_space<vmem>>) semaphore(%arg13 : memref<!tpu.dma_semaphore, #tpu.memory_space<semaphore_mem>>) {add = true}
        %scan3A_349 = arith.constant 0 : i32
        %scan3A_350 = arith.constant 0 : i32
        %scan3A_351 = arith.constant 8 : i32
        %scan3A_352 = arith.addi %scan3A_350, %scan3A_351 : i32
        %scan3A_353 = arith.constant 1 : i32
        scf.for %scan3A_653 = %scan3A_350 to %scan3A_352 step %scan3A_353  : i32 {
          %add3A_654 = arith.constant 56 : i32
          %add3A_655 = arith.addi %add3A_654, %scan3A_653 : i32
          %mul3A_656 = arith.constant 16 : i32
          %mul3A_657 = arith.muli %add3A_655, %mul3A_656 : i32
          %get3A = arith.index_cast %mul3A_657 : i32 to index
          %get3A_658 = tpu.vector_load %arg6[%get3A] {strides = array<i32>} : memref<2048xi32, #tpu.memory_space<vmem>>, vector<16xi32>,
          %get3A_659 = vector.shape_cast %get3A_658 : vector<16xi32> to vector<16xi32>
          %get3A_660 = arith.index_cast %mul3A_657 : i32 to index
          %get3A_661 = tpu.vector_load %arg7[%get3A_660] {strides = array<i32>} : memref<2048xi32, #tpu.memory_space<vmem>>, vector<16xi32>,
          %get3A_662 = vector.shape_cast %get3A_661 : vector<16xi32> to vector<16xi32>
          %mul3A_663 = arith.constant 16 : i32
          %mul3A_664 = arith.muli %add3A_655, %mul3A_663 : i32
          %add3A_665 = arith.addi %add3A_236, %mul3A_664 : i32
          %iota3A = tpu.iota {dimensions = array<i32: 0>} : vector<16xi32>
          %add3A_666 = vector.broadcast %add3A_665 : i32 to vector<16xi32>
          %add3A_667 = arith.addi %add3A_666, %iota3A : vector<16xi32>
          %sub3A = vector.broadcast %add3A : i32 to vector<16xi32>
          %sub3A_668 = arith.subi %get3A_659, %sub3A : vector<16xi32>
          %ge3A = arith.constant 0 : i32
          %ge3A_669 = vector.broadcast %ge3A : i32 to vector<16xi32>
          %ge3A_670 = arith.cmpi sge, %sub3A_668, %ge3A_669 : vector<16xi32>
          %lt3A = arith.constant 1250 : i32
          %lt3A_671 = vector.broadcast %lt3A : i32 to vector<16xi32>
          %lt3A_672 = arith.cmpi slt, %sub3A_668, %lt3A_671 : vector<16xi32>
          %and3A = arith.andi %ge3A_670, %lt3A_672 : vector<16xi1>
          %lt3A_673 = vector.broadcast %add3A_216 : i32 to vector<16xi32>
          %lt3A_674 = arith.cmpi slt, %add3A_667, %lt3A_673 : vector<16xi32>
          %and3A_675 = arith.andi %and3A, %lt3A_674 : vector<16xi1>
          %and3A_676 = arith.constant 3 : i32
          %and3A_677 = vector.broadcast %and3A_676 : i32 to vector<16xi32>
          %and3A_678 = arith.andi %get3A_662, %and3A_677 : vector<16xi32>
          %mul3A_679 = arith.constant 1250 : i32
          %mul3A_680 = vector.broadcast %mul3A_679 : i32 to vector<16xi32>
          %mul3A_681 = arith.muli %and3A_678, %mul3A_680 : vector<16xi32>
          %add3A_682 = arith.addi %mul3A_681, %sub3A_668 : vector<16xi32>
          %mul3A_683 = arith.constant 320 : i32
          %mul3A_684 = vector.broadcast %mul3A_683 : i32 to vector<16xi32>
          %mul3A_685 = arith.muli %add3A_682, %mul3A_684 : vector<16xi32>
          %shift_right_logical3A = arith.constant 5 : i32
          %shift_right_logical3A_686 = vector.broadcast %shift_right_logical3A : i32 to vector<16xi32>
          %shift_right_logical3A_687 = arith.shrui %get3A_662, %shift_right_logical3A_686 : vector<16xi32>
          %add3A_688 = arith.addi %mul3A_685, %shift_right_logical3A_687 : vector<16xi32>
          %and3A_689 = arith.constant 127 : i32
          %and3A_690 = vector.broadcast %and3A_689 : i32 to vector<16xi32>
          %and3A_691 = arith.andi %add3A_667, %and3A_690 : vector<16xi32>
          %add3A_692 = arith.constant 1600000 : i32
          %add3A_693 = vector.broadcast %add3A_692 : i32 to vector<16xi32>
          %add3A_694 = arith.addi %add3A_693, %and3A_691 : vector<16xi32>
          %select_n3A = arith.select %and3A_675, %add3A_688, %add3A_694 : vector<16xi1>, vector<16xi32>
          %shift_right_logical3A_695 = arith.constant 2 : i32
          %shift_right_logical3A_696 = vector.broadcast %shift_right_logical3A_695 : i32 to vector<16xi32>
          %shift_right_logical3A_697 = arith.shrui %get3A_662, %shift_right_logical3A_696 : vector<16xi32>
          %and3A_698 = arith.constant 7 : i32
          %and3A_699 = vector.broadcast %and3A_698 : i32 to vector<16xi32>
          %and3A_700 = arith.andi %shift_right_logical3A_697, %and3A_699 : vector<16xi32>
          %mul3A_701 = arith.constant 4 : i32
          %mul3A_702 = vector.broadcast %mul3A_701 : i32 to vector<16xi32>
          %mul3A_703 = arith.muli %and3A_700, %mul3A_702 : vector<16xi32>
          %shift_left3A = arith.constant 1 : i32
          %shift_left3A_704 = vector.broadcast %shift_left3A : i32 to vector<16xi32>
          %shift_left3A_705 = arith.shli %shift_left3A_704, %mul3A_703 : vector<16xi32>
          %jit3A = arith.constant 0 : i32
          %broadcast_in_dim3A = vector.broadcast %jit3A : i32 to vector<16xi32>
          %select_n3A_706 = arith.select %and3A_675, %shift_left3A_705, %broadcast_in_dim3A : vector<16xi1>, vector<16xi32>
          %mul3A_707 = arith.constant 16 : i32
          %mul3A_708 = arith.muli %scan3A_653, %mul3A_707 : i32
          %swap3A = arith.constant 7 : i32
          %swap3A_709 = arith.index_cast %swap3A : i32 to index
          %swap3A_710 = arith.index_cast %mul3A_708 : i32 to index
          %swap3A_711 = tpu.vector_load %arg8[%swap3A_709, %swap3A_710] {strides = array<i32>} : memref<16x128xi32, #tpu.memory_space<vmem>>, vector<1x16xi32>,
          %swap3A_712 = vector.shape_cast %swap3A_711 : vector<1x16xi32> to vector<16xi32>
          %swap3A_713 = vector.shape_cast %select_n3A : vector<16xi32> to vector<1x16xi32>
          tpu.vector_store %arg8[%swap3A_709, %swap3A_710], %swap3A_713 {strides = array<i32>} : memref<16x128xi32, #tpu.memory_space<vmem>>, vector<1x16xi32>,
          %swap3A_714 = arith.constant 7 : i32
          %swap3A_715 = arith.index_cast %swap3A_714 : i32 to index
          %swap3A_716 = arith.index_cast %mul3A_708 : i32 to index
          %swap3A_717 = tpu.vector_load %arg9[%swap3A_715, %swap3A_716] {strides = array<i32>} : memref<16x128xi32, #tpu.memory_space<vmem>>, vector<1x16xi32>,
          %swap3A_718 = vector.shape_cast %swap3A_717 : vector<1x16xi32> to vector<16xi32>
          %swap3A_719 = vector.shape_cast %select_n3A_706 : vector<16xi32> to vector<1x16xi32>
          tpu.vector_store %arg9[%swap3A_715, %swap3A_716], %swap3A_719 {strides = array<i32>} : memref<16x128xi32, #tpu.memory_space<vmem>>, vector<1x16xi32>,
        }
        %scan3A_354 = arith.constant 8 : i32
        %dma_start3A_355 = arith.constant 7 : i32
        %dma_start3A_356 = arith.constant 7 : i32
        %dma_start3A_357 = arith.constant 0 : i32
        %dma_start3A_358 = tpu.memref_slice %arg9[%dma_start3A_355, %dma_start3A_357] : memref<16x128xi32, #tpu.memory_space<vmem>> -> memref<1x128xi32, #tpu.memory_space<vmem>>
        %dma_start3A_359 = tpu.memref_squeeze %dma_start3A_358 : memref<1x128xi32, #tpu.memory_space<vmem>> -> memref<128xi32, #tpu.memory_space<vmem>>
        %dma_start3A_360 = arith.constant 0 : i32
        %dma_start3A_361 = tpu.memref_slice %arg8[%dma_start3A_356, %dma_start3A_360] : memref<16x128xi32, #tpu.memory_space<vmem>> -> memref<1x128xi32, #tpu.memory_space<vmem>>
        %dma_start3A_362 = tpu.memref_squeeze %dma_start3A_361 : memref<1x128xi32, #tpu.memory_space<vmem>> -> memref<128xi32, #tpu.memory_space<vmem>>
        %dma_start3A_363 = arith.constant 0 : i32
        %dma_start3A_364 = tpu.memref_slice %arg5[%dma_start3A_363] : memref<1600160xi32, #tpu.memory_space<vmem_shared>> -> memref<1600160xi32, #tpu.memory_space<vmem_shared>>
        tpu.enqueue_indirect_dma source(%dma_start3A_359 : memref<128xi32, #tpu.memory_space<vmem>>) target(%dma_start3A_364 : memref<1600160xi32, #tpu.memory_space<vmem_shared>>) offsets(%dma_start3A_362 : memref<128xi32, #tpu.memory_space<vmem>>) semaphore(%arg13 : memref<!tpu.dma_semaphore, #tpu.memory_space<semaphore_mem>>) {add = true}
        %scan3A_365 = arith.constant 0 : i32
        %scan3A_366 = arith.constant 0 : i32
        %scan3A_367 = arith.constant 8 : i32
        %scan3A_368 = arith.addi %scan3A_366, %scan3A_367 : i32
        %scan3A_369 = arith.constant 1 : i32
        scf.for %scan3A_653 = %scan3A_366 to %scan3A_368 step %scan3A_369  : i32 {
          %add3A_654 = arith.constant 64 : i32
          %add3A_655 = arith.addi %add3A_654, %scan3A_653 : i32
          %mul3A_656 = arith.constant 16 : i32
          %mul3A_657 = arith.muli %add3A_655, %mul3A_656 : i32
          %get3A = arith.index_cast %mul3A_657 : i32 to index
          %get3A_658 = tpu.vector_load %arg6[%get3A] {strides = array<i32>} : memref<2048xi32, #tpu.memory_space<vmem>>, vector<16xi32>,
          %get3A_659 = vector.shape_cast %get3A_658 : vector<16xi32> to vector<16xi32>
          %get3A_660 = arith.index_cast %mul3A_657 : i32 to index
          %get3A_661 = tpu.vector_load %arg7[%get3A_660] {strides = array<i32>} : memref<2048xi32, #tpu.memory_space<vmem>>, vector<16xi32>,
          %get3A_662 = vector.shape_cast %get3A_661 : vector<16xi32> to vector<16xi32>
          %mul3A_663 = arith.constant 16 : i32
          %mul3A_664 = arith.muli %add3A_655, %mul3A_663 : i32
          %add3A_665 = arith.addi %add3A_236, %mul3A_664 : i32
          %iota3A = tpu.iota {dimensions = array<i32: 0>} : vector<16xi32>
          %add3A_666 = vector.broadcast %add3A_665 : i32 to vector<16xi32>
          %add3A_667 = arith.addi %add3A_666, %iota3A : vector<16xi32>
          %sub3A = vector.broadcast %add3A : i32 to vector<16xi32>
          %sub3A_668 = arith.subi %get3A_659, %sub3A : vector<16xi32>
          %ge3A = arith.constant 0 : i32
          %ge3A_669 = vector.broadcast %ge3A : i32 to vector<16xi32>
          %ge3A_670 = arith.cmpi sge, %sub3A_668, %ge3A_669 : vector<16xi32>
          %lt3A = arith.constant 1250 : i32
          %lt3A_671 = vector.broadcast %lt3A : i32 to vector<16xi32>
          %lt3A_672 = arith.cmpi slt, %sub3A_668, %lt3A_671 : vector<16xi32>
          %and3A = arith.andi %ge3A_670, %lt3A_672 : vector<16xi1>
          %lt3A_673 = vector.broadcast %add3A_216 : i32 to vector<16xi32>
          %lt3A_674 = arith.cmpi slt, %add3A_667, %lt3A_673 : vector<16xi32>
          %and3A_675 = arith.andi %and3A, %lt3A_674 : vector<16xi1>
          %and3A_676 = arith.constant 3 : i32
          %and3A_677 = vector.broadcast %and3A_676 : i32 to vector<16xi32>
          %and3A_678 = arith.andi %get3A_662, %and3A_677 : vector<16xi32>
          %mul3A_679 = arith.constant 1250 : i32
          %mul3A_680 = vector.broadcast %mul3A_679 : i32 to vector<16xi32>
          %mul3A_681 = arith.muli %and3A_678, %mul3A_680 : vector<16xi32>
          %add3A_682 = arith.addi %mul3A_681, %sub3A_668 : vector<16xi32>
          %mul3A_683 = arith.constant 320 : i32
          %mul3A_684 = vector.broadcast %mul3A_683 : i32 to vector<16xi32>
          %mul3A_685 = arith.muli %add3A_682, %mul3A_684 : vector<16xi32>
          %shift_right_logical3A = arith.constant 5 : i32
          %shift_right_logical3A_686 = vector.broadcast %shift_right_logical3A : i32 to vector<16xi32>
          %shift_right_logical3A_687 = arith.shrui %get3A_662, %shift_right_logical3A_686 : vector<16xi32>
          %add3A_688 = arith.addi %mul3A_685, %shift_right_logical3A_687 : vector<16xi32>
          %and3A_689 = arith.constant 127 : i32
          %and3A_690 = vector.broadcast %and3A_689 : i32 to vector<16xi32>
          %and3A_691 = arith.andi %add3A_667, %and3A_690 : vector<16xi32>
          %add3A_692 = arith.constant 1600000 : i32
          %add3A_693 = vector.broadcast %add3A_692 : i32 to vector<16xi32>
          %add3A_694 = arith.addi %add3A_693, %and3A_691 : vector<16xi32>
          %select_n3A = arith.select %and3A_675, %add3A_688, %add3A_694 : vector<16xi1>, vector<16xi32>
          %shift_right_logical3A_695 = arith.constant 2 : i32
          %shift_right_logical3A_696 = vector.broadcast %shift_right_logical3A_695 : i32 to vector<16xi32>
          %shift_right_logical3A_697 = arith.shrui %get3A_662, %shift_right_logical3A_696 : vector<16xi32>
          %and3A_698 = arith.constant 7 : i32
          %and3A_699 = vector.broadcast %and3A_698 : i32 to vector<16xi32>
          %and3A_700 = arith.andi %shift_right_logical3A_697, %and3A_699 : vector<16xi32>
          %mul3A_701 = arith.constant 4 : i32
          %mul3A_702 = vector.broadcast %mul3A_701 : i32 to vector<16xi32>
          %mul3A_703 = arith.muli %and3A_700, %mul3A_702 : vector<16xi32>
          %shift_left3A = arith.constant 1 : i32
          %shift_left3A_704 = vector.broadcast %shift_left3A : i32 to vector<16xi32>
          %shift_left3A_705 = arith.shli %shift_left3A_704, %mul3A_703 : vector<16xi32>
          %jit3A = arith.constant 0 : i32
          %broadcast_in_dim3A = vector.broadcast %jit3A : i32 to vector<16xi32>
          %select_n3A_706 = arith.select %and3A_675, %shift_left3A_705, %broadcast_in_dim3A : vector<16xi1>, vector<16xi32>
          %mul3A_707 = arith.constant 16 : i32
          %mul3A_708 = arith.muli %scan3A_653, %mul3A_707 : i32
          %swap3A = arith.constant 8 : i32
          %swap3A_709 = arith.index_cast %swap3A : i32 to index
          %swap3A_710 = arith.index_cast %mul3A_708 : i32 to index
          %swap3A_711 = tpu.vector_load %arg8[%swap3A_709, %swap3A_710] {strides = array<i32>} : memref<16x128xi32, #tpu.memory_space<vmem>>, vector<1x16xi32>,
          %swap3A_712 = vector.shape_cast %swap3A_711 : vector<1x16xi32> to vector<16xi32>
          %swap3A_713 = vector.shape_cast %select_n3A : vector<16xi32> to vector<1x16xi32>
          tpu.vector_store %arg8[%swap3A_709, %swap3A_710], %swap3A_713 {strides = array<i32>} : memref<16x128xi32, #tpu.memory_space<vmem>>, vector<1x16xi32>,
          %swap3A_714 = arith.constant 8 : i32
          %swap3A_715 = arith.index_cast %swap3A_714 : i32 to index
          %swap3A_716 = arith.index_cast %mul3A_708 : i32 to index
          %swap3A_717 = tpu.vector_load %arg9[%swap3A_715, %swap3A_716] {strides = array<i32>} : memref<16x128xi32, #tpu.memory_space<vmem>>, vector<1x16xi32>,
          %swap3A_718 = vector.shape_cast %swap3A_717 : vector<1x16xi32> to vector<16xi32>
          %swap3A_719 = vector.shape_cast %select_n3A_706 : vector<16xi32> to vector<1x16xi32>
          tpu.vector_store %arg9[%swap3A_715, %swap3A_716], %swap3A_719 {strides = array<i32>} : memref<16x128xi32, #tpu.memory_space<vmem>>, vector<1x16xi32>,
        }
        %scan3A_370 = arith.constant 8 : i32
        %dma_start3A_371 = arith.constant 8 : i32
        %dma_start3A_372 = arith.constant 8 : i32
        %dma_start3A_373 = arith.constant 0 : i32
        %dma_start3A_374 = tpu.memref_slice %arg9[%dma_start3A_371, %dma_start3A_373] : memref<16x128xi32, #tpu.memory_space<vmem>> -> memref<1x128xi32, #tpu.memory_space<vmem>>
        %dma_start3A_375 = tpu.memref_squeeze %dma_start3A_374 : memref<1x128xi32, #tpu.memory_space<vmem>> -> memref<128xi32, #tpu.memory_space<vmem>>
        %dma_start3A_376 = arith.constant 0 : i32
        %dma_start3A_377 = tpu.memref_slice %arg8[%dma_start3A_372, %dma_start3A_376] : memref<16x128xi32, #tpu.memory_space<vmem>> -> memref<1x128xi32, #tpu.memory_space<vmem>>
        %dma_start3A_378 = tpu.memref_squeeze %dma_start3A_377 : memref<1x128xi32, #tpu.memory_space<vmem>> -> memref<128xi32, #tpu.memory_space<vmem>>
        %dma_start3A_379 = arith.constant 0 : i32
        %dma_start3A_380 = tpu.memref_slice %arg5[%dma_start3A_379] : memref<1600160xi32, #tpu.memory_space<vmem_shared>> -> memref<1600160xi32, #tpu.memory_space<vmem_shared>>
        tpu.enqueue_indirect_dma source(%dma_start3A_375 : memref<128xi32, #tpu.memory_space<vmem>>) target(%dma_start3A_380 : memref<1600160xi32, #tpu.memory_space<vmem_shared>>) offsets(%dma_start3A_378 : memref<128xi32, #tpu.memory_space<vmem>>) semaphore(%arg13 : memref<!tpu.dma_semaphore, #tpu.memory_space<semaphore_mem>>) {add = true}
        %scan3A_381 = arith.constant 0 : i32
        %scan3A_382 = arith.constant 0 : i32
        %scan3A_383 = arith.constant 8 : i32
        %scan3A_384 = arith.addi %scan3A_382, %scan3A_383 : i32
        %scan3A_385 = arith.constant 1 : i32
        scf.for %scan3A_653 = %scan3A_382 to %scan3A_384 step %scan3A_385  : i32 {
          %add3A_654 = arith.constant 72 : i32
          %add3A_655 = arith.addi %add3A_654, %scan3A_653 : i32
          %mul3A_656 = arith.constant 16 : i32
          %mul3A_657 = arith.muli %add3A_655, %mul3A_656 : i32
          %get3A = arith.index_cast %mul3A_657 : i32 to index
          %get3A_658 = tpu.vector_load %arg6[%get3A] {strides = array<i32>} : memref<2048xi32, #tpu.memory_space<vmem>>, vector<16xi32>,
          %get3A_659 = vector.shape_cast %get3A_658 : vector<16xi32> to vector<16xi32>
          %get3A_660 = arith.index_cast %mul3A_657 : i32 to index
          %get3A_661 = tpu.vector_load %arg7[%get3A_660] {strides = array<i32>} : memref<2048xi32, #tpu.memory_space<vmem>>, vector<16xi32>,
          %get3A_662 = vector.shape_cast %get3A_661 : vector<16xi32> to vector<16xi32>
          %mul3A_663 = arith.constant 16 : i32
          %mul3A_664 = arith.muli %add3A_655, %mul3A_663 : i32
          %add3A_665 = arith.addi %add3A_236, %mul3A_664 : i32
          %iota3A = tpu.iota {dimensions = array<i32: 0>} : vector<16xi32>
          %add3A_666 = vector.broadcast %add3A_665 : i32 to vector<16xi32>
          %add3A_667 = arith.addi %add3A_666, %iota3A : vector<16xi32>
          %sub3A = vector.broadcast %add3A : i32 to vector<16xi32>
          %sub3A_668 = arith.subi %get3A_659, %sub3A : vector<16xi32>
          %ge3A = arith.constant 0 : i32
          %ge3A_669 = vector.broadcast %ge3A : i32 to vector<16xi32>
          %ge3A_670 = arith.cmpi sge, %sub3A_668, %ge3A_669 : vector<16xi32>
          %lt3A = arith.constant 1250 : i32
          %lt3A_671 = vector.broadcast %lt3A : i32 to vector<16xi32>
          %lt3A_672 = arith.cmpi slt, %sub3A_668, %lt3A_671 : vector<16xi32>
          %and3A = arith.andi %ge3A_670, %lt3A_672 : vector<16xi1>
          %lt3A_673 = vector.broadcast %add3A_216 : i32 to vector<16xi32>
          %lt3A_674 = arith.cmpi slt, %add3A_667, %lt3A_673 : vector<16xi32>
          %and3A_675 = arith.andi %and3A, %lt3A_674 : vector<16xi1>
          %and3A_676 = arith.constant 3 : i32
          %and3A_677 = vector.broadcast %and3A_676 : i32 to vector<16xi32>
          %and3A_678 = arith.andi %get3A_662, %and3A_677 : vector<16xi32>
          %mul3A_679 = arith.constant 1250 : i32
          %mul3A_680 = vector.broadcast %mul3A_679 : i32 to vector<16xi32>
          %mul3A_681 = arith.muli %and3A_678, %mul3A_680 : vector<16xi32>
          %add3A_682 = arith.addi %mul3A_681, %sub3A_668 : vector<16xi32>
          %mul3A_683 = arith.constant 320 : i32
          %mul3A_684 = vector.broadcast %mul3A_683 : i32 to vector<16xi32>
          %mul3A_685 = arith.muli %add3A_682, %mul3A_684 : vector<16xi32>
          %shift_right_logical3A = arith.constant 5 : i32
          %shift_right_logical3A_686 = vector.broadcast %shift_right_logical3A : i32 to vector<16xi32>
          %shift_right_logical3A_687 = arith.shrui %get3A_662, %shift_right_logical3A_686 : vector<16xi32>
          %add3A_688 = arith.addi %mul3A_685, %shift_right_logical3A_687 : vector<16xi32>
          %and3A_689 = arith.constant 127 : i32
          %and3A_690 = vector.broadcast %and3A_689 : i32 to vector<16xi32>
          %and3A_691 = arith.andi %add3A_667, %and3A_690 : vector<16xi32>
          %add3A_692 = arith.constant 1600000 : i32
          %add3A_693 = vector.broadcast %add3A_692 : i32 to vector<16xi32>
          %add3A_694 = arith.addi %add3A_693, %and3A_691 : vector<16xi32>
          %select_n3A = arith.select %and3A_675, %add3A_688, %add3A_694 : vector<16xi1>, vector<16xi32>
          %shift_right_logical3A_695 = arith.constant 2 : i32
          %shift_right_logical3A_696 = vector.broadcast %shift_right_logical3A_695 : i32 to vector<16xi32>
          %shift_right_logical3A_697 = arith.shrui %get3A_662, %shift_right_logical3A_696 : vector<16xi32>
          %and3A_698 = arith.constant 7 : i32
          %and3A_699 = vector.broadcast %and3A_698 : i32 to vector<16xi32>
          %and3A_700 = arith.andi %shift_right_logical3A_697, %and3A_699 : vector<16xi32>
          %mul3A_701 = arith.constant 4 : i32
          %mul3A_702 = vector.broadcast %mul3A_701 : i32 to vector<16xi32>
          %mul3A_703 = arith.muli %and3A_700, %mul3A_702 : vector<16xi32>
          %shift_left3A = arith.constant 1 : i32
          %shift_left3A_704 = vector.broadcast %shift_left3A : i32 to vector<16xi32>
          %shift_left3A_705 = arith.shli %shift_left3A_704, %mul3A_703 : vector<16xi32>
          %jit3A = arith.constant 0 : i32
          %broadcast_in_dim3A = vector.broadcast %jit3A : i32 to vector<16xi32>
          %select_n3A_706 = arith.select %and3A_675, %shift_left3A_705, %broadcast_in_dim3A : vector<16xi1>, vector<16xi32>
          %mul3A_707 = arith.constant 16 : i32
          %mul3A_708 = arith.muli %scan3A_653, %mul3A_707 : i32
          %swap3A = arith.constant 9 : i32
          %swap3A_709 = arith.index_cast %swap3A : i32 to index
          %swap3A_710 = arith.index_cast %mul3A_708 : i32 to index
          %swap3A_711 = tpu.vector_load %arg8[%swap3A_709, %swap3A_710] {strides = array<i32>} : memref<16x128xi32, #tpu.memory_space<vmem>>, vector<1x16xi32>,
          %swap3A_712 = vector.shape_cast %swap3A_711 : vector<1x16xi32> to vector<16xi32>
          %swap3A_713 = vector.shape_cast %select_n3A : vector<16xi32> to vector<1x16xi32>
          tpu.vector_store %arg8[%swap3A_709, %swap3A_710], %swap3A_713 {strides = array<i32>} : memref<16x128xi32, #tpu.memory_space<vmem>>, vector<1x16xi32>,
          %swap3A_714 = arith.constant 9 : i32
          %swap3A_715 = arith.index_cast %swap3A_714 : i32 to index
          %swap3A_716 = arith.index_cast %mul3A_708 : i32 to index
          %swap3A_717 = tpu.vector_load %arg9[%swap3A_715, %swap3A_716] {strides = array<i32>} : memref<16x128xi32, #tpu.memory_space<vmem>>, vector<1x16xi32>,
          %swap3A_718 = vector.shape_cast %swap3A_717 : vector<1x16xi32> to vector<16xi32>
          %swap3A_719 = vector.shape_cast %select_n3A_706 : vector<16xi32> to vector<1x16xi32>
          tpu.vector_store %arg9[%swap3A_715, %swap3A_716], %swap3A_719 {strides = array<i32>} : memref<16x128xi32, #tpu.memory_space<vmem>>, vector<1x16xi32>,
        }
        %scan3A_386 = arith.constant 8 : i32
        %dma_start3A_387 = arith.constant 9 : i32
        %dma_start3A_388 = arith.constant 9 : i32
        %dma_start3A_389 = arith.constant 0 : i32
        %dma_start3A_390 = tpu.memref_slice %arg9[%dma_start3A_387, %dma_start3A_389] : memref<16x128xi32, #tpu.memory_space<vmem>> -> memref<1x128xi32, #tpu.memory_space<vmem>>
        %dma_start3A_391 = tpu.memref_squeeze %dma_start3A_390 : memref<1x128xi32, #tpu.memory_space<vmem>> -> memref<128xi32, #tpu.memory_space<vmem>>
        %dma_start3A_392 = arith.constant 0 : i32
        %dma_start3A_393 = tpu.memref_slice %arg8[%dma_start3A_388, %dma_start3A_392] : memref<16x128xi32, #tpu.memory_space<vmem>> -> memref<1x128xi32, #tpu.memory_space<vmem>>
        %dma_start3A_394 = tpu.memref_squeeze %dma_start3A_393 : memref<1x128xi32, #tpu.memory_space<vmem>> -> memref<128xi32, #tpu.memory_space<vmem>>
        %dma_start3A_395 = arith.constant 0 : i32
        %dma_start3A_396 = tpu.memref_slice %arg5[%dma_start3A_395] : memref<1600160xi32, #tpu.memory_space<vmem_shared>> -> memref<1600160xi32, #tpu.memory_space<vmem_shared>>
        tpu.enqueue_indirect_dma source(%dma_start3A_391 : memref<128xi32, #tpu.memory_space<vmem>>) target(%dma_start3A_396 : memref<1600160xi32, #tpu.memory_space<vmem_shared>>) offsets(%dma_start3A_394 : memref<128xi32, #tpu.memory_space<vmem>>) semaphore(%arg13 : memref<!tpu.dma_semaphore, #tpu.memory_space<semaphore_mem>>) {add = true}
        %scan3A_397 = arith.constant 0 : i32
        %scan3A_398 = arith.constant 0 : i32
        %scan3A_399 = arith.constant 8 : i32
        %scan3A_400 = arith.addi %scan3A_398, %scan3A_399 : i32
        %scan3A_401 = arith.constant 1 : i32
        scf.for %scan3A_653 = %scan3A_398 to %scan3A_400 step %scan3A_401  : i32 {
          %add3A_654 = arith.constant 80 : i32
          %add3A_655 = arith.addi %add3A_654, %scan3A_653 : i32
          %mul3A_656 = arith.constant 16 : i32
          %mul3A_657 = arith.muli %add3A_655, %mul3A_656 : i32
          %get3A = arith.index_cast %mul3A_657 : i32 to index
          %get3A_658 = tpu.vector_load %arg6[%get3A] {strides = array<i32>} : memref<2048xi32, #tpu.memory_space<vmem>>, vector<16xi32>,
          %get3A_659 = vector.shape_cast %get3A_658 : vector<16xi32> to vector<16xi32>
          %get3A_660 = arith.index_cast %mul3A_657 : i32 to index
          %get3A_661 = tpu.vector_load %arg7[%get3A_660] {strides = array<i32>} : memref<2048xi32, #tpu.memory_space<vmem>>, vector<16xi32>,
          %get3A_662 = vector.shape_cast %get3A_661 : vector<16xi32> to vector<16xi32>
          %mul3A_663 = arith.constant 16 : i32
          %mul3A_664 = arith.muli %add3A_655, %mul3A_663 : i32
          %add3A_665 = arith.addi %add3A_236, %mul3A_664 : i32
          %iota3A = tpu.iota {dimensions = array<i32: 0>} : vector<16xi32>
          %add3A_666 = vector.broadcast %add3A_665 : i32 to vector<16xi32>
          %add3A_667 = arith.addi %add3A_666, %iota3A : vector<16xi32>
          %sub3A = vector.broadcast %add3A : i32 to vector<16xi32>
          %sub3A_668 = arith.subi %get3A_659, %sub3A : vector<16xi32>
          %ge3A = arith.constant 0 : i32
          %ge3A_669 = vector.broadcast %ge3A : i32 to vector<16xi32>
          %ge3A_670 = arith.cmpi sge, %sub3A_668, %ge3A_669 : vector<16xi32>
          %lt3A = arith.constant 1250 : i32
          %lt3A_671 = vector.broadcast %lt3A : i32 to vector<16xi32>
          %lt3A_672 = arith.cmpi slt, %sub3A_668, %lt3A_671 : vector<16xi32>
          %and3A = arith.andi %ge3A_670, %lt3A_672 : vector<16xi1>
          %lt3A_673 = vector.broadcast %add3A_216 : i32 to vector<16xi32>
          %lt3A_674 = arith.cmpi slt, %add3A_667, %lt3A_673 : vector<16xi32>
          %and3A_675 = arith.andi %and3A, %lt3A_674 : vector<16xi1>
          %and3A_676 = arith.constant 3 : i32
          %and3A_677 = vector.broadcast %and3A_676 : i32 to vector<16xi32>
          %and3A_678 = arith.andi %get3A_662, %and3A_677 : vector<16xi32>
          %mul3A_679 = arith.constant 1250 : i32
          %mul3A_680 = vector.broadcast %mul3A_679 : i32 to vector<16xi32>
          %mul3A_681 = arith.muli %and3A_678, %mul3A_680 : vector<16xi32>
          %add3A_682 = arith.addi %mul3A_681, %sub3A_668 : vector<16xi32>
          %mul3A_683 = arith.constant 320 : i32
          %mul3A_684 = vector.broadcast %mul3A_683 : i32 to vector<16xi32>
          %mul3A_685 = arith.muli %add3A_682, %mul3A_684 : vector<16xi32>
          %shift_right_logical3A = arith.constant 5 : i32
          %shift_right_logical3A_686 = vector.broadcast %shift_right_logical3A : i32 to vector<16xi32>
          %shift_right_logical3A_687 = arith.shrui %get3A_662, %shift_right_logical3A_686 : vector<16xi32>
          %add3A_688 = arith.addi %mul3A_685, %shift_right_logical3A_687 : vector<16xi32>
          %and3A_689 = arith.constant 127 : i32
          %and3A_690 = vector.broadcast %and3A_689 : i32 to vector<16xi32>
          %and3A_691 = arith.andi %add3A_667, %and3A_690 : vector<16xi32>
          %add3A_692 = arith.constant 1600000 : i32
          %add3A_693 = vector.broadcast %add3A_692 : i32 to vector<16xi32>
          %add3A_694 = arith.addi %add3A_693, %and3A_691 : vector<16xi32>
          %select_n3A = arith.select %and3A_675, %add3A_688, %add3A_694 : vector<16xi1>, vector<16xi32>
          %shift_right_logical3A_695 = arith.constant 2 : i32
          %shift_right_logical3A_696 = vector.broadcast %shift_right_logical3A_695 : i32 to vector<16xi32>
          %shift_right_logical3A_697 = arith.shrui %get3A_662, %shift_right_logical3A_696 : vector<16xi32>
          %and3A_698 = arith.constant 7 : i32
          %and3A_699 = vector.broadcast %and3A_698 : i32 to vector<16xi32>
          %and3A_700 = arith.andi %shift_right_logical3A_697, %and3A_699 : vector<16xi32>
          %mul3A_701 = arith.constant 4 : i32
          %mul3A_702 = vector.broadcast %mul3A_701 : i32 to vector<16xi32>
          %mul3A_703 = arith.muli %and3A_700, %mul3A_702 : vector<16xi32>
          %shift_left3A = arith.constant 1 : i32
          %shift_left3A_704 = vector.broadcast %shift_left3A : i32 to vector<16xi32>
          %shift_left3A_705 = arith.shli %shift_left3A_704, %mul3A_703 : vector<16xi32>
          %jit3A = arith.constant 0 : i32
          %broadcast_in_dim3A = vector.broadcast %jit3A : i32 to vector<16xi32>
          %select_n3A_706 = arith.select %and3A_675, %shift_left3A_705, %broadcast_in_dim3A : vector<16xi1>, vector<16xi32>
          %mul3A_707 = arith.constant 16 : i32
          %mul3A_708 = arith.muli %scan3A_653, %mul3A_707 : i32
          %swap3A = arith.constant 10 : i32
          %swap3A_709 = arith.index_cast %swap3A : i32 to index
          %swap3A_710 = arith.index_cast %mul3A_708 : i32 to index
          %swap3A_711 = tpu.vector_load %arg8[%swap3A_709, %swap3A_710] {strides = array<i32>} : memref<16x128xi32, #tpu.memory_space<vmem>>, vector<1x16xi32>,
          %swap3A_712 = vector.shape_cast %swap3A_711 : vector<1x16xi32> to vector<16xi32>
          %swap3A_713 = vector.shape_cast %select_n3A : vector<16xi32> to vector<1x16xi32>
          tpu.vector_store %arg8[%swap3A_709, %swap3A_710], %swap3A_713 {strides = array<i32>} : memref<16x128xi32, #tpu.memory_space<vmem>>, vector<1x16xi32>,
          %swap3A_714 = arith.constant 10 : i32
          %swap3A_715 = arith.index_cast %swap3A_714 : i32 to index
          %swap3A_716 = arith.index_cast %mul3A_708 : i32 to index
          %swap3A_717 = tpu.vector_load %arg9[%swap3A_715, %swap3A_716] {strides = array<i32>} : memref<16x128xi32, #tpu.memory_space<vmem>>, vector<1x16xi32>,
          %swap3A_718 = vector.shape_cast %swap3A_717 : vector<1x16xi32> to vector<16xi32>
          %swap3A_719 = vector.shape_cast %select_n3A_706 : vector<16xi32> to vector<1x16xi32>
          tpu.vector_store %arg9[%swap3A_715, %swap3A_716], %swap3A_719 {strides = array<i32>} : memref<16x128xi32, #tpu.memory_space<vmem>>, vector<1x16xi32>,
        }
        %scan3A_402 = arith.constant 8 : i32
        %dma_start3A_403 = arith.constant 10 : i32
        %dma_start3A_404 = arith.constant 10 : i32
        %dma_start3A_405 = arith.constant 0 : i32
        %dma_start3A_406 = tpu.memref_slice %arg9[%dma_start3A_403, %dma_start3A_405] : memref<16x128xi32, #tpu.memory_space<vmem>> -> memref<1x128xi32, #tpu.memory_space<vmem>>
        %dma_start3A_407 = tpu.memref_squeeze %dma_start3A_406 : memref<1x128xi32, #tpu.memory_space<vmem>> -> memref<128xi32, #tpu.memory_space<vmem>>
        %dma_start3A_408 = arith.constant 0 : i32
        %dma_start3A_409 = tpu.memref_slice %arg8[%dma_start3A_404, %dma_start3A_408] : memref<16x128xi32, #tpu.memory_space<vmem>> -> memref<1x128xi32, #tpu.memory_space<vmem>>
        %dma_start3A_410 = tpu.memref_squeeze %dma_start3A_409 : memref<1x128xi32, #tpu.memory_space<vmem>> -> memref<128xi32, #tpu.memory_space<vmem>>
        %dma_start3A_411 = arith.constant 0 : i32
        %dma_start3A_412 = tpu.memref_slice %arg5[%dma_start3A_411] : memref<1600160xi32, #tpu.memory_space<vmem_shared>> -> memref<1600160xi32, #tpu.memory_space<vmem_shared>>
        tpu.enqueue_indirect_dma source(%dma_start3A_407 : memref<128xi32, #tpu.memory_space<vmem>>) target(%dma_start3A_412 : memref<1600160xi32, #tpu.memory_space<vmem_shared>>) offsets(%dma_start3A_410 : memref<128xi32, #tpu.memory_space<vmem>>) semaphore(%arg13 : memref<!tpu.dma_semaphore, #tpu.memory_space<semaphore_mem>>) {add = true}
        %scan3A_413 = arith.constant 0 : i32
        %scan3A_414 = arith.constant 0 : i32
        %scan3A_415 = arith.constant 8 : i32
        %scan3A_416 = arith.addi %scan3A_414, %scan3A_415 : i32
        %scan3A_417 = arith.constant 1 : i32
        scf.for %scan3A_653 = %scan3A_414 to %scan3A_416 step %scan3A_417  : i32 {
          %add3A_654 = arith.constant 88 : i32
          %add3A_655 = arith.addi %add3A_654, %scan3A_653 : i32
          %mul3A_656 = arith.constant 16 : i32
          %mul3A_657 = arith.muli %add3A_655, %mul3A_656 : i32
          %get3A = arith.index_cast %mul3A_657 : i32 to index
          %get3A_658 = tpu.vector_load %arg6[%get3A] {strides = array<i32>} : memref<2048xi32, #tpu.memory_space<vmem>>, vector<16xi32>,
          %get3A_659 = vector.shape_cast %get3A_658 : vector<16xi32> to vector<16xi32>
          %get3A_660 = arith.index_cast %mul3A_657 : i32 to index
          %get3A_661 = tpu.vector_load %arg7[%get3A_660] {strides = array<i32>} : memref<2048xi32, #tpu.memory_space<vmem>>, vector<16xi32>,
          %get3A_662 = vector.shape_cast %get3A_661 : vector<16xi32> to vector<16xi32>
          %mul3A_663 = arith.constant 16 : i32
          %mul3A_664 = arith.muli %add3A_655, %mul3A_663 : i32
          %add3A_665 = arith.addi %add3A_236, %mul3A_664 : i32
          %iota3A = tpu.iota {dimensions = array<i32: 0>} : vector<16xi32>
          %add3A_666 = vector.broadcast %add3A_665 : i32 to vector<16xi32>
          %add3A_667 = arith.addi %add3A_666, %iota3A : vector<16xi32>
          %sub3A = vector.broadcast %add3A : i32 to vector<16xi32>
          %sub3A_668 = arith.subi %get3A_659, %sub3A : vector<16xi32>
          %ge3A = arith.constant 0 : i32
          %ge3A_669 = vector.broadcast %ge3A : i32 to vector<16xi32>
          %ge3A_670 = arith.cmpi sge, %sub3A_668, %ge3A_669 : vector<16xi32>
          %lt3A = arith.constant 1250 : i32
          %lt3A_671 = vector.broadcast %lt3A : i32 to vector<16xi32>
          %lt3A_672 = arith.cmpi slt, %sub3A_668, %lt3A_671 : vector<16xi32>
          %and3A = arith.andi %ge3A_670, %lt3A_672 : vector<16xi1>
          %lt3A_673 = vector.broadcast %add3A_216 : i32 to vector<16xi32>
          %lt3A_674 = arith.cmpi slt, %add3A_667, %lt3A_673 : vector<16xi32>
          %and3A_675 = arith.andi %and3A, %lt3A_674 : vector<16xi1>
          %and3A_676 = arith.constant 3 : i32
          %and3A_677 = vector.broadcast %and3A_676 : i32 to vector<16xi32>
          %and3A_678 = arith.andi %get3A_662, %and3A_677 : vector<16xi32>
          %mul3A_679 = arith.constant 1250 : i32
          %mul3A_680 = vector.broadcast %mul3A_679 : i32 to vector<16xi32>
          %mul3A_681 = arith.muli %and3A_678, %mul3A_680 : vector<16xi32>
          %add3A_682 = arith.addi %mul3A_681, %sub3A_668 : vector<16xi32>
          %mul3A_683 = arith.constant 320 : i32
          %mul3A_684 = vector.broadcast %mul3A_683 : i32 to vector<16xi32>
          %mul3A_685 = arith.muli %add3A_682, %mul3A_684 : vector<16xi32>
          %shift_right_logical3A = arith.constant 5 : i32
          %shift_right_logical3A_686 = vector.broadcast %shift_right_logical3A : i32 to vector<16xi32>
          %shift_right_logical3A_687 = arith.shrui %get3A_662, %shift_right_logical3A_686 : vector<16xi32>
          %add3A_688 = arith.addi %mul3A_685, %shift_right_logical3A_687 : vector<16xi32>
          %and3A_689 = arith.constant 127 : i32
          %and3A_690 = vector.broadcast %and3A_689 : i32 to vector<16xi32>
          %and3A_691 = arith.andi %add3A_667, %and3A_690 : vector<16xi32>
          %add3A_692 = arith.constant 1600000 : i32
          %add3A_693 = vector.broadcast %add3A_692 : i32 to vector<16xi32>
          %add3A_694 = arith.addi %add3A_693, %and3A_691 : vector<16xi32>
          %select_n3A = arith.select %and3A_675, %add3A_688, %add3A_694 : vector<16xi1>, vector<16xi32>
          %shift_right_logical3A_695 = arith.constant 2 : i32
          %shift_right_logical3A_696 = vector.broadcast %shift_right_logical3A_695 : i32 to vector<16xi32>
          %shift_right_logical3A_697 = arith.shrui %get3A_662, %shift_right_logical3A_696 : vector<16xi32>
          %and3A_698 = arith.constant 7 : i32
          %and3A_699 = vector.broadcast %and3A_698 : i32 to vector<16xi32>
          %and3A_700 = arith.andi %shift_right_logical3A_697, %and3A_699 : vector<16xi32>
          %mul3A_701 = arith.constant 4 : i32
          %mul3A_702 = vector.broadcast %mul3A_701 : i32 to vector<16xi32>
          %mul3A_703 = arith.muli %and3A_700, %mul3A_702 : vector<16xi32>
          %shift_left3A = arith.constant 1 : i32
          %shift_left3A_704 = vector.broadcast %shift_left3A : i32 to vector<16xi32>
          %shift_left3A_705 = arith.shli %shift_left3A_704, %mul3A_703 : vector<16xi32>
          %jit3A = arith.constant 0 : i32
          %broadcast_in_dim3A = vector.broadcast %jit3A : i32 to vector<16xi32>
          %select_n3A_706 = arith.select %and3A_675, %shift_left3A_705, %broadcast_in_dim3A : vector<16xi1>, vector<16xi32>
          %mul3A_707 = arith.constant 16 : i32
          %mul3A_708 = arith.muli %scan3A_653, %mul3A_707 : i32
          %swap3A = arith.constant 11 : i32
          %swap3A_709 = arith.index_cast %swap3A : i32 to index
          %swap3A_710 = arith.index_cast %mul3A_708 : i32 to index
          %swap3A_711 = tpu.vector_load %arg8[%swap3A_709, %swap3A_710] {strides = array<i32>} : memref<16x128xi32, #tpu.memory_space<vmem>>, vector<1x16xi32>,
          %swap3A_712 = vector.shape_cast %swap3A_711 : vector<1x16xi32> to vector<16xi32>
          %swap3A_713 = vector.shape_cast %select_n3A : vector<16xi32> to vector<1x16xi32>
          tpu.vector_store %arg8[%swap3A_709, %swap3A_710], %swap3A_713 {strides = array<i32>} : memref<16x128xi32, #tpu.memory_space<vmem>>, vector<1x16xi32>,
          %swap3A_714 = arith.constant 11 : i32
          %swap3A_715 = arith.index_cast %swap3A_714 : i32 to index
          %swap3A_716 = arith.index_cast %mul3A_708 : i32 to index
          %swap3A_717 = tpu.vector_load %arg9[%swap3A_715, %swap3A_716] {strides = array<i32>} : memref<16x128xi32, #tpu.memory_space<vmem>>, vector<1x16xi32>,
          %swap3A_718 = vector.shape_cast %swap3A_717 : vector<1x16xi32> to vector<16xi32>
          %swap3A_719 = vector.shape_cast %select_n3A_706 : vector<16xi32> to vector<1x16xi32>
          tpu.vector_store %arg9[%swap3A_715, %swap3A_716], %swap3A_719 {strides = array<i32>} : memref<16x128xi32, #tpu.memory_space<vmem>>, vector<1x16xi32>,
        }
        %scan3A_418 = arith.constant 8 : i32
        %dma_start3A_419 = arith.constant 11 : i32
        %dma_start3A_420 = arith.constant 11 : i32
        %dma_start3A_421 = arith.constant 0 : i32
        %dma_start3A_422 = tpu.memref_slice %arg9[%dma_start3A_419, %dma_start3A_421] : memref<16x128xi32, #tpu.memory_space<vmem>> -> memref<1x128xi32, #tpu.memory_space<vmem>>
        %dma_start3A_423 = tpu.memref_squeeze %dma_start3A_422 : memref<1x128xi32, #tpu.memory_space<vmem>> -> memref<128xi32, #tpu.memory_space<vmem>>
        %dma_start3A_424 = arith.constant 0 : i32
        %dma_start3A_425 = tpu.memref_slice %arg8[%dma_start3A_420, %dma_start3A_424] : memref<16x128xi32, #tpu.memory_space<vmem>> -> memref<1x128xi32, #tpu.memory_space<vmem>>
        %dma_start3A_426 = tpu.memref_squeeze %dma_start3A_425 : memref<1x128xi32, #tpu.memory_space<vmem>> -> memref<128xi32, #tpu.memory_space<vmem>>
        %dma_start3A_427 = arith.constant 0 : i32
        %dma_start3A_428 = tpu.memref_slice %arg5[%dma_start3A_427] : memref<1600160xi32, #tpu.memory_space<vmem_shared>> -> memref<1600160xi32, #tpu.memory_space<vmem_shared>>
        tpu.enqueue_indirect_dma source(%dma_start3A_423 : memref<128xi32, #tpu.memory_space<vmem>>) target(%dma_start3A_428 : memref<1600160xi32, #tpu.memory_space<vmem_shared>>) offsets(%dma_start3A_426 : memref<128xi32, #tpu.memory_space<vmem>>) semaphore(%arg13 : memref<!tpu.dma_semaphore, #tpu.memory_space<semaphore_mem>>) {add = true}
        %scan3A_429 = arith.constant 0 : i32
        %scan3A_430 = arith.constant 0 : i32
        %scan3A_431 = arith.constant 8 : i32
        %scan3A_432 = arith.addi %scan3A_430, %scan3A_431 : i32
        %scan3A_433 = arith.constant 1 : i32
        scf.for %scan3A_653 = %scan3A_430 to %scan3A_432 step %scan3A_433  : i32 {
          %add3A_654 = arith.constant 96 : i32
          %add3A_655 = arith.addi %add3A_654, %scan3A_653 : i32
          %mul3A_656 = arith.constant 16 : i32
          %mul3A_657 = arith.muli %add3A_655, %mul3A_656 : i32
          %get3A = arith.index_cast %mul3A_657 : i32 to index
          %get3A_658 = tpu.vector_load %arg6[%get3A] {strides = array<i32>} : memref<2048xi32, #tpu.memory_space<vmem>>, vector<16xi32>,
          %get3A_659 = vector.shape_cast %get3A_658 : vector<16xi32> to vector<16xi32>
          %get3A_660 = arith.index_cast %mul3A_657 : i32 to index
          %get3A_661 = tpu.vector_load %arg7[%get3A_660] {strides = array<i32>} : memref<2048xi32, #tpu.memory_space<vmem>>, vector<16xi32>,
          %get3A_662 = vector.shape_cast %get3A_661 : vector<16xi32> to vector<16xi32>
          %mul3A_663 = arith.constant 16 : i32
          %mul3A_664 = arith.muli %add3A_655, %mul3A_663 : i32
          %add3A_665 = arith.addi %add3A_236, %mul3A_664 : i32
          %iota3A = tpu.iota {dimensions = array<i32: 0>} : vector<16xi32>
          %add3A_666 = vector.broadcast %add3A_665 : i32 to vector<16xi32>
          %add3A_667 = arith.addi %add3A_666, %iota3A : vector<16xi32>
          %sub3A = vector.broadcast %add3A : i32 to vector<16xi32>
          %sub3A_668 = arith.subi %get3A_659, %sub3A : vector<16xi32>
          %ge3A = arith.constant 0 : i32
          %ge3A_669 = vector.broadcast %ge3A : i32 to vector<16xi32>
          %ge3A_670 = arith.cmpi sge, %sub3A_668, %ge3A_669 : vector<16xi32>
          %lt3A = arith.constant 1250 : i32
          %lt3A_671 = vector.broadcast %lt3A : i32 to vector<16xi32>
          %lt3A_672 = arith.cmpi slt, %sub3A_668, %lt3A_671 : vector<16xi32>
          %and3A = arith.andi %ge3A_670, %lt3A_672 : vector<16xi1>
          %lt3A_673 = vector.broadcast %add3A_216 : i32 to vector<16xi32>
          %lt3A_674 = arith.cmpi slt, %add3A_667, %lt3A_673 : vector<16xi32>
          %and3A_675 = arith.andi %and3A, %lt3A_674 : vector<16xi1>
          %and3A_676 = arith.constant 3 : i32
          %and3A_677 = vector.broadcast %and3A_676 : i32 to vector<16xi32>
          %and3A_678 = arith.andi %get3A_662, %and3A_677 : vector<16xi32>
          %mul3A_679 = arith.constant 1250 : i32
          %mul3A_680 = vector.broadcast %mul3A_679 : i32 to vector<16xi32>
          %mul3A_681 = arith.muli %and3A_678, %mul3A_680 : vector<16xi32>
          %add3A_682 = arith.addi %mul3A_681, %sub3A_668 : vector<16xi32>
          %mul3A_683 = arith.constant 320 : i32
          %mul3A_684 = vector.broadcast %mul3A_683 : i32 to vector<16xi32>
          %mul3A_685 = arith.muli %add3A_682, %mul3A_684 : vector<16xi32>
          %shift_right_logical3A = arith.constant 5 : i32
          %shift_right_logical3A_686 = vector.broadcast %shift_right_logical3A : i32 to vector<16xi32>
          %shift_right_logical3A_687 = arith.shrui %get3A_662, %shift_right_logical3A_686 : vector<16xi32>
          %add3A_688 = arith.addi %mul3A_685, %shift_right_logical3A_687 : vector<16xi32>
          %and3A_689 = arith.constant 127 : i32
          %and3A_690 = vector.broadcast %and3A_689 : i32 to vector<16xi32>
          %and3A_691 = arith.andi %add3A_667, %and3A_690 : vector<16xi32>
          %add3A_692 = arith.constant 1600000 : i32
          %add3A_693 = vector.broadcast %add3A_692 : i32 to vector<16xi32>
          %add3A_694 = arith.addi %add3A_693, %and3A_691 : vector<16xi32>
          %select_n3A = arith.select %and3A_675, %add3A_688, %add3A_694 : vector<16xi1>, vector<16xi32>
          %shift_right_logical3A_695 = arith.constant 2 : i32
          %shift_right_logical3A_696 = vector.broadcast %shift_right_logical3A_695 : i32 to vector<16xi32>
          %shift_right_logical3A_697 = arith.shrui %get3A_662, %shift_right_logical3A_696 : vector<16xi32>
          %and3A_698 = arith.constant 7 : i32
          %and3A_699 = vector.broadcast %and3A_698 : i32 to vector<16xi32>
          %and3A_700 = arith.andi %shift_right_logical3A_697, %and3A_699 : vector<16xi32>
          %mul3A_701 = arith.constant 4 : i32
          %mul3A_702 = vector.broadcast %mul3A_701 : i32 to vector<16xi32>
          %mul3A_703 = arith.muli %and3A_700, %mul3A_702 : vector<16xi32>
          %shift_left3A = arith.constant 1 : i32
          %shift_left3A_704 = vector.broadcast %shift_left3A : i32 to vector<16xi32>
          %shift_left3A_705 = arith.shli %shift_left3A_704, %mul3A_703 : vector<16xi32>
          %jit3A = arith.constant 0 : i32
          %broadcast_in_dim3A = vector.broadcast %jit3A : i32 to vector<16xi32>
          %select_n3A_706 = arith.select %and3A_675, %shift_left3A_705, %broadcast_in_dim3A : vector<16xi1>, vector<16xi32>
          %mul3A_707 = arith.constant 16 : i32
          %mul3A_708 = arith.muli %scan3A_653, %mul3A_707 : i32
          %swap3A = arith.constant 12 : i32
          %swap3A_709 = arith.index_cast %swap3A : i32 to index
          %swap3A_710 = arith.index_cast %mul3A_708 : i32 to index
          %swap3A_711 = tpu.vector_load %arg8[%swap3A_709, %swap3A_710] {strides = array<i32>} : memref<16x128xi32, #tpu.memory_space<vmem>>, vector<1x16xi32>,
          %swap3A_712 = vector.shape_cast %swap3A_711 : vector<1x16xi32> to vector<16xi32>
          %swap3A_713 = vector.shape_cast %select_n3A : vector<16xi32> to vector<1x16xi32>
          tpu.vector_store %arg8[%swap3A_709, %swap3A_710], %swap3A_713 {strides = array<i32>} : memref<16x128xi32, #tpu.memory_space<vmem>>, vector<1x16xi32>,
          %swap3A_714 = arith.constant 12 : i32
          %swap3A_715 = arith.index_cast %swap3A_714 : i32 to index
          %swap3A_716 = arith.index_cast %mul3A_708 : i32 to index
          %swap3A_717 = tpu.vector_load %arg9[%swap3A_715, %swap3A_716] {strides = array<i32>} : memref<16x128xi32, #tpu.memory_space<vmem>>, vector<1x16xi32>,
          %swap3A_718 = vector.shape_cast %swap3A_717 : vector<1x16xi32> to vector<16xi32>
          %swap3A_719 = vector.shape_cast %select_n3A_706 : vector<16xi32> to vector<1x16xi32>
          tpu.vector_store %arg9[%swap3A_715, %swap3A_716], %swap3A_719 {strides = array<i32>} : memref<16x128xi32, #tpu.memory_space<vmem>>, vector<1x16xi32>,
        }
        %scan3A_434 = arith.constant 8 : i32
        %dma_start3A_435 = arith.constant 12 : i32
        %dma_start3A_436 = arith.constant 12 : i32
        %dma_start3A_437 = arith.constant 0 : i32
        %dma_start3A_438 = tpu.memref_slice %arg9[%dma_start3A_435, %dma_start3A_437] : memref<16x128xi32, #tpu.memory_space<vmem>> -> memref<1x128xi32, #tpu.memory_space<vmem>>
        %dma_start3A_439 = tpu.memref_squeeze %dma_start3A_438 : memref<1x128xi32, #tpu.memory_space<vmem>> -> memref<128xi32, #tpu.memory_space<vmem>>
        %dma_start3A_440 = arith.constant 0 : i32
        %dma_start3A_441 = tpu.memref_slice %arg8[%dma_start3A_436, %dma_start3A_440] : memref<16x128xi32, #tpu.memory_space<vmem>> -> memref<1x128xi32, #tpu.memory_space<vmem>>
        %dma_start3A_442 = tpu.memref_squeeze %dma_start3A_441 : memref<1x128xi32, #tpu.memory_space<vmem>> -> memref<128xi32, #tpu.memory_space<vmem>>
        %dma_start3A_443 = arith.constant 0 : i32
        %dma_start3A_444 = tpu.memref_slice %arg5[%dma_start3A_443] : memref<1600160xi32, #tpu.memory_space<vmem_shared>> -> memref<1600160xi32, #tpu.memory_space<vmem_shared>>
        tpu.enqueue_indirect_dma source(%dma_start3A_439 : memref<128xi32, #tpu.memory_space<vmem>>) target(%dma_start3A_444 : memref<1600160xi32, #tpu.memory_space<vmem_shared>>) offsets(%dma_start3A_442 : memref<128xi32, #tpu.memory_space<vmem>>) semaphore(%arg13 : memref<!tpu.dma_semaphore, #tpu.memory_space<semaphore_mem>>) {add = true}
        %scan3A_445 = arith.constant 0 : i32
        %scan3A_446 = arith.constant 0 : i32
        %scan3A_447 = arith.constant 8 : i32
        %scan3A_448 = arith.addi %scan3A_446, %scan3A_447 : i32
        %scan3A_449 = arith.constant 1 : i32
        scf.for %scan3A_653 = %scan3A_446 to %scan3A_448 step %scan3A_449  : i32 {
          %add3A_654 = arith.constant 104 : i32
          %add3A_655 = arith.addi %add3A_654, %scan3A_653 : i32
          %mul3A_656 = arith.constant 16 : i32
          %mul3A_657 = arith.muli %add3A_655, %mul3A_656 : i32
          %get3A = arith.index_cast %mul3A_657 : i32 to index
          %get3A_658 = tpu.vector_load %arg6[%get3A] {strides = array<i32>} : memref<2048xi32, #tpu.memory_space<vmem>>, vector<16xi32>,
          %get3A_659 = vector.shape_cast %get3A_658 : vector<16xi32> to vector<16xi32>
          %get3A_660 = arith.index_cast %mul3A_657 : i32 to index
          %get3A_661 = tpu.vector_load %arg7[%get3A_660] {strides = array<i32>} : memref<2048xi32, #tpu.memory_space<vmem>>, vector<16xi32>,
          %get3A_662 = vector.shape_cast %get3A_661 : vector<16xi32> to vector<16xi32>
          %mul3A_663 = arith.constant 16 : i32
          %mul3A_664 = arith.muli %add3A_655, %mul3A_663 : i32
          %add3A_665 = arith.addi %add3A_236, %mul3A_664 : i32
          %iota3A = tpu.iota {dimensions = array<i32: 0>} : vector<16xi32>
          %add3A_666 = vector.broadcast %add3A_665 : i32 to vector<16xi32>
          %add3A_667 = arith.addi %add3A_666, %iota3A : vector<16xi32>
          %sub3A = vector.broadcast %add3A : i32 to vector<16xi32>
          %sub3A_668 = arith.subi %get3A_659, %sub3A : vector<16xi32>
          %ge3A = arith.constant 0 : i32
          %ge3A_669 = vector.broadcast %ge3A : i32 to vector<16xi32>
          %ge3A_670 = arith.cmpi sge, %sub3A_668, %ge3A_669 : vector<16xi32>
          %lt3A = arith.constant 1250 : i32
          %lt3A_671 = vector.broadcast %lt3A : i32 to vector<16xi32>
          %lt3A_672 = arith.cmpi slt, %sub3A_668, %lt3A_671 : vector<16xi32>
          %and3A = arith.andi %ge3A_670, %lt3A_672 : vector<16xi1>
          %lt3A_673 = vector.broadcast %add3A_216 : i32 to vector<16xi32>
          %lt3A_674 = arith.cmpi slt, %add3A_667, %lt3A_673 : vector<16xi32>
          %and3A_675 = arith.andi %and3A, %lt3A_674 : vector<16xi1>
          %and3A_676 = arith.constant 3 : i32
          %and3A_677 = vector.broadcast %and3A_676 : i32 to vector<16xi32>
          %and3A_678 = arith.andi %get3A_662, %and3A_677 : vector<16xi32>
          %mul3A_679 = arith.constant 1250 : i32
          %mul3A_680 = vector.broadcast %mul3A_679 : i32 to vector<16xi32>
          %mul3A_681 = arith.muli %and3A_678, %mul3A_680 : vector<16xi32>
          %add3A_682 = arith.addi %mul3A_681, %sub3A_668 : vector<16xi32>
          %mul3A_683 = arith.constant 320 : i32
          %mul3A_684 = vector.broadcast %mul3A_683 : i32 to vector<16xi32>
          %mul3A_685 = arith.muli %add3A_682, %mul3A_684 : vector<16xi32>
          %shift_right_logical3A = arith.constant 5 : i32
          %shift_right_logical3A_686 = vector.broadcast %shift_right_logical3A : i32 to vector<16xi32>
          %shift_right_logical3A_687 = arith.shrui %get3A_662, %shift_right_logical3A_686 : vector<16xi32>
          %add3A_688 = arith.addi %mul3A_685, %shift_right_logical3A_687 : vector<16xi32>
          %and3A_689 = arith.constant 127 : i32
          %and3A_690 = vector.broadcast %and3A_689 : i32 to vector<16xi32>
          %and3A_691 = arith.andi %add3A_667, %and3A_690 : vector<16xi32>
          %add3A_692 = arith.constant 1600000 : i32
          %add3A_693 = vector.broadcast %add3A_692 : i32 to vector<16xi32>
          %add3A_694 = arith.addi %add3A_693, %and3A_691 : vector<16xi32>
          %select_n3A = arith.select %and3A_675, %add3A_688, %add3A_694 : vector<16xi1>, vector<16xi32>
          %shift_right_logical3A_695 = arith.constant 2 : i32
          %shift_right_logical3A_696 = vector.broadcast %shift_right_logical3A_695 : i32 to vector<16xi32>
          %shift_right_logical3A_697 = arith.shrui %get3A_662, %shift_right_logical3A_696 : vector<16xi32>
          %and3A_698 = arith.constant 7 : i32
          %and3A_699 = vector.broadcast %and3A_698 : i32 to vector<16xi32>
          %and3A_700 = arith.andi %shift_right_logical3A_697, %and3A_699 : vector<16xi32>
          %mul3A_701 = arith.constant 4 : i32
          %mul3A_702 = vector.broadcast %mul3A_701 : i32 to vector<16xi32>
          %mul3A_703 = arith.muli %and3A_700, %mul3A_702 : vector<16xi32>
          %shift_left3A = arith.constant 1 : i32
          %shift_left3A_704 = vector.broadcast %shift_left3A : i32 to vector<16xi32>
          %shift_left3A_705 = arith.shli %shift_left3A_704, %mul3A_703 : vector<16xi32>
          %jit3A = arith.constant 0 : i32
          %broadcast_in_dim3A = vector.broadcast %jit3A : i32 to vector<16xi32>
          %select_n3A_706 = arith.select %and3A_675, %shift_left3A_705, %broadcast_in_dim3A : vector<16xi1>, vector<16xi32>
          %mul3A_707 = arith.constant 16 : i32
          %mul3A_708 = arith.muli %scan3A_653, %mul3A_707 : i32
          %swap3A = arith.constant 13 : i32
          %swap3A_709 = arith.index_cast %swap3A : i32 to index
          %swap3A_710 = arith.index_cast %mul3A_708 : i32 to index
          %swap3A_711 = tpu.vector_load %arg8[%swap3A_709, %swap3A_710] {strides = array<i32>} : memref<16x128xi32, #tpu.memory_space<vmem>>, vector<1x16xi32>,
          %swap3A_712 = vector.shape_cast %swap3A_711 : vector<1x16xi32> to vector<16xi32>
          %swap3A_713 = vector.shape_cast %select_n3A : vector<16xi32> to vector<1x16xi32>
          tpu.vector_store %arg8[%swap3A_709, %swap3A_710], %swap3A_713 {strides = array<i32>} : memref<16x128xi32, #tpu.memory_space<vmem>>, vector<1x16xi32>,
          %swap3A_714 = arith.constant 13 : i32
          %swap3A_715 = arith.index_cast %swap3A_714 : i32 to index
          %swap3A_716 = arith.index_cast %mul3A_708 : i32 to index
          %swap3A_717 = tpu.vector_load %arg9[%swap3A_715, %swap3A_716] {strides = array<i32>} : memref<16x128xi32, #tpu.memory_space<vmem>>, vector<1x16xi32>,
          %swap3A_718 = vector.shape_cast %swap3A_717 : vector<1x16xi32> to vector<16xi32>
          %swap3A_719 = vector.shape_cast %select_n3A_706 : vector<16xi32> to vector<1x16xi32>
          tpu.vector_store %arg9[%swap3A_715, %swap3A_716], %swap3A_719 {strides = array<i32>} : memref<16x128xi32, #tpu.memory_space<vmem>>, vector<1x16xi32>,
        }
        %scan3A_450 = arith.constant 8 : i32
        %dma_start3A_451 = arith.constant 13 : i32
        %dma_start3A_452 = arith.constant 13 : i32
        %dma_start3A_453 = arith.constant 0 : i32
        %dma_start3A_454 = tpu.memref_slice %arg9[%dma_start3A_451, %dma_start3A_453] : memref<16x128xi32, #tpu.memory_space<vmem>> -> memref<1x128xi32, #tpu.memory_space<vmem>>
        %dma_start3A_455 = tpu.memref_squeeze %dma_start3A_454 : memref<1x128xi32, #tpu.memory_space<vmem>> -> memref<128xi32, #tpu.memory_space<vmem>>
        %dma_start3A_456 = arith.constant 0 : i32
        %dma_start3A_457 = tpu.memref_slice %arg8[%dma_start3A_452, %dma_start3A_456] : memref<16x128xi32, #tpu.memory_space<vmem>> -> memref<1x128xi32, #tpu.memory_space<vmem>>
        %dma_start3A_458 = tpu.memref_squeeze %dma_start3A_457 : memref<1x128xi32, #tpu.memory_space<vmem>> -> memref<128xi32, #tpu.memory_space<vmem>>
        %dma_start3A_459 = arith.constant 0 : i32
        %dma_start3A_460 = tpu.memref_slice %arg5[%dma_start3A_459] : memref<1600160xi32, #tpu.memory_space<vmem_shared>> -> memref<1600160xi32, #tpu.memory_space<vmem_shared>>
        tpu.enqueue_indirect_dma source(%dma_start3A_455 : memref<128xi32, #tpu.memory_space<vmem>>) target(%dma_start3A_460 : memref<1600160xi32, #tpu.memory_space<vmem_shared>>) offsets(%dma_start3A_458 : memref<128xi32, #tpu.memory_space<vmem>>) semaphore(%arg13 : memref<!tpu.dma_semaphore, #tpu.memory_space<semaphore_mem>>) {add = true}
        %scan3A_461 = arith.constant 0 : i32
        %scan3A_462 = arith.constant 0 : i32
        %scan3A_463 = arith.constant 8 : i32
        %scan3A_464 = arith.addi %scan3A_462, %scan3A_463 : i32
        %scan3A_465 = arith.constant 1 : i32
        scf.for %scan3A_653 = %scan3A_462 to %scan3A_464 step %scan3A_465  : i32 {
          %add3A_654 = arith.constant 112 : i32
          %add3A_655 = arith.addi %add3A_654, %scan3A_653 : i32
          %mul3A_656 = arith.constant 16 : i32
          %mul3A_657 = arith.muli %add3A_655, %mul3A_656 : i32
          %get3A = arith.index_cast %mul3A_657 : i32 to index
          %get3A_658 = tpu.vector_load %arg6[%get3A] {strides = array<i32>} : memref<2048xi32, #tpu.memory_space<vmem>>, vector<16xi32>,
          %get3A_659 = vector.shape_cast %get3A_658 : vector<16xi32> to vector<16xi32>
          %get3A_660 = arith.index_cast %mul3A_657 : i32 to index
          %get3A_661 = tpu.vector_load %arg7[%get3A_660] {strides = array<i32>} : memref<2048xi32, #tpu.memory_space<vmem>>, vector<16xi32>,
          %get3A_662 = vector.shape_cast %get3A_661 : vector<16xi32> to vector<16xi32>
          %mul3A_663 = arith.constant 16 : i32
          %mul3A_664 = arith.muli %add3A_655, %mul3A_663 : i32
          %add3A_665 = arith.addi %add3A_236, %mul3A_664 : i32
          %iota3A = tpu.iota {dimensions = array<i32: 0>} : vector<16xi32>
          %add3A_666 = vector.broadcast %add3A_665 : i32 to vector<16xi32>
          %add3A_667 = arith.addi %add3A_666, %iota3A : vector<16xi32>
          %sub3A = vector.broadcast %add3A : i32 to vector<16xi32>
          %sub3A_668 = arith.subi %get3A_659, %sub3A : vector<16xi32>
          %ge3A = arith.constant 0 : i32
          %ge3A_669 = vector.broadcast %ge3A : i32 to vector<16xi32>
          %ge3A_670 = arith.cmpi sge, %sub3A_668, %ge3A_669 : vector<16xi32>
          %lt3A = arith.constant 1250 : i32
          %lt3A_671 = vector.broadcast %lt3A : i32 to vector<16xi32>
          %lt3A_672 = arith.cmpi slt, %sub3A_668, %lt3A_671 : vector<16xi32>
          %and3A = arith.andi %ge3A_670, %lt3A_672 : vector<16xi1>
          %lt3A_673 = vector.broadcast %add3A_216 : i32 to vector<16xi32>
          %lt3A_674 = arith.cmpi slt, %add3A_667, %lt3A_673 : vector<16xi32>
          %and3A_675 = arith.andi %and3A, %lt3A_674 : vector<16xi1>
          %and3A_676 = arith.constant 3 : i32
          %and3A_677 = vector.broadcast %and3A_676 : i32 to vector<16xi32>
          %and3A_678 = arith.andi %get3A_662, %and3A_677 : vector<16xi32>
          %mul3A_679 = arith.constant 1250 : i32
          %mul3A_680 = vector.broadcast %mul3A_679 : i32 to vector<16xi32>
          %mul3A_681 = arith.muli %and3A_678, %mul3A_680 : vector<16xi32>
          %add3A_682 = arith.addi %mul3A_681, %sub3A_668 : vector<16xi32>
          %mul3A_683 = arith.constant 320 : i32
          %mul3A_684 = vector.broadcast %mul3A_683 : i32 to vector<16xi32>
          %mul3A_685 = arith.muli %add3A_682, %mul3A_684 : vector<16xi32>
          %shift_right_logical3A = arith.constant 5 : i32
          %shift_right_logical3A_686 = vector.broadcast %shift_right_logical3A : i32 to vector<16xi32>
          %shift_right_logical3A_687 = arith.shrui %get3A_662, %shift_right_logical3A_686 : vector<16xi32>
          %add3A_688 = arith.addi %mul3A_685, %shift_right_logical3A_687 : vector<16xi32>
          %and3A_689 = arith.constant 127 : i32
          %and3A_690 = vector.broadcast %and3A_689 : i32 to vector<16xi32>
          %and3A_691 = arith.andi %add3A_667, %and3A_690 : vector<16xi32>
          %add3A_692 = arith.constant 1600000 : i32
          %add3A_693 = vector.broadcast %add3A_692 : i32 to vector<16xi32>
          %add3A_694 = arith.addi %add3A_693, %and3A_691 : vector<16xi32>
          %select_n3A = arith.select %and3A_675, %add3A_688, %add3A_694 : vector<16xi1>, vector<16xi32>
          %shift_right_logical3A_695 = arith.constant 2 : i32
          %shift_right_logical3A_696 = vector.broadcast %shift_right_logical3A_695 : i32 to vector<16xi32>
          %shift_right_logical3A_697 = arith.shrui %get3A_662, %shift_right_logical3A_696 : vector<16xi32>
          %and3A_698 = arith.constant 7 : i32
          %and3A_699 = vector.broadcast %and3A_698 : i32 to vector<16xi32>
          %and3A_700 = arith.andi %shift_right_logical3A_697, %and3A_699 : vector<16xi32>
          %mul3A_701 = arith.constant 4 : i32
          %mul3A_702 = vector.broadcast %mul3A_701 : i32 to vector<16xi32>
          %mul3A_703 = arith.muli %and3A_700, %mul3A_702 : vector<16xi32>
          %shift_left3A = arith.constant 1 : i32
          %shift_left3A_704 = vector.broadcast %shift_left3A : i32 to vector<16xi32>
          %shift_left3A_705 = arith.shli %shift_left3A_704, %mul3A_703 : vector<16xi32>
          %jit3A = arith.constant 0 : i32
          %broadcast_in_dim3A = vector.broadcast %jit3A : i32 to vector<16xi32>
          %select_n3A_706 = arith.select %and3A_675, %shift_left3A_705, %broadcast_in_dim3A : vector<16xi1>, vector<16xi32>
          %mul3A_707 = arith.constant 16 : i32
          %mul3A_708 = arith.muli %scan3A_653, %mul3A_707 : i32
          %swap3A = arith.constant 14 : i32
          %swap3A_709 = arith.index_cast %swap3A : i32 to index
          %swap3A_710 = arith.index_cast %mul3A_708 : i32 to index
          %swap3A_711 = tpu.vector_load %arg8[%swap3A_709, %swap3A_710] {strides = array<i32>} : memref<16x128xi32, #tpu.memory_space<vmem>>, vector<1x16xi32>,
          %swap3A_712 = vector.shape_cast %swap3A_711 : vector<1x16xi32> to vector<16xi32>
          %swap3A_713 = vector.shape_cast %select_n3A : vector<16xi32> to vector<1x16xi32>
          tpu.vector_store %arg8[%swap3A_709, %swap3A_710], %swap3A_713 {strides = array<i32>} : memref<16x128xi32, #tpu.memory_space<vmem>>, vector<1x16xi32>,
          %swap3A_714 = arith.constant 14 : i32
          %swap3A_715 = arith.index_cast %swap3A_714 : i32 to index
          %swap3A_716 = arith.index_cast %mul3A_708 : i32 to index
          %swap3A_717 = tpu.vector_load %arg9[%swap3A_715, %swap3A_716] {strides = array<i32>} : memref<16x128xi32, #tpu.memory_space<vmem>>, vector<1x16xi32>,
          %swap3A_718 = vector.shape_cast %swap3A_717 : vector<1x16xi32> to vector<16xi32>
          %swap3A_719 = vector.shape_cast %select_n3A_706 : vector<16xi32> to vector<1x16xi32>
          tpu.vector_store %arg9[%swap3A_715, %swap3A_716], %swap3A_719 {strides = array<i32>} : memref<16x128xi32, #tpu.memory_space<vmem>>, vector<1x16xi32>,
        }
        %scan3A_466 = arith.constant 8 : i32
        %dma_start3A_467 = arith.constant 14 : i32
        %dma_start3A_468 = arith.constant 14 : i32
        %dma_start3A_469 = arith.constant 0 : i32
        %dma_start3A_470 = tpu.memref_slice %arg9[%dma_start3A_467, %dma_start3A_469] : memref<16x128xi32, #tpu.memory_space<vmem>> -> memref<1x128xi32, #tpu.memory_space<vmem>>
        %dma_start3A_471 = tpu.memref_squeeze %dma_start3A_470 : memref<1x128xi32, #tpu.memory_space<vmem>> -> memref<128xi32, #tpu.memory_space<vmem>>
        %dma_start3A_472 = arith.constant 0 : i32
        %dma_start3A_473 = tpu.memref_slice %arg8[%dma_start3A_468, %dma_start3A_472] : memref<16x128xi32, #tpu.memory_space<vmem>> -> memref<1x128xi32, #tpu.memory_space<vmem>>
        %dma_start3A_474 = tpu.memref_squeeze %dma_start3A_473 : memref<1x128xi32, #tpu.memory_space<vmem>> -> memref<128xi32, #tpu.memory_space<vmem>>
        %dma_start3A_475 = arith.constant 0 : i32
        %dma_start3A_476 = tpu.memref_slice %arg5[%dma_start3A_475] : memref<1600160xi32, #tpu.memory_space<vmem_shared>> -> memref<1600160xi32, #tpu.memory_space<vmem_shared>>
        tpu.enqueue_indirect_dma source(%dma_start3A_471 : memref<128xi32, #tpu.memory_space<vmem>>) target(%dma_start3A_476 : memref<1600160xi32, #tpu.memory_space<vmem_shared>>) offsets(%dma_start3A_474 : memref<128xi32, #tpu.memory_space<vmem>>) semaphore(%arg13 : memref<!tpu.dma_semaphore, #tpu.memory_space<semaphore_mem>>) {add = true}
        %scan3A_477 = arith.constant 0 : i32
        %scan3A_478 = arith.constant 0 : i32
        %scan3A_479 = arith.constant 8 : i32
        %scan3A_480 = arith.addi %scan3A_478, %scan3A_479 : i32
        %scan3A_481 = arith.constant 1 : i32
        scf.for %scan3A_653 = %scan3A_478 to %scan3A_480 step %scan3A_481  : i32 {
          %add3A_654 = arith.constant 120 : i32
          %add3A_655 = arith.addi %add3A_654, %scan3A_653 : i32
          %mul3A_656 = arith.constant 16 : i32
          %mul3A_657 = arith.muli %add3A_655, %mul3A_656 : i32
          %get3A = arith.index_cast %mul3A_657 : i32 to index
          %get3A_658 = tpu.vector_load %arg6[%get3A] {strides = array<i32>} : memref<2048xi32, #tpu.memory_space<vmem>>, vector<16xi32>,
          %get3A_659 = vector.shape_cast %get3A_658 : vector<16xi32> to vector<16xi32>
          %get3A_660 = arith.index_cast %mul3A_657 : i32 to index
          %get3A_661 = tpu.vector_load %arg7[%get3A_660] {strides = array<i32>} : memref<2048xi32, #tpu.memory_space<vmem>>, vector<16xi32>,
          %get3A_662 = vector.shape_cast %get3A_661 : vector<16xi32> to vector<16xi32>
          %mul3A_663 = arith.constant 16 : i32
          %mul3A_664 = arith.muli %add3A_655, %mul3A_663 : i32
          %add3A_665 = arith.addi %add3A_236, %mul3A_664 : i32
          %iota3A = tpu.iota {dimensions = array<i32: 0>} : vector<16xi32>
          %add3A_666 = vector.broadcast %add3A_665 : i32 to vector<16xi32>
          %add3A_667 = arith.addi %add3A_666, %iota3A : vector<16xi32>
          %sub3A = vector.broadcast %add3A : i32 to vector<16xi32>
          %sub3A_668 = arith.subi %get3A_659, %sub3A : vector<16xi32>
          %ge3A = arith.constant 0 : i32
          %ge3A_669 = vector.broadcast %ge3A : i32 to vector<16xi32>
          %ge3A_670 = arith.cmpi sge, %sub3A_668, %ge3A_669 : vector<16xi32>
          %lt3A = arith.constant 1250 : i32
          %lt3A_671 = vector.broadcast %lt3A : i32 to vector<16xi32>
          %lt3A_672 = arith.cmpi slt, %sub3A_668, %lt3A_671 : vector<16xi32>
          %and3A = arith.andi %ge3A_670, %lt3A_672 : vector<16xi1>
          %lt3A_673 = vector.broadcast %add3A_216 : i32 to vector<16xi32>
          %lt3A_674 = arith.cmpi slt, %add3A_667, %lt3A_673 : vector<16xi32>
          %and3A_675 = arith.andi %and3A, %lt3A_674 : vector<16xi1>
          %and3A_676 = arith.constant 3 : i32
          %and3A_677 = vector.broadcast %and3A_676 : i32 to vector<16xi32>
          %and3A_678 = arith.andi %get3A_662, %and3A_677 : vector<16xi32>
          %mul3A_679 = arith.constant 1250 : i32
          %mul3A_680 = vector.broadcast %mul3A_679 : i32 to vector<16xi32>
          %mul3A_681 = arith.muli %and3A_678, %mul3A_680 : vector<16xi32>
          %add3A_682 = arith.addi %mul3A_681, %sub3A_668 : vector<16xi32>
          %mul3A_683 = arith.constant 320 : i32
          %mul3A_684 = vector.broadcast %mul3A_683 : i32 to vector<16xi32>
          %mul3A_685 = arith.muli %add3A_682, %mul3A_684 : vector<16xi32>
          %shift_right_logical3A = arith.constant 5 : i32
          %shift_right_logical3A_686 = vector.broadcast %shift_right_logical3A : i32 to vector<16xi32>
          %shift_right_logical3A_687 = arith.shrui %get3A_662, %shift_right_logical3A_686 : vector<16xi32>
          %add3A_688 = arith.addi %mul3A_685, %shift_right_logical3A_687 : vector<16xi32>
          %and3A_689 = arith.constant 127 : i32
          %and3A_690 = vector.broadcast %and3A_689 : i32 to vector<16xi32>
          %and3A_691 = arith.andi %add3A_667, %and3A_690 : vector<16xi32>
          %add3A_692 = arith.constant 1600000 : i32
          %add3A_693 = vector.broadcast %add3A_692 : i32 to vector<16xi32>
          %add3A_694 = arith.addi %add3A_693, %and3A_691 : vector<16xi32>
          %select_n3A = arith.select %and3A_675, %add3A_688, %add3A_694 : vector<16xi1>, vector<16xi32>
          %shift_right_logical3A_695 = arith.constant 2 : i32
          %shift_right_logical3A_696 = vector.broadcast %shift_right_logical3A_695 : i32 to vector<16xi32>
          %shift_right_logical3A_697 = arith.shrui %get3A_662, %shift_right_logical3A_696 : vector<16xi32>
          %and3A_698 = arith.constant 7 : i32
          %and3A_699 = vector.broadcast %and3A_698 : i32 to vector<16xi32>
          %and3A_700 = arith.andi %shift_right_logical3A_697, %and3A_699 : vector<16xi32>
          %mul3A_701 = arith.constant 4 : i32
          %mul3A_702 = vector.broadcast %mul3A_701 : i32 to vector<16xi32>
          %mul3A_703 = arith.muli %and3A_700, %mul3A_702 : vector<16xi32>
          %shift_left3A = arith.constant 1 : i32
          %shift_left3A_704 = vector.broadcast %shift_left3A : i32 to vector<16xi32>
          %shift_left3A_705 = arith.shli %shift_left3A_704, %mul3A_703 : vector<16xi32>
          %jit3A = arith.constant 0 : i32
          %broadcast_in_dim3A = vector.broadcast %jit3A : i32 to vector<16xi32>
          %select_n3A_706 = arith.select %and3A_675, %shift_left3A_705, %broadcast_in_dim3A : vector<16xi1>, vector<16xi32>
          %mul3A_707 = arith.constant 16 : i32
          %mul3A_708 = arith.muli %scan3A_653, %mul3A_707 : i32
          %swap3A = arith.constant 15 : i32
          %swap3A_709 = arith.index_cast %swap3A : i32 to index
          %swap3A_710 = arith.index_cast %mul3A_708 : i32 to index
          %swap3A_711 = tpu.vector_load %arg8[%swap3A_709, %swap3A_710] {strides = array<i32>} : memref<16x128xi32, #tpu.memory_space<vmem>>, vector<1x16xi32>,
          %swap3A_712 = vector.shape_cast %swap3A_711 : vector<1x16xi32> to vector<16xi32>
          %swap3A_713 = vector.shape_cast %select_n3A : vector<16xi32> to vector<1x16xi32>
          tpu.vector_store %arg8[%swap3A_709, %swap3A_710], %swap3A_713 {strides = array<i32>} : memref<16x128xi32, #tpu.memory_space<vmem>>, vector<1x16xi32>,
          %swap3A_714 = arith.constant 15 : i32
          %swap3A_715 = arith.index_cast %swap3A_714 : i32 to index
          %swap3A_716 = arith.index_cast %mul3A_708 : i32 to index
          %swap3A_717 = tpu.vector_load %arg9[%swap3A_715, %swap3A_716] {strides = array<i32>} : memref<16x128xi32, #tpu.memory_space<vmem>>, vector<1x16xi32>,
          %swap3A_718 = vector.shape_cast %swap3A_717 : vector<1x16xi32> to vector<16xi32>
          %swap3A_719 = vector.shape_cast %select_n3A_706 : vector<16xi32> to vector<1x16xi32>
          tpu.vector_store %arg9[%swap3A_715, %swap3A_716], %swap3A_719 {strides = array<i32>} : memref<16x128xi32, #tpu.memory_space<vmem>>, vector<1x16xi32>,
        }
        %scan3A_482 = arith.constant 8 : i32
        %dma_start3A_483 = arith.constant 15 : i32
        %dma_start3A_484 = arith.constant 15 : i32
        %dma_start3A_485 = arith.constant 0 : i32
        %dma_start3A_486 = tpu.memref_slice %arg9[%dma_start3A_483, %dma_start3A_485] : memref<16x128xi32, #tpu.memory_space<vmem>> -> memref<1x128xi32, #tpu.memory_space<vmem>>
        %dma_start3A_487 = tpu.memref_squeeze %dma_start3A_486 : memref<1x128xi32, #tpu.memory_space<vmem>> -> memref<128xi32, #tpu.memory_space<vmem>>
        %dma_start3A_488 = arith.constant 0 : i32
        %dma_start3A_489 = tpu.memref_slice %arg8[%dma_start3A_484, %dma_start3A_488] : memref<16x128xi32, #tpu.memory_space<vmem>> -> memref<1x128xi32, #tpu.memory_space<vmem>>
        %dma_start3A_490 = tpu.memref_squeeze %dma_start3A_489 : memref<1x128xi32, #tpu.memory_space<vmem>> -> memref<128xi32, #tpu.memory_space<vmem>>
        %dma_start3A_491 = arith.constant 0 : i32
        %dma_start3A_492 = tpu.memref_slice %arg5[%dma_start3A_491] : memref<1600160xi32, #tpu.memory_space<vmem_shared>> -> memref<1600160xi32, #tpu.memory_space<vmem_shared>>
        tpu.enqueue_indirect_dma source(%dma_start3A_487 : memref<128xi32, #tpu.memory_space<vmem>>) target(%dma_start3A_492 : memref<1600160xi32, #tpu.memory_space<vmem_shared>>) offsets(%dma_start3A_490 : memref<128xi32, #tpu.memory_space<vmem>>) semaphore(%arg13 : memref<!tpu.dma_semaphore, #tpu.memory_space<semaphore_mem>>) {add = true}
        %dma_wait3A_493 = arith.constant 0 : i32
        %dma_wait3A_494 = arith.constant 0 : i32
        %dma_wait3A_495 = arith.constant 0 : i32
        %dma_wait3A_496 = tpu.memref_slice %arg9[%dma_wait3A_493, %dma_wait3A_495] : memref<16x128xi32, #tpu.memory_space<vmem>> -> memref<1x128xi32, #tpu.memory_space<vmem>>
        %dma_wait3A_497 = tpu.memref_squeeze %dma_wait3A_496 : memref<1x128xi32, #tpu.memory_space<vmem>> -> memref<128xi32, #tpu.memory_space<vmem>>
        %dma_wait3A_498 = arith.constant 0 : i32
        %dma_wait3A_499 = tpu.memref_slice %arg8[%dma_wait3A_494, %dma_wait3A_498] : memref<16x128xi32, #tpu.memory_space<vmem>> -> memref<1x128xi32, #tpu.memory_space<vmem>>
        %dma_wait3A_500 = tpu.memref_squeeze %dma_wait3A_499 : memref<1x128xi32, #tpu.memory_space<vmem>> -> memref<128xi32, #tpu.memory_space<vmem>>
        %dma_wait3A_501 = arith.constant 0 : i32
        %dma_wait3A_502 = tpu.memref_slice %arg5[%dma_wait3A_501] : memref<1600160xi32, #tpu.memory_space<vmem_shared>> -> memref<1600160xi32, #tpu.memory_space<vmem_shared>>
        tpu.wait_indirect_dma semaphore(%arg13 : memref<!tpu.dma_semaphore, #tpu.memory_space<semaphore_mem>>) src(%dma_wait3A_497 : memref<128xi32, #tpu.memory_space<vmem>>) dst(%dma_wait3A_502 : memref<1600160xi32, #tpu.memory_space<vmem_shared>>)
        %dma_wait3A_503 = arith.constant 1 : i32
        %dma_wait3A_504 = arith.constant 1 : i32
        %dma_wait3A_505 = arith.constant 0 : i32
        %dma_wait3A_506 = tpu.memref_slice %arg9[%dma_wait3A_503, %dma_wait3A_505] : memref<16x128xi32, #tpu.memory_space<vmem>> -> memref<1x128xi32, #tpu.memory_space<vmem>>
        %dma_wait3A_507 = tpu.memref_squeeze %dma_wait3A_506 : memref<1x128xi32, #tpu.memory_space<vmem>> -> memref<128xi32, #tpu.memory_space<vmem>>
        %dma_wait3A_508 = arith.constant 0 : i32
        %dma_wait3A_509 = tpu.memref_slice %arg8[%dma_wait3A_504, %dma_wait3A_508] : memref<16x128xi32, #tpu.memory_space<vmem>> -> memref<1x128xi32, #tpu.memory_space<vmem>>
        %dma_wait3A_510 = tpu.memref_squeeze %dma_wait3A_509 : memref<1x128xi32, #tpu.memory_space<vmem>> -> memref<128xi32, #tpu.memory_space<vmem>>
        %dma_wait3A_511 = arith.constant 0 : i32
        %dma_wait3A_512 = tpu.memref_slice %arg5[%dma_wait3A_511] : memref<1600160xi32, #tpu.memory_space<vmem_shared>> -> memref<1600160xi32, #tpu.memory_space<vmem_shared>>
        tpu.wait_indirect_dma semaphore(%arg13 : memref<!tpu.dma_semaphore, #tpu.memory_space<semaphore_mem>>) src(%dma_wait3A_507 : memref<128xi32, #tpu.memory_space<vmem>>) dst(%dma_wait3A_512 : memref<1600160xi32, #tpu.memory_space<vmem_shared>>)
        %dma_wait3A_513 = arith.constant 2 : i32
        %dma_wait3A_514 = arith.constant 2 : i32
        %dma_wait3A_515 = arith.constant 0 : i32
        %dma_wait3A_516 = tpu.memref_slice %arg9[%dma_wait3A_513, %dma_wait3A_515] : memref<16x128xi32, #tpu.memory_space<vmem>> -> memref<1x128xi32, #tpu.memory_space<vmem>>
        %dma_wait3A_517 = tpu.memref_squeeze %dma_wait3A_516 : memref<1x128xi32, #tpu.memory_space<vmem>> -> memref<128xi32, #tpu.memory_space<vmem>>
        %dma_wait3A_518 = arith.constant 0 : i32
        %dma_wait3A_519 = tpu.memref_slice %arg8[%dma_wait3A_514, %dma_wait3A_518] : memref<16x128xi32, #tpu.memory_space<vmem>> -> memref<1x128xi32, #tpu.memory_space<vmem>>
        %dma_wait3A_520 = tpu.memref_squeeze %dma_wait3A_519 : memref<1x128xi32, #tpu.memory_space<vmem>> -> memref<128xi32, #tpu.memory_space<vmem>>
        %dma_wait3A_521 = arith.constant 0 : i32
        %dma_wait3A_522 = tpu.memref_slice %arg5[%dma_wait3A_521] : memref<1600160xi32, #tpu.memory_space<vmem_shared>> -> memref<1600160xi32, #tpu.memory_space<vmem_shared>>
        tpu.wait_indirect_dma semaphore(%arg13 : memref<!tpu.dma_semaphore, #tpu.memory_space<semaphore_mem>>) src(%dma_wait3A_517 : memref<128xi32, #tpu.memory_space<vmem>>) dst(%dma_wait3A_522 : memref<1600160xi32, #tpu.memory_space<vmem_shared>>)
        %dma_wait3A_523 = arith.constant 3 : i32
        %dma_wait3A_524 = arith.constant 3 : i32
        %dma_wait3A_525 = arith.constant 0 : i32
        %dma_wait3A_526 = tpu.memref_slice %arg9[%dma_wait3A_523, %dma_wait3A_525] : memref<16x128xi32, #tpu.memory_space<vmem>> -> memref<1x128xi32, #tpu.memory_space<vmem>>
        %dma_wait3A_527 = tpu.memref_squeeze %dma_wait3A_526 : memref<1x128xi32, #tpu.memory_space<vmem>> -> memref<128xi32, #tpu.memory_space<vmem>>
        %dma_wait3A_528 = arith.constant 0 : i32
        %dma_wait3A_529 = tpu.memref_slice %arg8[%dma_wait3A_524, %dma_wait3A_528] : memref<16x128xi32, #tpu.memory_space<vmem>> -> memref<1x128xi32, #tpu.memory_space<vmem>>
        %dma_wait3A_530 = tpu.memref_squeeze %dma_wait3A_529 : memref<1x128xi32, #tpu.memory_space<vmem>> -> memref<128xi32, #tpu.memory_space<vmem>>
        %dma_wait3A_531 = arith.constant 0 : i32
        %dma_wait3A_532 = tpu.memref_slice %arg5[%dma_wait3A_531] : memref<1600160xi32, #tpu.memory_space<vmem_shared>> -> memref<1600160xi32, #tpu.memory_space<vmem_shared>>
        tpu.wait_indirect_dma semaphore(%arg13 : memref<!tpu.dma_semaphore, #tpu.memory_space<semaphore_mem>>) src(%dma_wait3A_527 : memref<128xi32, #tpu.memory_space<vmem>>) dst(%dma_wait3A_532 : memref<1600160xi32, #tpu.memory_space<vmem_shared>>)
        %dma_wait3A_533 = arith.constant 4 : i32
        %dma_wait3A_534 = arith.constant 4 : i32
        %dma_wait3A_535 = arith.constant 0 : i32
        %dma_wait3A_536 = tpu.memref_slice %arg9[%dma_wait3A_533, %dma_wait3A_535] : memref<16x128xi32, #tpu.memory_space<vmem>> -> memref<1x128xi32, #tpu.memory_space<vmem>>
        %dma_wait3A_537 = tpu.memref_squeeze %dma_wait3A_536 : memref<1x128xi32, #tpu.memory_space<vmem>> -> memref<128xi32, #tpu.memory_space<vmem>>
        %dma_wait3A_538 = arith.constant 0 : i32
        %dma_wait3A_539 = tpu.memref_slice %arg8[%dma_wait3A_534, %dma_wait3A_538] : memref<16x128xi32, #tpu.memory_space<vmem>> -> memref<1x128xi32, #tpu.memory_space<vmem>>
        %dma_wait3A_540 = tpu.memref_squeeze %dma_wait3A_539 : memref<1x128xi32, #tpu.memory_space<vmem>> -> memref<128xi32, #tpu.memory_space<vmem>>
        %dma_wait3A_541 = arith.constant 0 : i32
        %dma_wait3A_542 = tpu.memref_slice %arg5[%dma_wait3A_541] : memref<1600160xi32, #tpu.memory_space<vmem_shared>> -> memref<1600160xi32, #tpu.memory_space<vmem_shared>>
        tpu.wait_indirect_dma semaphore(%arg13 : memref<!tpu.dma_semaphore, #tpu.memory_space<semaphore_mem>>) src(%dma_wait3A_537 : memref<128xi32, #tpu.memory_space<vmem>>) dst(%dma_wait3A_542 : memref<1600160xi32, #tpu.memory_space<vmem_shared>>)
        %dma_wait3A_543 = arith.constant 5 : i32
        %dma_wait3A_544 = arith.constant 5 : i32
        %dma_wait3A_545 = arith.constant 0 : i32
        %dma_wait3A_546 = tpu.memref_slice %arg9[%dma_wait3A_543, %dma_wait3A_545] : memref<16x128xi32, #tpu.memory_space<vmem>> -> memref<1x128xi32, #tpu.memory_space<vmem>>
        %dma_wait3A_547 = tpu.memref_squeeze %dma_wait3A_546 : memref<1x128xi32, #tpu.memory_space<vmem>> -> memref<128xi32, #tpu.memory_space<vmem>>
        %dma_wait3A_548 = arith.constant 0 : i32
        %dma_wait3A_549 = tpu.memref_slice %arg8[%dma_wait3A_544, %dma_wait3A_548] : memref<16x128xi32, #tpu.memory_space<vmem>> -> memref<1x128xi32, #tpu.memory_space<vmem>>
        %dma_wait3A_550 = tpu.memref_squeeze %dma_wait3A_549 : memref<1x128xi32, #tpu.memory_space<vmem>> -> memref<128xi32, #tpu.memory_space<vmem>>
        %dma_wait3A_551 = arith.constant 0 : i32
        %dma_wait3A_552 = tpu.memref_slice %arg5[%dma_wait3A_551] : memref<1600160xi32, #tpu.memory_space<vmem_shared>> -> memref<1600160xi32, #tpu.memory_space<vmem_shared>>
        tpu.wait_indirect_dma semaphore(%arg13 : memref<!tpu.dma_semaphore, #tpu.memory_space<semaphore_mem>>) src(%dma_wait3A_547 : memref<128xi32, #tpu.memory_space<vmem>>) dst(%dma_wait3A_552 : memref<1600160xi32, #tpu.memory_space<vmem_shared>>)
        %dma_wait3A_553 = arith.constant 6 : i32
        %dma_wait3A_554 = arith.constant 6 : i32
        %dma_wait3A_555 = arith.constant 0 : i32
        %dma_wait3A_556 = tpu.memref_slice %arg9[%dma_wait3A_553, %dma_wait3A_555] : memref<16x128xi32, #tpu.memory_space<vmem>> -> memref<1x128xi32, #tpu.memory_space<vmem>>
        %dma_wait3A_557 = tpu.memref_squeeze %dma_wait3A_556 : memref<1x128xi32, #tpu.memory_space<vmem>> -> memref<128xi32, #tpu.memory_space<vmem>>
        %dma_wait3A_558 = arith.constant 0 : i32
        %dma_wait3A_559 = tpu.memref_slice %arg8[%dma_wait3A_554, %dma_wait3A_558] : memref<16x128xi32, #tpu.memory_space<vmem>> -> memref<1x128xi32, #tpu.memory_space<vmem>>
        %dma_wait3A_560 = tpu.memref_squeeze %dma_wait3A_559 : memref<1x128xi32, #tpu.memory_space<vmem>> -> memref<128xi32, #tpu.memory_space<vmem>>
        %dma_wait3A_561 = arith.constant 0 : i32
        %dma_wait3A_562 = tpu.memref_slice %arg5[%dma_wait3A_561] : memref<1600160xi32, #tpu.memory_space<vmem_shared>> -> memref<1600160xi32, #tpu.memory_space<vmem_shared>>
        tpu.wait_indirect_dma semaphore(%arg13 : memref<!tpu.dma_semaphore, #tpu.memory_space<semaphore_mem>>) src(%dma_wait3A_557 : memref<128xi32, #tpu.memory_space<vmem>>) dst(%dma_wait3A_562 : memref<1600160xi32, #tpu.memory_space<vmem_shared>>)
        %dma_wait3A_563 = arith.constant 7 : i32
        %dma_wait3A_564 = arith.constant 7 : i32
        %dma_wait3A_565 = arith.constant 0 : i32
        %dma_wait3A_566 = tpu.memref_slice %arg9[%dma_wait3A_563, %dma_wait3A_565] : memref<16x128xi32, #tpu.memory_space<vmem>> -> memref<1x128xi32, #tpu.memory_space<vmem>>
        %dma_wait3A_567 = tpu.memref_squeeze %dma_wait3A_566 : memref<1x128xi32, #tpu.memory_space<vmem>> -> memref<128xi32, #tpu.memory_space<vmem>>
        %dma_wait3A_568 = arith.constant 0 : i32
        %dma_wait3A_569 = tpu.memref_slice %arg8[%dma_wait3A_564, %dma_wait3A_568] : memref<16x128xi32, #tpu.memory_space<vmem>> -> memref<1x128xi32, #tpu.memory_space<vmem>>
        %dma_wait3A_570 = tpu.memref_squeeze %dma_wait3A_569 : memref<1x128xi32, #tpu.memory_space<vmem>> -> memref<128xi32, #tpu.memory_space<vmem>>
        %dma_wait3A_571 = arith.constant 0 : i32
        %dma_wait3A_572 = tpu.memref_slice %arg5[%dma_wait3A_571] : memref<1600160xi32, #tpu.memory_space<vmem_shared>> -> memref<1600160xi32, #tpu.memory_space<vmem_shared>>
        tpu.wait_indirect_dma semaphore(%arg13 : memref<!tpu.dma_semaphore, #tpu.memory_space<semaphore_mem>>) src(%dma_wait3A_567 : memref<128xi32, #tpu.memory_space<vmem>>) dst(%dma_wait3A_572 : memref<1600160xi32, #tpu.memory_space<vmem_shared>>)
        %dma_wait3A_573 = arith.constant 8 : i32
        %dma_wait3A_574 = arith.constant 8 : i32
        %dma_wait3A_575 = arith.constant 0 : i32
        %dma_wait3A_576 = tpu.memref_slice %arg9[%dma_wait3A_573, %dma_wait3A_575] : memref<16x128xi32, #tpu.memory_space<vmem>> -> memref<1x128xi32, #tpu.memory_space<vmem>>
        %dma_wait3A_577 = tpu.memref_squeeze %dma_wait3A_576 : memref<1x128xi32, #tpu.memory_space<vmem>> -> memref<128xi32, #tpu.memory_space<vmem>>
        %dma_wait3A_578 = arith.constant 0 : i32
        %dma_wait3A_579 = tpu.memref_slice %arg8[%dma_wait3A_574, %dma_wait3A_578] : memref<16x128xi32, #tpu.memory_space<vmem>> -> memref<1x128xi32, #tpu.memory_space<vmem>>
        %dma_wait3A_580 = tpu.memref_squeeze %dma_wait3A_579 : memref<1x128xi32, #tpu.memory_space<vmem>> -> memref<128xi32, #tpu.memory_space<vmem>>
        %dma_wait3A_581 = arith.constant 0 : i32
        %dma_wait3A_582 = tpu.memref_slice %arg5[%dma_wait3A_581] : memref<1600160xi32, #tpu.memory_space<vmem_shared>> -> memref<1600160xi32, #tpu.memory_space<vmem_shared>>
        tpu.wait_indirect_dma semaphore(%arg13 : memref<!tpu.dma_semaphore, #tpu.memory_space<semaphore_mem>>) src(%dma_wait3A_577 : memref<128xi32, #tpu.memory_space<vmem>>) dst(%dma_wait3A_582 : memref<1600160xi32, #tpu.memory_space<vmem_shared>>)
        %dma_wait3A_583 = arith.constant 9 : i32
        %dma_wait3A_584 = arith.constant 9 : i32
        %dma_wait3A_585 = arith.constant 0 : i32
        %dma_wait3A_586 = tpu.memref_slice %arg9[%dma_wait3A_583, %dma_wait3A_585] : memref<16x128xi32, #tpu.memory_space<vmem>> -> memref<1x128xi32, #tpu.memory_space<vmem>>
        %dma_wait3A_587 = tpu.memref_squeeze %dma_wait3A_586 : memref<1x128xi32, #tpu.memory_space<vmem>> -> memref<128xi32, #tpu.memory_space<vmem>>
        %dma_wait3A_588 = arith.constant 0 : i32
        %dma_wait3A_589 = tpu.memref_slice %arg8[%dma_wait3A_584, %dma_wait3A_588] : memref<16x128xi32, #tpu.memory_space<vmem>> -> memref<1x128xi32, #tpu.memory_space<vmem>>
        %dma_wait3A_590 = tpu.memref_squeeze %dma_wait3A_589 : memref<1x128xi32, #tpu.memory_space<vmem>> -> memref<128xi32, #tpu.memory_space<vmem>>
        %dma_wait3A_591 = arith.constant 0 : i32
        %dma_wait3A_592 = tpu.memref_slice %arg5[%dma_wait3A_591] : memref<1600160xi32, #tpu.memory_space<vmem_shared>> -> memref<1600160xi32, #tpu.memory_space<vmem_shared>>
        tpu.wait_indirect_dma semaphore(%arg13 : memref<!tpu.dma_semaphore, #tpu.memory_space<semaphore_mem>>) src(%dma_wait3A_587 : memref<128xi32, #tpu.memory_space<vmem>>) dst(%dma_wait3A_592 : memref<1600160xi32, #tpu.memory_space<vmem_shared>>)
        %dma_wait3A_593 = arith.constant 10 : i32
        %dma_wait3A_594 = arith.constant 10 : i32
        %dma_wait3A_595 = arith.constant 0 : i32
        %dma_wait3A_596 = tpu.memref_slice %arg9[%dma_wait3A_593, %dma_wait3A_595] : memref<16x128xi32, #tpu.memory_space<vmem>> -> memref<1x128xi32, #tpu.memory_space<vmem>>
        %dma_wait3A_597 = tpu.memref_squeeze %dma_wait3A_596 : memref<1x128xi32, #tpu.memory_space<vmem>> -> memref<128xi32, #tpu.memory_space<vmem>>
        %dma_wait3A_598 = arith.constant 0 : i32
        %dma_wait3A_599 = tpu.memref_slice %arg8[%dma_wait3A_594, %dma_wait3A_598] : memref<16x128xi32, #tpu.memory_space<vmem>> -> memref<1x128xi32, #tpu.memory_space<vmem>>
        %dma_wait3A_600 = tpu.memref_squeeze %dma_wait3A_599 : memref<1x128xi32, #tpu.memory_space<vmem>> -> memref<128xi32, #tpu.memory_space<vmem>>
        %dma_wait3A_601 = arith.constant 0 : i32
        %dma_wait3A_602 = tpu.memref_slice %arg5[%dma_wait3A_601] : memref<1600160xi32, #tpu.memory_space<vmem_shared>> -> memref<1600160xi32, #tpu.memory_space<vmem_shared>>
        tpu.wait_indirect_dma semaphore(%arg13 : memref<!tpu.dma_semaphore, #tpu.memory_space<semaphore_mem>>) src(%dma_wait3A_597 : memref<128xi32, #tpu.memory_space<vmem>>) dst(%dma_wait3A_602 : memref<1600160xi32, #tpu.memory_space<vmem_shared>>)
        %dma_wait3A_603 = arith.constant 11 : i32
        %dma_wait3A_604 = arith.constant 11 : i32
        %dma_wait3A_605 = arith.constant 0 : i32
        %dma_wait3A_606 = tpu.memref_slice %arg9[%dma_wait3A_603, %dma_wait3A_605] : memref<16x128xi32, #tpu.memory_space<vmem>> -> memref<1x128xi32, #tpu.memory_space<vmem>>
        %dma_wait3A_607 = tpu.memref_squeeze %dma_wait3A_606 : memref<1x128xi32, #tpu.memory_space<vmem>> -> memref<128xi32, #tpu.memory_space<vmem>>
        %dma_wait3A_608 = arith.constant 0 : i32
        %dma_wait3A_609 = tpu.memref_slice %arg8[%dma_wait3A_604, %dma_wait3A_608] : memref<16x128xi32, #tpu.memory_space<vmem>> -> memref<1x128xi32, #tpu.memory_space<vmem>>
        %dma_wait3A_610 = tpu.memref_squeeze %dma_wait3A_609 : memref<1x128xi32, #tpu.memory_space<vmem>> -> memref<128xi32, #tpu.memory_space<vmem>>
        %dma_wait3A_611 = arith.constant 0 : i32
        %dma_wait3A_612 = tpu.memref_slice %arg5[%dma_wait3A_611] : memref<1600160xi32, #tpu.memory_space<vmem_shared>> -> memref<1600160xi32, #tpu.memory_space<vmem_shared>>
        tpu.wait_indirect_dma semaphore(%arg13 : memref<!tpu.dma_semaphore, #tpu.memory_space<semaphore_mem>>) src(%dma_wait3A_607 : memref<128xi32, #tpu.memory_space<vmem>>) dst(%dma_wait3A_612 : memref<1600160xi32, #tpu.memory_space<vmem_shared>>)
        %dma_wait3A_613 = arith.constant 12 : i32
        %dma_wait3A_614 = arith.constant 12 : i32
        %dma_wait3A_615 = arith.constant 0 : i32
        %dma_wait3A_616 = tpu.memref_slice %arg9[%dma_wait3A_613, %dma_wait3A_615] : memref<16x128xi32, #tpu.memory_space<vmem>> -> memref<1x128xi32, #tpu.memory_space<vmem>>
        %dma_wait3A_617 = tpu.memref_squeeze %dma_wait3A_616 : memref<1x128xi32, #tpu.memory_space<vmem>> -> memref<128xi32, #tpu.memory_space<vmem>>
        %dma_wait3A_618 = arith.constant 0 : i32
        %dma_wait3A_619 = tpu.memref_slice %arg8[%dma_wait3A_614, %dma_wait3A_618] : memref<16x128xi32, #tpu.memory_space<vmem>> -> memref<1x128xi32, #tpu.memory_space<vmem>>
        %dma_wait3A_620 = tpu.memref_squeeze %dma_wait3A_619 : memref<1x128xi32, #tpu.memory_space<vmem>> -> memref<128xi32, #tpu.memory_space<vmem>>
        %dma_wait3A_621 = arith.constant 0 : i32
        %dma_wait3A_622 = tpu.memref_slice %arg5[%dma_wait3A_621] : memref<1600160xi32, #tpu.memory_space<vmem_shared>> -> memref<1600160xi32, #tpu.memory_space<vmem_shared>>
        tpu.wait_indirect_dma semaphore(%arg13 : memref<!tpu.dma_semaphore, #tpu.memory_space<semaphore_mem>>) src(%dma_wait3A_617 : memref<128xi32, #tpu.memory_space<vmem>>) dst(%dma_wait3A_622 : memref<1600160xi32, #tpu.memory_space<vmem_shared>>)
        %dma_wait3A_623 = arith.constant 13 : i32
        %dma_wait3A_624 = arith.constant 13 : i32
        %dma_wait3A_625 = arith.constant 0 : i32
        %dma_wait3A_626 = tpu.memref_slice %arg9[%dma_wait3A_623, %dma_wait3A_625] : memref<16x128xi32, #tpu.memory_space<vmem>> -> memref<1x128xi32, #tpu.memory_space<vmem>>
        %dma_wait3A_627 = tpu.memref_squeeze %dma_wait3A_626 : memref<1x128xi32, #tpu.memory_space<vmem>> -> memref<128xi32, #tpu.memory_space<vmem>>
        %dma_wait3A_628 = arith.constant 0 : i32
        %dma_wait3A_629 = tpu.memref_slice %arg8[%dma_wait3A_624, %dma_wait3A_628] : memref<16x128xi32, #tpu.memory_space<vmem>> -> memref<1x128xi32, #tpu.memory_space<vmem>>
        %dma_wait3A_630 = tpu.memref_squeeze %dma_wait3A_629 : memref<1x128xi32, #tpu.memory_space<vmem>> -> memref<128xi32, #tpu.memory_space<vmem>>
        %dma_wait3A_631 = arith.constant 0 : i32
        %dma_wait3A_632 = tpu.memref_slice %arg5[%dma_wait3A_631] : memref<1600160xi32, #tpu.memory_space<vmem_shared>> -> memref<1600160xi32, #tpu.memory_space<vmem_shared>>
        tpu.wait_indirect_dma semaphore(%arg13 : memref<!tpu.dma_semaphore, #tpu.memory_space<semaphore_mem>>) src(%dma_wait3A_627 : memref<128xi32, #tpu.memory_space<vmem>>) dst(%dma_wait3A_632 : memref<1600160xi32, #tpu.memory_space<vmem_shared>>)
        %dma_wait3A_633 = arith.constant 14 : i32
        %dma_wait3A_634 = arith.constant 14 : i32
        %dma_wait3A_635 = arith.constant 0 : i32
        %dma_wait3A_636 = tpu.memref_slice %arg9[%dma_wait3A_633, %dma_wait3A_635] : memref<16x128xi32, #tpu.memory_space<vmem>> -> memref<1x128xi32, #tpu.memory_space<vmem>>
        %dma_wait3A_637 = tpu.memref_squeeze %dma_wait3A_636 : memref<1x128xi32, #tpu.memory_space<vmem>> -> memref<128xi32, #tpu.memory_space<vmem>>
        %dma_wait3A_638 = arith.constant 0 : i32
        %dma_wait3A_639 = tpu.memref_slice %arg8[%dma_wait3A_634, %dma_wait3A_638] : memref<16x128xi32, #tpu.memory_space<vmem>> -> memref<1x128xi32, #tpu.memory_space<vmem>>
        %dma_wait3A_640 = tpu.memref_squeeze %dma_wait3A_639 : memref<1x128xi32, #tpu.memory_space<vmem>> -> memref<128xi32, #tpu.memory_space<vmem>>
        %dma_wait3A_641 = arith.constant 0 : i32
        %dma_wait3A_642 = tpu.memref_slice %arg5[%dma_wait3A_641] : memref<1600160xi32, #tpu.memory_space<vmem_shared>> -> memref<1600160xi32, #tpu.memory_space<vmem_shared>>
        tpu.wait_indirect_dma semaphore(%arg13 : memref<!tpu.dma_semaphore, #tpu.memory_space<semaphore_mem>>) src(%dma_wait3A_637 : memref<128xi32, #tpu.memory_space<vmem>>) dst(%dma_wait3A_642 : memref<1600160xi32, #tpu.memory_space<vmem_shared>>)
        %dma_wait3A_643 = arith.constant 15 : i32
        %dma_wait3A_644 = arith.constant 15 : i32
        %dma_wait3A_645 = arith.constant 0 : i32
        %dma_wait3A_646 = tpu.memref_slice %arg9[%dma_wait3A_643, %dma_wait3A_645] : memref<16x128xi32, #tpu.memory_space<vmem>> -> memref<1x128xi32, #tpu.memory_space<vmem>>
        %dma_wait3A_647 = tpu.memref_squeeze %dma_wait3A_646 : memref<1x128xi32, #tpu.memory_space<vmem>> -> memref<128xi32, #tpu.memory_space<vmem>>
        %dma_wait3A_648 = arith.constant 0 : i32
        %dma_wait3A_649 = tpu.memref_slice %arg8[%dma_wait3A_644, %dma_wait3A_648] : memref<16x128xi32, #tpu.memory_space<vmem>> -> memref<1x128xi32, #tpu.memory_space<vmem>>
        %dma_wait3A_650 = tpu.memref_squeeze %dma_wait3A_649 : memref<1x128xi32, #tpu.memory_space<vmem>> -> memref<128xi32, #tpu.memory_space<vmem>>
        %dma_wait3A_651 = arith.constant 0 : i32
        %dma_wait3A_652 = tpu.memref_slice %arg5[%dma_wait3A_651] : memref<1600160xi32, #tpu.memory_space<vmem_shared>> -> memref<1600160xi32, #tpu.memory_space<vmem_shared>>
        tpu.wait_indirect_dma semaphore(%arg13 : memref<!tpu.dma_semaphore, #tpu.memory_space<semaphore_mem>>) src(%dma_wait3A_647 : memref<128xi32, #tpu.memory_space<vmem>>) dst(%dma_wait3A_652 : memref<1600160xi32, #tpu.memory_space<vmem_shared>>)
      }
      %scan3A_222 = arith.constant 10 : i32
      %barrier3A_223 = arith.constant 0 : index
      tpu.barrier barrier_id(%barrier3A_223)
      %scan3A_224 = arith.constant 0 : i32
      %scan3A_225 = arith.constant 0 : i32
      %scan3A_226 = arith.constant 12 : i32
      %scan3A_227 = arith.addi %scan3A_225, %scan3A_226 : i32
      %scan3A_228 = arith.constant 1 : i32
      scf.for %scan3A_231 = %scan3A_225 to %scan3A_227 step %scan3A_228  : i32 {
        %mul3A_232 = arith.constant 25000 : i32
        %mul3A_233 = arith.muli %arg1, %mul3A_232 : i32
        %mul3A_234 = arith.constant 2096 : i32
        %mul3A_235 = arith.muli %scan3A_231, %mul3A_234 : i32
        %add3A_236 = arith.addi %mul3A_233, %mul3A_235 : i32
        %add3A_237 = arith.constant 0 : i32
        %add3A_238 = arith.addi %add3A_237, %add3A_236 : i32
        %dma_start3A_239 = arith.constant 0 : i32
        %dma_start3A_240 = arith.constant 0 : i32
        %dma_start3A_241 = tpu.memref_slice %arg11[%dma_start3A_239, %dma_start3A_240] : memref<4x2096xi32, #tpu.memory_space<vmem>> -> memref<1x2096xi32, #tpu.memory_space<vmem>>
        %dma_start3A_242 = tpu.memref_squeeze %dma_start3A_241 : memref<1x2096xi32, #tpu.memory_space<vmem>> -> memref<2096xi32, #tpu.memory_space<vmem>>
        %dma_start3A_243 = tpu.memref_slice %arg5[%add3A_238] : memref<1600160xi32, #tpu.memory_space<vmem_shared>> -> memref<2096xi32, #tpu.memory_space<vmem_shared>>
        %dma_start3A_244 = arith.constant 0 : i32
        %dma_start3A_245 = tpu.memref_slice %arg11[%dma_start3A_239, %dma_start3A_244] : memref<4x2096xi32, #tpu.memory_space<vmem>> -> memref<1x2096xi32, #tpu.memory_space<vmem>>
        %dma_start3A_246 = tpu.memref_squeeze %dma_start3A_245 : memref<1x2096xi32, #tpu.memory_space<vmem>> -> memref<2096xi32, #tpu.memory_space<vmem>>
        %dma_start3A_247 = tpu.memref_slice %arg5[%add3A_238] : memref<1600160xi32, #tpu.memory_space<vmem_shared>> -> memref<2096xi32, #tpu.memory_space<vmem_shared>>
        tpu.enqueue_dma source(%dma_start3A_247 : memref<2096xi32, #tpu.memory_space<vmem_shared>>) target(%dma_start3A_246 : memref<2096xi32, #tpu.memory_space<vmem>>) target_semaphore(%arg13 : memref<!tpu.dma_semaphore, #tpu.memory_space<semaphore_mem>>)
        %add3A_248 = arith.constant 400000 : i32
        %add3A_249 = arith.addi %add3A_248, %add3A_236 : i32
        %dma_start3A_250 = arith.constant 1 : i32
        %dma_start3A_251 = arith.constant 0 : i32
        %dma_start3A_252 = tpu.memref_slice %arg11[%dma_start3A_250, %dma_start3A_251] : memref<4x2096xi32, #tpu.memory_space<vmem>> -> memref<1x2096xi32, #tpu.memory_space<vmem>>
        %dma_start3A_253 = tpu.memref_squeeze %dma_start3A_252 : memref<1x2096xi32, #tpu.memory_space<vmem>> -> memref<2096xi32, #tpu.memory_space<vmem>>
        %dma_start3A_254 = tpu.memref_slice %arg5[%add3A_249] : memref<1600160xi32, #tpu.memory_space<vmem_shared>> -> memref<2096xi32, #tpu.memory_space<vmem_shared>>
        %dma_start3A_255 = arith.constant 0 : i32
        %dma_start3A_256 = tpu.memref_slice %arg11[%dma_start3A_250, %dma_start3A_255] : memref<4x2096xi32, #tpu.memory_space<vmem>> -> memref<1x2096xi32, #tpu.memory_space<vmem>>
        %dma_start3A_257 = tpu.memref_squeeze %dma_start3A_256 : memref<1x2096xi32, #tpu.memory_space<vmem>> -> memref<2096xi32, #tpu.memory_space<vmem>>
        %dma_start3A_258 = tpu.memref_slice %arg5[%add3A_249] : memref<1600160xi32, #tpu.memory_space<vmem_shared>> -> memref<2096xi32, #tpu.memory_space<vmem_shared>>
        tpu.enqueue_dma source(%dma_start3A_258 : memref<2096xi32, #tpu.memory_space<vmem_shared>>) target(%dma_start3A_257 : memref<2096xi32, #tpu.memory_space<vmem>>) target_semaphore(%arg13 : memref<!tpu.dma_semaphore, #tpu.memory_space<semaphore_mem>>)
        %add3A_259 = arith.constant 800000 : i32
        %add3A_260 = arith.addi %add3A_259, %add3A_236 : i32
        %dma_start3A_261 = arith.constant 2 : i32
        %dma_start3A_262 = arith.constant 0 : i32
        %dma_start3A_263 = tpu.memref_slice %arg11[%dma_start3A_261, %dma_start3A_262] : memref<4x2096xi32, #tpu.memory_space<vmem>> -> memref<1x2096xi32, #tpu.memory_space<vmem>>
        %dma_start3A_264 = tpu.memref_squeeze %dma_start3A_263 : memref<1x2096xi32, #tpu.memory_space<vmem>> -> memref<2096xi32, #tpu.memory_space<vmem>>
        %dma_start3A_265 = tpu.memref_slice %arg5[%add3A_260] : memref<1600160xi32, #tpu.memory_space<vmem_shared>> -> memref<2096xi32, #tpu.memory_space<vmem_shared>>
        %dma_start3A_266 = arith.constant 0 : i32
        %dma_start3A_267 = tpu.memref_slice %arg11[%dma_start3A_261, %dma_start3A_266] : memref<4x2096xi32, #tpu.memory_space<vmem>> -> memref<1x2096xi32, #tpu.memory_space<vmem>>
        %dma_start3A_268 = tpu.memref_squeeze %dma_start3A_267 : memref<1x2096xi32, #tpu.memory_space<vmem>> -> memref<2096xi32, #tpu.memory_space<vmem>>
        %dma_start3A_269 = tpu.memref_slice %arg5[%add3A_260] : memref<1600160xi32, #tpu.memory_space<vmem_shared>> -> memref<2096xi32, #tpu.memory_space<vmem_shared>>
        tpu.enqueue_dma source(%dma_start3A_269 : memref<2096xi32, #tpu.memory_space<vmem_shared>>) target(%dma_start3A_268 : memref<2096xi32, #tpu.memory_space<vmem>>) target_semaphore(%arg13 : memref<!tpu.dma_semaphore, #tpu.memory_space<semaphore_mem>>)
        %add3A_270 = arith.constant 1200000 : i32
        %add3A_271 = arith.addi %add3A_270, %add3A_236 : i32
        %dma_start3A_272 = arith.constant 3 : i32
        %dma_start3A_273 = arith.constant 0 : i32
        %dma_start3A_274 = tpu.memref_slice %arg11[%dma_start3A_272, %dma_start3A_273] : memref<4x2096xi32, #tpu.memory_space<vmem>> -> memref<1x2096xi32, #tpu.memory_space<vmem>>
        %dma_start3A_275 = tpu.memref_squeeze %dma_start3A_274 : memref<1x2096xi32, #tpu.memory_space<vmem>> -> memref<2096xi32, #tpu.memory_space<vmem>>
        %dma_start3A_276 = tpu.memref_slice %arg5[%add3A_271] : memref<1600160xi32, #tpu.memory_space<vmem_shared>> -> memref<2096xi32, #tpu.memory_space<vmem_shared>>
        %dma_start3A_277 = arith.constant 0 : i32
        %dma_start3A_278 = tpu.memref_slice %arg11[%dma_start3A_272, %dma_start3A_277] : memref<4x2096xi32, #tpu.memory_space<vmem>> -> memref<1x2096xi32, #tpu.memory_space<vmem>>
        %dma_start3A_279 = tpu.memref_squeeze %dma_start3A_278 : memref<1x2096xi32, #tpu.memory_space<vmem>> -> memref<2096xi32, #tpu.memory_space<vmem>>
        %dma_start3A_280 = tpu.memref_slice %arg5[%add3A_271] : memref<1600160xi32, #tpu.memory_space<vmem_shared>> -> memref<2096xi32, #tpu.memory_space<vmem_shared>>
        tpu.enqueue_dma source(%dma_start3A_280 : memref<2096xi32, #tpu.memory_space<vmem_shared>>) target(%dma_start3A_279 : memref<2096xi32, #tpu.memory_space<vmem>>) target_semaphore(%arg13 : memref<!tpu.dma_semaphore, #tpu.memory_space<semaphore_mem>>)
        %dma_wait3A_281 = arith.constant 0 : i32
        %dma_wait3A_282 = arith.constant 0 : i32
        %dma_wait3A_283 = tpu.memref_slice %arg11[%dma_wait3A_281, %dma_wait3A_282] : memref<4x2096xi32, #tpu.memory_space<vmem>> -> memref<1x2096xi32, #tpu.memory_space<vmem>>
        %dma_wait3A_284 = tpu.memref_squeeze %dma_wait3A_283 : memref<1x2096xi32, #tpu.memory_space<vmem>> -> memref<2096xi32, #tpu.memory_space<vmem>>
        %dma_wait3A_285 = tpu.memref_slice %arg5[%add3A_238] : memref<1600160xi32, #tpu.memory_space<vmem_shared>> -> memref<2096xi32, #tpu.memory_space<vmem_shared>>
        %dma_wait3A_286 = arith.constant 0 : i32
        %dma_wait3A_287 = tpu.memref_slice %arg11[%dma_wait3A_281, %dma_wait3A_286] : memref<4x2096xi32, #tpu.memory_space<vmem>> -> memref<1x2096xi32, #tpu.memory_space<vmem>>
        %dma_wait3A_288 = tpu.memref_squeeze %dma_wait3A_287 : memref<1x2096xi32, #tpu.memory_space<vmem>> -> memref<2096xi32, #tpu.memory_space<vmem>>
        %dma_wait3A_289 = tpu.memref_slice %arg5[%add3A_238] : memref<1600160xi32, #tpu.memory_space<vmem_shared>> -> memref<2096xi32, #tpu.memory_space<vmem_shared>>
        tpu.wait_dma2 semaphore(%arg13 : memref<!tpu.dma_semaphore, #tpu.memory_space<semaphore_mem>>) src(%dma_wait3A_289 : memref<2096xi32, #tpu.memory_space<vmem_shared>>) dst(%dma_wait3A_288 : memref<2096xi32, #tpu.memory_space<vmem>>)
        %dma_wait3A_290 = arith.constant 1 : i32
        %dma_wait3A_291 = arith.constant 0 : i32
        %dma_wait3A_292 = tpu.memref_slice %arg11[%dma_wait3A_290, %dma_wait3A_291] : memref<4x2096xi32, #tpu.memory_space<vmem>> -> memref<1x2096xi32, #tpu.memory_space<vmem>>
        %dma_wait3A_293 = tpu.memref_squeeze %dma_wait3A_292 : memref<1x2096xi32, #tpu.memory_space<vmem>> -> memref<2096xi32, #tpu.memory_space<vmem>>
        %dma_wait3A_294 = tpu.memref_slice %arg5[%add3A_249] : memref<1600160xi32, #tpu.memory_space<vmem_shared>> -> memref<2096xi32, #tpu.memory_space<vmem_shared>>
        %dma_wait3A_295 = arith.constant 0 : i32
        %dma_wait3A_296 = tpu.memref_slice %arg11[%dma_wait3A_290, %dma_wait3A_295] : memref<4x2096xi32, #tpu.memory_space<vmem>> -> memref<1x2096xi32, #tpu.memory_space<vmem>>
        %dma_wait3A_297 = tpu.memref_squeeze %dma_wait3A_296 : memref<1x2096xi32, #tpu.memory_space<vmem>> -> memref<2096xi32, #tpu.memory_space<vmem>>
        %dma_wait3A_298 = tpu.memref_slice %arg5[%add3A_249] : memref<1600160xi32, #tpu.memory_space<vmem_shared>> -> memref<2096xi32, #tpu.memory_space<vmem_shared>>
        tpu.wait_dma2 semaphore(%arg13 : memref<!tpu.dma_semaphore, #tpu.memory_space<semaphore_mem>>) src(%dma_wait3A_298 : memref<2096xi32, #tpu.memory_space<vmem_shared>>) dst(%dma_wait3A_297 : memref<2096xi32, #tpu.memory_space<vmem>>)
        %dma_wait3A_299 = arith.constant 2 : i32
        %dma_wait3A_300 = arith.constant 0 : i32
        %dma_wait3A_301 = tpu.memref_slice %arg11[%dma_wait3A_299, %dma_wait3A_300] : memref<4x2096xi32, #tpu.memory_space<vmem>> -> memref<1x2096xi32, #tpu.memory_space<vmem>>
        %dma_wait3A_302 = tpu.memref_squeeze %dma_wait3A_301 : memref<1x2096xi32, #tpu.memory_space<vmem>> -> memref<2096xi32, #tpu.memory_space<vmem>>
        %dma_wait3A_303 = tpu.memref_slice %arg5[%add3A_260] : memref<1600160xi32, #tpu.memory_space<vmem_shared>> -> memref<2096xi32, #tpu.memory_space<vmem_shared>>
        %dma_wait3A_304 = arith.constant 0 : i32
        %dma_wait3A_305 = tpu.memref_slice %arg11[%dma_wait3A_299, %dma_wait3A_304] : memref<4x2096xi32, #tpu.memory_space<vmem>> -> memref<1x2096xi32, #tpu.memory_space<vmem>>
        %dma_wait3A_306 = tpu.memref_squeeze %dma_wait3A_305 : memref<1x2096xi32, #tpu.memory_space<vmem>> -> memref<2096xi32, #tpu.memory_space<vmem>>
        %dma_wait3A_307 = tpu.memref_slice %arg5[%add3A_260] : memref<1600160xi32, #tpu.memory_space<vmem_shared>> -> memref<2096xi32, #tpu.memory_space<vmem_shared>>
        tpu.wait_dma2 semaphore(%arg13 : memref<!tpu.dma_semaphore, #tpu.memory_space<semaphore_mem>>) src(%dma_wait3A_307 : memref<2096xi32, #tpu.memory_space<vmem_shared>>) dst(%dma_wait3A_306 : memref<2096xi32, #tpu.memory_space<vmem>>)
        %dma_wait3A_308 = arith.constant 3 : i32
        %dma_wait3A_309 = arith.constant 0 : i32
        %dma_wait3A_310 = tpu.memref_slice %arg11[%dma_wait3A_308, %dma_wait3A_309] : memref<4x2096xi32, #tpu.memory_space<vmem>> -> memref<1x2096xi32, #tpu.memory_space<vmem>>
        %dma_wait3A_311 = tpu.memref_squeeze %dma_wait3A_310 : memref<1x2096xi32, #tpu.memory_space<vmem>> -> memref<2096xi32, #tpu.memory_space<vmem>>
        %dma_wait3A_312 = tpu.memref_slice %arg5[%add3A_271] : memref<1600160xi32, #tpu.memory_space<vmem_shared>> -> memref<2096xi32, #tpu.memory_space<vmem_shared>>
        %dma_wait3A_313 = arith.constant 0 : i32
        %dma_wait3A_314 = tpu.memref_slice %arg11[%dma_wait3A_308, %dma_wait3A_313] : memref<4x2096xi32, #tpu.memory_space<vmem>> -> memref<1x2096xi32, #tpu.memory_space<vmem>>
        %dma_wait3A_315 = tpu.memref_squeeze %dma_wait3A_314 : memref<1x2096xi32, #tpu.memory_space<vmem>> -> memref<2096xi32, #tpu.memory_space<vmem>>
        %dma_wait3A_316 = tpu.memref_slice %arg5[%add3A_271] : memref<1600160xi32, #tpu.memory_space<vmem_shared>> -> memref<2096xi32, #tpu.memory_space<vmem_shared>>
        tpu.wait_dma2 semaphore(%arg13 : memref<!tpu.dma_semaphore, #tpu.memory_space<semaphore_mem>>) src(%dma_wait3A_316 : memref<2096xi32, #tpu.memory_space<vmem_shared>>) dst(%dma_wait3A_315 : memref<2096xi32, #tpu.memory_space<vmem>>)
        %scan3A_317 = arith.constant 0 : i32
        %scan3A_318 = arith.constant 0 : i32
        %scan3A_319 = arith.constant 131 : i32
        %scan3A_320 = arith.addi %scan3A_318, %scan3A_319 : i32
        %scan3A_321 = arith.constant 1 : i32
        scf.for %scan3A_326 = %scan3A_318 to %scan3A_320 step %scan3A_321  : i32 {
          %mul3A_327 = arith.constant 16 : i32
          %mul3A_328 = arith.muli %scan3A_326, %mul3A_327 : i32
          %broadcast_in_dim3A = arith.constant 0 : i32
          %broadcast_in_dim3A_329 = vector.broadcast %broadcast_in_dim3A : i32 to vector<16xi32>
          %get3A = arith.constant 0 : i32
          %get3A_330 = arith.index_cast %get3A : i32 to index
          %get3A_331 = arith.index_cast %mul3A_328 : i32 to index
          %get3A_332 = tpu.vector_load %arg11[%get3A_330, %get3A_331] {strides = array<i32>} : memref<4x2096xi32, #tpu.memory_space<vmem>>, vector<1x16xi32>,
          %get3A_333 = vector.shape_cast %get3A_332 : vector<1x16xi32> to vector<16xi32>
          %shift_right_logical3A = arith.constant 1 : i32
          %shift_right_logical3A_334 = vector.broadcast %shift_right_logical3A : i32 to vector<16xi32>
          %shift_right_logical3A_335 = arith.shrui %get3A_333, %shift_right_logical3A_334 : vector<16xi32>
          %or3A = arith.ori %get3A_333, %shift_right_logical3A_335 : vector<16xi32>
          %shift_right_logical3A_336 = arith.constant 2 : i32
          %shift_right_logical3A_337 = vector.broadcast %shift_right_logical3A_336 : i32 to vector<16xi32>
          %shift_right_logical3A_338 = arith.shrui %get3A_333, %shift_right_logical3A_337 : vector<16xi32>
          %or3A_339 = arith.ori %or3A, %shift_right_logical3A_338 : vector<16xi32>
          %shift_right_logical3A_340 = arith.constant 3 : i32
          %shift_right_logical3A_341 = vector.broadcast %shift_right_logical3A_340 : i32 to vector<16xi32>
          %shift_right_logical3A_342 = arith.shrui %get3A_333, %shift_right_logical3A_341 : vector<16xi32>
          %or3A_343 = arith.ori %or3A_339, %shift_right_logical3A_342 : vector<16xi32>
          %and3A = arith.constant 286331153 : i32
          %and3A_344 = vector.broadcast %and3A : i32 to vector<16xi32>
          %and3A_345 = arith.andi %or3A_343, %and3A_344 : vector<16xi32>
          %shift_left3A = arith.constant 0 : i32
          %shift_left3A_346 = vector.broadcast %shift_left3A : i32 to vector<16xi32>
          %shift_left3A_347 = arith.shli %and3A_345, %shift_left3A_346 : vector<16xi32>
          %or3A_348 = arith.ori %broadcast_in_dim3A_329, %shift_left3A_347 : vector<16xi32>
          %get3A_349 = arith.constant 1 : i32
          %get3A_350 = arith.index_cast %get3A_349 : i32 to index
          %get3A_351 = arith.index_cast %mul3A_328 : i32 to index
          %get3A_352 = tpu.vector_load %arg11[%get3A_350, %get3A_351] {strides = array<i32>} : memref<4x2096xi32, #tpu.memory_space<vmem>>, vector<1x16xi32>,
          %get3A_353 = vector.shape_cast %get3A_352 : vector<1x16xi32> to vector<16xi32>
          %shift_right_logical3A_354 = arith.constant 1 : i32
          %shift_right_logical3A_355 = vector.broadcast %shift_right_logical3A_354 : i32 to vector<16xi32>
          %shift_right_logical3A_356 = arith.shrui %get3A_353, %shift_right_logical3A_355 : vector<16xi32>
          %or3A_357 = arith.ori %get3A_353, %shift_right_logical3A_356 : vector<16xi32>
          %shift_right_logical3A_358 = arith.constant 2 : i32
          %shift_right_logical3A_359 = vector.broadcast %shift_right_logical3A_358 : i32 to vector<16xi32>
          %shift_right_logical3A_360 = arith.shrui %get3A_353, %shift_right_logical3A_359 : vector<16xi32>
          %or3A_361 = arith.ori %or3A_357, %shift_right_logical3A_360 : vector<16xi32>
          %shift_right_logical3A_362 = arith.constant 3 : i32
          %shift_right_logical3A_363 = vector.broadcast %shift_right_logical3A_362 : i32 to vector<16xi32>
          %shift_right_logical3A_364 = arith.shrui %get3A_353, %shift_right_logical3A_363 : vector<16xi32>
          %or3A_365 = arith.ori %or3A_361, %shift_right_logical3A_364 : vector<16xi32>
          %and3A_366 = arith.constant 286331153 : i32
          %and3A_367 = vector.broadcast %and3A_366 : i32 to vector<16xi32>
          %and3A_368 = arith.andi %or3A_365, %and3A_367 : vector<16xi32>
          %shift_left3A_369 = arith.constant 1 : i32
          %shift_left3A_370 = vector.broadcast %shift_left3A_369 : i32 to vector<16xi32>
          %shift_left3A_371 = arith.shli %and3A_368, %shift_left3A_370 : vector<16xi32>
          %or3A_372 = arith.ori %or3A_348, %shift_left3A_371 : vector<16xi32>
          %get3A_373 = arith.constant 2 : i32
          %get3A_374 = arith.index_cast %get3A_373 : i32 to index
          %get3A_375 = arith.index_cast %mul3A_328 : i32 to index
          %get3A_376 = tpu.vector_load %arg11[%get3A_374, %get3A_375] {strides = array<i32>} : memref<4x2096xi32, #tpu.memory_space<vmem>>, vector<1x16xi32>,
          %get3A_377 = vector.shape_cast %get3A_376 : vector<1x16xi32> to vector<16xi32>
          %shift_right_logical3A_378 = arith.constant 1 : i32
          %shift_right_logical3A_379 = vector.broadcast %shift_right_logical3A_378 : i32 to vector<16xi32>
          %shift_right_logical3A_380 = arith.shrui %get3A_377, %shift_right_logical3A_379 : vector<16xi32>
          %or3A_381 = arith.ori %get3A_377, %shift_right_logical3A_380 : vector<16xi32>
          %shift_right_logical3A_382 = arith.constant 2 : i32
          %shift_right_logical3A_383 = vector.broadcast %shift_right_logical3A_382 : i32 to vector<16xi32>
          %shift_right_logical3A_384 = arith.shrui %get3A_377, %shift_right_logical3A_383 : vector<16xi32>
          %or3A_385 = arith.ori %or3A_381, %shift_right_logical3A_384 : vector<16xi32>
          %shift_right_logical3A_386 = arith.constant 3 : i32
          %shift_right_logical3A_387 = vector.broadcast %shift_right_logical3A_386 : i32 to vector<16xi32>
          %shift_right_logical3A_388 = arith.shrui %get3A_377, %shift_right_logical3A_387 : vector<16xi32>
          %or3A_389 = arith.ori %or3A_385, %shift_right_logical3A_388 : vector<16xi32>
          %and3A_390 = arith.constant 286331153 : i32
          %and3A_391 = vector.broadcast %and3A_390 : i32 to vector<16xi32>
          %and3A_392 = arith.andi %or3A_389, %and3A_391 : vector<16xi32>
          %shift_left3A_393 = arith.constant 2 : i32
          %shift_left3A_394 = vector.broadcast %shift_left3A_393 : i32 to vector<16xi32>
          %shift_left3A_395 = arith.shli %and3A_392, %shift_left3A_394 : vector<16xi32>
          %or3A_396 = arith.ori %or3A_372, %shift_left3A_395 : vector<16xi32>
          %get3A_397 = arith.constant 3 : i32
          %get3A_398 = arith.index_cast %get3A_397 : i32 to index
          %get3A_399 = arith.index_cast %mul3A_328 : i32 to index
          %get3A_400 = tpu.vector_load %arg11[%get3A_398, %get3A_399] {strides = array<i32>} : memref<4x2096xi32, #tpu.memory_space<vmem>>, vector<1x16xi32>,
          %get3A_401 = vector.shape_cast %get3A_400 : vector<1x16xi32> to vector<16xi32>
          %shift_right_logical3A_402 = arith.constant 1 : i32
          %shift_right_logical3A_403 = vector.broadcast %shift_right_logical3A_402 : i32 to vector<16xi32>
          %shift_right_logical3A_404 = arith.shrui %get3A_401, %shift_right_logical3A_403 : vector<16xi32>
          %or3A_405 = arith.ori %get3A_401, %shift_right_logical3A_404 : vector<16xi32>
          %shift_right_logical3A_406 = arith.constant 2 : i32
          %shift_right_logical3A_407 = vector.broadcast %shift_right_logical3A_406 : i32 to vector<16xi32>
          %shift_right_logical3A_408 = arith.shrui %get3A_401, %shift_right_logical3A_407 : vector<16xi32>
          %or3A_409 = arith.ori %or3A_405, %shift_right_logical3A_408 : vector<16xi32>
          %shift_right_logical3A_410 = arith.constant 3 : i32
          %shift_right_logical3A_411 = vector.broadcast %shift_right_logical3A_410 : i32 to vector<16xi32>
          %shift_right_logical3A_412 = arith.shrui %get3A_401, %shift_right_logical3A_411 : vector<16xi32>
          %or3A_413 = arith.ori %or3A_409, %shift_right_logical3A_412 : vector<16xi32>
          %and3A_414 = arith.constant 286331153 : i32
          %and3A_415 = vector.broadcast %and3A_414 : i32 to vector<16xi32>
          %and3A_416 = arith.andi %or3A_413, %and3A_415 : vector<16xi32>
          %shift_left3A_417 = arith.constant 3 : i32
          %shift_left3A_418 = vector.broadcast %shift_left3A_417 : i32 to vector<16xi32>
          %shift_left3A_419 = arith.shli %and3A_416, %shift_left3A_418 : vector<16xi32>
          %or3A_420 = arith.ori %or3A_396, %shift_left3A_419 : vector<16xi32>
          %swap3A = arith.index_cast %mul3A_328 : i32 to index
          %swap3A_421 = tpu.vector_load %arg12[%swap3A] {strides = array<i32>} : memref<2096xi32, #tpu.memory_space<vmem>>, vector<16xi32>,
          %swap3A_422 = vector.shape_cast %swap3A_421 : vector<16xi32> to vector<16xi32>
          %swap3A_423 = vector.shape_cast %or3A_420 : vector<16xi32> to vector<16xi32>
          tpu.vector_store %arg12[%swap3A], %swap3A_423 {strides = array<i32>} : memref<2096xi32, #tpu.memory_space<vmem>>, vector<16xi32>,
        }
        %scan3A_322 = arith.constant 131 : i32
        %mul3A_323 = arith.constant 400000 : i32
        %mul3A_324 = arith.muli %scan3A_11, %mul3A_323 : i32
        %add3A_325 = arith.addi %mul3A_324, %add3A_236 : i32
        "tpu.region"() ({
          %run_scoped3A = tpu.sem_alloc : memref<!tpu.dma_semaphore, #tpu.memory_space<semaphore_mem>>
          %dma_start3A_326 = tpu.memref_slice %arg4[%arg0, %add3A_325] : memref<2x1600320xi32, #tpu.memory_space<hbm>> -> memref<1x2096xi32, #tpu.memory_space<hbm>>
          %dma_start3A_327 = tpu.memref_squeeze %dma_start3A_326 : memref<1x2096xi32, #tpu.memory_space<hbm>> -> memref<2096xi32, #tpu.memory_space<hbm>>
          %dma_start3A_328 = tpu.memref_slice %arg4[%arg0, %add3A_325] : memref<2x1600320xi32, #tpu.memory_space<hbm>> -> memref<1x2096xi32, #tpu.memory_space<hbm>>
          %dma_start3A_329 = tpu.memref_squeeze %dma_start3A_328 : memref<1x2096xi32, #tpu.memory_space<hbm>> -> memref<2096xi32, #tpu.memory_space<hbm>>
          tpu.enqueue_dma source(%arg12 : memref<2096xi32, #tpu.memory_space<vmem>>) target(%dma_start3A_329 : memref<2096xi32, #tpu.memory_space<hbm>>) target_semaphore(%run_scoped3A : memref<!tpu.dma_semaphore, #tpu.memory_space<semaphore_mem>>)
          %dma_wait3A_330 = tpu.memref_slice %arg4[%arg0, %add3A_325] : memref<2x1600320xi32, #tpu.memory_space<hbm>> -> memref<1x2096xi32, #tpu.memory_space<hbm>>
          %dma_wait3A_331 = tpu.memref_squeeze %dma_wait3A_330 : memref<1x2096xi32, #tpu.memory_space<hbm>> -> memref<2096xi32, #tpu.memory_space<hbm>>
          %dma_wait3A_332 = tpu.memref_slice %arg4[%arg0, %add3A_325] : memref<2x1600320xi32, #tpu.memory_space<hbm>> -> memref<1x2096xi32, #tpu.memory_space<hbm>>
          %dma_wait3A_333 = tpu.memref_squeeze %dma_wait3A_332 : memref<1x2096xi32, #tpu.memory_space<hbm>> -> memref<2096xi32, #tpu.memory_space<hbm>>
          tpu.wait_dma2 semaphore(%run_scoped3A : memref<!tpu.dma_semaphore, #tpu.memory_space<semaphore_mem>>) src(%arg12 : memref<2096xi32, #tpu.memory_space<vmem>>) dst(%dma_wait3A_333 : memref<2096xi32, #tpu.memory_space<hbm>>)
          tpu.yield
        }) : () -> ()
      }
      %scan3A_229 = arith.constant 12 : i32
      %barrier3A_230 = arith.constant 0 : index
      tpu.barrier barrier_id(%barrier3A_230)
    }
    %scan3A_10 = arith.constant 4 : i32
    return
  }
}

module attributes {stable_mosaic.version = 14 : i64} {
  func.func @_table_body(%arg0: memref<1x256xf32, #tpu.memory_space<vmem>>, %arg1: memref<1x256xf32, #tpu.memory_space<vmem>>, %arg2: memref<256x256xf32, #tpu.memory_space<vmem>>, %arg3: memref<1x256xf32, #tpu.memory_space<vmem>>, %arg4: memref<256x256xf32, #tpu.memory_space<vmem>>, %arg5: memref<1x256xf32, #tpu.memory_space<vmem>>, %arg6: memref<1x1xf32, #tpu.memory_space<vmem>>, %arg7: memref<128x256xf32, #tpu.memory_space<vmem>>) attributes {dimension_semantics = [], scalar_prefetch = 0 : i64, scratch_operands = 0 : i64, tpu.core_type = #tpu.core_type<tc>} {
    %iota3A = tpu.iota {dimensions = array<i32: 0>} : vector<128x1xi32>
    %convert_element_type3A = arith.sitofp %iota3A : vector<128x1xi32> to vector<128x1xf32>
    %get3A = arith.constant 0 : index
    %get3A_0 = arith.constant 0 : index
    %get3A_1 = vector.load %arg0[%get3A, %get3A_0] : memref<1x256xf32, #tpu.memory_space<vmem>>, vector<1x256xf32>
    %mul3A = vector.broadcast %convert_element_type3A : vector<128x1xf32> to vector<128x256xf32>
    %mul3A_2 = vector.broadcast %get3A_1 : vector<1x256xf32> to vector<128x256xf32>
    %mul3A_3 = arith.mulf %mul3A, %mul3A_2 : vector<128x256xf32>
    %get3A_4 = arith.constant 0 : index
    %get3A_5 = arith.constant 0 : index
    %get3A_6 = vector.load %arg1[%get3A_4, %get3A_5] : memref<1x256xf32, #tpu.memory_space<vmem>>, vector<1x256xf32>
    %add3A = vector.broadcast %get3A_6 : vector<1x256xf32> to vector<128x256xf32>
    %add3A_7 = arith.addf %mul3A_3, %add3A : vector<128x256xf32>
    %max3A = arith.constant 0.000000e+00 : f32
    %max3A_8 = vector.broadcast %max3A : f32 to vector<128x256xf32>
    %max3A_9 = arith.maximumf %add3A_7, %max3A_8 : vector<128x256xf32>
    %get3A_10 = arith.constant 0 : index
    %get3A_11 = arith.constant 0 : index
    %get3A_12 = vector.load %arg2[%get3A_10, %get3A_11] : memref<256x256xf32, #tpu.memory_space<vmem>>, vector<256x256xf32>
    %dot_general3A = arith.constant dense<0.000000e+00> : vector<128x256xf32>
    %dot_general3A_13 = tpu.matmul %max3A_9, %get3A_12, %dot_general3A {dimension_numbers = #tpu.dot_dimension_numbers<[1], [0], [0], [1], [0, 0, 1, 1], [], []>, transpose_lhs_hint = false} : vector<128x256xf32>, vector<256x256xf32>, vector<128x256xf32> -> vector<128x256xf32>
    %get3A_14 = arith.constant 0 : index
    %get3A_15 = arith.constant 0 : index
    %get3A_16 = vector.load %arg3[%get3A_14, %get3A_15] : memref<1x256xf32, #tpu.memory_space<vmem>>, vector<1x256xf32>
    %add3A_17 = vector.broadcast %get3A_16 : vector<1x256xf32> to vector<128x256xf32>
    %add3A_18 = arith.addf %dot_general3A_13, %add3A_17 : vector<128x256xf32>
    %max3A_19 = arith.constant 0.000000e+00 : f32
    %max3A_20 = vector.broadcast %max3A_19 : f32 to vector<128x256xf32>
    %max3A_21 = arith.maximumf %add3A_18, %max3A_20 : vector<128x256xf32>
    %get3A_22 = arith.constant 0 : index
    %get3A_23 = arith.constant 0 : index
    %get3A_24 = vector.load %arg4[%get3A_22, %get3A_23] : memref<256x256xf32, #tpu.memory_space<vmem>>, vector<256x256xf32>
    %dot_general3A_25 = arith.constant dense<0.000000e+00> : vector<128x256xf32>
    %dot_general3A_26 = tpu.matmul %max3A_21, %get3A_24, %dot_general3A_25 {dimension_numbers = #tpu.dot_dimension_numbers<[1], [0], [0], [1], [0, 0, 1, 1], [], []>, transpose_lhs_hint = false} : vector<128x256xf32>, vector<256x256xf32>, vector<128x256xf32> -> vector<128x256xf32>
    %get3A_27 = arith.constant 0 : index
    %get3A_28 = arith.constant 0 : index
    %get3A_29 = vector.load %arg5[%get3A_27, %get3A_28] : memref<1x256xf32, #tpu.memory_space<vmem>>, vector<1x256xf32>
    %add3A_30 = vector.broadcast %get3A_29 : vector<1x256xf32> to vector<128x256xf32>
    %add3A_31 = arith.addf %dot_general3A_26, %add3A_30 : vector<128x256xf32>
    %get3A_32 = arith.constant 0 : index
    %get3A_33 = arith.constant 0 : index
    %get3A_34 = vector.load %arg6[%get3A_32, %get3A_33] : memref<1x1xf32, #tpu.memory_space<vmem>>, vector<1x1xf32>
    %mul3A_35 = vector.broadcast %get3A_34 : vector<1x1xf32> to vector<128x256xf32>
    %mul3A_36 = arith.mulf %add3A_31, %mul3A_35 : vector<128x256xf32>
    %swap3A = arith.constant 0 : index
    %swap3A_37 = arith.constant 0 : index
    %swap3A_38 = vector.load %arg7[%swap3A, %swap3A_37] : memref<128x256xf32, #tpu.memory_space<vmem>>, vector<128x256xf32>
    tpu.vector_store %arg7[%swap3A, %swap3A_37], %mul3A_36 {strides = array<i32>} : memref<128x256xf32, #tpu.memory_space<vmem>>, vector<128x256xf32>,
    return
  }
}

module attributes {stable_mosaic.version = 14 : i64} {
  func.func @_main_body(%arg0: i32, %arg1: memref<512x16xi32, #tpu.memory_space<vmem>>, %arg2: memref<512x128xf32, #tpu.memory_space<vmem>>, %arg3: memref<128x256xf32, #tpu.memory_space<vmem>>, %arg4: memref<128x256xf32, #tpu.memory_space<vmem>>, %arg5: memref<1x256xf32, #tpu.memory_space<vmem>>, %arg6: memref<256x256xf32, #tpu.memory_space<vmem>>, %arg7: memref<1x256xf32, #tpu.memory_space<vmem>>, %arg8: memref<256x256xf32, #tpu.memory_space<vmem>>, %arg9: memref<1x256xf32, #tpu.memory_space<vmem>>, %arg10: memref<256x1xf32, #tpu.memory_space<vmem>>, %arg11: memref<1x1xf32, #tpu.memory_space<vmem>>, %arg12: memref<512x1xf32, #tpu.memory_space<vmem>>) attributes {dimension_semantics = [#tpu.dimension_semantics<arbitrary>], iteration_bounds = array<i64: 128>, scalar_prefetch = 0 : i64, scratch_operands = 0 : i64, tpu.core_type = #tpu.core_type<tc>, window_params = [{transform_indices = @transform_0, window_bounds = array<i64: 512, 16>}, {transform_indices = @transform_1, window_bounds = array<i64: 512, 128>}, {pipeline_mode = #tpu.pipeline_mode<synchronous>, transform_indices = @transform_2, window_bounds = array<i64: 128, 256>}, {pipeline_mode = #tpu.pipeline_mode<synchronous>, transform_indices = @transform_3, window_bounds = array<i64: 128, 256>}, {pipeline_mode = #tpu.pipeline_mode<synchronous>, transform_indices = @transform_4, window_bounds = array<i64: 1, 256>}, {pipeline_mode = #tpu.pipeline_mode<synchronous>, transform_indices = @transform_5, window_bounds = array<i64: 256, 256>}, {pipeline_mode = #tpu.pipeline_mode<synchronous>, transform_indices = @transform_6, window_bounds = array<i64: 1, 256>}, {pipeline_mode = #tpu.pipeline_mode<synchronous>, transform_indices = @transform_7, window_bounds = array<i64: 256, 256>}, {pipeline_mode = #tpu.pipeline_mode<synchronous>, transform_indices = @transform_8, window_bounds = array<i64: 1, 256>}, {pipeline_mode = #tpu.pipeline_mode<synchronous>, transform_indices = @transform_9, window_bounds = array<i64: 256, 1>}, {pipeline_mode = #tpu.pipeline_mode<synchronous>, transform_indices = @transform_10, window_bounds = array<i64: 1, 1>}, {transform_indices = @transform_11, window_bounds = array<i64: 512, 1>}]} {
    %get3A = arith.constant 0 : index
    %get3A_0 = arith.constant 0 : index
    %get3A_1 = vector.load %arg2[%get3A, %get3A_0] : memref<512x128xf32, #tpu.memory_space<vmem>>, vector<512x128xf32>
    %get3A_2 = arith.constant 0 : index
    %get3A_3 = arith.constant 0 : index
    %get3A_4 = vector.load %arg4[%get3A_2, %get3A_3] : memref<128x256xf32, #tpu.memory_space<vmem>>, vector<128x256xf32>
    %dot_general3A = arith.constant dense<0.000000e+00> : vector<512x256xf32>
    %dot_general3A_5 = tpu.matmul %get3A_1, %get3A_4, %dot_general3A {dimension_numbers = #tpu.dot_dimension_numbers<[1], [0], [0], [1], [0, 0, 1, 1], [], []>, transpose_lhs_hint = false} : vector<512x128xf32>, vector<128x256xf32>, vector<512x256xf32> -> vector<512x256xf32>
    %get3A_6 = arith.constant 0 : index
    %get3A_7 = arith.constant 0 : index
    %get3A_8 = vector.load %arg5[%get3A_6, %get3A_7] : memref<1x256xf32, #tpu.memory_space<vmem>>, vector<1x256xf32>
    %add3A = vector.broadcast %get3A_8 : vector<1x256xf32> to vector<512x256xf32>
    %add3A_9 = arith.addf %dot_general3A_5, %add3A : vector<512x256xf32>
    %max3A = arith.constant 0.000000e+00 : f32
    %max3A_10 = vector.broadcast %max3A : f32 to vector<512x256xf32>
    %max3A_11 = arith.maximumf %add3A_9, %max3A_10 : vector<512x256xf32>
    %get3A_12 = arith.constant 0 : index
    %get3A_13 = arith.constant 0 : index
    %get3A_14 = vector.load %arg6[%get3A_12, %get3A_13] : memref<256x256xf32, #tpu.memory_space<vmem>>, vector<256x256xf32>
    %dot_general3A_15 = arith.constant dense<0.000000e+00> : vector<512x256xf32>
    %dot_general3A_16 = tpu.matmul %max3A_11, %get3A_14, %dot_general3A_15 {dimension_numbers = #tpu.dot_dimension_numbers<[1], [0], [0], [1], [0, 0, 1, 1], [], []>, transpose_lhs_hint = false} : vector<512x256xf32>, vector<256x256xf32>, vector<512x256xf32> -> vector<512x256xf32>
    %get3A_17 = arith.constant 0 : index
    %get3A_18 = arith.constant 0 : index
    %get3A_19 = vector.load %arg7[%get3A_17, %get3A_18] : memref<1x256xf32, #tpu.memory_space<vmem>>, vector<1x256xf32>
    %add3A_20 = vector.broadcast %get3A_19 : vector<1x256xf32> to vector<512x256xf32>
    %add3A_21 = arith.addf %dot_general3A_16, %add3A_20 : vector<512x256xf32>
    %get3A_22 = arith.constant 0 : index
    %get3A_23 = arith.constant 0 : index
    %get3A_24 = vector.load %arg1[%get3A_22, %get3A_23] : memref<512x16xi32, #tpu.memory_space<vmem>>, vector<512x16xi32>
    %reduce_sum3A = arith.constant dense<0> : vector<512xi32>
    %reduce_sum3A_25 = vector.multi_reduction <add>, %get3A_24, %reduce_sum3A [1] : vector<512x16xi32> to vector<512xi32>
    %broadcast_in_dim3A = vector.shape_cast %reduce_sum3A_25 : vector<512xi32> to vector<512x1xi32>
    %iota3A = tpu.iota {dimensions = array<i32: 1>} : vector<512x128xi32>
    %eq3A = vector.broadcast %broadcast_in_dim3A : vector<512x1xi32> to vector<512x128xi32>
    %eq3A_26 = arith.cmpi eq, %eq3A, %iota3A : vector<512x128xi32>
    %convert_element_type3A = arith.extui %eq3A_26 : vector<512x128xi1> to vector<512x128xi32>
    %convert_element_type3A_27 = arith.sitofp %convert_element_type3A : vector<512x128xi32> to vector<512x128xf32>
    %get3A_28 = arith.constant 0 : index
    %get3A_29 = arith.constant 0 : index
    %get3A_30 = vector.load %arg3[%get3A_28, %get3A_29] : memref<128x256xf32, #tpu.memory_space<vmem>>, vector<128x256xf32>
    %dot_general3A_31 = arith.constant dense<0.000000e+00> : vector<512x256xf32>
    %dot_general3A_32 = tpu.matmul %convert_element_type3A_27, %get3A_30, %dot_general3A_31 {dimension_numbers = #tpu.dot_dimension_numbers<[1], [0], [0], [1], [0, 0, 1, 1], [], []>, transpose_lhs_hint = false} : vector<512x128xf32>, vector<128x256xf32>, vector<512x256xf32> -> vector<512x256xf32>
    %add3A_33 = arith.addf %dot_general3A_32, %add3A_21 : vector<512x256xf32>
    %get3A_34 = arith.constant 0 : index
    %get3A_35 = arith.constant 0 : index
    %get3A_36 = vector.load %arg8[%get3A_34, %get3A_35] : memref<256x256xf32, #tpu.memory_space<vmem>>, vector<256x256xf32>
    %dot_general3A_37 = arith.constant dense<0.000000e+00> : vector<512x256xf32>
    %dot_general3A_38 = tpu.matmul %add3A_33, %get3A_36, %dot_general3A_37 {dimension_numbers = #tpu.dot_dimension_numbers<[1], [0], [0], [1], [0, 0, 1, 1], [], []>, transpose_lhs_hint = false} : vector<512x256xf32>, vector<256x256xf32>, vector<512x256xf32> -> vector<512x256xf32>
    %get3A_39 = arith.constant 0 : index
    %get3A_40 = arith.constant 0 : index
    %get3A_41 = vector.load %arg9[%get3A_39, %get3A_40] : memref<1x256xf32, #tpu.memory_space<vmem>>, vector<1x256xf32>
    %add3A_42 = vector.broadcast %get3A_41 : vector<1x256xf32> to vector<512x256xf32>
    %add3A_43 = arith.addf %dot_general3A_38, %add3A_42 : vector<512x256xf32>
    %max3A_44 = arith.constant 0.000000e+00 : f32
    %max3A_45 = vector.broadcast %max3A_44 : f32 to vector<512x256xf32>
    %max3A_46 = arith.maximumf %add3A_43, %max3A_45 : vector<512x256xf32>
    %get3A_47 = arith.constant 0 : index
    %get3A_48 = arith.constant 0 : index
    %get3A_49 = vector.load %arg10[%get3A_47, %get3A_48] : memref<256x1xf32, #tpu.memory_space<vmem>>, vector<256x1xf32>
    %dot_general3A_50 = arith.constant dense<0.000000e+00> : vector<512x1xf32>
    %dot_general3A_51 = tpu.matmul %max3A_46, %get3A_49, %dot_general3A_50 {dimension_numbers = #tpu.dot_dimension_numbers<[1], [0], [0], [1], [0, 0, 1, 1], [], []>, transpose_lhs_hint = false} : vector<512x256xf32>, vector<256x1xf32>, vector<512x1xf32> -> vector<512x1xf32>
    %get3A_52 = arith.constant 0 : index
    %get3A_53 = arith.constant 0 : index
    %get3A_54 = vector.load %arg11[%get3A_52, %get3A_53] : memref<1x1xf32, #tpu.memory_space<vmem>>, vector<1x1xf32>
    %add3A_55 = vector.broadcast %get3A_54 : vector<1x1xf32> to vector<512x1xf32>
    %add3A_56 = arith.addf %dot_general3A_51, %add3A_55 : vector<512x1xf32>
    %swap3A = arith.constant 0 : index
    %swap3A_57 = arith.constant 0 : index
    %swap3A_58 = vector.load %arg12[%swap3A, %swap3A_57] : memref<512x1xf32, #tpu.memory_space<vmem>>, vector<512x1xf32>
    tpu.vector_store %arg12[%swap3A, %swap3A_57], %add3A_56 {strides = array<i32>} : memref<512x1xf32, #tpu.memory_space<vmem>>, vector<512x1xf32>,
    return
  }
  func.func @transform_0(%arg0: i32) -> (i32, i32) {
    %c0_i32 = arith.constant 0 : i32
    %c0_i32_0 = arith.constant 0 : i32
    return %arg0, %c0_i32 : i32, i32
  }
  func.func @transform_1(%arg0: i32) -> (i32, i32) {
    %c0_i32 = arith.constant 0 : i32
    %c0_i32_0 = arith.constant 0 : i32
    return %arg0, %c0_i32 : i32, i32
  }
  func.func @transform_2(%arg0: i32) -> (i32, i32) {
    %c0_i32 = arith.constant 0 : i32
    %c0_i32_0 = arith.constant 0 : i32
    %c0_i32_1 = arith.constant 0 : i32
    return %c0_i32, %c0_i32_0 : i32, i32
  }
  func.func @transform_3(%arg0: i32) -> (i32, i32) {
    %c0_i32 = arith.constant 0 : i32
    %c0_i32_0 = arith.constant 0 : i32
    %c0_i32_1 = arith.constant 0 : i32
    return %c0_i32, %c0_i32_0 : i32, i32
  }
  func.func @transform_4(%arg0: i32) -> (i32, i32) {
    %c0_i32 = arith.constant 0 : i32
    %c0_i32_0 = arith.constant 0 : i32
    %c0_i32_1 = arith.constant 0 : i32
    return %c0_i32, %c0_i32_0 : i32, i32
  }
  func.func @transform_5(%arg0: i32) -> (i32, i32) {
    %c0_i32 = arith.constant 0 : i32
    %c0_i32_0 = arith.constant 0 : i32
    %c0_i32_1 = arith.constant 0 : i32
    return %c0_i32, %c0_i32_0 : i32, i32
  }
  func.func @transform_6(%arg0: i32) -> (i32, i32) {
    %c0_i32 = arith.constant 0 : i32
    %c0_i32_0 = arith.constant 0 : i32
    %c0_i32_1 = arith.constant 0 : i32
    return %c0_i32, %c0_i32_0 : i32, i32
  }
  func.func @transform_7(%arg0: i32) -> (i32, i32) {
    %c0_i32 = arith.constant 0 : i32
    %c0_i32_0 = arith.constant 0 : i32
    %c0_i32_1 = arith.constant 0 : i32
    return %c0_i32, %c0_i32_0 : i32, i32
  }
  func.func @transform_8(%arg0: i32) -> (i32, i32) {
    %c0_i32 = arith.constant 0 : i32
    %c0_i32_0 = arith.constant 0 : i32
    %c0_i32_1 = arith.constant 0 : i32
    return %c0_i32, %c0_i32_0 : i32, i32
  }
  func.func @transform_9(%arg0: i32) -> (i32, i32) {
    %c0_i32 = arith.constant 0 : i32
    %c0_i32_0 = arith.constant 0 : i32
    %c0_i32_1 = arith.constant 0 : i32
    return %c0_i32, %c0_i32_0 : i32, i32
  }
  func.func @transform_10(%arg0: i32) -> (i32, i32) {
    %c0_i32 = arith.constant 0 : i32
    %c0_i32_0 = arith.constant 0 : i32
    %c0_i32_1 = arith.constant 0 : i32
    return %c0_i32, %c0_i32_0 : i32, i32
  }
  func.func @transform_11(%arg0: i32) -> (i32, i32) {
    %c0_i32 = arith.constant 0 : i32
    %c0_i32_0 = arith.constant 0 : i32
    return %arg0, %c0_i32 : i32, i32
  }
}

</mosaic_0001>

<sc_bundles>
// kernel: kernel.6.cloned.1.call-start
scs
__scs_entry_jumppad:
0x0: {  	(pc) =	sbr.rel $0x88, $3  }
0x1: {  	(tag) =	ssettag $0x0;
	lr =	simm.s32 $0x1  }
0x2: {  	[smem:$0x3F8F] =	sst lr;
	_ =	strace $0xD0000000  }
0x3: {  	_ = 	snop  }
0x4: {  	_ = 	snop  }
0x5: {  	_ = 	snop  }
0x6: {  	_ = 	snop  }
0x7: {  	_ = 	snop  }
__scs_overlays_trampoline_lowered:
0x8: {  	[smem:$0x3F9E] =	sst s0  }
0x9: {  	[smem:$0x3F9F] =	sst s1  }
0xa: {  	[smem:$0x3FA0] =	sst s2  }
0xb: {  	[smem:$0x3FA1] =	sst s3  }
0xc: {  	[smem:$0x3FA2] =	sst s4  }
0xd: {  	[smem:$0x3FA3] =	sst s5  }
0xe: {  	[smem:$0x3FA4] =	sst s6  }
0xf: {  	[smem:$0x3FA5] =	sst s7  }
0x10: {  	[smem:$0x3FA6] =	sst s8  }
0x11: {  	[smem:$0x3FA7] =	sst s9;
	s0 =	simm.s32 @!p0 $0x0  }
0x12: {  	s1 =	sld [smem:$0x3F8D];
	s0 =	simm.s32 @p0 $0x1  }
0x13: {  	[smem:$0x3FA8] =	sst s0;
	s0 =	simm.s32 @!p1 $0x0  }
0x14: {  	s2 =	sld [smem:$0x3F8C];
	s0 =	simm.s32 @p1 $0x1  }
0x15: {  	[smem:$0x3FA9] =	sst s0;
	s0 =	simm.s32 @!p2 $0x0  }
0x16: {  	s3 =	sld [smem:$0x3FDB];
	s0 =	simm.s32 @p2 $0x1  }
0x17: {  	s4 =	simm.s32 $0x1BF5;
	[smem:$0x3FAB] =	sst s0  }
0x18: {  	s0 =	sld [smem:$0x3F8E];
	_ =	swait.ge [sflag:s4], $0x0  }
0x19: {  	s7 =	sld [smem:$0x3F8F]  }
0x1a: {  	s8 =	sadd.s32 $0xFFFFE003, lr  }
0x1b: {  	s9 =	sadd.s32 $0xFFFFFEF7, lr;
	s5 =	simm.s32 $0xFFFFFFFF;
	p2 =	slt.u32 s8, $0xFFFFF086  }
0x1c: {  	p1 =	slt.u32 s9, $0xF7A;
	s5 =	simm.s32 @!p2 $0x0  }
0x1d: {  	s5 =	simm.s32 @p1 $0x1;
	p0 =	seq.s32 s7, s2  }
0x1e: {  	s7 =	smul.u32 @!p0 $0xF7A, s2;
	p2 =	seq.s32 @!p0 s5, $0x0  }
0x1f: {  	s9 =	smul.u32 $0xF7A, s1;
	s8 =	simm.s32 @!p0 $0x1BF5;
	p2 =	por !p2, p0  }
0x20: {  	[sflag:s8] =	ssyncset.s32 @!p0 $0xFFFFF086;
	s6 =	sadd.s32 @!p0 s3, s7;
	s7 =	simm.s32 @!p0 $0x108  }
0x21: {  	s3 =	sadd.s32 s3, s9;
	s6 =	sadd.s32 @!p0 $0x88, s6;
	s7 =	simm.s32 @p2 $0x1082  }
0x22: {  	[simem:s7], [sflag:s8] =	dma.local @!p0 [hbm:s6], $0xF7A  }
0x23: {  	s9 =	sor.u32 $0xD0000000, s2;
	s6 =	simm.s32 $0x108;
	_ =	swait.ge @!p0 [sflag:s8], $0x0  }
0x24: {  	s3 =	sadd.s32 $0x88, s3;
	s6 =	simm.s32 @!p1 $0x1082;
	[sflag:s4] =	ssyncset.s32 $0xFFFFF086  }
0x25: {  	[simem:s6], [sflag:s4] =	dma.local [hbm:s3], $0xF7A  }
0x26: {  	[smem:$0x3F8F] =	sst s1;
	(tag) =	ssettag s2;
	_ =	strace s9  }
0x27: {  	s1 =	sld [smem:$0x3F9F]  }
0x28: {  	s2 =	sld [smem:$0x3FA0]  }
0x29: {  	s4 =	sld [smem:$0x3FA2]  }
0x2a: {  	p0 =	seq.s32 s5, $0x0;
	s5 =	sld [smem:$0x3FA3]  }
0x2b: {  	s6 =	sld [smem:$0x3FA4]  }
0x2c: {  	s7 =	sld [smem:$0x3FA5]  }
0x2d: {  	s3 =	simm.s32 $0x108;
	s8 =	sld [smem:$0x3FA6]  }
0x2e: {  	s3 =	simm.s32 @!p0 $0x1082;
	s9 =	sld [smem:$0x3FA7]  }
0x2f: {  	lr =	sadd.s32 s0, s3;
	s0 =	sld [smem:$0x3F9E]  }
0x30: {  	s3 =	sld [smem:$0x3FA1]  }
0x31: {  	[smem:$0x3FAA] =	sst s10  }
0x32: {  	s10 =	sld [smem:$0x3FA8];
	_ =	sdelay $0x3  }
0x33: {  	p0 =	seq.s32 s10, $0x1;
	s10 =	sld [smem:$0x3FAA];
	_ =	sdelay $0x3  }
0x34: {  	[smem:$0x3FAA] =	sst s10  }
0x35: {  	s10 =	sld [smem:$0x3FA9];
	_ =	sdelay $0x3  }
0x36: {  	p1 =	seq.s32 s10, $0x1;
	s10 =	sld [smem:$0x3FAA];
	_ =	sdelay $0x3  }
0x37: {  	[smem:$0x3FAA] =	sst s10  }
0x38: {  	s10 =	sld [smem:$0x3FAB]  }
0x39: {  	_ = 	snop;
	(pc) =	sbr.ind lr, $3  }
0x3a: {  	_ = 	snop  }
0x3b: {  	_ = 	snop  }
0x3c: {  	p2 =	seq.s32 s10, $0x1;
	s10 =	sld [smem:$0x3FAA]  }
0x3d: {  	_ =	shalt  }
0x3e: {  	_ =	shalt  }
0x3f: {  	_ =	shalt  }
0x40: {  	_ =	shalt  }
0x41: {  	_ =	shalt  }
0x42: {  	_ =	shalt  }
0x43: {  	_ =	shalt  }
0x44: {  	_ =	shalt  }
0x45: {  	_ =	shalt  }
0x46: {  	_ =	shalt  }
0x47: {  	_ =	shalt  }
0x48: {  	_ =	shalt  }
0x49: {  	_ =	shalt  }
0x4a: {  	_ =	shalt  }
0x4b: {  	_ =	shalt  }
0x4c: {  	_ =	shalt  }
0x4d: {  	_ =	shalt  }
0x4e: {  	_ =	shalt  }
0x4f: {  	_ =	shalt  }
0x50: {  	_ =	shalt  }
0x51: {  	_ =	shalt  }
0x52: {  	_ =	shalt  }
0x53: {  	_ =	shalt  }
0x54: {  	_ =	shalt  }
0x55: {  	_ =	shalt  }
0x56: {  	_ =	shalt  }
0x57: {  	_ =	shalt  }
0x58: {  	_ =	shalt  }
0x59: {  	_ =	shalt  }
0x5a: {  	_ =	shalt  }
0x5b: {  	_ =	shalt  }
0x5c: {  	_ =	shalt  }
0x5d: {  	_ =	shalt  }
0x5e: {  	_ =	shalt  }
0x5f: {  	_ =	shalt  }
0x60: {  	_ =	shalt  }
0x61: {  	_ =	shalt  }
0x62: {  	_ =	shalt  }
0x63: {  	_ =	shalt  }
0x64: {  	_ =	shalt  }
0x65: {  	_ =	shalt  }
0x66: {  	_ =	shalt  }
0x67: {  	_ =	shalt  }
0x68: {  	_ =	shalt  }
0x69: {  	_ =	shalt  }
0x6a: {  	_ =	shalt  }
0x6b: {  	_ =	shalt  }
0x6c: {  	_ =	shalt  }
0x6d: {  	_ =	shalt  }
0x6e: {  	_ =	shalt  }
0x6f: {  	_ =	shalt  }
0x70: {  	_ =	shalt  }
0x71: {  	_ =	shalt  }
0x72: {  	_ =	shalt  }
0x73: {  	_ =	shalt  }
0x74: {  	_ =	shalt  }
0x75: {  	_ =	shalt  }
0x76: {  	_ =	shalt  }
0x77: {  	_ =	shalt  }
0x78: {  	_ =	shalt  }
0x79: {  	_ =	shalt  }
0x7a: {  	_ =	shalt  }
0x7b: {  	_ =	shalt  }
0x7c: {  	_ =	shalt  }
0x7d: {  	_ =	shalt  }
0x7e: {  	_ =	shalt  }
0x7f: {  	_ =	shalt  }
0x80: {  	_ =	shalt  }
0x81: {  	_ =	shalt  }
0x82: {  	_ =	shalt  }
0x83: {  	_ =	shalt  }
0x84: {  	_ =	shalt  }
0x85: {  	_ =	shalt  }
0x86: {  	_ =	shalt  }
0x87: {  	_ =	shalt  }
.Lfunc_end0:
.L_simem_size_0:
called_computation_lowered:
.L_overlay_start_0:
0x88: {  	s2 =	sld [smem:$0x3FD9]  }
0x89: {  	s3 =	sld [smem:$0x3FFE];
	_ =	sdelay $0x1  }
0x8a: {  	s1 =	srdreg.scid  }
0x8b: {  	s0 =	sand.u32 $0x1, s1  }
0x8c: {  	s16 =	sshll.u32 s0, $0xA;
	s2 =	sadd.s32 s3, s2  }
0x8d: {  	s2 =	sadd.s32 s2, s16  }
0x8e: {  	[smem:$0x3FB6] =	sst s2  }
0x8f: {  	_ = 	snop  }
0x90: {  	(tm) =	ssettm $0x1  }
0x91: {  	s17 =	sld [smem:$0x3FFB];
	_ =	sdelay $0x3  }
0x92: {  	_ =	strace s17  }
0x93: {  	s2 =	sld [smem:$0x3FFC];
	_ =	sdelay $0x3  }
0x94: {  	_ =	strace s2  }
0x95: {  	s2 =	sld [smem:$0x3FFD];
	_ =	sdelay $0x3  }
0x96: {  	_ =	strace s2  }
0x97: {  	_ =	strace $0x8FFFFFFF  }
0x98: {  	s18 =	sld [smem:$0x3FDB];
	_ =	sdelay $0x1  }
0x99: {  	s19 =	simm.s32 $_scs_section_size  }
0x9a: {  	s4 =	simm.s32 $_size__tile_overlayer_lowered;
	s5 =	simm.s32 $_tile_overlayer_lowered  }
0x9b: {  	s22 =	simm.s32 $0x1BFF;
	s21 =	sshll.u32 s5, $0x1;
	s2 =	sadd.s32 s19, s18  }
0x9c: {  	s6 =	simm.s32 $0x0;
	s20 =	sshll.u32 s4, $0x1;
	s4 =	sadd.s32 s21, s2  }
0x9d: {  	[timem:s6], [sflag:s22] =	dma.local [hbm:s4], s20  }
0x9e: {  	_ =	swait.ge [sflag:s22], s20  }
0x9f: {  	s3 =	ssub.s32 $0x0, s20;
	[sflag:s22] =	ssyncset.done $0x0  }
0xa0: {  	[sflag:s22] =	ssyncadd.s32 s3;
	_ =	sdelay $0x1  }
0xa1: {  	s23 =	simm.s32 $0x1B8B  }
0xa2: {  	_ =	swait.ge [sflag:s23], $0x1  }
0xa3: {  	[sflag:s23] =	ssyncset.done $0x0  }
0xa4: {  	s25 =	simm.s32 $0x1B8E;
	s24 =	sld [smem:$0x3FFE];
	[sflag:s23] =	ssyncadd.s32 $0xFFFFFFFF  }
0xa5: {  	s26 =	simm.s32 $execute0_lowered;
	[smem:$0x3FD2] =	sst s25  }
0xa6: {  	s4 =	sshll.u32 s26, $0x1;
	_ =	strace $0x80000046;
	[dreg:$0x1] =	wrdreg $0xFFFFFFFF  }
0xa7: {  	s28 =	simm.s32 $_size_execute0_lowered;
	s2 =	sadd.s32 s2, s4;
	[dreg:$0x0] =	wrdreg $0x0  }
0xa8: {  	s4 =	sshll.u32 s28, $0x1;
	[dreg:$0x2] =	wrdreg s2  }
0xa9: {  	[dreg:$0x3] =	wrdreg s4  }
0xaa: {  	[dreg:$0x4] =	wrdreg $0xC0  }
0xab: {  	_ =	task [dreg:s6], $0x5FFFF  }
0xac: {  	[dreg:$0x1] =	wrdreg $0xFFFFFFFF  }
0xad: {  	[dreg:$0x0] =	wrdreg $0x60  }
0xae: {  	[dreg:$0x2] =	wrdreg s24  }
0xaf: {  	[dreg:$0x3] =	wrdreg $0x0  }
0xb0: {  	[dreg:$0x4] =	wrdreg $0x9  }
0xb1: {  	_ =	task.clear_ibuf [dreg:s6], $0x5FFFF;
	_ =	strace $0x90000046  }
0xb2: {  	s29 =	simm.s32 $0x9;
	_ =	strace $0x80000048  }
0xb3: {  	_ =	swait.ge [sflag:s29], $0x1  }
0xb4: {  	[sflag:s29] =	ssyncadd.s32 $0xFFFFFFFF  }
0xb5: {  	_ =	strace $0x90000048  }
0xb6: {  	_ =	sfence  }
0xb7: {  	s30 =	sld [smem:$0x0];
	_ =	sdelay $0x2  }
0xb8: {  	s31 =	sshll.u32 s1, $0xD;
	s1 =	sshrl.u32 s1, $0x2  }
0xb9: {  	s3 =	sand.u32 $0x4000, s31;
	s1 =	sadd.s32 s1, s30  }
0xba: {  	s0 =	sor.u32 s3, s0;
	s1 =	sshll.u32 s1, $0x11  }
0xbb: {  	s0 =	sor.u32 s1, s0  }
0xbc: {  	s0 =	sadd.s32 $0x8F2B, s0  }
0xbd: {  	[sflag:s0] =	ssyncadd.remote.s32 $0x1  }
0xbe: {  	_ =	sfence.sel $0xFFFF  }
0xbf: {  	[dreg:$0x0] =	wrdreg $0xFFFFFFFF;
	(pc) =	sbr.abs _section_cstart, $3  }
0xc0: {  	[dreg:$0x1] =	wrdreg $0xFFFFFFFF  }
0xc1: {  	_ =	task.clear_ibuf [dreg:s6], $0x2FFFF;
	_ =	strace $0x9FFFFFFF  }
0xc2: {  	(tm) =	ssettm $0x7FFFFFFF  }
0xc3: {  	_ =	shalt  }
tec
execute0_lowered:
.L_overlay_start_1:
0x0: {  	(tag) =	ssettag $0x1  }
0x1: {  	s1 =	simm.s32 $0x0;
	s8 =	stileid.u32;
	s9 =	srdreg.scid  }
0x2: {  	[smem:$0x7FF] =	sst s1;
	s3 =	smul.u32 $0x61A80, s8;
	s1 =	sand.u32 $0x1, s9  }
0x3: {  	s0 =	rddreg [dreg:$0x0];
	s11 =	smul.u32 $0x1388, s1  }
0x4: {  	s2 =	rddreg [dreg:$0x1];
	s7 =	ssub.s32 $0x2, s1;
	s1 =	smul.u32 $0x186B40, s1  }
0x5: {  	_ =	strace $0x80000047;
	s3 =	sshrl.u32 s3, $0x2;
	[dreg:$0x4] =	wrdreg s11  }
0x6: {  	s3 =	sadd.s32 s3, s2;
	[dreg:$0x14] =	wrdreg s1  }
0x7: {  	s12 =	sadd.s32 $0xFA0, s3;
	[dreg:$0x3] =	wrdreg s3  }
0x8: {  	s13 =	sadd.s32 $0x1F40, s3;
	[dreg:$0x5] =	wrdreg s12  }
0x9: {  	s14 =	sadd.s32 $0x2EE0, s3;
	[dreg:$0x6] =	wrdreg s13  }
0xa: {  	s15 =	sadd.s32 $0x3E80, s3;
	[dreg:$0x7] =	wrdreg s14  }
0xb: {  	s16 =	sadd.s32 $0x4E20, s3;
	[dreg:$0x8] =	wrdreg s15  }
0xc: {  	s17 =	sadd.s32 $0x5DC0, s3;
	[dreg:$0x9] =	wrdreg s16  }
0xd: {  	s18 =	sadd.s32 $0x6D60, s3;
	[dreg:$0xa] =	wrdreg s17  }
0xe: {  	s19 =	sadd.s32 $0x7D00, s3;
	[dreg:$0xb] =	wrdreg s18  }
0xf: {  	s20 =	sadd.s32 $0x8CA0, s3;
	[dreg:$0xc] =	wrdreg s19  }
0x10: {  	s21 =	sadd.s32 $0x9C40, s3;
	[dreg:$0xd] =	wrdreg s20  }
0x11: {  	s4 =	sadd.s32 $0xC400, s0;
	s22 =	sadd.s32 $0xABE0, s3;
	[dreg:$0xe] =	wrdreg s21  }
0x12: {  	s5 =	sadd.s32 $0x2600, s0;
	s23 =	sadd.s32 $0xBB80, s3;
	[dreg:$0xf] =	wrdreg s22  }
0x13: {  	s6 =	sadd.s32 $0x16200, s0;
	s24 =	sadd.s32 $0xCB20, s3;
	[dreg:$0x10] =	wrdreg s23  }
0x14: {  	s10 =	sshrl.u32 s7, $0x1;
	s25 =	sadd.s32 $0xDAC0, s3;
	[dreg:$0x11] =	wrdreg s24  }
0x15: {  	s0 =	ssub.s32 s7, s10;
	s26 =	sadd.s32 $0xEA60, s3;
	[dreg:$0x12] =	wrdreg s25  }
0x16: {  	s0 =	smax.u32 s0, $0x1;
	[dreg:$0x13] =	wrdreg s26  }
0x17: {  	s28 =	sadd.s32 $0xFA00, s3;
	[dreg:$0x15] =	wrdreg s0  }
0x18: {  	s30 =	sadd.s32 $0x109A0, s3;
	[dreg:$0x16] =	wrdreg s28  }
0x19: {  	s31 =	sadd.s32 $0x11940, s3;
	[dreg:$0x17] =	wrdreg s30  }
0x1a: {  	s1 =	sadd.s32 $0x128E0, s3;
	[dreg:$0x18] =	wrdreg s31  }
0x1b: {  	s7 =	sadd.s32 $0x13880, s3;
	[dreg:$0x19] =	wrdreg s1  }
0x1c: {  	s9 =	sadd.s32 $0x14820, s3;
	[dreg:$0x1a] =	wrdreg s7  }
0x1d: {  	s10 =	sadd.s32 $0x157C0, s3;
	[dreg:$0x1b] =	wrdreg s9  }
0x1e: {  	s11 =	sadd.s32 $0x16760, s3;
	s20 =	smul.u32 $0x4E20, s8;
	[dreg:$0x1c] =	wrdreg s10  }
0x1f: {  	[dreg:$0x1d] =	wrdreg s11;
	s12 =	sadd.s32 $0x17700, s3  }
0x20: {  	[dreg:$0x1e] =	wrdreg s12;
	s14 =	sadd.s32 $0x80, s20  }
0x21: {  	s15 =	sadd.s32 $0x100, s20;
	[dreg:$0x1f] =	wrdreg s14  }
0x22: {  	s16 =	sadd.s32 $0x180, s20;
	[smem:$0x7F0] =	sst s15  }
0x23: {  	s17 =	sadd.s32 $0x200, s20;
	[smem:$0x7F1] =	sst s16  }
0x24: {  	s18 =	sadd.s32 $0x280, s20;
	[smem:$0x7F2] =	sst s17  }
0x25: {  	s19 =	sadd.s32 $0x300, s20;
	[smem:$0x7F3] =	sst s18  }
0x26: {  	s21 =	sadd.s32 $0x380, s20;
	[smem:$0x7F4] =	sst s19  }
0x27: {  	s22 =	sadd.s32 $0x400, s20;
	[smem:$0x7F5] =	sst s21  }
0x28: {  	s23 =	sadd.s32 $0x480, s20;
	[smem:$0x7F6] =	sst s22  }
0x29: {  	s24 =	sadd.s32 $0x500, s20;
	[smem:$0x7F7] =	sst s23  }
0x2a: {  	s25 =	sadd.s32 $0x580, s20;
	[smem:$0x7F8] =	sst s24  }
0x2b: {  	s29 =	simm.s32 $0x1;
	s26 =	sadd.s32 $0x600, s20;
	[smem:$0x7F9] =	sst s25  }
0x2c: {  	s10 =	smul.u32 $0x61A8, s8;
	s28 =	sadd.s32 $0x680, s20;
	[smem:$0x7FA] =	sst s26  }
0x2d: {  	s0 =	simm.s32 $0x2;
	s30 =	sadd.s32 $0x700, s20;
	[smem:$0x7FB] =	sst s28  }
0x2e: {  	v1 =	vimm.s32 $0x0;
	s13 =	sadd.s32 $0x4E20, s20;
	s31 =	sadd.s32 $0x780, s20;
	[smem:$0x7FC] =	sst s30  }
0x2f: {  	v2 =	vlaneseq.u32;
	v3 =	vimm.s32 $0x1;
	s3 =	simm.s32 $0x0;
	[smem:$0x7FD] =	sst s31;
	s25 =	simm.s32 $0x80;
	v0 =	vmov s13  }
.LBB2_1:
0x30: {  	[smem:$0x7EF] =	sst s3;
	s1 =	simm.s32 $0x40;
	s3 =	simm.s32 $0x0  }
.LBB2_2:
0x31: {  	p0 =	sne.s32 s1, $0x3E40;
	[tilespmem:s3+$0x1A6B0] =	vst v1;
	s3 =	smov.u32 s1;
	s1 =	sadd.s32 $0x40, s1  }
.Ltmp0:
0x32: {  	(pc) =	sbr.rel @p0 .LBB2_2-.Ltmp0, $2  }
0x33: {  	_ =	sdelay $0x2  }
0x34: {  	s3 =	sshra.s32 s3, $0x2  }
0x35: {  	[tilespmem:s3+$0x1A6B0] =	vst v1;
	s18 =	simm.s32 $0x0  }
.LBB2_4:
0x36: {  	s1 =	rddreg [dreg:$0x3];
	s3 =	simm.s32 $0x1A6B0  }
0x37: {  	[spmem:s1] =	stream.linear.scatter [tilespmem:s3], [sflag:$0x1], $0xFA0, $0x38;
	[tilespmem:$0x1DF40] =	vst v63  }
0x38: {  	s16 =	rddreg [dreg:$0x5]  }
0x39: {  	[spmem:s16] =	stream.linear.scatter [tilespmem:s3], [sflag:$0x1], $0xFA0, $0x38;
	[tilespmem:$0x1DF40] =	vst v63  }
0x3a: {  	s17 =	rddreg [dreg:$0x6]  }
0x3b: {  	[spmem:s17] =	stream.linear.scatter [tilespmem:s3], [sflag:$0x1], $0xFA0, $0x38;
	[tilespmem:$0x1DF40] =	vst v63  }
0x3c: {  	s19 =	rddreg [dreg:$0x7]  }
0x3d: {  	[spmem:s19] =	stream.linear.scatter [tilespmem:s3], [sflag:$0x1], $0xFA0, $0x38;
	[tilespmem:$0x1DF40] =	vst v63  }
0x3e: {  	s21 =	rddreg [dreg:$0x8]  }
0x3f: {  	[spmem:s21] =	stream.linear.scatter [tilespmem:s3], [sflag:$0x1], $0xFA0, $0x38;
	[tilespmem:$0x1DF40] =	vst v63  }
0x40: {  	_ =	swait.ge [sflag:s29], $0xFA0  }
0x41: {  	[sflag:s29] =	ssyncset.done $0x0  }
0x42: {  	[sflag:s29] =	ssyncadd.s32 $0xFFFFF060  }
0x43: {  	_ =	swait.ge [sflag:s29], $0xFA0  }
0x44: {  	[sflag:s29] =	ssyncset.done $0x0  }
0x45: {  	[sflag:s29] =	ssyncadd.s32 $0xFFFFF060  }
0x46: {  	_ =	swait.ge [sflag:s29], $0xFA0  }
0x47: {  	[sflag:s29] =	ssyncset.done $0x0  }
0x48: {  	[sflag:s29] =	ssyncadd.s32 $0xFFFFF060  }
0x49: {  	_ =	swait.ge [sflag:s29], $0xFA0  }
0x4a: {  	[sflag:s29] =	ssyncset.done $0x0  }
0x4b: {  	[sflag:s29] =	ssyncadd.s32 $0xFFFFF060  }
0x4c: {  	_ =	swait.ge [sflag:s29], $0xFA0  }
0x4d: {  	[sflag:s29] =	ssyncset.done $0x0  }
0x4e: {  	s22 =	rddreg [dreg:$0x9];
	[sflag:s29] =	ssyncadd.s32 $0xFFFFF060  }
0x4f: {  	[spmem:s22] =	stream.linear.scatter [tilespmem:s3], [sflag:$0x1], $0xFA0, $0x38;
	[tilespmem:$0x1DF40] =	vst v63  }
0x50: {  	s23 =	rddreg [dreg:$0xa]  }
0x51: {  	[spmem:s23] =	stream.linear.scatter [tilespmem:s3], [sflag:$0x1], $0xFA0, $0x38;
	[tilespmem:$0x1DF40] =	vst v63  }
0x52: {  	s24 =	rddreg [dreg:$0xb]  }
0x53: {  	[spmem:s24] =	stream.linear.scatter [tilespmem:s3], [sflag:$0x1], $0xFA0, $0x38;
	[tilespmem:$0x1DF40] =	vst v63  }
0x54: {  	s26 =	rddreg [dreg:$0xc]  }
0x55: {  	[spmem:s26] =	stream.linear.scatter [tilespmem:s3], [sflag:$0x1], $0xFA0, $0x38;
	[tilespmem:$0x1DF40] =	vst v63  }
0x56: {  	s31 =	rddreg [dreg:$0xd]  }
0x57: {  	[spmem:s31] =	stream.linear.scatter [tilespmem:s3], [sflag:$0x1], $0xFA0, $0x38;
	[tilespmem:$0x1DF40] =	vst v63  }
0x58: {  	_ =	swait.ge [sflag:s29], $0xFA0  }
0x59: {  	[sflag:s29] =	ssyncset.done $0x0  }
0x5a: {  	[sflag:s29] =	ssyncadd.s32 $0xFFFFF060  }
0x5b: {  	_ =	swait.ge [sflag:s29], $0xFA0  }
0x5c: {  	[sflag:s29] =	ssyncset.done $0x0  }
0x5d: {  	[sflag:s29] =	ssyncadd.s32 $0xFFFFF060  }
0x5e: {  	_ =	swait.ge [sflag:s29], $0xFA0  }
0x5f: {  	[sflag:s29] =	ssyncset.done $0x0  }
0x60: {  	[sflag:s29] =	ssyncadd.s32 $0xFFFFF060  }
0x61: {  	_ =	swait.ge [sflag:s29], $0xFA0  }
0x62: {  	[sflag:s29] =	ssyncset.done $0x0  }
0x63: {  	[sflag:s29] =	ssyncadd.s32 $0xFFFFF060  }
0x64: {  	_ =	swait.ge [sflag:s29], $0xFA0  }
0x65: {  	[sflag:s29] =	ssyncset.done $0x0  }
0x66: {  	s7 =	rddreg [dreg:$0xe];
	[sflag:s29] =	ssyncadd.s32 $0xFFFFF060  }
0x67: {  	[spmem:s7] =	stream.linear.scatter [tilespmem:s3], [sflag:$0x1], $0xFA0, $0x38;
	[tilespmem:$0x1DF40] =	vst v63  }
0x68: {  	s8 =	rddreg [dreg:$0xf]  }
0x69: {  	[spmem:s8] =	stream.linear.scatter [tilespmem:s3], [sflag:$0x1], $0xFA0, $0x38;
	[tilespmem:$0x1DF40] =	vst v63  }
0x6a: {  	s9 =	rddreg [dreg:$0x10]  }
0x6b: {  	[spmem:s9] =	stream.linear.scatter [tilespmem:s3], [sflag:$0x1], $0xFA0, $0x38;
	[tilespmem:$0x1DF40] =	vst v63  }
0x6c: {  	s11 =	rddreg [dreg:$0x11]  }
0x6d: {  	[spmem:s11] =	stream.linear.scatter [tilespmem:s3], [sflag:$0x1], $0xFA0, $0x38;
	[tilespmem:$0x1DF40] =	vst v63  }
0x6e: {  	s12 =	rddreg [dreg:$0x12]  }
0x6f: {  	[spmem:s12] =	stream.linear.scatter [tilespmem:s3], [sflag:$0x1], $0xFA0, $0x38;
	[tilespmem:$0x1DF40] =	vst v63  }
0x70: {  	_ =	swait.ge [sflag:s29], $0xFA0  }
0x71: {  	[sflag:s29] =	ssyncset.done $0x0  }
0x72: {  	[sflag:s29] =	ssyncadd.s32 $0xFFFFF060  }
0x73: {  	_ =	swait.ge [sflag:s29], $0xFA0  }
0x74: {  	[sflag:s29] =	ssyncset.done $0x0  }
0x75: {  	[sflag:s29] =	ssyncadd.s32 $0xFFFFF060  }
0x76: {  	_ =	swait.ge [sflag:s29], $0xFA0  }
0x77: {  	[sflag:s29] =	ssyncset.done $0x0  }
0x78: {  	[sflag:s29] =	ssyncadd.s32 $0xFFFFF060  }
0x79: {  	_ =	swait.ge [sflag:s29], $0xFA0  }
0x7a: {  	[sflag:s29] =	ssyncset.done $0x0  }
0x7b: {  	[sflag:s29] =	ssyncadd.s32 $0xFFFFF060  }
0x7c: {  	_ =	swait.ge [sflag:s29], $0xFA0  }
0x7d: {  	[sflag:s29] =	ssyncset.done $0x0  }
0x7e: {  	s13 =	rddreg [dreg:$0x13];
	[sflag:s29] =	ssyncadd.s32 $0xFFFFF060  }
0x7f: {  	[spmem:s13] =	stream.linear.scatter [tilespmem:s3], [sflag:$0x1], $0xFA0, $0x38;
	[tilespmem:$0x1DF40] =	vst v63  }
0x80: {  	s14 =	rddreg [dreg:$0x16]  }
0x81: {  	[spmem:s14] =	stream.linear.scatter [tilespmem:s3], [sflag:$0x1], $0xFA0, $0x38;
	[tilespmem:$0x1DF40] =	vst v63  }
0x82: {  	s15 =	rddreg [dreg:$0x17]  }
0x83: {  	[spmem:s15] =	stream.linear.scatter [tilespmem:s3], [sflag:$0x1], $0xFA0, $0x38;
	[tilespmem:$0x1DF40] =	vst v63  }
0x84: {  	s16 =	rddreg [dreg:$0x18]  }
0x85: {  	[spmem:s16] =	stream.linear.scatter [tilespmem:s3], [sflag:$0x1], $0xFA0, $0x38;
	[tilespmem:$0x1DF40] =	vst v63  }
0x86: {  	s17 =	rddreg [dreg:$0x19]  }
0x87: {  	[spmem:s17] =	stream.linear.scatter [tilespmem:s3], [sflag:$0x1], $0xFA0, $0x38;
	[tilespmem:$0x1DF40] =	vst v63  }
0x88: {  	_ =	swait.ge [sflag:s29], $0xFA0  }
0x89: {  	[sflag:s29] =	ssyncset.done $0x0  }
0x8a: {  	[sflag:s29] =	ssyncadd.s32 $0xFFFFF060  }
0x8b: {  	_ =	swait.ge [sflag:s29], $0xFA0  }
0x8c: {  	[sflag:s29] =	ssyncset.done $0x0  }
0x8d: {  	[sflag:s29] =	ssyncadd.s32 $0xFFFFF060  }
0x8e: {  	_ =	swait.ge [sflag:s29], $0xFA0  }
0x8f: {  	[sflag:s29] =	ssyncset.done $0x0  }
0x90: {  	[sflag:s29] =	ssyncadd.s32 $0xFFFFF060  }
0x91: {  	_ =	swait.ge [sflag:s29], $0xFA0  }
0x92: {  	[sflag:s29] =	ssyncset.done $0x0  }
0x93: {  	[sflag:s29] =	ssyncadd.s32 $0xFFFFF060  }
0x94: {  	_ =	swait.ge [sflag:s29], $0xFA0  }
0x95: {  	[sflag:s29] =	ssyncset.done $0x0  }
0x96: {  	s19 =	rddreg [dreg:$0x1a];
	[sflag:s29] =	ssyncadd.s32 $0xFFFFF060  }
0x97: {  	[spmem:s19] =	stream.linear.scatter [tilespmem:s3], [sflag:$0x1], $0xFA0, $0x38;
	[tilespmem:$0x1DF40] =	vst v63  }
0x98: {  	s21 =	rddreg [dreg:$0x1b]  }
0x99: {  	[spmem:s21] =	stream.linear.scatter [tilespmem:s3], [sflag:$0x1], $0xFA0, $0x38;
	[tilespmem:$0x1DF40] =	vst v63  }
0x9a: {  	s22 =	rddreg [dreg:$0x1c]  }
0x9b: {  	[spmem:s22] =	stream.linear.scatter [tilespmem:s3], [sflag:$0x1], $0xFA0, $0x38;
	[tilespmem:$0x1DF40] =	vst v63  }
0x9c: {  	s23 =	rddreg [dreg:$0x1d]  }
0x9d: {  	[spmem:s23] =	stream.linear.scatter [tilespmem:s3], [sflag:$0x1], $0xFA0, $0x38;
	[tilespmem:$0x1DF40] =	vst v63  }
0x9e: {  	s24 =	rddreg [dreg:$0x1e]  }
0x9f: {  	[spmem:s24] =	stream.linear.scatter [tilespmem:s3], [sflag:$0x1], $0xFA0, $0x38;
	[tilespmem:$0x1DF40] =	vst v63  }
0xa0: {  	_ =	swait.ge [sflag:s29], $0xFA0  }
0xa1: {  	[sflag:s29] =	ssyncset.done $0x0  }
0xa2: {  	[sflag:s29] =	ssyncadd.s32 $0xFFFFF060  }
0xa3: {  	_ =	swait.ge [sflag:s29], $0xFA0  }
0xa4: {  	[sflag:s29] =	ssyncset.done $0x0  }
0xa5: {  	[sflag:s29] =	ssyncadd.s32 $0xFFFFF060  }
0xa6: {  	_ =	swait.ge [sflag:s29], $0xFA0  }
0xa7: {  	[sflag:s29] =	ssyncset.done $0x0  }
0xa8: {  	[sflag:s29] =	ssyncadd.s32 $0xFFFFF060  }
0xa9: {  	_ =	swait.ge [sflag:s29], $0xFA0  }
0xaa: {  	[sflag:s29] =	ssyncset.done $0x0  }
0xab: {  	[smem:$0x7EE] =	sst s18;
	[sflag:s29] =	ssyncadd.s32 $0xFFFFF060  }
0xac: {  	_ =	swait.ge [sflag:s29], $0xFA0  }
0xad: {  	[sflag:s29] =	ssyncset.done $0x0  }
0xae: {  	[sflag:s29] =	ssyncadd.s32 $0xFFFFF060  }
0xaf: {  	s31 =	rddreg [dreg:$0x4];
	[bflag:$0x0] =	sbarrier.arrive $0xFFFF  }
0xb0: {  	s26 =	smul.u32 $0x4E2, s18;
	s23 =	sld [smem:$0x7FD]  }
0xb1: {  	s24 =	sld [smem:$0x7FC]  }
0xb2: {  	s1 =	sadd.s32 s31, s26;
	s26 =	sld [smem:$0x7FB]  }
0xb3: {  	s28 =	sld [smem:$0x7FA]  }
0xb4: {  	s3 =	sld [smem:$0x7F9]  }
0xb5: {  	s30 =	sld [smem:$0x7F8]  }
0xb6: {  	v4 =	vmov s1;
	s1 =	sld [smem:$0x7F7]  }
0xb7: {  	s8 =	sld [smem:$0x7F6]  }
0xb8: {  	s9 =	sld [smem:$0x7F5]  }
0xb9: {  	s7 =	sld [smem:$0x7F4]  }
0xba: {  	s11 =	sld [smem:$0x7F3]  }
0xbb: {  	s12 =	sld [smem:$0x7F2]  }
0xbc: {  	s13 =	sld [smem:$0x7F1]  }
0xbd: {  	s14 =	sld [smem:$0x7F0]  }
0xbe: {  	s16 =	smov.u32 s20;
	s17 =	simm.s32 $0x0;
	s15 =	rddreg [dreg:$0x1f]  }
.LBB2_5:
0xbf: {  	s18 =	sshll.u32 s17, $0xB  }
0xc0: {  	s18 =	sadd.s32 s20, s18  }
0xc1: {  	s18 =	sshrl.u32 s18, $0x3  }
0xc2: {  	s21 =	simm.s32 $0x0;
	s22 =	simm.s32 $0x186B0;
	s19 =	sadd.s32 s4, s18  }
0xc3: {  	[tilespmem:s22], [sflag:$0x2] =	stream.linear.gather [hbm4b:s19+s21], $0x800, $0x38;
	[tilespmem:$0x1DF40] =	vst v63  }
0xc4: {  	_ =	swait.ge [sflag:s0], $0x800  }
0xc5: {  	[sflag:s0] =	ssyncset.done $0x0  }
0xc6: {  	s18 =	sadd.s32 s5, s18;
	s22 =	simm.s32 $0x18EB0;
	[sflag:s0] =	ssyncadd.s32 $0xFFFFF800  }
0xc7: {  	[tilespmem:s22], [sflag:$0x2] =	stream.linear.gather [hbm4b:s18+s21], $0x800, $0x38;
	[tilespmem:$0x1DF40] =	vst v63  }
0xc8: {  	_ =	swait.ge [sflag:s0], $0x800  }
0xc9: {  	[sflag:s0] =	ssyncset.done $0x0  }
0xca: {  	s18 =	simm.s32 $0x0;
	[sflag:s0] =	ssyncadd.s32 $0xFFFFF800  }
0xcb: {  	v9 =	vld [tilespmem:s18+$0x18EB0];
	_ =	sdelay $0x1  }
0xcc: {  	v5 =	vld [tilespmem:s18+$0x186B0];
	_ =	sdelay $0x2  }
0xcd: {  	v6 =	vand.u32 $0x3, v9  }
0xce: {  	s19 =	simm.s32 $0x10;
	v7 =	vmul.u32 $0x4E2, v6  }
0xcf: {  	v10 =	vsub.s32 v5, v4;
	v5 =	vld [tilespmem:s19+$0x18EB0]  }
0xd0: {  	v11 =	vor.u32 s16, v2;
	v7 =	vadd.s32 v10, v7  }
0xd1: {  	vm0 =	vlt.u32 v11, v0;
	v8 =	vmul.u32 $0x140, v7;
	v7 =	vld [tilespmem:s19+$0x186B0]  }
0xd2: {  	v11 =	vand.u32 $0x7F, v11;
	v6 =	vand.u32 $0x1C, v9;
	vm1 =	vlt.u32 v10, $0x4E2  }
0xd3: {  	s31 =	smov.u32 s16;
	s21 =	simm.s32 $0x80;
	v6 =	vshll.u32 v3, v6;
	v10 =	vshrl.u32 v9, $0x5;
	v9 =	vor.u32 $0x186A00, v11  }
.LBB2_6:
0xd4: {  	s22 =	sshra.s32 s21, $0x2;
	p0 =	sne.s32 s21, $0x1C0;
	s21 =	sadd.s32 $0x40, s21;
	v11 =	vand.u32 $0x3, v5;
	vm0 =	vmand vm0, vm1;
	v8 =	vadd.s32 v10, v8;
	v10 =	vmovc v5  }
.Ltmp1:
0xd5: {  	v5 =	vld [tilespmem:s22+$0x18EB0];
	v11 =	vmul.u32 $0x4E2, v11;
	v12 =	vand.u32 $0x1C, v10;
	v8 =	vsel vm0, v8, v9;
	(pc) =	sbr.rel @p0 .LBB2_6-.Ltmp1, $4  }
0xd6: {  	s31 =	sadd.s32 $0x10, s31;
	v13 =	vnsel vm0, $0x0, v6;
	v9 =	vsub.s32 v7, v4;
	v6 =	vshll.u32 v3, v12;
	[tilespmem:s18+$0x196B0] =	vst v8  }
0xd7: {  	v12 =	vor.u32 s31, v2;
	v7 =	vld [tilespmem:s22+$0x186B0];
	v8 =	vadd.s32 v9, v11;
	[tilespmem:s18+$0x19EB0] =	vst v13;
	s18 =	smov.u32 s19;
	s19 =	smov.u32 s22  }
0xd8: {  	vm0 =	vlt.u32 v12, v0;
	v11 =	vand.u32 $0x7F, v12;
	v8 =	vmul.u32 $0x140, v8  }
0xd9: {  	v10 =	vshrl.u32 v10, $0x5;
	vm1 =	vlt.u32 v9, $0x4E2;
	v9 =	vor.u32 $0x186A00, v11  }
0xda: {  	v11 =	vand.u32 $0x3, v5;
	vm0 =	vmand vm0, vm1  }
0xdb: {  	v8 =	vadd.s32 v10, v8;
	v10 =	vand.u32 $0x1C, v5;
	v11 =	vmul.u32 $0x4E2, v11  }
0xdc: {  	s21 =	sadd.s32 $0x10, s31;
	v5 =	vshrl.u32 v5, $0x5;
	v8 =	vsel vm0, v8, v9;
	v7 =	vsub.s32 v7, v4  }
0xdd: {  	v9 =	vor.u32 s21, v2;
	v6 =	vnsel vm0, $0x0, v6;
	v11 =	vadd.s32 v7, v11  }
0xde: {  	vm0 =	vlt.u32 v9, v0;
	vm1 =	vlt.u32 v7, $0x4E2;
	v11 =	vmul.u32 $0x140, v11  }
0xdf: {  	v9 =	vand.u32 $0x7F, v9;
	[tilespmem:s18+$0x196B0] =	vst v8;
	v8 =	vshll.u32 v3, v10;
	vm0 =	vmand vm0, vm1  }
0xe0: {  	[tilespmem:s18+$0x19EB0] =	vst v6;
	v7 =	vor.u32 $0x186A00, v9;
	v6 =	vnsel vm0, $0x0, v8;
	v5 =	vadd.s32 v5, v11  }
0xe1: {  	[tilespmem:s19+$0x19EB0] =	vst v6;
	v5 =	vsel vm0, v5, v7  }
0xe2: {  	s22 =	simm.s32 $0x19EB0;
	s21 =	simm.s32 $0x196B0;
	s18 =	simm.s32 $0x0;
	[tilespmem:s19+$0x196B0] =	vst v5  }
0xe3: {  	[spmem:s2] =	stream.indirect.scatter.add.s32 [tilespmem:s22], [sflag:$0x1], $0x1, s21, s25, $0xb8;
	[tilespmem:$0x1DF40] =	vst v63  }
0xe4: {  	v9 =	vld [tilespmem:s18+$0x18F30];
	_ =	sdelay $0x1  }
0xe5: {  	v5 =	vld [tilespmem:s18+$0x18730];
	_ =	sdelay $0x2  }
0xe6: {  	v6 =	vand.u32 $0x3, v9  }
0xe7: {  	s19 =	simm.s32 $0x10;
	v7 =	vmul.u32 $0x4E2, v6  }
0xe8: {  	v10 =	vsub.s32 v5, v4;
	v5 =	vld [tilespmem:s19+$0x18F30]  }
0xe9: {  	v11 =	vor.u32 s15, v2;
	v7 =	vadd.s32 v10, v7  }
0xea: {  	vm0 =	vlt.u32 v11, v0;
	v8 =	vmul.u32 $0x140, v7;
	v7 =	vld [tilespmem:s19+$0x18730]  }
0xeb: {  	v11 =	vand.u32 $0x7F, v11;
	v6 =	vand.u32 $0x1C, v9;
	vm1 =	vlt.u32 v10, $0x4E2  }
0xec: {  	s31 =	smov.u32 s15;
	s21 =	simm.s32 $0x80;
	v6 =	vshll.u32 v3, v6;
	v10 =	vshrl.u32 v9, $0x5;
	v9 =	vor.u32 $0x186A00, v11  }
.LBB2_8:
0xed: {  	s22 =	sshra.s32 s21, $0x2;
	p0 =	sne.s32 s21, $0x1C0;
	s21 =	sadd.s32 $0x40, s21;
	v11 =	vand.u32 $0x3, v5;
	vm0 =	vmand vm0, vm1;
	v8 =	vadd.s32 v10, v8;
	v10 =	vmovc v5  }
.Ltmp2:
0xee: {  	v5 =	vld [tilespmem:s22+$0x18F30];
	v11 =	vmul.u32 $0x4E2, v11;
	v12 =	vand.u32 $0x1C, v10;
	v8 =	vsel vm0, v8, v9;
	(pc) =	sbr.rel @p0 .LBB2_8-.Ltmp2, $4  }
0xef: {  	s31 =	sadd.s32 $0x10, s31;
	v13 =	vnsel vm0, $0x0, v6;
	v9 =	vsub.s32 v7, v4;
	v6 =	vshll.u32 v3, v12;
	[tilespmem:s18+$0x19730] =	vst v8  }
0xf0: {  	v12 =	vor.u32 s31, v2;
	v7 =	vld [tilespmem:s22+$0x18730];
	v8 =	vadd.s32 v9, v11;
	[tilespmem:s18+$0x19F30] =	vst v13;
	s18 =	smov.u32 s19;
	s19 =	smov.u32 s22  }
0xf1: {  	vm0 =	vlt.u32 v12, v0;
	v11 =	vand.u32 $0x7F, v12;
	v8 =	vmul.u32 $0x140, v8  }
0xf2: {  	v10 =	vshrl.u32 v10, $0x5;
	vm1 =	vlt.u32 v9, $0x4E2;
	v9 =	vor.u32 $0x186A00, v11  }
0xf3: {  	v11 =	vand.u32 $0x3, v5;
	vm0 =	vmand vm0, vm1  }
0xf4: {  	v8 =	vadd.s32 v10, v8;
	v10 =	vand.u32 $0x1C, v5;
	v11 =	vmul.u32 $0x4E2, v11  }
0xf5: {  	s21 =	sadd.s32 $0x10, s31;
	v5 =	vshrl.u32 v5, $0x5;
	v8 =	vsel vm0, v8, v9;
	v7 =	vsub.s32 v7, v4  }
0xf6: {  	v9 =	vor.u32 s21, v2;
	v6 =	vnsel vm0, $0x0, v6;
	v11 =	vadd.s32 v7, v11  }
0xf7: {  	vm0 =	vlt.u32 v9, v0;
	vm1 =	vlt.u32 v7, $0x4E2;
	v11 =	vmul.u32 $0x140, v11  }
0xf8: {  	v9 =	vand.u32 $0x7F, v9;
	[tilespmem:s18+$0x19730] =	vst v8;
	v8 =	vshll.u32 v3, v10;
	vm0 =	vmand vm0, vm1  }
0xf9: {  	[tilespmem:s18+$0x19F30] =	vst v6;
	v7 =	vor.u32 $0x186A00, v9;
	v6 =	vnsel vm0, $0x0, v8;
	v5 =	vadd.s32 v5, v11  }
0xfa: {  	[tilespmem:s19+$0x19F30] =	vst v6;
	v5 =	vsel vm0, v5, v7  }
0xfb: {  	s22 =	simm.s32 $0x19F30;
	s21 =	simm.s32 $0x19730;
	s18 =	simm.s32 $0x0;
	[tilespmem:s19+$0x19730] =	vst v5  }
0xfc: {  	[spmem:s2] =	stream.indirect.scatter.add.s32 [tilespmem:s22], [sflag:$0x1], $0x1, s21, s25, $0xb8;
	[tilespmem:$0x1DF40] =	vst v63  }
0xfd: {  	v9 =	vld [tilespmem:s18+$0x18FB0];
	_ =	sdelay $0x1  }
0xfe: {  	v5 =	vld [tilespmem:s18+$0x187B0];
	_ =	sdelay $0x2  }
0xff: {  	v6 =	vand.u32 $0x3, v9  }
0x100: {  	s19 =	simm.s32 $0x10;
	v7 =	vmul.u32 $0x4E2, v6  }
0x101: {  	v10 =	vsub.s32 v5, v4;
	v5 =	vld [tilespmem:s19+$0x18FB0]  }
0x102: {  	v11 =	vor.u32 s14, v2;
	v7 =	vadd.s32 v10, v7  }
0x103: {  	vm0 =	vlt.u32 v11, v0;
	v8 =	vmul.u32 $0x140, v7;
	v7 =	vld [tilespmem:s19+$0x187B0]  }
0x104: {  	v11 =	vand.u32 $0x7F, v11;
	v6 =	vand.u32 $0x1C, v9;
	vm1 =	vlt.u32 v10, $0x4E2  }
0x105: {  	s31 =	smov.u32 s14;
	s21 =	simm.s32 $0x80;
	v6 =	vshll.u32 v3, v6;
	v10 =	vshrl.u32 v9, $0x5;
	v9 =	vor.u32 $0x186A00, v11  }
.LBB2_10:
0x106: {  	s22 =	sshra.s32 s21, $0x2;
	p0 =	sne.s32 s21, $0x1C0;
	s21 =	sadd.s32 $0x40, s21;
	v11 =	vand.u32 $0x3, v5;
	vm0 =	vmand vm0, vm1;
	v8 =	vadd.s32 v10, v8;
	v10 =	vmovc v5  }
.Ltmp3:
0x107: {  	v5 =	vld [tilespmem:s22+$0x18FB0];
	v11 =	vmul.u32 $0x4E2, v11;
	v12 =	vand.u32 $0x1C, v10;
	v8 =	vsel vm0, v8, v9;
	(pc) =	sbr.rel @p0 .LBB2_10-.Ltmp3, $4  }
0x108: {  	s31 =	sadd.s32 $0x10, s31;
	v13 =	vnsel vm0, $0x0, v6;
	v9 =	vsub.s32 v7, v4;
	v6 =	vshll.u32 v3, v12;
	[tilespmem:s18+$0x197B0] =	vst v8  }
0x109: {  	v12 =	vor.u32 s31, v2;
	v7 =	vld [tilespmem:s22+$0x187B0];
	v8 =	vadd.s32 v9, v11;
	[tilespmem:s18+$0x19FB0] =	vst v13;
	s18 =	smov.u32 s19;
	s19 =	smov.u32 s22  }
0x10a: {  	vm0 =	vlt.u32 v12, v0;
	v11 =	vand.u32 $0x7F, v12;
	v8 =	vmul.u32 $0x140, v8  }
0x10b: {  	v10 =	vshrl.u32 v10, $0x5;
	vm1 =	vlt.u32 v9, $0x4E2;
	v9 =	vor.u32 $0x186A00, v11  }
0x10c: {  	v11 =	vand.u32 $0x3, v5;
	vm0 =	vmand vm0, vm1  }
0x10d: {  	v8 =	vadd.s32 v10, v8;
	v10 =	vand.u32 $0x1C, v5;
	v11 =	vmul.u32 $0x4E2, v11  }
0x10e: {  	s21 =	sadd.s32 $0x10, s31;
	v5 =	vshrl.u32 v5, $0x5;
	v8 =	vsel vm0, v8, v9;
	v7 =	vsub.s32 v7, v4  }
0x10f: {  	v9 =	vor.u32 s21, v2;
	v6 =	vnsel vm0, $0x0, v6;
	v11 =	vadd.s32 v7, v11  }
0x110: {  	vm0 =	vlt.u32 v9, v0;
	vm1 =	vlt.u32 v7, $0x4E2;
	v11 =	vmul.u32 $0x140, v11  }
0x111: {  	v9 =	vand.u32 $0x7F, v9;
	[tilespmem:s18+$0x197B0] =	vst v8;
	v8 =	vshll.u32 v3, v10;
	vm0 =	vmand vm0, vm1  }
0x112: {  	[tilespmem:s18+$0x19FB0] =	vst v6;
	v7 =	vor.u32 $0x186A00, v9;
	v6 =	vnsel vm0, $0x0, v8;
	v5 =	vadd.s32 v5, v11  }
0x113: {  	[tilespmem:s19+$0x19FB0] =	vst v6;
	v5 =	vsel vm0, v5, v7  }
0x114: {  	s22 =	simm.s32 $0x19FB0;
	s21 =	simm.s32 $0x197B0;
	s18 =	simm.s32 $0x0;
	[tilespmem:s19+$0x197B0] =	vst v5  }
0x115: {  	[spmem:s2] =	stream.indirect.scatter.add.s32 [tilespmem:s22], [sflag:$0x1], $0x1, s21, s25, $0xb8;
	[tilespmem:$0x1DF40] =	vst v63  }
0x116: {  	v9 =	vld [tilespmem:s18+$0x19030];
	_ =	sdelay $0x1  }
0x117: {  	v5 =	vld [tilespmem:s18+$0x18830];
	_ =	sdelay $0x2  }
0x118: {  	v6 =	vand.u32 $0x3, v9  }
0x119: {  	s19 =	simm.s32 $0x10;
	v7 =	vmul.u32 $0x4E2, v6  }
0x11a: {  	v10 =	vsub.s32 v5, v4;
	v5 =	vld [tilespmem:s19+$0x19030]  }
0x11b: {  	v11 =	vor.u32 s13, v2;
	v7 =	vadd.s32 v10, v7  }
0x11c: {  	vm0 =	vlt.u32 v11, v0;
	v8 =	vmul.u32 $0x140, v7;
	v7 =	vld [tilespmem:s19+$0x18830]  }
0x11d: {  	v11 =	vand.u32 $0x7F, v11;
	v6 =	vand.u32 $0x1C, v9;
	vm1 =	vlt.u32 v10, $0x4E2  }
0x11e: {  	s31 =	smov.u32 s13;
	s21 =	simm.s32 $0x80;
	v6 =	vshll.u32 v3, v6;
	v10 =	vshrl.u32 v9, $0x5;
	v9 =	vor.u32 $0x186A00, v11  }
.LBB2_12:
0x11f: {  	s22 =	sshra.s32 s21, $0x2;
	p0 =	sne.s32 s21, $0x1C0;
	s21 =	sadd.s32 $0x40, s21;
	v11 =	vand.u32 $0x3, v5;
	vm0 =	vmand vm0, vm1;
	v8 =	vadd.s32 v10, v8;
	v10 =	vmovc v5  }
.Ltmp4:
0x120: {  	v5 =	vld [tilespmem:s22+$0x19030];
	v11 =	vmul.u32 $0x4E2, v11;
	v12 =	vand.u32 $0x1C, v10;
	v8 =	vsel vm0, v8, v9;
	(pc) =	sbr.rel @p0 .LBB2_12-.Ltmp4, $4  }
0x121: {  	s31 =	sadd.s32 $0x10, s31;
	v13 =	vnsel vm0, $0x0, v6;
	v9 =	vsub.s32 v7, v4;
	v6 =	vshll.u32 v3, v12;
	[tilespmem:s18+$0x19830] =	vst v8  }
0x122: {  	v12 =	vor.u32 s31, v2;
	v7 =	vld [tilespmem:s22+$0x18830];
	v8 =	vadd.s32 v9, v11;
	[tilespmem:s18+$0x1A030] =	vst v13;
	s18 =	smov.u32 s19;
	s19 =	smov.u32 s22  }
0x123: {  	vm0 =	vlt.u32 v12, v0;
	v11 =	vand.u32 $0x7F, v12;
	v8 =	vmul.u32 $0x140, v8  }
0x124: {  	v10 =	vshrl.u32 v10, $0x5;
	vm1 =	vlt.u32 v9, $0x4E2;
	v9 =	vor.u32 $0x186A00, v11  }
0x125: {  	v11 =	vand.u32 $0x3, v5;
	vm0 =	vmand vm0, vm1  }
0x126: {  	v8 =	vadd.s32 v10, v8;
	v10 =	vand.u32 $0x1C, v5;
	v11 =	vmul.u32 $0x4E2, v11  }
0x127: {  	s21 =	sadd.s32 $0x10, s31;
	v5 =	vshrl.u32 v5, $0x5;
	v8 =	vsel vm0, v8, v9;
	v7 =	vsub.s32 v7, v4  }
0x128: {  	v9 =	vor.u32 s21, v2;
	v6 =	vnsel vm0, $0x0, v6;
	v11 =	vadd.s32 v7, v11  }
0x129: {  	vm0 =	vlt.u32 v9, v0;
	vm1 =	vlt.u32 v7, $0x4E2;
	v11 =	vmul.u32 $0x140, v11  }
0x12a: {  	v9 =	vand.u32 $0x7F, v9;
	[tilespmem:s18+$0x19830] =	vst v8;
	v8 =	vshll.u32 v3, v10;
	vm0 =	vmand vm0, vm1  }
0x12b: {  	[tilespmem:s18+$0x1A030] =	vst v6;
	v7 =	vor.u32 $0x186A00, v9;
	v6 =	vnsel vm0, $0x0, v8;
	v5 =	vadd.s32 v5, v11  }
0x12c: {  	[tilespmem:s19+$0x1A030] =	vst v6;
	v5 =	vsel vm0, v5, v7  }
0x12d: {  	s22 =	simm.s32 $0x1A030;
	s21 =	simm.s32 $0x19830;
	s18 =	simm.s32 $0x0;
	[tilespmem:s19+$0x19830] =	vst v5  }
0x12e: {  	[spmem:s2] =	stream.indirect.scatter.add.s32 [tilespmem:s22], [sflag:$0x1], $0x1, s21, s25, $0xb8;
	[tilespmem:$0x1DF40] =	vst v63  }
0x12f: {  	v9 =	vld [tilespmem:s18+$0x190B0];
	_ =	sdelay $0x1  }
0x130: {  	v5 =	vld [tilespmem:s18+$0x188B0];
	_ =	sdelay $0x2  }
0x131: {  	v6 =	vand.u32 $0x3, v9  }
0x132: {  	s19 =	simm.s32 $0x10;
	v7 =	vmul.u32 $0x4E2, v6  }
0x133: {  	v10 =	vsub.s32 v5, v4;
	v5 =	vld [tilespmem:s19+$0x190B0]  }
0x134: {  	v11 =	vor.u32 s12, v2;
	v7 =	vadd.s32 v10, v7  }
0x135: {  	vm0 =	vlt.u32 v11, v0;
	v8 =	vmul.u32 $0x140, v7;
	v7 =	vld [tilespmem:s19+$0x188B0]  }
0x136: {  	v11 =	vand.u32 $0x7F, v11;
	v6 =	vand.u32 $0x1C, v9;
	vm1 =	vlt.u32 v10, $0x4E2  }
0x137: {  	s31 =	smov.u32 s12;
	s21 =	simm.s32 $0x80;
	v6 =	vshll.u32 v3, v6;
	v10 =	vshrl.u32 v9, $0x5;
	v9 =	vor.u32 $0x186A00, v11  }
.LBB2_14:
0x138: {  	s22 =	sshra.s32 s21, $0x2;
	p0 =	sne.s32 s21, $0x1C0;
	s21 =	sadd.s32 $0x40, s21;
	v11 =	vand.u32 $0x3, v5;
	vm0 =	vmand vm0, vm1;
	v8 =	vadd.s32 v10, v8;
	v10 =	vmovc v5  }
.Ltmp5:
0x139: {  	v5 =	vld [tilespmem:s22+$0x190B0];
	v11 =	vmul.u32 $0x4E2, v11;
	v12 =	vand.u32 $0x1C, v10;
	v8 =	vsel vm0, v8, v9;
	(pc) =	sbr.rel @p0 .LBB2_14-.Ltmp5, $4  }
0x13a: {  	s31 =	sadd.s32 $0x10, s31;
	v13 =	vnsel vm0, $0x0, v6;
	v9 =	vsub.s32 v7, v4;
	v6 =	vshll.u32 v3, v12;
	[tilespmem:s18+$0x198B0] =	vst v8  }
0x13b: {  	v12 =	vor.u32 s31, v2;
	v7 =	vld [tilespmem:s22+$0x188B0];
	v8 =	vadd.s32 v9, v11;
	[tilespmem:s18+$0x1A0B0] =	vst v13;
	s18 =	smov.u32 s19;
	s19 =	smov.u32 s22  }
0x13c: {  	vm0 =	vlt.u32 v12, v0;
	v11 =	vand.u32 $0x7F, v12;
	v8 =	vmul.u32 $0x140, v8  }
0x13d: {  	v10 =	vshrl.u32 v10, $0x5;
	vm1 =	vlt.u32 v9, $0x4E2;
	v9 =	vor.u32 $0x186A00, v11  }
0x13e: {  	v11 =	vand.u32 $0x3, v5;
	vm0 =	vmand vm0, vm1  }
0x13f: {  	v8 =	vadd.s32 v10, v8;
	v10 =	vand.u32 $0x1C, v5;
	v11 =	vmul.u32 $0x4E2, v11  }
0x140: {  	s21 =	sadd.s32 $0x10, s31;
	v5 =	vshrl.u32 v5, $0x5;
	v8 =	vsel vm0, v8, v9;
	v7 =	vsub.s32 v7, v4  }
0x141: {  	v9 =	vor.u32 s21, v2;
	v6 =	vnsel vm0, $0x0, v6;
	v11 =	vadd.s32 v7, v11  }
0x142: {  	vm0 =	vlt.u32 v9, v0;
	vm1 =	vlt.u32 v7, $0x4E2;
	v11 =	vmul.u32 $0x140, v11  }
0x143: {  	v9 =	vand.u32 $0x7F, v9;
	[tilespmem:s18+$0x198B0] =	vst v8;
	v8 =	vshll.u32 v3, v10;
	vm0 =	vmand vm0, vm1  }
0x144: {  	[tilespmem:s18+$0x1A0B0] =	vst v6;
	v7 =	vor.u32 $0x186A00, v9;
	v6 =	vnsel vm0, $0x0, v8;
	v5 =	vadd.s32 v5, v11  }
0x145: {  	[tilespmem:s19+$0x1A0B0] =	vst v6;
	v5 =	vsel vm0, v5, v7  }
0x146: {  	s22 =	simm.s32 $0x1A0B0;
	s21 =	simm.s32 $0x198B0;
	s18 =	simm.s32 $0x0;
	[tilespmem:s19+$0x198B0] =	vst v5  }
0x147: {  	[spmem:s2] =	stream.indirect.scatter.add.s32 [tilespmem:s22], [sflag:$0x1], $0x1, s21, s25, $0xb8;
	[tilespmem:$0x1DF40] =	vst v63  }
0x148: {  	v9 =	vld [tilespmem:s18+$0x19130];
	_ =	sdelay $0x1  }
0x149: {  	v5 =	vld [tilespmem:s18+$0x18930];
	_ =	sdelay $0x2  }
0x14a: {  	v6 =	vand.u32 $0x3, v9  }
0x14b: {  	s19 =	simm.s32 $0x10;
	v7 =	vmul.u32 $0x4E2, v6  }
0x14c: {  	v10 =	vsub.s32 v5, v4;
	v5 =	vld [tilespmem:s19+$0x19130]  }
0x14d: {  	v11 =	vor.u32 s11, v2;
	v7 =	vadd.s32 v10, v7  }
0x14e: {  	vm0 =	vlt.u32 v11, v0;
	v8 =	vmul.u32 $0x140, v7;
	v7 =	vld [tilespmem:s19+$0x18930]  }
0x14f: {  	v11 =	vand.u32 $0x7F, v11;
	v6 =	vand.u32 $0x1C, v9;
	vm1 =	vlt.u32 v10, $0x4E2  }
0x150: {  	s31 =	smov.u32 s11;
	s21 =	simm.s32 $0x80;
	v6 =	vshll.u32 v3, v6;
	v10 =	vshrl.u32 v9, $0x5;
	v9 =	vor.u32 $0x186A00, v11  }
.LBB2_16:
0x151: {  	s22 =	sshra.s32 s21, $0x2;
	p0 =	sne.s32 s21, $0x1C0;
	s21 =	sadd.s32 $0x40, s21;
	v11 =	vand.u32 $0x3, v5;
	vm0 =	vmand vm0, vm1;
	v8 =	vadd.s32 v10, v8;
	v10 =	vmovc v5  }
.Ltmp6:
0x152: {  	v5 =	vld [tilespmem:s22+$0x19130];
	v11 =	vmul.u32 $0x4E2, v11;
	v12 =	vand.u32 $0x1C, v10;
	v8 =	vsel vm0, v8, v9;
	(pc) =	sbr.rel @p0 .LBB2_16-.Ltmp6, $4  }
0x153: {  	s31 =	sadd.s32 $0x10, s31;
	v13 =	vnsel vm0, $0x0, v6;
	v9 =	vsub.s32 v7, v4;
	v6 =	vshll.u32 v3, v12;
	[tilespmem:s18+$0x19930] =	vst v8  }
0x154: {  	v12 =	vor.u32 s31, v2;
	v7 =	vld [tilespmem:s22+$0x18930];
	v8 =	vadd.s32 v9, v11;
	[tilespmem:s18+$0x1A130] =	vst v13;
	s18 =	smov.u32 s19;
	s19 =	smov.u32 s22  }
0x155: {  	vm0 =	vlt.u32 v12, v0;
	v11 =	vand.u32 $0x7F, v12;
	v8 =	vmul.u32 $0x140, v8  }
0x156: {  	v10 =	vshrl.u32 v10, $0x5;
	vm1 =	vlt.u32 v9, $0x4E2;
	v9 =	vor.u32 $0x186A00, v11  }
0x157: {  	v11 =	vand.u32 $0x3, v5;
	vm0 =	vmand vm0, vm1  }
0x158: {  	v8 =	vadd.s32 v10, v8;
	v10 =	vand.u32 $0x1C, v5;
	v11 =	vmul.u32 $0x4E2, v11  }
0x159: {  	s21 =	sadd.s32 $0x10, s31;
	v5 =	vshrl.u32 v5, $0x5;
	v8 =	vsel vm0, v8, v9;
	v7 =	vsub.s32 v7, v4  }
0x15a: {  	v9 =	vor.u32 s21, v2;
	v6 =	vnsel vm0, $0x0, v6;
	v11 =	vadd.s32 v7, v11  }
0x15b: {  	vm0 =	vlt.u32 v9, v0;
	vm1 =	vlt.u32 v7, $0x4E2;
	v11 =	vmul.u32 $0x140, v11  }
0x15c: {  	v9 =	vand.u32 $0x7F, v9;
	[tilespmem:s18+$0x19930] =	vst v8;
	v8 =	vshll.u32 v3, v10;
	vm0 =	vmand vm0, vm1  }
0x15d: {  	[tilespmem:s18+$0x1A130] =	vst v6;
	v7 =	vor.u32 $0x186A00, v9;
	v6 =	vnsel vm0, $0x0, v8;
	v5 =	vadd.s32 v5, v11  }
0x15e: {  	[tilespmem:s19+$0x1A130] =	vst v6;
	v5 =	vsel vm0, v5, v7  }
0x15f: {  	s22 =	simm.s32 $0x1A130;
	s21 =	simm.s32 $0x19930;
	s18 =	simm.s32 $0x0;
	[tilespmem:s19+$0x19930] =	vst v5  }
0x160: {  	[spmem:s2] =	stream.indirect.scatter.add.s32 [tilespmem:s22], [sflag:$0x1], $0x1, s21, s25, $0xb8;
	[tilespmem:$0x1DF40] =	vst v63  }
0x161: {  	v9 =	vld [tilespmem:s18+$0x191B0];
	_ =	sdelay $0x1  }
0x162: {  	v5 =	vld [tilespmem:s18+$0x189B0];
	_ =	sdelay $0x2  }
0x163: {  	v6 =	vand.u32 $0x3, v9  }
0x164: {  	s19 =	simm.s32 $0x10;
	v7 =	vmul.u32 $0x4E2, v6  }
0x165: {  	v10 =	vsub.s32 v5, v4;
	v5 =	vld [tilespmem:s19+$0x191B0]  }
0x166: {  	v11 =	vor.u32 s7, v2;
	v7 =	vadd.s32 v10, v7  }
0x167: {  	vm0 =	vlt.u32 v11, v0;
	v8 =	vmul.u32 $0x140, v7;
	v7 =	vld [tilespmem:s19+$0x189B0]  }
0x168: {  	v11 =	vand.u32 $0x7F, v11;
	v6 =	vand.u32 $0x1C, v9;
	vm1 =	vlt.u32 v10, $0x4E2  }
0x169: {  	s31 =	smov.u32 s7;
	s21 =	simm.s32 $0x80;
	v6 =	vshll.u32 v3, v6;
	v10 =	vshrl.u32 v9, $0x5;
	v9 =	vor.u32 $0x186A00, v11  }
.LBB2_18:
0x16a: {  	s22 =	sshra.s32 s21, $0x2;
	p0 =	sne.s32 s21, $0x1C0;
	s21 =	sadd.s32 $0x40, s21;
	v11 =	vand.u32 $0x3, v5;
	vm0 =	vmand vm0, vm1;
	v8 =	vadd.s32 v10, v8;
	v10 =	vmovc v5  }
.Ltmp7:
0x16b: {  	v5 =	vld [tilespmem:s22+$0x191B0];
	v11 =	vmul.u32 $0x4E2, v11;
	v12 =	vand.u32 $0x1C, v10;
	v8 =	vsel vm0, v8, v9;
	(pc) =	sbr.rel @p0 .LBB2_18-.Ltmp7, $4  }
0x16c: {  	s31 =	sadd.s32 $0x10, s31;
	v13 =	vnsel vm0, $0x0, v6;
	v9 =	vsub.s32 v7, v4;
	v6 =	vshll.u32 v3, v12;
	[tilespmem:s18+$0x199B0] =	vst v8  }
0x16d: {  	v12 =	vor.u32 s31, v2;
	v7 =	vld [tilespmem:s22+$0x189B0];
	v8 =	vadd.s32 v9, v11;
	[tilespmem:s18+$0x1A1B0] =	vst v13;
	s18 =	smov.u32 s19;
	s19 =	smov.u32 s22  }
0x16e: {  	vm0 =	vlt.u32 v12, v0;
	v11 =	vand.u32 $0x7F, v12;
	v8 =	vmul.u32 $0x140, v8  }
0x16f: {  	v10 =	vshrl.u32 v10, $0x5;
	vm1 =	vlt.u32 v9, $0x4E2;
	v9 =	vor.u32 $0x186A00, v11  }
0x170: {  	v11 =	vand.u32 $0x3, v5;
	vm0 =	vmand vm0, vm1  }
0x171: {  	v8 =	vadd.s32 v10, v8;
	v10 =	vand.u32 $0x1C, v5;
	v11 =	vmul.u32 $0x4E2, v11  }
0x172: {  	s21 =	sadd.s32 $0x10, s31;
	v5 =	vshrl.u32 v5, $0x5;
	v8 =	vsel vm0, v8, v9;
	v7 =	vsub.s32 v7, v4  }
0x173: {  	v9 =	vor.u32 s21, v2;
	v6 =	vnsel vm0, $0x0, v6;
	v11 =	vadd.s32 v7, v11  }
0x174: {  	vm0 =	vlt.u32 v9, v0;
	vm1 =	vlt.u32 v7, $0x4E2;
	v11 =	vmul.u32 $0x140, v11  }
0x175: {  	v9 =	vand.u32 $0x7F, v9;
	[tilespmem:s18+$0x199B0] =	vst v8;
	v8 =	vshll.u32 v3, v10;
	vm0 =	vmand vm0, vm1  }
0x176: {  	[tilespmem:s18+$0x1A1B0] =	vst v6;
	v7 =	vor.u32 $0x186A00, v9;
	v6 =	vnsel vm0, $0x0, v8;
	v5 =	vadd.s32 v5, v11  }
0x177: {  	[tilespmem:s19+$0x1A1B0] =	vst v6;
	v5 =	vsel vm0, v5, v7  }
0x178: {  	s22 =	simm.s32 $0x1A1B0;
	s21 =	simm.s32 $0x199B0;
	s18 =	simm.s32 $0x0;
	[tilespmem:s19+$0x199B0] =	vst v5  }
0x179: {  	[spmem:s2] =	stream.indirect.scatter.add.s32 [tilespmem:s22], [sflag:$0x1], $0x1, s21, s25, $0xb8;
	[tilespmem:$0x1DF40] =	vst v63  }
0x17a: {  	v9 =	vld [tilespmem:s18+$0x19230];
	_ =	sdelay $0x1  }
0x17b: {  	v5 =	vld [tilespmem:s18+$0x18A30];
	_ =	sdelay $0x2  }
0x17c: {  	v6 =	vand.u32 $0x3, v9  }
0x17d: {  	s19 =	simm.s32 $0x10;
	v7 =	vmul.u32 $0x4E2, v6  }
0x17e: {  	v10 =	vsub.s32 v5, v4;
	v5 =	vld [tilespmem:s19+$0x19230]  }
0x17f: {  	v11 =	vor.u32 s9, v2;
	v7 =	vadd.s32 v10, v7  }
0x180: {  	vm0 =	vlt.u32 v11, v0;
	v8 =	vmul.u32 $0x140, v7;
	v7 =	vld [tilespmem:s19+$0x18A30]  }
0x181: {  	v11 =	vand.u32 $0x7F, v11;
	v6 =	vand.u32 $0x1C, v9;
	vm1 =	vlt.u32 v10, $0x4E2  }
0x182: {  	s31 =	smov.u32 s9;
	s21 =	simm.s32 $0x80;
	v6 =	vshll.u32 v3, v6;
	v10 =	vshrl.u32 v9, $0x5;
	v9 =	vor.u32 $0x186A00, v11  }
.LBB2_20:
0x183: {  	s22 =	sshra.s32 s21, $0x2;
	p0 =	sne.s32 s21, $0x1C0;
	s21 =	sadd.s32 $0x40, s21;
	v11 =	vand.u32 $0x3, v5;
	vm0 =	vmand vm0, vm1;
	v8 =	vadd.s32 v10, v8;
	v10 =	vmovc v5  }
.Ltmp8:
0x184: {  	v5 =	vld [tilespmem:s22+$0x19230];
	v11 =	vmul.u32 $0x4E2, v11;
	v12 =	vand.u32 $0x1C, v10;
	v8 =	vsel vm0, v8, v9;
	(pc) =	sbr.rel @p0 .LBB2_20-.Ltmp8, $4  }
0x185: {  	s31 =	sadd.s32 $0x10, s31;
	v13 =	vnsel vm0, $0x0, v6;
	v9 =	vsub.s32 v7, v4;
	v6 =	vshll.u32 v3, v12;
	[tilespmem:s18+$0x19A30] =	vst v8  }
0x186: {  	v12 =	vor.u32 s31, v2;
	v7 =	vld [tilespmem:s22+$0x18A30];
	v8 =	vadd.s32 v9, v11;
	[tilespmem:s18+$0x1A230] =	vst v13;
	s18 =	smov.u32 s19;
	s19 =	smov.u32 s22  }
0x187: {  	vm0 =	vlt.u32 v12, v0;
	v11 =	vand.u32 $0x7F, v12;
	v8 =	vmul.u32 $0x140, v8  }
0x188: {  	v10 =	vshrl.u32 v10, $0x5;
	vm1 =	vlt.u32 v9, $0x4E2;
	v9 =	vor.u32 $0x186A00, v11  }
0x189: {  	v11 =	vand.u32 $0x3, v5;
	vm0 =	vmand vm0, vm1  }
0x18a: {  	v8 =	vadd.s32 v10, v8;
	v10 =	vand.u32 $0x1C, v5;
	v11 =	vmul.u32 $0x4E2, v11  }
0x18b: {  	s21 =	sadd.s32 $0x10, s31;
	v5 =	vshrl.u32 v5, $0x5;
	v8 =	vsel vm0, v8, v9;
	v7 =	vsub.s32 v7, v4  }
0x18c: {  	v9 =	vor.u32 s21, v2;
	v6 =	vnsel vm0, $0x0, v6;
	v11 =	vadd.s32 v7, v11  }
0x18d: {  	vm0 =	vlt.u32 v9, v0;
	vm1 =	vlt.u32 v7, $0x4E2;
	v11 =	vmul.u32 $0x140, v11  }
0x18e: {  	v9 =	vand.u32 $0x7F, v9;
	[tilespmem:s18+$0x19A30] =	vst v8;
	v8 =	vshll.u32 v3, v10;
	vm0 =	vmand vm0, vm1  }
0x18f: {  	[tilespmem:s18+$0x1A230] =	vst v6;
	v7 =	vor.u32 $0x186A00, v9;
	v6 =	vnsel vm0, $0x0, v8;
	v5 =	vadd.s32 v5, v11  }
0x190: {  	[tilespmem:s19+$0x1A230] =	vst v6;
	v5 =	vsel vm0, v5, v7  }
0x191: {  	s22 =	simm.s32 $0x1A230;
	s21 =	simm.s32 $0x19A30;
	s18 =	simm.s32 $0x0;
	[tilespmem:s19+$0x19A30] =	vst v5  }
0x192: {  	[spmem:s2] =	stream.indirect.scatter.add.s32 [tilespmem:s22], [sflag:$0x1], $0x1, s21, s25, $0xb8;
	[tilespmem:$0x1DF40] =	vst v63  }
0x193: {  	v9 =	vld [tilespmem:s18+$0x192B0];
	_ =	sdelay $0x1  }
0x194: {  	v5 =	vld [tilespmem:s18+$0x18AB0];
	_ =	sdelay $0x2  }
0x195: {  	v6 =	vand.u32 $0x3, v9  }
0x196: {  	s19 =	simm.s32 $0x10;
	v7 =	vmul.u32 $0x4E2, v6  }
0x197: {  	v10 =	vsub.s32 v5, v4;
	v5 =	vld [tilespmem:s19+$0x192B0]  }
0x198: {  	v11 =	vor.u32 s8, v2;
	v7 =	vadd.s32 v10, v7  }
0x199: {  	vm0 =	vlt.u32 v11, v0;
	v8 =	vmul.u32 $0x140, v7;
	v7 =	vld [tilespmem:s19+$0x18AB0]  }
0x19a: {  	v11 =	vand.u32 $0x7F, v11;
	v6 =	vand.u32 $0x1C, v9;
	vm1 =	vlt.u32 v10, $0x4E2  }
0x19b: {  	s31 =	smov.u32 s8;
	s21 =	simm.s32 $0x80;
	v6 =	vshll.u32 v3, v6;
	v10 =	vshrl.u32 v9, $0x5;
	v9 =	vor.u32 $0x186A00, v11  }
.LBB2_22:
0x19c: {  	s22 =	sshra.s32 s21, $0x2;
	p0 =	sne.s32 s21, $0x1C0;
	s21 =	sadd.s32 $0x40, s21;
	v11 =	vand.u32 $0x3, v5;
	vm0 =	vmand vm0, vm1;
	v8 =	vadd.s32 v10, v8;
	v10 =	vmovc v5  }
.Ltmp9:
0x19d: {  	v5 =	vld [tilespmem:s22+$0x192B0];
	v11 =	vmul.u32 $0x4E2, v11;
	v12 =	vand.u32 $0x1C, v10;
	v8 =	vsel vm0, v8, v9;
	(pc) =	sbr.rel @p0 .LBB2_22-.Ltmp9, $4  }
0x19e: {  	s31 =	sadd.s32 $0x10, s31;
	v13 =	vnsel vm0, $0x0, v6;
	v9 =	vsub.s32 v7, v4;
	v6 =	vshll.u32 v3, v12;
	[tilespmem:s18+$0x19AB0] =	vst v8  }
0x19f: {  	v12 =	vor.u32 s31, v2;
	v7 =	vld [tilespmem:s22+$0x18AB0];
	v8 =	vadd.s32 v9, v11;
	[tilespmem:s18+$0x1A2B0] =	vst v13;
	s18 =	smov.u32 s19;
	s19 =	smov.u32 s22  }
0x1a0: {  	vm0 =	vlt.u32 v12, v0;
	v11 =	vand.u32 $0x7F, v12;
	v8 =	vmul.u32 $0x140, v8  }
0x1a1: {  	v10 =	vshrl.u32 v10, $0x5;
	vm1 =	vlt.u32 v9, $0x4E2;
	v9 =	vor.u32 $0x186A00, v11  }
0x1a2: {  	v11 =	vand.u32 $0x3, v5;
	vm0 =	vmand vm0, vm1  }
0x1a3: {  	v8 =	vadd.s32 v10, v8;
	v10 =	vand.u32 $0x1C, v5;
	v11 =	vmul.u32 $0x4E2, v11  }
0x1a4: {  	s21 =	sadd.s32 $0x10, s31;
	v5 =	vshrl.u32 v5, $0x5;
	v8 =	vsel vm0, v8, v9;
	v7 =	vsub.s32 v7, v4  }
0x1a5: {  	v9 =	vor.u32 s21, v2;
	v6 =	vnsel vm0, $0x0, v6;
	v11 =	vadd.s32 v7, v11  }
0x1a6: {  	vm0 =	vlt.u32 v9, v0;
	vm1 =	vlt.u32 v7, $0x4E2;
	v11 =	vmul.u32 $0x140, v11  }
0x1a7: {  	v9 =	vand.u32 $0x7F, v9;
	[tilespmem:s18+$0x19AB0] =	vst v8;
	v8 =	vshll.u32 v3, v10;
	vm0 =	vmand vm0, vm1  }
0x1a8: {  	[tilespmem:s18+$0x1A2B0] =	vst v6;
	v7 =	vor.u32 $0x186A00, v9;
	v6 =	vnsel vm0, $0x0, v8;
	v5 =	vadd.s32 v5, v11  }
0x1a9: {  	[tilespmem:s19+$0x1A2B0] =	vst v6;
	v5 =	vsel vm0, v5, v7  }
0x1aa: {  	s22 =	simm.s32 $0x1A2B0;
	s21 =	simm.s32 $0x19AB0;
	s18 =	simm.s32 $0x0;
	[tilespmem:s19+$0x19AB0] =	vst v5  }
0x1ab: {  	[spmem:s2] =	stream.indirect.scatter.add.s32 [tilespmem:s22], [sflag:$0x1], $0x1, s21, s25, $0xb8;
	[tilespmem:$0x1DF40] =	vst v63  }
0x1ac: {  	v9 =	vld [tilespmem:s18+$0x19330];
	_ =	sdelay $0x1  }
0x1ad: {  	v5 =	vld [tilespmem:s18+$0x18B30];
	_ =	sdelay $0x2  }
0x1ae: {  	v6 =	vand.u32 $0x3, v9  }
0x1af: {  	s19 =	simm.s32 $0x10;
	v7 =	vmul.u32 $0x4E2, v6  }
0x1b0: {  	v10 =	vsub.s32 v5, v4;
	v5 =	vld [tilespmem:s19+$0x19330]  }
0x1b1: {  	v11 =	vor.u32 s1, v2;
	v7 =	vadd.s32 v10, v7  }
0x1b2: {  	vm0 =	vlt.u32 v11, v0;
	v8 =	vmul.u32 $0x140, v7;
	v7 =	vld [tilespmem:s19+$0x18B30]  }
0x1b3: {  	v11 =	vand.u32 $0x7F, v11;
	v6 =	vand.u32 $0x1C, v9;
	vm1 =	vlt.u32 v10, $0x4E2  }
0x1b4: {  	s31 =	smov.u32 s1;
	s21 =	simm.s32 $0x80;
	v6 =	vshll.u32 v3, v6;
	v10 =	vshrl.u32 v9, $0x5;
	v9 =	vor.u32 $0x186A00, v11  }
.LBB2_24:
0x1b5: {  	s22 =	sshra.s32 s21, $0x2;
	p0 =	sne.s32 s21, $0x1C0;
	s21 =	sadd.s32 $0x40, s21;
	v11 =	vand.u32 $0x3, v5;
	vm0 =	vmand vm0, vm1;
	v8 =	vadd.s32 v10, v8;
	v10 =	vmovc v5  }
.Ltmp10:
0x1b6: {  	v5 =	vld [tilespmem:s22+$0x19330];
	v11 =	vmul.u32 $0x4E2, v11;
	v12 =	vand.u32 $0x1C, v10;
	v8 =	vsel vm0, v8, v9;
	(pc) =	sbr.rel @p0 .LBB2_24-.Ltmp10, $4  }
0x1b7: {  	s31 =	sadd.s32 $0x10, s31;
	v13 =	vnsel vm0, $0x0, v6;
	v9 =	vsub.s32 v7, v4;
	v6 =	vshll.u32 v3, v12;
	[tilespmem:s18+$0x19B30] =	vst v8  }
0x1b8: {  	v12 =	vor.u32 s31, v2;
	v7 =	vld [tilespmem:s22+$0x18B30];
	v8 =	vadd.s32 v9, v11;
	[tilespmem:s18+$0x1A330] =	vst v13;
	s18 =	smov.u32 s19;
	s19 =	smov.u32 s22  }
0x1b9: {  	vm0 =	vlt.u32 v12, v0;
	v11 =	vand.u32 $0x7F, v12;
	v8 =	vmul.u32 $0x140, v8  }
0x1ba: {  	v10 =	vshrl.u32 v10, $0x5;
	vm1 =	vlt.u32 v9, $0x4E2;
	v9 =	vor.u32 $0x186A00, v11  }
0x1bb: {  	v11 =	vand.u32 $0x3, v5;
	vm0 =	vmand vm0, vm1  }
0x1bc: {  	v8 =	vadd.s32 v10, v8;
	v10 =	vand.u32 $0x1C, v5;
	v11 =	vmul.u32 $0x4E2, v11  }
0x1bd: {  	s21 =	sadd.s32 $0x10, s31;
	v5 =	vshrl.u32 v5, $0x5;
	v8 =	vsel vm0, v8, v9;
	v7 =	vsub.s32 v7, v4  }
0x1be: {  	v9 =	vor.u32 s21, v2;
	v6 =	vnsel vm0, $0x0, v6;
	v11 =	vadd.s32 v7, v11  }
0x1bf: {  	vm0 =	vlt.u32 v9, v0;
	vm1 =	vlt.u32 v7, $0x4E2;
	v11 =	vmul.u32 $0x140, v11  }
0x1c0: {  	v9 =	vand.u32 $0x7F, v9;
	[tilespmem:s18+$0x19B30] =	vst v8;
	v8 =	vshll.u32 v3, v10;
	vm0 =	vmand vm0, vm1  }
0x1c1: {  	[tilespmem:s18+$0x1A330] =	vst v6;
	v7 =	vor.u32 $0x186A00, v9;
	v6 =	vnsel vm0, $0x0, v8;
	v5 =	vadd.s32 v5, v11  }
0x1c2: {  	[tilespmem:s19+$0x1A330] =	vst v6;
	v5 =	vsel vm0, v5, v7  }
0x1c3: {  	s22 =	simm.s32 $0x1A330;
	s21 =	simm.s32 $0x19B30;
	s18 =	simm.s32 $0x0;
	[tilespmem:s19+$0x19B30] =	vst v5  }
0x1c4: {  	[spmem:s2] =	stream.indirect.scatter.add.s32 [tilespmem:s22], [sflag:$0x1], $0x1, s21, s25, $0xb8;
	[tilespmem:$0x1DF40] =	vst v63  }
0x1c5: {  	v9 =	vld [tilespmem:s18+$0x193B0];
	_ =	sdelay $0x1  }
0x1c6: {  	v5 =	vld [tilespmem:s18+$0x18BB0];
	_ =	sdelay $0x2  }
0x1c7: {  	v6 =	vand.u32 $0x3, v9  }
0x1c8: {  	s19 =	simm.s32 $0x10;
	v7 =	vmul.u32 $0x4E2, v6  }
0x1c9: {  	v10 =	vsub.s32 v5, v4;
	v5 =	vld [tilespmem:s19+$0x193B0]  }
0x1ca: {  	v11 =	vor.u32 s30, v2;
	v7 =	vadd.s32 v10, v7  }
0x1cb: {  	vm0 =	vlt.u32 v11, v0;
	v8 =	vmul.u32 $0x140, v7;
	v7 =	vld [tilespmem:s19+$0x18BB0]  }
0x1cc: {  	v11 =	vand.u32 $0x7F, v11;
	v6 =	vand.u32 $0x1C, v9;
	vm1 =	vlt.u32 v10, $0x4E2  }
0x1cd: {  	s31 =	smov.u32 s30;
	s21 =	simm.s32 $0x80;
	v6 =	vshll.u32 v3, v6;
	v10 =	vshrl.u32 v9, $0x5;
	v9 =	vor.u32 $0x186A00, v11  }
.LBB2_26:
0x1ce: {  	s22 =	sshra.s32 s21, $0x2;
	p0 =	sne.s32 s21, $0x1C0;
	s21 =	sadd.s32 $0x40, s21;
	v11 =	vand.u32 $0x3, v5;
	vm0 =	vmand vm0, vm1;
	v8 =	vadd.s32 v10, v8;
	v10 =	vmovc v5  }
.Ltmp11:
0x1cf: {  	v5 =	vld [tilespmem:s22+$0x193B0];
	v11 =	vmul.u32 $0x4E2, v11;
	v12 =	vand.u32 $0x1C, v10;
	v8 =	vsel vm0, v8, v9;
	(pc) =	sbr.rel @p0 .LBB2_26-.Ltmp11, $4  }
0x1d0: {  	s31 =	sadd.s32 $0x10, s31;
	v13 =	vnsel vm0, $0x0, v6;
	v9 =	vsub.s32 v7, v4;
	v6 =	vshll.u32 v3, v12;
	[tilespmem:s18+$0x19BB0] =	vst v8  }
0x1d1: {  	v12 =	vor.u32 s31, v2;
	v7 =	vld [tilespmem:s22+$0x18BB0];
	v8 =	vadd.s32 v9, v11;
	[tilespmem:s18+$0x1A3B0] =	vst v13;
	s18 =	smov.u32 s19;
	s19 =	smov.u32 s22  }
0x1d2: {  	vm0 =	vlt.u32 v12, v0;
	v11 =	vand.u32 $0x7F, v12;
	v8 =	vmul.u32 $0x140, v8  }
0x1d3: {  	v10 =	vshrl.u32 v10, $0x5;
	vm1 =	vlt.u32 v9, $0x4E2;
	v9 =	vor.u32 $0x186A00, v11  }
0x1d4: {  	v11 =	vand.u32 $0x3, v5;
	vm0 =	vmand vm0, vm1  }
0x1d5: {  	v8 =	vadd.s32 v10, v8;
	v10 =	vand.u32 $0x1C, v5;
	v11 =	vmul.u32 $0x4E2, v11  }
0x1d6: {  	s21 =	sadd.s32 $0x10, s31;
	v5 =	vshrl.u32 v5, $0x5;
	v8 =	vsel vm0, v8, v9;
	v7 =	vsub.s32 v7, v4  }
0x1d7: {  	v9 =	vor.u32 s21, v2;
	v6 =	vnsel vm0, $0x0, v6;
	v11 =	vadd.s32 v7, v11  }
0x1d8: {  	vm0 =	vlt.u32 v9, v0;
	vm1 =	vlt.u32 v7, $0x4E2;
	v11 =	vmul.u32 $0x140, v11  }
0x1d9: {  	v9 =	vand.u32 $0x7F, v9;
	[tilespmem:s18+$0x19BB0] =	vst v8;
	v8 =	vshll.u32 v3, v10;
	vm0 =	vmand vm0, vm1  }
0x1da: {  	[tilespmem:s18+$0x1A3B0] =	vst v6;
	v7 =	vor.u32 $0x186A00, v9;
	v6 =	vnsel vm0, $0x0, v8;
	v5 =	vadd.s32 v5, v11  }
0x1db: {  	[tilespmem:s19+$0x1A3B0] =	vst v6;
	v5 =	vsel vm0, v5, v7  }
0x1dc: {  	s22 =	simm.s32 $0x1A3B0;
	s21 =	simm.s32 $0x19BB0;
	s18 =	simm.s32 $0x0;
	[tilespmem:s19+$0x19BB0] =	vst v5  }
0x1dd: {  	[spmem:s2] =	stream.indirect.scatter.add.s32 [tilespmem:s22], [sflag:$0x1], $0x1, s21, s25, $0xb8;
	[tilespmem:$0x1DF40] =	vst v63  }
0x1de: {  	v9 =	vld [tilespmem:s18+$0x19430];
	_ =	sdelay $0x1  }
0x1df: {  	v5 =	vld [tilespmem:s18+$0x18C30];
	_ =	sdelay $0x2  }
0x1e0: {  	v6 =	vand.u32 $0x3, v9  }
0x1e1: {  	s19 =	simm.s32 $0x10;
	v7 =	vmul.u32 $0x4E2, v6  }
0x1e2: {  	v10 =	vsub.s32 v5, v4;
	v5 =	vld [tilespmem:s19+$0x19430]  }
0x1e3: {  	v11 =	vor.u32 s3, v2;
	v7 =	vadd.s32 v10, v7  }
0x1e4: {  	vm0 =	vlt.u32 v11, v0;
	v8 =	vmul.u32 $0x140, v7;
	v7 =	vld [tilespmem:s19+$0x18C30]  }
0x1e5: {  	v11 =	vand.u32 $0x7F, v11;
	v6 =	vand.u32 $0x1C, v9;
	vm1 =	vlt.u32 v10, $0x4E2  }
0x1e6: {  	s31 =	smov.u32 s3;
	s21 =	simm.s32 $0x80;
	v6 =	vshll.u32 v3, v6;
	v10 =	vshrl.u32 v9, $0x5;
	v9 =	vor.u32 $0x186A00, v11  }
.LBB2_28:
0x1e7: {  	s22 =	sshra.s32 s21, $0x2;
	p0 =	sne.s32 s21, $0x1C0;
	s21 =	sadd.s32 $0x40, s21;
	v11 =	vand.u32 $0x3, v5;
	vm0 =	vmand vm0, vm1;
	v8 =	vadd.s32 v10, v8;
	v10 =	vmovc v5  }
.Ltmp12:
0x1e8: {  	v5 =	vld [tilespmem:s22+$0x19430];
	v11 =	vmul.u32 $0x4E2, v11;
	v12 =	vand.u32 $0x1C, v10;
	v8 =	vsel vm0, v8, v9;
	(pc) =	sbr.rel @p0 .LBB2_28-.Ltmp12, $4  }
0x1e9: {  	s31 =	sadd.s32 $0x10, s31;
	v13 =	vnsel vm0, $0x0, v6;
	v9 =	vsub.s32 v7, v4;
	v6 =	vshll.u32 v3, v12;
	[tilespmem:s18+$0x19C30] =	vst v8  }
0x1ea: {  	v12 =	vor.u32 s31, v2;
	v7 =	vld [tilespmem:s22+$0x18C30];
	v8 =	vadd.s32 v9, v11;
	[tilespmem:s18+$0x1A430] =	vst v13;
	s18 =	smov.u32 s19;
	s19 =	smov.u32 s22  }
0x1eb: {  	vm0 =	vlt.u32 v12, v0;
	v11 =	vand.u32 $0x7F, v12;
	v8 =	vmul.u32 $0x140, v8  }
0x1ec: {  	v10 =	vshrl.u32 v10, $0x5;
	vm1 =	vlt.u32 v9, $0x4E2;
	v9 =	vor.u32 $0x186A00, v11  }
0x1ed: {  	v11 =	vand.u32 $0x3, v5;
	vm0 =	vmand vm0, vm1  }
0x1ee: {  	v8 =	vadd.s32 v10, v8;
	v10 =	vand.u32 $0x1C, v5;
	v11 =	vmul.u32 $0x4E2, v11  }
0x1ef: {  	s21 =	sadd.s32 $0x10, s31;
	v5 =	vshrl.u32 v5, $0x5;
	v8 =	vsel vm0, v8, v9;
	v7 =	vsub.s32 v7, v4  }
0x1f0: {  	v9 =	vor.u32 s21, v2;
	v6 =	vnsel vm0, $0x0, v6;
	v11 =	vadd.s32 v7, v11  }
0x1f1: {  	vm0 =	vlt.u32 v9, v0;
	vm1 =	vlt.u32 v7, $0x4E2;
	v11 =	vmul.u32 $0x140, v11  }
0x1f2: {  	v9 =	vand.u32 $0x7F, v9;
	[tilespmem:s18+$0x19C30] =	vst v8;
	v8 =	vshll.u32 v3, v10;
	vm0 =	vmand vm0, vm1  }
0x1f3: {  	[tilespmem:s18+$0x1A430] =	vst v6;
	v7 =	vor.u32 $0x186A00, v9;
	v6 =	vnsel vm0, $0x0, v8;
	v5 =	vadd.s32 v5, v11  }
0x1f4: {  	[tilespmem:s19+$0x1A430] =	vst v6;
	v5 =	vsel vm0, v5, v7  }
0x1f5: {  	s22 =	simm.s32 $0x1A430;
	s21 =	simm.s32 $0x19C30;
	s18 =	simm.s32 $0x0;
	[tilespmem:s19+$0x19C30] =	vst v5  }
0x1f6: {  	[spmem:s2] =	stream.indirect.scatter.add.s32 [tilespmem:s22], [sflag:$0x1], $0x1, s21, s25, $0xb8;
	[tilespmem:$0x1DF40] =	vst v63  }
0x1f7: {  	v9 =	vld [tilespmem:s18+$0x194B0];
	_ =	sdelay $0x1  }
0x1f8: {  	v5 =	vld [tilespmem:s18+$0x18CB0];
	_ =	sdelay $0x2  }
0x1f9: {  	v6 =	vand.u32 $0x3, v9  }
0x1fa: {  	s19 =	simm.s32 $0x10;
	v7 =	vmul.u32 $0x4E2, v6  }
0x1fb: {  	v10 =	vsub.s32 v5, v4;
	v5 =	vld [tilespmem:s19+$0x194B0]  }
0x1fc: {  	v11 =	vor.u32 s28, v2;
	v7 =	vadd.s32 v10, v7  }
0x1fd: {  	vm0 =	vlt.u32 v11, v0;
	v8 =	vmul.u32 $0x140, v7;
	v7 =	vld [tilespmem:s19+$0x18CB0]  }
0x1fe: {  	v11 =	vand.u32 $0x7F, v11;
	v6 =	vand.u32 $0x1C, v9;
	vm1 =	vlt.u32 v10, $0x4E2  }
0x1ff: {  	s31 =	smov.u32 s28;
	s21 =	simm.s32 $0x80;
	v6 =	vshll.u32 v3, v6;
	v10 =	vshrl.u32 v9, $0x5;
	v9 =	vor.u32 $0x186A00, v11  }
.LBB2_30:
0x200: {  	s22 =	sshra.s32 s21, $0x2;
	p0 =	sne.s32 s21, $0x1C0;
	s21 =	sadd.s32 $0x40, s21;
	v11 =	vand.u32 $0x3, v5;
	vm0 =	vmand vm0, vm1;
	v8 =	vadd.s32 v10, v8;
	v10 =	vmovc v5  }
.Ltmp13:
0x201: {  	v5 =	vld [tilespmem:s22+$0x194B0];
	v11 =	vmul.u32 $0x4E2, v11;
	v12 =	vand.u32 $0x1C, v10;
	v8 =	vsel vm0, v8, v9;
	(pc) =	sbr.rel @p0 .LBB2_30-.Ltmp13, $4  }
0x202: {  	s31 =	sadd.s32 $0x10, s31;
	v13 =	vnsel vm0, $0x0, v6;
	v9 =	vsub.s32 v7, v4;
	v6 =	vshll.u32 v3, v12;
	[tilespmem:s18+$0x19CB0] =	vst v8  }
0x203: {  	v12 =	vor.u32 s31, v2;
	v7 =	vld [tilespmem:s22+$0x18CB0];
	v8 =	vadd.s32 v9, v11;
	[tilespmem:s18+$0x1A4B0] =	vst v13;
	s18 =	smov.u32 s19;
	s19 =	smov.u32 s22  }
0x204: {  	vm0 =	vlt.u32 v12, v0;
	v11 =	vand.u32 $0x7F, v12;
	v8 =	vmul.u32 $0x140, v8  }
0x205: {  	v10 =	vshrl.u32 v10, $0x5;
	vm1 =	vlt.u32 v9, $0x4E2;
	v9 =	vor.u32 $0x186A00, v11  }
0x206: {  	v11 =	vand.u32 $0x3, v5;
	vm0 =	vmand vm0, vm1  }
0x207: {  	v8 =	vadd.s32 v10, v8;
	v10 =	vand.u32 $0x1C, v5;
	v11 =	vmul.u32 $0x4E2, v11  }
0x208: {  	s21 =	sadd.s32 $0x10, s31;
	v5 =	vshrl.u32 v5, $0x5;
	v8 =	vsel vm0, v8, v9;
	v7 =	vsub.s32 v7, v4  }
0x209: {  	v9 =	vor.u32 s21, v2;
	v6 =	vnsel vm0, $0x0, v6;
	v11 =	vadd.s32 v7, v11  }
0x20a: {  	vm0 =	vlt.u32 v9, v0;
	vm1 =	vlt.u32 v7, $0x4E2;
	v11 =	vmul.u32 $0x140, v11  }
0x20b: {  	v9 =	vand.u32 $0x7F, v9;
	[tilespmem:s18+$0x19CB0] =	vst v8;
	v8 =	vshll.u32 v3, v10;
	vm0 =	vmand vm0, vm1  }
0x20c: {  	[tilespmem:s18+$0x1A4B0] =	vst v6;
	v7 =	vor.u32 $0x186A00, v9;
	v6 =	vnsel vm0, $0x0, v8;
	v5 =	vadd.s32 v5, v11  }
0x20d: {  	[tilespmem:s19+$0x1A4B0] =	vst v6;
	v5 =	vsel vm0, v5, v7  }
0x20e: {  	s22 =	simm.s32 $0x1A4B0;
	s21 =	simm.s32 $0x19CB0;
	s18 =	simm.s32 $0x0;
	[tilespmem:s19+$0x19CB0] =	vst v5  }
0x20f: {  	[spmem:s2] =	stream.indirect.scatter.add.s32 [tilespmem:s22], [sflag:$0x1], $0x1, s21, s25, $0xb8;
	[tilespmem:$0x1DF40] =	vst v63  }
0x210: {  	v9 =	vld [tilespmem:s18+$0x19530];
	_ =	sdelay $0x1  }
0x211: {  	v5 =	vld [tilespmem:s18+$0x18D30];
	_ =	sdelay $0x2  }
0x212: {  	v6 =	vand.u32 $0x3, v9  }
0x213: {  	s19 =	simm.s32 $0x10;
	v7 =	vmul.u32 $0x4E2, v6  }
0x214: {  	v10 =	vsub.s32 v5, v4;
	v5 =	vld [tilespmem:s19+$0x19530]  }
0x215: {  	v11 =	vor.u32 s26, v2;
	v7 =	vadd.s32 v10, v7  }
0x216: {  	vm0 =	vlt.u32 v11, v0;
	v8 =	vmul.u32 $0x140, v7;
	v7 =	vld [tilespmem:s19+$0x18D30]  }
0x217: {  	v11 =	vand.u32 $0x7F, v11;
	v6 =	vand.u32 $0x1C, v9;
	vm1 =	vlt.u32 v10, $0x4E2  }
0x218: {  	s31 =	smov.u32 s26;
	s21 =	simm.s32 $0x80;
	v6 =	vshll.u32 v3, v6;
	v10 =	vshrl.u32 v9, $0x5;
	v9 =	vor.u32 $0x186A00, v11  }
.LBB2_32:
0x219: {  	s22 =	sshra.s32 s21, $0x2;
	p0 =	sne.s32 s21, $0x1C0;
	s21 =	sadd.s32 $0x40, s21;
	v11 =	vand.u32 $0x3, v5;
	vm0 =	vmand vm0, vm1;
	v8 =	vadd.s32 v10, v8;
	v10 =	vmovc v5  }
.Ltmp14:
0x21a: {  	v5 =	vld [tilespmem:s22+$0x19530];
	v11 =	vmul.u32 $0x4E2, v11;
	v12 =	vand.u32 $0x1C, v10;
	v8 =	vsel vm0, v8, v9;
	(pc) =	sbr.rel @p0 .LBB2_32-.Ltmp14, $4  }
0x21b: {  	s31 =	sadd.s32 $0x10, s31;
	v13 =	vnsel vm0, $0x0, v6;
	v9 =	vsub.s32 v7, v4;
	v6 =	vshll.u32 v3, v12;
	[tilespmem:s18+$0x19D30] =	vst v8  }
0x21c: {  	v12 =	vor.u32 s31, v2;
	v7 =	vld [tilespmem:s22+$0x18D30];
	v8 =	vadd.s32 v9, v11;
	[tilespmem:s18+$0x1A530] =	vst v13;
	s18 =	smov.u32 s19;
	s19 =	smov.u32 s22  }
0x21d: {  	vm0 =	vlt.u32 v12, v0;
	v11 =	vand.u32 $0x7F, v12;
	v8 =	vmul.u32 $0x140, v8  }
0x21e: {  	v10 =	vshrl.u32 v10, $0x5;
	vm1 =	vlt.u32 v9, $0x4E2;
	v9 =	vor.u32 $0x186A00, v11  }
0x21f: {  	v11 =	vand.u32 $0x3, v5;
	vm0 =	vmand vm0, vm1  }
0x220: {  	v8 =	vadd.s32 v10, v8;
	v10 =	vand.u32 $0x1C, v5;
	v11 =	vmul.u32 $0x4E2, v11  }
0x221: {  	s21 =	sadd.s32 $0x10, s31;
	v5 =	vshrl.u32 v5, $0x5;
	v8 =	vsel vm0, v8, v9;
	v7 =	vsub.s32 v7, v4  }
0x222: {  	v9 =	vor.u32 s21, v2;
	v6 =	vnsel vm0, $0x0, v6;
	v11 =	vadd.s32 v7, v11  }
0x223: {  	vm0 =	vlt.u32 v9, v0;
	vm1 =	vlt.u32 v7, $0x4E2;
	v11 =	vmul.u32 $0x140, v11  }
0x224: {  	v9 =	vand.u32 $0x7F, v9;
	[tilespmem:s18+$0x19D30] =	vst v8;
	v8 =	vshll.u32 v3, v10;
	vm0 =	vmand vm0, vm1  }
0x225: {  	[tilespmem:s18+$0x1A530] =	vst v6;
	v7 =	vor.u32 $0x186A00, v9;
	v6 =	vnsel vm0, $0x0, v8;
	v5 =	vadd.s32 v5, v11  }
0x226: {  	[tilespmem:s19+$0x1A530] =	vst v6;
	v5 =	vsel vm0, v5, v7  }
0x227: {  	s22 =	simm.s32 $0x1A530;
	s21 =	simm.s32 $0x19D30;
	s18 =	simm.s32 $0x0;
	[tilespmem:s19+$0x19D30] =	vst v5  }
0x228: {  	[spmem:s2] =	stream.indirect.scatter.add.s32 [tilespmem:s22], [sflag:$0x1], $0x1, s21, s25, $0xb8;
	[tilespmem:$0x1DF40] =	vst v63  }
0x229: {  	v9 =	vld [tilespmem:s18+$0x195B0];
	_ =	sdelay $0x1  }
0x22a: {  	v5 =	vld [tilespmem:s18+$0x18DB0];
	_ =	sdelay $0x2  }
0x22b: {  	v6 =	vand.u32 $0x3, v9  }
0x22c: {  	s19 =	simm.s32 $0x10;
	v7 =	vmul.u32 $0x4E2, v6  }
0x22d: {  	v10 =	vsub.s32 v5, v4;
	v5 =	vld [tilespmem:s19+$0x195B0]  }
0x22e: {  	v11 =	vor.u32 s24, v2;
	v7 =	vadd.s32 v10, v7  }
0x22f: {  	vm0 =	vlt.u32 v11, v0;
	v8 =	vmul.u32 $0x140, v7;
	v7 =	vld [tilespmem:s19+$0x18DB0]  }
0x230: {  	v11 =	vand.u32 $0x7F, v11;
	v6 =	vand.u32 $0x1C, v9;
	vm1 =	vlt.u32 v10, $0x4E2  }
0x231: {  	s31 =	smov.u32 s24;
	s21 =	simm.s32 $0x80;
	v6 =	vshll.u32 v3, v6;
	v10 =	vshrl.u32 v9, $0x5;
	v9 =	vor.u32 $0x186A00, v11  }
.LBB2_34:
0x232: {  	s22 =	sshra.s32 s21, $0x2;
	p0 =	sne.s32 s21, $0x1C0;
	s21 =	sadd.s32 $0x40, s21;
	v11 =	vand.u32 $0x3, v5;
	vm0 =	vmand vm0, vm1;
	v8 =	vadd.s32 v10, v8;
	v10 =	vmovc v5  }
.Ltmp15:
0x233: {  	v5 =	vld [tilespmem:s22+$0x195B0];
	v11 =	vmul.u32 $0x4E2, v11;
	v12 =	vand.u32 $0x1C, v10;
	v8 =	vsel vm0, v8, v9;
	(pc) =	sbr.rel @p0 .LBB2_34-.Ltmp15, $4  }
0x234: {  	s31 =	sadd.s32 $0x10, s31;
	v13 =	vnsel vm0, $0x0, v6;
	v9 =	vsub.s32 v7, v4;
	v6 =	vshll.u32 v3, v12;
	[tilespmem:s18+$0x19DB0] =	vst v8  }
0x235: {  	v12 =	vor.u32 s31, v2;
	v7 =	vld [tilespmem:s22+$0x18DB0];
	v8 =	vadd.s32 v9, v11;
	[tilespmem:s18+$0x1A5B0] =	vst v13;
	s18 =	smov.u32 s19;
	s19 =	smov.u32 s22  }
0x236: {  	vm0 =	vlt.u32 v12, v0;
	v11 =	vand.u32 $0x7F, v12;
	v8 =	vmul.u32 $0x140, v8  }
0x237: {  	v10 =	vshrl.u32 v10, $0x5;
	vm1 =	vlt.u32 v9, $0x4E2;
	v9 =	vor.u32 $0x186A00, v11  }
0x238: {  	v11 =	vand.u32 $0x3, v5;
	vm0 =	vmand vm0, vm1  }
0x239: {  	v8 =	vadd.s32 v10, v8;
	v10 =	vand.u32 $0x1C, v5;
	v11 =	vmul.u32 $0x4E2, v11  }
0x23a: {  	s21 =	sadd.s32 $0x10, s31;
	v5 =	vshrl.u32 v5, $0x5;
	v8 =	vsel vm0, v8, v9;
	v7 =	vsub.s32 v7, v4  }
0x23b: {  	v9 =	vor.u32 s21, v2;
	v6 =	vnsel vm0, $0x0, v6;
	v11 =	vadd.s32 v7, v11  }
0x23c: {  	vm0 =	vlt.u32 v9, v0;
	vm1 =	vlt.u32 v7, $0x4E2;
	v11 =	vmul.u32 $0x140, v11  }
0x23d: {  	v9 =	vand.u32 $0x7F, v9;
	[tilespmem:s18+$0x19DB0] =	vst v8;
	v8 =	vshll.u32 v3, v10;
	vm0 =	vmand vm0, vm1  }
0x23e: {  	[tilespmem:s18+$0x1A5B0] =	vst v6;
	v7 =	vor.u32 $0x186A00, v9;
	v6 =	vnsel vm0, $0x0, v8;
	v5 =	vadd.s32 v5, v11  }
0x23f: {  	[tilespmem:s19+$0x1A5B0] =	vst v6;
	v5 =	vsel vm0, v5, v7  }
0x240: {  	s22 =	simm.s32 $0x1A5B0;
	s21 =	simm.s32 $0x19DB0;
	s18 =	simm.s32 $0x0;
	[tilespmem:s19+$0x19DB0] =	vst v5  }
0x241: {  	[spmem:s2] =	stream.indirect.scatter.add.s32 [tilespmem:s22], [sflag:$0x1], $0x1, s21, s25, $0xb8;
	[tilespmem:$0x1DF40] =	vst v63  }
0x242: {  	v9 =	vld [tilespmem:s18+$0x19630];
	_ =	sdelay $0x1  }
0x243: {  	v5 =	vld [tilespmem:s18+$0x18E30];
	_ =	sdelay $0x2  }
0x244: {  	v6 =	vand.u32 $0x3, v9  }
0x245: {  	s19 =	simm.s32 $0x10;
	v7 =	vmul.u32 $0x4E2, v6  }
0x246: {  	v10 =	vsub.s32 v5, v4;
	v5 =	vld [tilespmem:s19+$0x19630]  }
0x247: {  	v11 =	vor.u32 s23, v2;
	v7 =	vadd.s32 v10, v7  }
0x248: {  	vm0 =	vlt.u32 v11, v0;
	v8 =	vmul.u32 $0x140, v7;
	v7 =	vld [tilespmem:s19+$0x18E30]  }
0x249: {  	v11 =	vand.u32 $0x7F, v11;
	v6 =	vand.u32 $0x1C, v9;
	vm1 =	vlt.u32 v10, $0x4E2  }
0x24a: {  	s31 =	smov.u32 s23;
	s21 =	simm.s32 $0x80;
	v6 =	vshll.u32 v3, v6;
	v10 =	vshrl.u32 v9, $0x5;
	v9 =	vor.u32 $0x186A00, v11  }
.LBB2_36:
0x24b: {  	s22 =	sshra.s32 s21, $0x2;
	p0 =	sne.s32 s21, $0x1C0;
	s21 =	sadd.s32 $0x40, s21;
	v11 =	vand.u32 $0x3, v5;
	vm0 =	vmand vm0, vm1;
	v8 =	vadd.s32 v10, v8;
	v10 =	vmovc v5  }
.Ltmp16:
0x24c: {  	v5 =	vld [tilespmem:s22+$0x19630];
	v11 =	vmul.u32 $0x4E2, v11;
	v12 =	vand.u32 $0x1C, v10;
	v8 =	vsel vm0, v8, v9;
	(pc) =	sbr.rel @p0 .LBB2_36-.Ltmp16, $4  }
0x24d: {  	s31 =	sadd.s32 $0x10, s31;
	v13 =	vnsel vm0, $0x0, v6;
	v9 =	vsub.s32 v7, v4;
	v6 =	vshll.u32 v3, v12;
	[tilespmem:s18+$0x19E30] =	vst v8  }
0x24e: {  	v12 =	vor.u32 s31, v2;
	v7 =	vld [tilespmem:s22+$0x18E30];
	v8 =	vadd.s32 v9, v11;
	[tilespmem:s18+$0x1A630] =	vst v13;
	s18 =	smov.u32 s19;
	s19 =	smov.u32 s22  }
0x24f: {  	vm0 =	vlt.u32 v12, v0;
	v11 =	vand.u32 $0x7F, v12;
	v8 =	vmul.u32 $0x140, v8  }
0x250: {  	v10 =	vshrl.u32 v10, $0x5;
	vm1 =	vlt.u32 v9, $0x4E2;
	v9 =	vor.u32 $0x186A00, v11  }
0x251: {  	v11 =	vand.u32 $0x3, v5;
	vm0 =	vmand vm0, vm1  }
0x252: {  	v8 =	vadd.s32 v10, v8;
	v61 =	vand.u32 $0x1C, v5;
	v11 =	vmul.u32 $0x4E2, v11  }
0x253: {  	s21 =	sadd.s32 $0x10, s31;
	v5 =	vshrl.u32 v5, $0x5;
	v8 =	vsel vm0, v8, v9;
	v7 =	vsub.s32 v7, v4  }
0x254: {  	v62 =	vor.u32 s21, v2;
	v6 =	vnsel vm0, $0x0, v6;
	v11 =	vadd.s32 v7, v11  }
0x255: {  	vm14 =	vlt.u32 v62, v0;
	vm15 =	vlt.u32 v7, $0x4E2;
	v11 =	vmul.u32 $0x140, v11  }
0x256: {  	v63 =	vshll.u32 v3, v61;
	v9 =	vand.u32 $0x7F, v62;
	[tilespmem:s18+$0x19E30] =	vst v8;
	vm0 =	vmand vm14, vm15  }
0x257: {  	[tilespmem:s18+$0x1A630] =	vst v6;
	v7 =	vor.u32 $0x186A00, v9;
	v6 =	vnsel vm0, $0x0, v63;
	v5 =	vadd.s32 v5, v11  }
0x258: {  	[tilespmem:s19+$0x1A630] =	vst v6;
	v5 =	vsel vm0, v5, v7  }
0x259: {  	s22 =	simm.s32 $0x19E30;
	s31 =	simm.s32 $0x1A630;
	[tilespmem:s19+$0x19E30] =	vst v5  }
0x25a: {  	[spmem:s2] =	stream.indirect.scatter.add.s32 [tilespmem:s31], [sflag:$0x1], $0x1, s22, s25, $0xb8;
	[tilespmem:$0x1DF40] =	vst v63  }
0x25b: {  	_ =	swait.ge [sflag:s29], $0x80  }
0x25c: {  	[sflag:s29] =	ssyncset.done $0x0  }
0x25d: {  	[sflag:s29] =	ssyncadd.s32 $0xFFFFFF80  }
0x25e: {  	_ =	swait.ge [sflag:s29], $0x80  }
0x25f: {  	[sflag:s29] =	ssyncset.done $0x0  }
0x260: {  	[sflag:s29] =	ssyncadd.s32 $0xFFFFFF80  }
0x261: {  	_ =	swait.ge [sflag:s29], $0x80  }
0x262: {  	[sflag:s29] =	ssyncset.done $0x0  }
0x263: {  	[sflag:s29] =	ssyncadd.s32 $0xFFFFFF80  }
0x264: {  	_ =	swait.ge [sflag:s29], $0x80  }
0x265: {  	[sflag:s29] =	ssyncset.done $0x0  }
0x266: {  	[sflag:s29] =	ssyncadd.s32 $0xFFFFFF80  }
0x267: {  	_ =	swait.ge [sflag:s29], $0x80  }
0x268: {  	[sflag:s29] =	ssyncset.done $0x0  }
0x269: {  	[sflag:s29] =	ssyncadd.s32 $0xFFFFFF80  }
0x26a: {  	_ =	swait.ge [sflag:s29], $0x80  }
0x26b: {  	[sflag:s29] =	ssyncset.done $0x0  }
0x26c: {  	[sflag:s29] =	ssyncadd.s32 $0xFFFFFF80  }
0x26d: {  	_ =	swait.ge [sflag:s29], $0x80  }
0x26e: {  	[sflag:s29] =	ssyncset.done $0x0  }
0x26f: {  	[sflag:s29] =	ssyncadd.s32 $0xFFFFFF80  }
0x270: {  	_ =	swait.ge [sflag:s29], $0x80  }
0x271: {  	[sflag:s29] =	ssyncset.done $0x0  }
0x272: {  	[sflag:s29] =	ssyncadd.s32 $0xFFFFFF80  }
0x273: {  	_ =	swait.ge [sflag:s29], $0x80  }
0x274: {  	[sflag:s29] =	ssyncset.done $0x0  }
0x275: {  	[sflag:s29] =	ssyncadd.s32 $0xFFFFFF80  }
0x276: {  	_ =	swait.ge [sflag:s29], $0x80  }
0x277: {  	[sflag:s29] =	ssyncset.done $0x0  }
0x278: {  	[sflag:s29] =	ssyncadd.s32 $0xFFFFFF80  }
0x279: {  	_ =	swait.ge [sflag:s29], $0x80  }
0x27a: {  	[sflag:s29] =	ssyncset.done $0x0  }
0x27b: {  	[sflag:s29] =	ssyncadd.s32 $0xFFFFFF80  }
0x27c: {  	_ =	swait.ge [sflag:s29], $0x80  }
0x27d: {  	[sflag:s29] =	ssyncset.done $0x0  }
0x27e: {  	[sflag:s29] =	ssyncadd.s32 $0xFFFFFF80  }
0x27f: {  	_ =	swait.ge [sflag:s29], $0x80  }
0x280: {  	[sflag:s29] =	ssyncset.done $0x0  }
0x281: {  	s17 =	sadd.s32 $0x1, s17;
	[sflag:s29] =	ssyncadd.s32 $0xFFFFFF80  }
0x282: {  	s16 =	sadd.s32 $0x800, s16;
	s15 =	sadd.s32 $0x800, s15;
	_ =	swait.ge [sflag:s29], $0x80  }
0x283: {  	s14 =	sadd.s32 $0x800, s14;
	s13 =	sadd.s32 $0x800, s13;
	[sflag:s29] =	ssyncset.done $0x0  }
0x284: {  	s12 =	sadd.s32 $0x800, s12;
	s11 =	sadd.s32 $0x800, s11;
	[sflag:s29] =	ssyncadd.s32 $0xFFFFFF80  }
0x285: {  	s7 =	sadd.s32 $0x800, s7;
	p0 =	sne.s32 s17, $0xA;
	_ =	swait.ge [sflag:s29], $0x80  }
.Ltmp17:
0x286: {  	s9 =	sadd.s32 $0x800, s9;
	[sflag:s29] =	ssyncset.done $0x0;
	(pc) =	sbr.rel @p0 .LBB2_5-.Ltmp17, $4  }
0x287: {  	s8 =	sadd.s32 $0x800, s8;
	s1 =	sadd.s32 $0x800, s1;
	[sflag:s29] =	ssyncadd.s32 $0xFFFFFF80  }
0x288: {  	s30 =	sadd.s32 $0x800, s30;
	s3 =	sadd.s32 $0x800, s3;
	_ =	swait.ge [sflag:s29], $0x80  }
0x289: {  	s28 =	sadd.s32 $0x800, s28;
	s26 =	sadd.s32 $0x800, s26;
	[sflag:s29] =	ssyncset.done $0x0  }
0x28a: {  	s24 =	sadd.s32 $0x800, s24;
	s23 =	sadd.s32 $0x800, s23;
	[sflag:s29] =	ssyncadd.s32 $0xFFFFFF80  }
0x28b: {  	s18 =	sld [smem:$0x7EE];
	_ =	sdelay $0x1  }
0x28c: {  	[bflag:$0x0] =	sbarrier.arrive $0xFFFF;
	s12 =	simm.s32 $0x0  }
0x28d: {  	s13 =	simm.s32 $0x1B650;
	s14 =	simm.s32 $0x1BE80;
	s1 =	smul.u32 $0x61A80, s18  }
0x28e: {  	s15 =	simm.s32 $0x1C6B0;
	s16 =	simm.s32 $0x1CEE0;
	s3 =	rddreg [dreg:$0x14]  }
0x28f: {  	s17 =	simm.s32 $0x1D710;
	s1 =	sadd.s32 s3, s1;
	s3 =	simm.s32 $0x0  }
.LBB2_39:
0x290: {  	s7 =	smul.u32 $0x830, s3;
	_ =	sdelay $0x1  }
0x291: {  	s7 =	sadd.s32 s10, s7  }
0x292: {  	s8 =	sadd.s32 s7, s2  }
0x293: {  	[tilespmem:s13], [sflag:$0x1] =	stream.linear.gather [spmem:s8], $0x830, $0x38;
	[tilespmem:$0x1DF40] =	vst v63  }
0x294: {  	s9 =	sadd.s32 $0x61A80, s8  }
0x295: {  	[tilespmem:s14], [sflag:$0x1] =	stream.linear.gather [spmem:s9], $0x830, $0x38;
	[tilespmem:$0x1DF40] =	vst v63  }
0x296: {  	s31 =	sadd.s32 $0xC3500, s8  }
0x297: {  	[tilespmem:s15], [sflag:$0x1] =	stream.linear.gather [spmem:s31], $0x830, $0x38;
	[tilespmem:$0x1DF40] =	vst v63  }
0x298: {  	s8 =	sadd.s32 $0x124F80, s8  }
0x299: {  	[tilespmem:s16], [sflag:$0x1] =	stream.linear.gather [spmem:s8], $0x830, $0x38;
	[tilespmem:$0x1DF40] =	vst v63  }
0x29a: {  	_ =	swait.ge [sflag:s29], $0x830  }
0x29b: {  	[sflag:s29] =	ssyncset.done $0x0  }
0x29c: {  	[sflag:s29] =	ssyncadd.s32 $0xFFFFF7D0  }
0x29d: {  	_ =	swait.ge [sflag:s29], $0x830  }
0x29e: {  	[sflag:s29] =	ssyncset.done $0x0  }
0x29f: {  	[sflag:s29] =	ssyncadd.s32 $0xFFFFF7D0  }
0x2a0: {  	_ =	swait.ge [sflag:s29], $0x830  }
0x2a1: {  	[sflag:s29] =	ssyncset.done $0x0  }
0x2a2: {  	[sflag:s29] =	ssyncadd.s32 $0xFFFFF7D0  }
0x2a3: {  	_ =	swait.ge [sflag:s29], $0x830  }
0x2a4: {  	[sflag:s29] =	ssyncset.done $0x0  }
0x2a5: {  	s8 =	simm.s32 $0x0;
	[sflag:s29] =	ssyncadd.s32 $0xFFFFF7D0  }
0x2a6: {  	v4 =	vld [tilespmem:s8+$0x1CEE0]  }
0x2a7: {  	v5 =	vld [tilespmem:s8+$0x1B650]  }
0x2a8: {  	v8 =	vld [tilespmem:s8+$0x1C6B0];
	_ =	sdelay $0x1  }
0x2a9: {  	v7 =	vld [tilespmem:s8+$0x1BE80];
	_ =	sdelay $0x1  }
0x2aa: {  	v6 =	vshrl.u32 v4, $0x3  }
0x2ab: {  	v9 =	vshrl.u32 v5, $0x3;
	v10 =	vshrl.u32 v8, $0x3;
	v11 =	vshrl.u32 v4, $0x1  }
0x2ac: {  	v12 =	vshrl.u32 v5, $0x1;
	v13 =	vshrl.u32 v5, $0x2;
	v14 =	vshrl.u32 v4, $0x2  }
0x2ad: {  	v15 =	vshrl.u32 v7, $0x3;
	v16 =	vshrl.u32 v8, $0x1;
	v17 =	vshrl.u32 v8, $0x2  }
0x2ae: {  	v18 =	vshrl.u32 v7, $0x1;
	v19 =	vshrl.u32 v7, $0x2;
	v11 =	vor.u32 v11, v14  }
0x2af: {  	s9 =	simm.s32 $0x10;
	v12 =	vor.u32 v12, v13;
	v60 =	vor.u32 v18, v19;
	v61 =	vor.u32 v16, v17  }
0x2b0: {  	v9 =	vor.u32 v9, v12;
	v62 =	vor.u32 v15, v60;
	v11 =	vor.u32 v6, v11;
	v6 =	vld [tilespmem:s9+$0x1CEE0]  }
0x2b1: {  	v10 =	vor.u32 v10, v61;
	v12 =	vor.u32 v7, v62;
	v11 =	vor.u32 v4, v11;
	v7 =	vld [tilespmem:s9+$0x1B650]  }
0x2b2: {  	v5 =	vor.u32 v5, v9;
	v8 =	vor.u32 v8, v10;
	v4 =	vld [tilespmem:s9+$0x1C6B0];
	v9 =	vshll.u32 v12, $0x1  }
0x2b3: {  	v10 =	vand.u32 $0x11111111, v5;
	v63 =	vshll.u32 v8, $0x2;
	v9 =	vand.u32 $0x22222222, v9  }
0x2b4: {  	s11 =	simm.s32 $0x80;
	v5 =	vld [tilespmem:s9+$0x1BE80];
	v8 =	vor.u32 v10, v9;
	v9 =	vand.u32 $0x44444444, v63;
	v10 =	vshll.u32 v11, $0x3  }
.LBB2_40:
0x2b5: {  	p0 =	sne.s32 s11, $0x2080;
	v12 =	vor.u32 v9, v8;
	v9 =	vand.u32 $0x88888888, v10;
	v10 =	vmov v6  }
0x2b6: {  	v11 =	vshrl.u32 v10, $0x3;
	v6 =	vor.u32 v9, v12;
	v8 =	vmov v7  }
0x2b7: {  	v12 =	vshrl.u32 v10, $0x1;
	v7 =	vshrl.u32 v8, $0x3;
	v9 =	vshrl.u32 v4, $0x3;
	[tilespmem:s8+$0x1D710] =	vst v6;
	s8 =	smov.u32 s9  }
0x2b8: {  	v14 =	vshrl.u32 v10, $0x2;
	v6 =	vshrl.u32 v8, $0x1;
	v13 =	vshrl.u32 v8, $0x2  }
0x2b9: {  	v16 =	vshrl.u32 v4, $0x1;
	v17 =	vshrl.u32 v4, $0x2;
	v15 =	vshrl.u32 v5, $0x3  }
0x2ba: {  	v12 =	vor.u32 v12, v14;
	v18 =	vshrl.u32 v5, $0x1;
	v19 =	vshrl.u32 v5, $0x2  }
0x2bb: {  	s9 =	sshra.s32 s11, $0x2;
	v13 =	vor.u32 v6, v13;
	v16 =	vor.u32 v16, v17;
	v14 =	vor.u32 v18, v19  }
.Ltmp18:
0x2bc: {  	v11 =	vor.u32 v11, v12;
	v13 =	vor.u32 v7, v13;
	v14 =	vor.u32 v15, v14;
	v6 =	vld [tilespmem:s9+$0x1CEE0];
	(pc) =	sbr.rel @p0 .LBB2_40-.Ltmp18, $4  }
0x2bd: {  	v9 =	vor.u32 v9, v16;
	v10 =	vor.u32 v10, v11;
	v5 =	vor.u32 v5, v14;
	v7 =	vld [tilespmem:s9+$0x1B650]  }
0x2be: {  	v8 =	vor.u32 v8, v13;
	v9 =	vor.u32 v4, v9;
	v5 =	vshll.u32 v5, $0x1;
	v4 =	vld [tilespmem:s9+$0x1C6B0]  }
0x2bf: {  	v8 =	vand.u32 $0x11111111, v8;
	v9 =	vshll.u32 v9, $0x2;
	v11 =	vand.u32 $0x22222222, v5  }
0x2c0: {  	s11 =	sadd.s32 $0x40, s11;
	v10 =	vshll.u32 v10, $0x3;
	v9 =	vand.u32 $0x44444444, v9;
	v8 =	vor.u32 v8, v11;
	v5 =	vld [tilespmem:s9+$0x1BE80]  }
0x2c1: {  	v8 =	vor.u32 v9, v8;
	v56 =	vand.u32 $0x88888888, v10;
	v57 =	vshrl.u32 v6, $0x3  }
0x2c2: {  	v13 =	vshrl.u32 v6, $0x1;
	v16 =	vshrl.u32 v6, $0x2;
	v11 =	vshrl.u32 v7, $0x3  }
0x2c3: {  	v14 =	vshrl.u32 v7, $0x1;
	v15 =	vshrl.u32 v7, $0x2;
	v13 =	vor.u32 v13, v16  }
0x2c4: {  	v12 =	vshrl.u32 v4, $0x3;
	v17 =	vshrl.u32 v4, $0x1;
	v18 =	vshrl.u32 v4, $0x2  }
0x2c5: {  	v14 =	vor.u32 v14, v15;
	v19 =	vshrl.u32 v5, $0x1;
	v58 =	vshrl.u32 v5, $0x2  }
0x2c6: {  	v10 =	vor.u32 v57, v13;
	v59 =	vshrl.u32 v5, $0x3;
	v16 =	vor.u32 v19, v58  }
0x2c7: {  	v17 =	vor.u32 v17, v18;
	v11 =	vor.u32 v11, v14;
	v60 =	vor.u32 v59, v16  }
0x2c8: {  	v61 =	vor.u32 v6, v10;
	v12 =	vor.u32 v12, v17;
	v5 =	vor.u32 v5, v60  }
0x2c9: {  	v62 =	vor.u32 v7, v11;
	v4 =	vor.u32 v4, v12;
	v5 =	vshll.u32 v5, $0x1  }
0x2ca: {  	v7 =	vand.u32 $0x11111111, v62;
	v4 =	vshll.u32 v4, $0x2;
	v5 =	vand.u32 $0x22222222, v5  }
0x2cb: {  	v6 =	vshll.u32 v61, $0x3;
	v4 =	vand.u32 $0x44444444, v4;
	v5 =	vor.u32 v7, v5  }
0x2cc: {  	s7 =	sadd.s32 s7, s1;
	s3 =	sadd.s32 $0x1, s3;
	v63 =	vor.u32 v56, v8;
	v4 =	vor.u32 v4, v5;
	v5 =	vand.u32 $0x88888888, v6  }
0x2cd: {  	s7 =	sshrl.u32 s7, $0x3;
	p0 =	sne.s32 s3, $0xC;
	[tilespmem:s8+$0x1D710] =	vst v63;
	v4 =	vor.u32 v5, v4  }
.Ltmp19:
0x2ce: {  	s7 =	sadd.s32 s6, s7;
	[tilespmem:s9+$0x1D710] =	vst v4;
	(pc) =	sbr.rel @p0 .LBB2_39-.Ltmp19, $4  }
0x2cf: {  	[hbm4b:s7+s12] =	stream.linear.scatter [tilespmem:s17], [sflag:$0x2], $0x830, $0x38;
	[tilespmem:$0x1DF40] =	vst v63  }
0x2d0: {  	_ =	swait.ge [sflag:s0], $0x830  }
0x2d1: {  	[sflag:s0] =	ssyncset.done $0x0  }
0x2d2: {  	[sflag:s0] =	ssyncadd.s32 $0xFFFFF7D0  }
0x2d3: {  	s18 =	sadd.s32 $0x1, s18  }
0x2d4: {  	p0 =	sne.s32 s18, $0x4  }
.Ltmp20:
0x2d5: {  	_ = 	snop;
	(pc) =	sbr.rel @p0 .LBB2_4-.Ltmp20, $2  }
0x2d6: {  	_ =	sdelay $0x1  }
0x2d7: {  	[bflag:$0x0] =	sbarrier.arrive $0xFFFF;
	_ =	sdelay $0x1  }
0x2d8: {  	s3 =	sld [smem:$0x7EF];
	_ =	sdelay $0x2  }
0x2d9: {  	s1 =	rddreg [dreg:$0x15];
	s3 =	sadd.s32 $0x1, s3  }
0x2da: {  	p0 =	sne.s32 s3, s1  }
.Ltmp21:
0x2db: {  	_ = 	snop;
	(pc) =	sbr.rel @p0 .LBB2_1-.Ltmp21, $1  }
0x2dc: {  	_ =	sdelay $0x3  }
0x2dd: {  	_ =	sfence.sel $0x180000  }
0x2de: {  	[bflag:$0x0] =	sbarrier.arrive $0xFFFF  }
0x2df: {  	_ =	strace $0x90000047  }
0x2e0: {  	s0 =	stileid.u32;
	[bflag:$0x2] =	sbarrier.arrive $0xFFFF  }
0x2e1: {  	p0 =	sne.s32 s0, $0x0;
	s0 =	rddreg [dreg:$0x2]  }
0x2e2: {  	s0 =	sadd.s32 @!p0 $0x100000, s0  }
0x2e3: {  	[sflag:s0] =	ssyncadd.tile.s32 @!p0 $0x1;
	_ =	shalt  }
.Lfunc_end2:
_tile_overlayer_lowered:
.L_overlay_start_2:
0x2e4: {  	(tag) =	ssettag $0x2  }
0x2e5: {  	s0 =	rddreg [dreg:$0x0];
	s2 =	stileid.u32  }
0x2e6: {  	s1 =	rddreg [dreg:$0x1];
	p0 =	sne.s32 s2, $0x0  }
0x2e7: {  	s3 =	rddreg [dreg:$0x2];
	[bflag:$0x3] =	sbarrier.arrive $0xFFFF;
	s2 =	simm.s32 @!p0 $0x1C02  }
0x2e8: {  	[timem:s3], [sflag:s2] =	dma.local @!p0 [hbm:s0], s1  }
0x2e9: {  	s0 =	simm.s32 @!p0 $0x2  }
0x2ea: {  	_ =	swait.ge @!p0 [sflag:s0], s1  }
0x2eb: {  	s1 =	ssub.s32 @!p0 $0x0, s1;
	[sflag:s0] =	ssyncset.done @!p0 $0x0  }
0x2ec: {  	[sflag:s0] =	ssyncadd.s32 @!p0 s1  }
0x2ed: {  	[bflag:$0x3] =	sbarrier.arrive $0xFFFF  }
0x2ee: {  	_ =	shalt  }

// kernel: kernel.9.cloned.1.call-start
scs
__scs_entry_jumppad:
0x0: {  	(pc) =	sbr.rel $0x88, $3  }
0x1: {  	(tag) =	ssettag $0x0;
	lr =	simm.s32 $0x1  }
0x2: {  	[smem:$0x3F8F] =	sst lr;
	_ =	strace $0xD0000000  }
0x3: {  	_ = 	snop  }
0x4: {  	_ = 	snop  }
0x5: {  	_ = 	snop  }
0x6: {  	_ = 	snop  }
0x7: {  	_ = 	snop  }
__scs_overlays_trampoline_lowered:
0x8: {  	[smem:$0x3F9E] =	sst s0  }
0x9: {  	[smem:$0x3F9F] =	sst s1  }
0xa: {  	[smem:$0x3FA0] =	sst s2  }
0xb: {  	[smem:$0x3FA1] =	sst s3  }
0xc: {  	[smem:$0x3FA2] =	sst s4  }
0xd: {  	[smem:$0x3FA3] =	sst s5  }
0xe: {  	[smem:$0x3FA4] =	sst s6  }
0xf: {  	[smem:$0x3FA5] =	sst s7  }
0x10: {  	[smem:$0x3FA6] =	sst s8  }
0x11: {  	[smem:$0x3FA7] =	sst s9;
	s0 =	simm.s32 @!p0 $0x0  }
0x12: {  	s1 =	sld [smem:$0x3F8D];
	s0 =	simm.s32 @p0 $0x1  }
0x13: {  	[smem:$0x3FA8] =	sst s0;
	s0 =	simm.s32 @!p1 $0x0  }
0x14: {  	s2 =	sld [smem:$0x3F8C];
	s0 =	simm.s32 @p1 $0x1  }
0x15: {  	[smem:$0x3FA9] =	sst s0;
	s0 =	simm.s32 @!p2 $0x0  }
0x16: {  	s3 =	sld [smem:$0x3FDB];
	s0 =	simm.s32 @p2 $0x1  }
0x17: {  	s4 =	simm.s32 $0x1BF5;
	[smem:$0x3FAB] =	sst s0  }
0x18: {  	s0 =	sld [smem:$0x3F8E];
	_ =	swait.ge [sflag:s4], $0x0  }
0x19: {  	s7 =	sld [smem:$0x3F8F]  }
0x1a: {  	s8 =	sadd.s32 $0xFFFFE003, lr  }
0x1b: {  	s9 =	sadd.s32 $0xFFFFFEF7, lr;
	s5 =	simm.s32 $0xFFFFFFFF;
	p2 =	slt.u32 s8, $0xFFFFF086  }
0x1c: {  	p1 =	slt.u32 s9, $0xF7A;
	s5 =	simm.s32 @!p2 $0x0  }
0x1d: {  	s5 =	simm.s32 @p1 $0x1;
	p0 =	seq.s32 s7, s2  }
0x1e: {  	s7 =	smul.u32 @!p0 $0xF7A, s2;
	p2 =	seq.s32 @!p0 s5, $0x0  }
0x1f: {  	s9 =	smul.u32 $0xF7A, s1;
	s8 =	simm.s32 @!p0 $0x1BF5;
	p2 =	por !p2, p0  }
0x20: {  	[sflag:s8] =	ssyncset.s32 @!p0 $0xFFFFF086;
	s6 =	sadd.s32 @!p0 s3, s7;
	s7 =	simm.s32 @!p0 $0x108  }
0x21: {  	s3 =	sadd.s32 s3, s9;
	s6 =	sadd.s32 @!p0 $0x88, s6;
	s7 =	simm.s32 @p2 $0x1082  }
0x22: {  	[simem:s7], [sflag:s8] =	dma.local @!p0 [hbm:s6], $0xF7A  }
0x23: {  	s9 =	sor.u32 $0xD0000000, s2;
	s6 =	simm.s32 $0x108;
	_ =	swait.ge @!p0 [sflag:s8], $0x0  }
0x24: {  	s3 =	sadd.s32 $0x88, s3;
	s6 =	simm.s32 @!p1 $0x1082;
	[sflag:s4] =	ssyncset.s32 $0xFFFFF086  }
0x25: {  	[simem:s6], [sflag:s4] =	dma.local [hbm:s3], $0xF7A  }
0x26: {  	[smem:$0x3F8F] =	sst s1;
	(tag) =	ssettag s2;
	_ =	strace s9  }
0x27: {  	s1 =	sld [smem:$0x3F9F]  }
0x28: {  	s2 =	sld [smem:$0x3FA0]  }
0x29: {  	s4 =	sld [smem:$0x3FA2]  }
0x2a: {  	p0 =	seq.s32 s5, $0x0;
	s5 =	sld [smem:$0x3FA3]  }
0x2b: {  	s6 =	sld [smem:$0x3FA4]  }
0x2c: {  	s7 =	sld [smem:$0x3FA5]  }
0x2d: {  	s3 =	simm.s32 $0x108;
	s8 =	sld [smem:$0x3FA6]  }
0x2e: {  	s3 =	simm.s32 @!p0 $0x1082;
	s9 =	sld [smem:$0x3FA7]  }
0x2f: {  	lr =	sadd.s32 s0, s3;
	s0 =	sld [smem:$0x3F9E]  }
0x30: {  	s3 =	sld [smem:$0x3FA1]  }
0x31: {  	[smem:$0x3FAA] =	sst s10  }
0x32: {  	s10 =	sld [smem:$0x3FA8];
	_ =	sdelay $0x3  }
0x33: {  	p0 =	seq.s32 s10, $0x1;
	s10 =	sld [smem:$0x3FAA];
	_ =	sdelay $0x3  }
0x34: {  	[smem:$0x3FAA] =	sst s10  }
0x35: {  	s10 =	sld [smem:$0x3FA9];
	_ =	sdelay $0x3  }
0x36: {  	p1 =	seq.s32 s10, $0x1;
	s10 =	sld [smem:$0x3FAA];
	_ =	sdelay $0x3  }
0x37: {  	[smem:$0x3FAA] =	sst s10  }
0x38: {  	s10 =	sld [smem:$0x3FAB]  }
0x39: {  	_ = 	snop;
	(pc) =	sbr.ind lr, $3  }
0x3a: {  	_ = 	snop  }
0x3b: {  	_ = 	snop  }
0x3c: {  	p2 =	seq.s32 s10, $0x1;
	s10 =	sld [smem:$0x3FAA]  }
0x3d: {  	_ =	shalt  }
0x3e: {  	_ =	shalt  }
0x3f: {  	_ =	shalt  }
0x40: {  	_ =	shalt  }
0x41: {  	_ =	shalt  }
0x42: {  	_ =	shalt  }
0x43: {  	_ =	shalt  }
0x44: {  	_ =	shalt  }
0x45: {  	_ =	shalt  }
0x46: {  	_ =	shalt  }
0x47: {  	_ =	shalt  }
0x48: {  	_ =	shalt  }
0x49: {  	_ =	shalt  }
0x4a: {  	_ =	shalt  }
0x4b: {  	_ =	shalt  }
0x4c: {  	_ =	shalt  }
0x4d: {  	_ =	shalt  }
0x4e: {  	_ =	shalt  }
0x4f: {  	_ =	shalt  }
0x50: {  	_ =	shalt  }
0x51: {  	_ =	shalt  }
0x52: {  	_ =	shalt  }
0x53: {  	_ =	shalt  }
0x54: {  	_ =	shalt  }
0x55: {  	_ =	shalt  }
0x56: {  	_ =	shalt  }
0x57: {  	_ =	shalt  }
0x58: {  	_ =	shalt  }
0x59: {  	_ =	shalt  }
0x5a: {  	_ =	shalt  }
0x5b: {  	_ =	shalt  }
0x5c: {  	_ =	shalt  }
0x5d: {  	_ =	shalt  }
0x5e: {  	_ =	shalt  }
0x5f: {  	_ =	shalt  }
0x60: {  	_ =	shalt  }
0x61: {  	_ =	shalt  }
0x62: {  	_ =	shalt  }
0x63: {  	_ =	shalt  }
0x64: {  	_ =	shalt  }
0x65: {  	_ =	shalt  }
0x66: {  	_ =	shalt  }
0x67: {  	_ =	shalt  }
0x68: {  	_ =	shalt  }
0x69: {  	_ =	shalt  }
0x6a: {  	_ =	shalt  }
0x6b: {  	_ =	shalt  }
0x6c: {  	_ =	shalt  }
0x6d: {  	_ =	shalt  }
0x6e: {  	_ =	shalt  }
0x6f: {  	_ =	shalt  }
0x70: {  	_ =	shalt  }
0x71: {  	_ =	shalt  }
0x72: {  	_ =	shalt  }
0x73: {  	_ =	shalt  }
0x74: {  	_ =	shalt  }
0x75: {  	_ =	shalt  }
0x76: {  	_ =	shalt  }
0x77: {  	_ =	shalt  }
0x78: {  	_ =	shalt  }
0x79: {  	_ =	shalt  }
0x7a: {  	_ =	shalt  }
0x7b: {  	_ =	shalt  }
0x7c: {  	_ =	shalt  }
0x7d: {  	_ =	shalt  }
0x7e: {  	_ =	shalt  }
0x7f: {  	_ =	shalt  }
0x80: {  	_ =	shalt  }
0x81: {  	_ =	shalt  }
0x82: {  	_ =	shalt  }
0x83: {  	_ =	shalt  }
0x84: {  	_ =	shalt  }
0x85: {  	_ =	shalt  }
0x86: {  	_ =	shalt  }
0x87: {  	_ =	shalt  }
.Lfunc_end0:
.L_simem_size_0:
called_computation.1_lowered:
.L_overlay_start_0:
0x88: {  	s2 =	sld [smem:$0x3FD9]  }
0x89: {  	s3 =	sld [smem:$0x3FFE];
	_ =	sdelay $0x1  }
0x8a: {  	s1 =	srdreg.scid  }
0x8b: {  	s0 =	sand.u32 $0x1, s1  }
0x8c: {  	s17 =	sshll.u32 s0, $0xA;
	s2 =	sadd.s32 s3, s2  }
0x8d: {  	s2 =	sadd.s32 s2, s17  }
0x8e: {  	[smem:$0x3FB6] =	sst s2  }
0x8f: {  	_ = 	snop  }
0x90: {  	s2 =	sld [smem:$0x3FC9]  }
0x91: {  	s18 =	sld [smem:$0x3FD0];
	(tm) =	ssettm $0x1  }
0x92: {  	s4 =	sld [smem:$0x3FFB];
	_ =	sdelay $0x3  }
0x93: {  	_ =	strace s4  }
0x94: {  	s4 =	sld [smem:$0x3FFC];
	_ =	sdelay $0x3  }
0x95: {  	_ =	strace s4  }
0x96: {  	s4 =	sld [smem:$0x3FFD];
	_ =	sdelay $0x3  }
0x97: {  	_ =	strace s4  }
0x98: {  	_ =	strace $0x8FFFFFFF  }
0x99: {  	s19 =	sld [smem:$0x3FDB];
	_ =	sdelay $0x1  }
0x9a: {  	s5 =	simm.s32 $_scs_section_size  }
0x9b: {  	s6 =	simm.s32 $_size__tile_overlayer_lowered;
	s7 =	simm.s32 $_tile_overlayer_lowered  }
0x9c: {  	s22 =	simm.s32 $0x1BFF;
	s21 =	sshll.u32 s7, $0x1;
	s4 =	sadd.s32 s5, s19  }
0x9d: {  	s8 =	simm.s32 $0x0;
	s20 =	sshll.u32 s6, $0x1;
	s6 =	sadd.s32 s21, s4  }
0x9e: {  	[timem:s8], [sflag:s22] =	dma.local [hbm:s6], s20  }
0x9f: {  	_ =	swait.ge [sflag:s22], s20  }
0xa0: {  	s5 =	ssub.s32 $0x0, s20;
	[sflag:s22] =	ssyncset.done $0x0  }
0xa1: {  	[sflag:s22] =	ssyncadd.s32 s5;
	_ =	sdelay $0x1  }
0xa2: {  	s23 =	simm.s32 $0x1B8B  }
0xa3: {  	_ =	swait.ge [sflag:s23], $0x1  }
0xa4: {  	[sflag:s23] =	ssyncset.done $0x0  }
0xa5: {  	s25 =	simm.s32 $0x1B8E;
	s24 =	sld [smem:$0x3FFE];
	[sflag:s23] =	ssyncadd.s32 $0xFFFFFFFF  }
0xa6: {  	s26 =	simm.s32 $execute0_lowered;
	[smem:$0x3FD2] =	sst s25  }
0xa7: {  	s6 =	sshll.u32 s26, $0x1;
	_ =	strace $0x80000049;
	[dreg:$0x1] =	wrdreg $0xFFFFFFFF  }
0xa8: {  	s28 =	simm.s32 $_size_execute0_lowered;
	s4 =	sadd.s32 s4, s6;
	[dreg:$0x0] =	wrdreg $0x0  }
0xa9: {  	s6 =	sshll.u32 s28, $0x1;
	[dreg:$0x2] =	wrdreg s4  }
0xaa: {  	[dreg:$0x3] =	wrdreg s6  }
0xab: {  	[dreg:$0x4] =	wrdreg $0xC0  }
0xac: {  	_ =	task [dreg:s8], $0x5FFFF  }
0xad: {  	[dreg:$0x1] =	wrdreg $0xFFFFFFFF  }
0xae: {  	[dreg:$0x0] =	wrdreg $0x60  }
0xaf: {  	[dreg:$0x2] =	wrdreg s24  }
0xb0: {  	[dreg:$0x3] =	wrdreg s18  }
0xb1: {  	[dreg:$0x4] =	wrdreg s2  }
0xb2: {  	[dreg:$0x5] =	wrdreg $0x9  }
0xb3: {  	_ =	task.clear_ibuf [dreg:s8], $0x6FFFF;
	_ =	strace $0x90000049  }
0xb4: {  	s29 =	simm.s32 $0x9;
	_ =	strace $0x8000004B  }
0xb5: {  	_ =	swait.ge [sflag:s29], $0x1  }
0xb6: {  	[sflag:s29] =	ssyncadd.s32 $0xFFFFFFFF  }
0xb7: {  	_ =	strace $0x9000004B  }
0xb8: {  	_ =	sfence  }
0xb9: {  	s30 =	sld [smem:$0x0];
	_ =	sdelay $0x2  }
0xba: {  	s31 =	sshll.u32 s1, $0xD;
	s1 =	sshrl.u32 s1, $0x2  }
0xbb: {  	s3 =	sand.u32 $0x4000, s31;
	s1 =	sadd.s32 s1, s30  }
0xbc: {  	s0 =	sor.u32 s3, s0;
	s1 =	sshll.u32 s1, $0x11  }
0xbd: {  	s0 =	sor.u32 s1, s0  }
0xbe: {  	s0 =	sadd.s32 $0x8F2B, s0  }
0xbf: {  	[sflag:s0] =	ssyncadd.remote.s32 $0x1  }
0xc0: {  	_ =	sfence.sel $0xFFFF  }
0xc1: {  	[dreg:$0x0] =	wrdreg $0xFFFFFFFF;
	(pc) =	sbr.abs _section_cstart, $3  }
0xc2: {  	[dreg:$0x1] =	wrdreg $0xFFFFFFFF  }
0xc3: {  	_ =	task.clear_ibuf [dreg:s8], $0x2FFFF;
	_ =	strace $0x9FFFFFFF  }
0xc4: {  	(tm) =	ssettm $0x7FFFFFFF  }
0xc5: {  	_ =	shalt  }
tec
execute0_lowered:
.L_overlay_start_1:
0x0: {  	(tag) =	ssettag $0x1  }
0x1: {  	s0 =	rddreg [dreg:$0x0]  }
0x2: {  	s1 =	rddreg [dreg:$0x1]  }
0x3: {  	s2 =	rddreg [dreg:$0x2];
	s3 =	simm.s32 $0x0  }
0x4: {  	s5 =	srdreg.scid;
	s9 =	stileid.u32;
	s18 =	simm.s32 $0x2  }
0x5: {  	s20 =	simm.s32 $0x40;
	s21 =	simm.s32 $0x20;
	s26 =	simm.s32 $0x1  }
0x6: {  	s28 =	simm.s32 $0xE100;
	s29 =	simm.s32 $0xF100;
	s30 =	simm.s32 $0x0  }
0x7: {  	[smem:$0x7FF] =	sst s3;
	s4 =	sadd.s32 $0x16200, s0;
	s6 =	sadd.s32 $0x77E00, s0  }
0x8: {  	s7 =	sadd.s32 $0x79E00, s0;
	s8 =	sadd.s32 $0x7BE00, s0;
	s5 =	sand.u32 $0x1, s5  }
0x9: {  	s10 =	sshll.u32 s9, $0xC;
	s12 =	ssub.s32 $0x2, s5;
	s5 =	sshll.u32 s5, $0xB  }
0xa: {  	s9 =	sadd.s32 $0x7DE00, s0;
	s11 =	sadd.s32 $0x9DE00, s0;
	s10 =	sor.u32 s5, s10  }
0xb: {  	_ =	strace $0x8000004A;
	s13 =	sshrl.u32 s12, $0x1;
	s5 =	sshrl.u32 s10, $0x3  }
0xc: {  	s31 =	ssub.s32 s12, s13;
	s12 =	sadd.s32 s7, s5;
	s13 =	sadd.s32 s8, s5  }
0xd: {  	s14 =	sadd.s32 s1, s5;
	s15 =	sadd.s32 s6, s5;
	s16 =	smax.u32 s31, $0x1  }
.LBB2_1:
0xe: {  	s0 =	simm.s32 $0x80  }
0xf: {  	[tilespmem:s0], [sflag:$0x2] =	stream.linear.gather [hbm4b:s12+s3], $0x20, $0x38;
	[tilespmem:$0xF300] =	vst v63  }
0x10: {  	_ =	swait.ge [sflag:s18], $0x20  }
0x11: {  	[sflag:s18] =	ssyncset.done $0x0  }
0x12: {  	s5 =	simm.s32 $0xC0;
	[sflag:s18] =	ssyncadd.s32 $0xFFFFFFE0  }
0x13: {  	[tilespmem:s5], [sflag:$0x2] =	stream.linear.gather [hbm4b:s13+s3], $0x20, $0x38;
	[tilespmem:$0xF300] =	vst v63  }
0x14: {  	_ =	swait.ge [sflag:s18], $0x20  }
0x15: {  	[sflag:s18] =	ssyncset.done $0x0  }
0x16: {  	[sflag:s18] =	ssyncadd.s32 $0xFFFFFFE0  }
0x17: {  	[tilespmem:s3], [sflag:$0x2] =	stream.linear.gather [hbm4b:s14+s3], $0x20, $0x38;
	[tilespmem:$0xF300] =	vst v63  }
0x18: {  	_ =	swait.ge [sflag:s18], $0x20  }
0x19: {  	[sflag:s18] =	ssyncset.done $0x0  }
0x1a: {  	[sflag:s18] =	ssyncadd.s32 $0xFFFFFFE0  }
0x1b: {  	[tilespmem:s20], [sflag:$0x2] =	stream.linear.gather [hbm4b:s15+s3], $0x20, $0x38;
	[tilespmem:$0xF300] =	vst v63  }
0x1c: {  	_ =	swait.ge [sflag:s18], $0x20  }
0x1d: {  	[sflag:s18] =	ssyncset.done $0x0  }
0x1e: {  	s17 =	simm.s32 $0x100;
	[sflag:s18] =	ssyncadd.s32 $0xFFFFFFE0  }
0x1f: {  	[tilespmem:s17], [sflag:$0x1] =	stream.indirect.gather [hbm4b:s4+s21], $0x140, s0, s21, $0xb8;
	[tilespmem:$0xF300] =	vst v63  }
0x20: {  	s23 =	simm.s32 $0x5100  }
0x21: {  	[tilespmem:s23], [sflag:$0x1] =	stream.indirect.gather [hbm4b:s4+s21], $0x140, s5, s21, $0xb8;
	[tilespmem:$0xF300] =	vst v63  }
0x22: {  	s24 =	simm.s32 $0xA100  }
0x23: {  	[tilespmem:s24], [sflag:$0x1] =	stream.indirect.gather [hbm4b:s2+s21], $0x80, s3, s21, $0xb8;
	[tilespmem:$0xF300] =	vst v63  }
0x24: {  	s25 =	simm.s32 $0xC100;
	p0 =	por $0x0, $0x0;
	s31 =	simm.s32 $0x0  }
0x25: {  	[tilespmem:s25], [sflag:$0x1] =	stream.indirect.gather [hbm4b:s2+s21], $0x80, s20, s21, $0xb8;
	[tilespmem:$0xF300] =	vst v63  }
.LBB2_2:
0x26: {  	s0 =	sadd.s32 $0x1, s31  }
0x27: {  	p1 =	seq.s32 s31, $0x3F;
	s5 =	sshll.u32 s0, $0x5  }
0x28: {  	s5 =	simm.s32 @p1 $0x0  }
0x29: {  	s17 =	sand.u32 $0x1, s0;
	s5 =	sadd.s32 s10, s5  }
0x2a: {  	s22 =	sshll.u32 s17, $0x5;
	s5 =	sshrl.u32 s5, $0x3  }
0x2b: {  	s25 =	simm.s32 $0x0;
	s23 =	sor.u32 $0x80, s22;
	s24 =	sadd.s32 s7, s5  }
0x2c: {  	[tilespmem:s23], [sflag:$0x2] =	stream.linear.gather [hbm4b:s24+s25], $0x20, $0x38;
	[tilespmem:$0xF300] =	vst v63  }
0x2d: {  	_ =	swait.ge [sflag:s18], $0x20  }
0x2e: {  	[sflag:s18] =	ssyncset.done $0x0  }
0x2f: {  	s19 =	sadd.s32 s8, s5;
	s24 =	sor.u32 $0xC0, s22;
	[sflag:s18] =	ssyncadd.s32 $0xFFFFFFE0  }
0x30: {  	[tilespmem:s24], [sflag:$0x2] =	stream.linear.gather [hbm4b:s19+s25], $0x20, $0x38;
	[tilespmem:$0xF300] =	vst v63  }
0x31: {  	_ =	swait.ge [sflag:s18], $0x20  }
0x32: {  	[sflag:s18] =	ssyncset.done $0x0  }
0x33: {  	s19 =	sadd.s32 s1, s5;
	[sflag:s18] =	ssyncadd.s32 $0xFFFFFFE0  }
0x34: {  	[tilespmem:s22], [sflag:$0x2] =	stream.linear.gather [hbm4b:s19+s25], $0x20, $0x38;
	[tilespmem:$0xF300] =	vst v63  }
0x35: {  	_ =	swait.ge [sflag:s18], $0x20  }
0x36: {  	[sflag:s18] =	ssyncset.done $0x0  }
0x37: {  	s5 =	sadd.s32 s6, s5;
	s19 =	sor.u32 $0x40, s22;
	[sflag:s18] =	ssyncadd.s32 $0xFFFFFFE0  }
0x38: {  	[tilespmem:s19], [sflag:$0x2] =	stream.linear.gather [hbm4b:s5+s25], $0x20, $0x38;
	[tilespmem:$0xF300] =	vst v63  }
0x39: {  	s5 =	smul.u32 $0x2800, s17;
	_ =	swait.ge [sflag:s18], $0x20  }
0x3a: {  	[sflag:s18] =	ssyncset.done $0x0  }
0x3b: {  	s25 =	sor.u32 $0x100, s5;
	[sflag:s18] =	ssyncadd.s32 $0xFFFFFFE0  }
0x3c: {  	[tilespmem:s25], [sflag:$0x1] =	stream.indirect.gather [hbm4b:s4+s21], $0x140, s23, s21, $0xb8;
	[tilespmem:$0xF300] =	vst v63  }
0x3d: {  	s5 =	sadd.s32 $0x5100, s5;
	s25 =	sshll.u32 s17, $0xC  }
0x3e: {  	[tilespmem:s5], [sflag:$0x1] =	stream.indirect.gather [hbm4b:s4+s21], $0x140, s24, s21, $0xb8;
	[tilespmem:$0xF300] =	vst v63  }
0x3f: {  	s17 =	sor.u32 $0xA100, s25  }
0x40: {  	[tilespmem:s17], [sflag:$0x1] =	stream.indirect.gather [hbm4b:s2+s21], $0x80, s22, s21, $0xb8;
	[tilespmem:$0xF300] =	vst v63  }
0x41: {  	s5 =	sor.u32 $0xC100, s25  }
0x42: {  	[tilespmem:s5], [sflag:$0x1] =	stream.indirect.gather [hbm4b:s2+s21], $0x80, s19, s21, $0xb8;
	[tilespmem:$0xF300] =	vst v63  }
0x43: {  	_ =	swait.ge [sflag:s26], $0x2800  }
0x44: {  	[sflag:s26] =	ssyncset.done $0x0  }
0x45: {  	[sflag:s26] =	ssyncadd.s32 $0xFFFFD800  }
0x46: {  	_ =	swait.ge [sflag:s26], $0x2800  }
0x47: {  	[sflag:s26] =	ssyncset.done $0x0  }
0x48: {  	[sflag:s26] =	ssyncadd.s32 $0xFFFFD800  }
0x49: {  	s23 =	simm.s32 $0x1;
	_ =	swait.ge [sflag:s26], $0x1000  }
0x4a: {  	s23 =	simm.s32 @!p0 $0x0;
	[sflag:s26] =	ssyncset.done $0x0  }
0x4b: {  	s19 =	smul.u32 $0xA000, s23;
	[sflag:s26] =	ssyncadd.s32 $0xFFFFF000  }
0x4c: {  	_ =	swait.ge [sflag:s26], $0x1000  }
0x4d: {  	s22 =	sshrl.u32 s19, $0x2;
	[sflag:s26] =	ssyncset.done $0x0  }
0x4e: {  	s5 =	sadd.s32 $0x51A0, s22;
	[sflag:s26] =	ssyncadd.s32 $0xFFFFF000  }
0x4f: {  	s22 =	sor.u32 $0x1A0, s22;
	v0 =	vld [tilespmem:s5+$0xFFFFFF70]  }
0x50: {  	v1 =	vld [tilespmem:s22+$0xFFFFFF70]  }
0x51: {  	v2 =	vld [tilespmem:s22+$0xFFFFFF60]  }
0x52: {  	v3 =	vld [tilespmem:s5+$0xFFFFFF60]  }
0x53: {  	v4 =	vld [tilespmem:s5+$0xFFFFFF80]  }
0x54: {  	v5 =	vld [tilespmem:s22+$0xFFFFFF80]  }
0x55: {  	v6 =	vld [tilespmem:s5+$0xFFFFFF90]  }
0x56: {  	v0 =	vand.u32 v1, v0;
	v1 =	vld [tilespmem:s22+$0xFFFFFF90]  }
0x57: {  	v2 =	vand.u32 v2, v3;
	v7 =	vshrl.u32 v0, $0x1  }
0x58: {  	v60 =	vshrl.u32 v2, $0x1;
	v3 =	vand.u32 $0x55555555, v7  }
0x59: {  	v0 =	vsub.s32 v0, v3;
	v3 =	vand.u32 v5, v4;
	v4 =	vand.u32 $0x55555555, v60  }
0x5a: {  	v5 =	vshrl.u32 v0, $0x2;
	v61 =	vshrl.u32 v3, $0x1;
	v2 =	vsub.s32 v2, v4  }
0x5b: {  	v0 =	vand.u32 $0x33333333, v0;
	v4 =	vand.u32 $0x33333333, v5;
	v1 =	vand.u32 v1, v6  }
0x5c: {  	v5 =	vshrl.u32 v2, $0x2;
	v2 =	vand.u32 $0x33333333, v2;
	v62 =	vand.u32 $0x55555555, v61  }
0x5d: {  	v63 =	vld [tilespmem:s22+$0xFFFFFFA0];
	v5 =	vand.u32 $0x33333333, v5;
	v3 =	vsub.s32 v3, v62;
	v0 =	vadd.s32 v0, v4  }
0x5e: {  	v4 =	vld [tilespmem:s5+$0xFFFFFFA0];
	v2 =	vadd.s32 v2, v5;
	v5 =	vand.u32 $0x33333333, v3;
	v3 =	vshrl.u32 v3, $0x2  }
0x5f: {  	v12 =	vld [tilespmem:s5+$0xFFFFFFB0];
	v9 =	vshrl.u32 v0, $0x4;
	v8 =	vshrl.u32 v2, $0x4;
	v3 =	vand.u32 $0x33333333, v3  }
0x60: {  	v0 =	vadd.s32 v0, v9;
	v2 =	vadd.s32 v2, v8;
	v3 =	vadd.s32 v5, v3;
	v5 =	vld [tilespmem:s22+$0xFFFFFFB0]  }
0x61: {  	v0 =	vand.u32 $0xF0F0F0F, v0;
	v2 =	vand.u32 $0xF0F0F0F, v2;
	v13 =	vshrl.u32 v3, $0x4  }
0x62: {  	v14 =	vshrl.u32 v1, $0x1;
	v3 =	vadd.s32 v3, v13;
	v0 =	vadd.s32 v2, v0  }
0x63: {  	v4 =	vand.u32 v63, v4;
	v2 =	vand.u32 $0xF0F0F0F, v3;
	v3 =	vand.u32 $0x55555555, v14  }
0x64: {  	v0 =	vadd.s32 v2, v0;
	v1 =	vsub.s32 v1, v3;
	v2 =	vshrl.u32 v4, $0x1  }
0x65: {  	v41 =	vld [tilespmem:s5+$0x40];
	v3 =	vshrl.u32 v1, $0x2;
	v5 =	vand.u32 v5, v12;
	v2 =	vand.u32 $0x55555555, v2  }
0x66: {  	v1 =	vand.u32 $0x33333333, v1;
	v12 =	vld [tilespmem:s22+$0x40];
	v3 =	vand.u32 $0x33333333, v3;
	v2 =	vsub.s32 v4, v2  }
0x67: {  	v15 =	vld [tilespmem:s22+$0xFFFFFFC0];
	v1 =	vadd.s32 v1, v3;
	v3 =	vshrl.u32 v5, $0x1;
	v4 =	vshrl.u32 v2, $0x2  }
0x68: {  	v16 =	vld [tilespmem:s5+$0xFFFFFFC0];
	v2 =	vand.u32 $0x33333333, v2;
	v17 =	vshrl.u32 v1, $0x4;
	v4 =	vand.u32 $0x33333333, v4  }
0x69: {  	v3 =	vand.u32 $0x55555555, v3;
	v1 =	vadd.s32 v1, v17;
	v2 =	vadd.s32 v2, v4  }
0x6a: {  	v18 =	vld [tilespmem:s22+$0xFFFFFFD0];
	v3 =	vsub.s32 v5, v3;
	v1 =	vand.u32 $0xF0F0F0F, v1;
	v5 =	vshrl.u32 v2, $0x4  }
0x6b: {  	v4 =	vld [tilespmem:s5+$0xFFFFFFD0];
	v7 =	vand.u32 v12, v41;
	v0 =	vadd.s32 v1, v0;
	v1 =	vshrl.u32 v3, $0x2  }
0x6c: {  	v2 =	vadd.s32 v2, v5;
	v3 =	vand.u32 $0x33333333, v3;
	v1 =	vand.u32 $0x33333333, v1  }
0x6d: {  	v19 =	vld [tilespmem:s22+$0xFFFFFFE0];
	v5 =	vand.u32 v15, v16;
	v2 =	vand.u32 $0xF0F0F0F, v2;
	v1 =	vadd.s32 v3, v1  }
0x6e: {  	v20 =	vld [tilespmem:s5+$0xFFFFFFE0];
	v3 =	vshrl.u32 v5, $0x1;
	v0 =	vadd.s32 v2, v0;
	v2 =	vshrl.u32 v1, $0x4  }
0x6f: {  	v47 =	vshrl.u32 v7, $0x1;
	v3 =	vand.u32 $0x55555555, v3;
	v1 =	vadd.s32 v1, v2  }
0x70: {  	v2 =	vand.u32 v18, v4;
	v3 =	vsub.s32 v5, v3;
	v1 =	vand.u32 $0xF0F0F0F, v1  }
0x71: {  	v4 =	vshrl.u32 v2, $0x1;
	v5 =	vshrl.u32 v3, $0x2;
	v3 =	vand.u32 $0x33333333, v3  }
0x72: {  	v21 =	vld [tilespmem:s22+$0xFFFFFFF0];
	v4 =	vand.u32 $0x55555555, v4;
	v5 =	vand.u32 $0x33333333, v5;
	v0 =	vadd.s32 v1, v0  }
0x73: {  	v23 =	vld [tilespmem:s5+$0x0];
	v1 =	vsub.s32 v2, v4;
	v2 =	vadd.s32 v3, v5;
	v4 =	vand.u32 v19, v20  }
0x74: {  	v5 =	vld [tilespmem:s5+$0xFFFFFFF0];
	v3 =	vshrl.u32 v1, $0x2;
	v22 =	vshrl.u32 v2, $0x4;
	v1 =	vand.u32 $0x33333333, v1  }
0x75: {  	v34 =	vld [tilespmem:s5+$0x30];
	v24 =	vshrl.u32 v4, $0x1;
	v3 =	vand.u32 $0x33333333, v3;
	v2 =	vadd.s32 v2, v22  }
0x76: {  	v25 =	vand.u32 $0x55555555, v24;
	v1 =	vadd.s32 v1, v3;
	v3 =	vld [tilespmem:s22+$0x0];
	v2 =	vand.u32 $0xF0F0F0F, v2  }
0x77: {  	v35 =	vld [tilespmem:s22+$0x30];
	v4 =	vsub.s32 v4, v25;
	v26 =	vshrl.u32 v1, $0x4;
	v0 =	vadd.s32 v2, v0  }
0x78: {  	v27 =	vld [tilespmem:s5+$0x10];
	v6 =	vshrl.u32 v4, $0x2;
	v4 =	vand.u32 $0x33333333, v4;
	v1 =	vadd.s32 v1, v26  }
0x79: {  	v2 =	vld [tilespmem:s22+$0x10];
	v6 =	vand.u32 $0x33333333, v6;
	v5 =	vand.u32 v21, v5;
	v1 =	vand.u32 $0xF0F0F0F, v1  }
0x7a: {  	v4 =	vadd.s32 v4, v6;
	v28 =	vshrl.u32 v5, $0x1;
	v0 =	vadd.s32 v1, v0  }
0x7b: {  	v29 =	vld [tilespmem:s22+$0x20];
	v30 =	vshrl.u32 v4, $0x4;
	v6 =	vand.u32 $0x55555555, v28;
	v3 =	vand.u32 v3, v23  }
0x7c: {  	v1 =	vld [tilespmem:s5+$0x20];
	v4 =	vadd.s32 v4, v30;
	v5 =	vsub.s32 v5, v6;
	v6 =	vand.u32 v35, v34  }
0x7d: {  	v10 =	vshrl.u32 v3, $0x1;
	v4 =	vand.u32 $0xF0F0F0F, v4;
	v32 =	vshrl.u32 v5, $0x2  }
0x7e: {  	v2 =	vand.u32 v2, v27;
	v5 =	vand.u32 $0x33333333, v5;
	v46 =	vshrl.u32 v6, $0x1  }
0x7f: {  	v31 =	vand.u32 $0x55555555, v10;
	v0 =	vadd.s32 v4, v0;
	v4 =	vand.u32 $0x33333333, v32  }
0x80: {  	v33 =	vshrl.u32 v2, $0x1;
	v9 =	vand.u32 $0x55555555, v46;
	v3 =	vsub.s32 v3, v31  }
0x81: {  	v36 =	vand.u32 $0x55555555, v33;
	v4 =	vadd.s32 v5, v4;
	v1 =	vand.u32 v29, v1  }
0x82: {  	v37 =	vand.u32 $0x33333333, v3;
	v2 =	vsub.s32 v2, v36;
	v38 =	vshrl.u32 v1, $0x1  }
0x83: {  	v3 =	vshrl.u32 v3, $0x2;
	v43 =	vshrl.u32 v4, $0x4;
	v39 =	vand.u32 $0x55555555, v38  }
0x84: {  	v40 =	vshrl.u32 v2, $0x2;
	v2 =	vand.u32 $0x33333333, v2;
	v1 =	vsub.s32 v1, v39  }
0x85: {  	v3 =	vand.u32 $0x33333333, v3;
	v11 =	vand.u32 $0x33333333, v1;
	v1 =	vshrl.u32 v1, $0x2  }
0x86: {  	v4 =	vadd.s32 v4, v43;
	v10 =	vand.u32 $0x33333333, v40;
	v1 =	vand.u32 $0x33333333, v1  }
0x87: {  	v3 =	vadd.s32 v37, v3;
	v4 =	vand.u32 $0xF0F0F0F, v4;
	v1 =	vadd.s32 v11, v1  }
0x88: {  	v44 =	vld [tilespmem:s5+$0x50];
	v2 =	vadd.s32 v2, v10;
	v45 =	vshrl.u32 v3, $0x4;
	v5 =	vshrl.u32 v1, $0x4  }
0x89: {  	v10 =	vand.u32 $0x55555555, v47;
	v0 =	vadd.s32 v4, v0;
	v1 =	vadd.s32 v1, v5;
	v5 =	vld [tilespmem:s22+$0x50]  }
0x8a: {  	v4 =	vsub.s32 v6, v9;
	v42 =	vshrl.u32 v2, $0x4;
	v3 =	vadd.s32 v3, v45  }
0x8b: {  	v48 =	vld [tilespmem:s5+$0x60];
	v49 =	vsub.s32 v7, v10;
	v2 =	vadd.s32 v2, v42;
	v3 =	vand.u32 $0xF0F0F0F, v3  }
0x8c: {  	v50 =	vld [tilespmem:s22+$0x60];
	v2 =	vand.u32 $0xF0F0F0F, v2;
	v0 =	vadd.s32 v3, v0;
	v3 =	vshrl.u32 v4, $0x2  }
0x8d: {  	v0 =	vadd.s32 v2, v0;
	v2 =	vand.u32 $0x33333333, v3;
	v1 =	vand.u32 $0xF0F0F0F, v1  }
0x8e: {  	v0 =	vadd.s32 v1, v0;
	v1 =	vand.u32 $0x33333333, v4;
	v5 =	vand.u32 v5, v44  }
0x8f: {  	v4 =	vshrl.u32 v49, $0x2;
	v1 =	vadd.s32 v1, v2;
	v3 =	vshrl.u32 v5, $0x1  }
0x90: {  	v2 =	vand.u32 $0x33333333, v49;
	v4 =	vand.u32 $0x33333333, v4;
	v3 =	vand.u32 $0x55555555, v3  }
0x91: {  	v2 =	vadd.s32 v2, v4;
	v3 =	vsub.s32 v5, v3;
	v5 =	vand.u32 v50, v48  }
0x92: {  	v52 =	vshrl.u32 v1, $0x4;
	v54 =	vshrl.u32 v2, $0x4;
	v51 =	vshrl.u32 v5, $0x1  }
0x93: {  	v53 =	vld [tilespmem:s22+$0x70];
	v1 =	vadd.s32 v1, v52;
	v2 =	vadd.s32 v2, v54;
	v6 =	vand.u32 $0x55555555, v51  }
0x94: {  	v55 =	vld [tilespmem:s5+$0x70];
	v4 =	vand.u32 $0x33333333, v3;
	v3 =	vshrl.u32 v3, $0x2;
	v5 =	vsub.s32 v5, v6  }
0x95: {  	v56 =	vld [tilespmem:s5+$0x80];
	v3 =	vand.u32 $0x33333333, v3;
	v57 =	vand.u32 $0x33333333, v5;
	v5 =	vshrl.u32 v5, $0x2  }
0x96: {  	v1 =	vand.u32 $0xF0F0F0F, v1;
	v3 =	vadd.s32 v4, v3;
	v4 =	vand.u32 $0x33333333, v5;
	v5 =	vld [tilespmem:s22+$0x80]  }
0x97: {  	v58 =	vld [tilespmem:s5+$0x90];
	v2 =	vand.u32 $0xF0F0F0F, v2;
	v59 =	vshrl.u32 v3, $0x4;
	v4 =	vadd.s32 v57, v4  }
0x98: {  	v60 =	vld [tilespmem:s22+$0x90];
	v0 =	vadd.s32 v1, v0;
	v3 =	vadd.s32 v3, v59;
	v61 =	vshrl.u32 v4, $0x4  }
0x99: {  	v1 =	vand.u32 $0xF0F0F0F, v3;
	v3 =	vadd.s32 v4, v61;
	v4 =	vand.u32 v53, v55  }
0x9a: {  	v0 =	vadd.s32 v2, v0;
	v2 =	vand.u32 $0xF0F0F0F, v3;
	v3 =	vshrl.u32 v4, $0x1  }
0x9b: {  	v0 =	vadd.s32 v1, v0;
	v1 =	vand.u32 v5, v56;
	v3 =	vand.u32 $0x55555555, v3  }
0x9c: {  	v0 =	vadd.s32 v2, v0;
	v2 =	vshrl.u32 v1, $0x1;
	v3 =	vsub.s32 v4, v3  }
0x9d: {  	v4 =	vand.u32 v60, v58;
	v2 =	vand.u32 $0x55555555, v2;
	v5 =	vshrl.u32 v3, $0x2  }
0x9e: {  	v3 =	vand.u32 $0x33333333, v3;
	v1 =	vsub.s32 v1, v2;
	v2 =	vshrl.u32 v4, $0x1  }
0x9f: {  	v5 =	vand.u32 $0x33333333, v5;
	v62 =	vshrl.u32 v1, $0x2;
	v2 =	vand.u32 $0x55555555, v2  }
0xa0: {  	v3 =	vadd.s32 v3, v5;
	v1 =	vand.u32 $0x33333333, v1;
	v2 =	vsub.s32 v4, v2  }
0xa1: {  	v4 =	vand.u32 $0x33333333, v62;
	v5 =	vshrl.u32 v3, $0x4;
	v63 =	vshrl.u32 v2, $0x2  }
0xa2: {  	v1 =	vadd.s32 v1, v4;
	v2 =	vand.u32 $0x33333333, v2;
	v4 =	vand.u32 $0x33333333, v63  }
0xa3: {  	v3 =	vadd.s32 v3, v5;
	v5 =	vshrl.u32 v1, $0x4;
	v2 =	vadd.s32 v2, v4  }
0xa4: {  	v3 =	vand.u32 $0xF0F0F0F, v3;
	v1 =	vadd.s32 v1, v5;
	v4 =	vshrl.u32 v2, $0x4  }
0xa5: {  	s24 =	sshll.u32 s23, $0xC;
	v0 =	vadd.s32 v3, v0;
	v1 =	vand.u32 $0xF0F0F0F, v1;
	v2 =	vadd.s32 v2, v4  }
0xa6: {  	s25 =	sor.u32 $0xA140, s24;
	v1 =	vadd.s32 v1, v0;
	v2 =	vand.u32 $0xF0F0F0F, v2  }
0xa7: {  	s17 =	sor.u32 $0xC140, s24;
	v0 =	vmov s25;
	v2 =	vadd.s32 v2, v1  }
0xa8: {  	v1 =	vmov s17;
	v2 =	vmul.u32 $0x1010101, v2;
	_ =	sdelay $0x1  }
0xa9: {  	s23 =	simm.s32 $0xF100;
	v2 =	vshrl.u32 v2, $0x18  }
0xaa: {  	s17 =	simm.s32 $0x0;
	[tilespmem:s23+$0x0] =	vst v2  }
0xab: {  	v2 =	vld.idx.msk [tilespmem:v0+s17+$0xFFFFFFC0 ss:$0x1], $0xffff  }
0xac: {  	v3 =	vld.idx.msk [tilespmem:v1+s17+$0xFFFFFFC0 ss:$0x1], $0xffff;
	_ =	sdelay $0x4  }
0xad: {  	v2 =	vmul.f32 v3, v2;
	_ =	sdelay $0x1  }
0xae: {  	[tilespmem:s17+$0xE100] =	vst v2  }
0xaf: {  	v2 =	vld.idx.msk [tilespmem:v0+s17+$0xFFFFFFD0 ss:$0x1], $0xffff  }
0xb0: {  	s24 =	simm.s32 $0x200;
	v3 =	vld.idx.msk [tilespmem:v1+s17+$0xFFFFFFD0 ss:$0x1], $0xffff  }
.LBB2_3:
0xb1: {  	_ =	sdelay $0x1  }
0xb2: {  	s22 =	sadd.s32 $0x140, s22;
	s5 =	sadd.s32 $0x140, s5;
	s23 =	sadd.s32 $0x10, s23  }
0xb3: {  	p1 =	sne.s32 s24, $0x3E00;
	s25 =	smov.u32 s24;
	s24 =	sadd.s32 $0x200, s24  }
0xb4: {  	v2 =	vmul.f32 v3, v2;
	_ =	sdelay $0x1  }
0xb5: {  	[tilespmem:s17+$0xE110] =	vst v2  }
0xb6: {  	v2 =	vld.idx.msk [tilespmem:v0+s17+$0xFFFFFFE0 ss:$0x1], $0xffff  }
0xb7: {  	v3 =	vld.idx.msk [tilespmem:v1+s17+$0xFFFFFFE0 ss:$0x1], $0xffff;
	_ =	sdelay $0x5  }
0xb8: {  	v2 =	vmul.f32 v3, v2;
	_ =	sdelay $0x1  }
0xb9: {  	[tilespmem:s17+$0xE120] =	vst v2  }
0xba: {  	v2 =	vld.idx.msk [tilespmem:v0+s17+$0xFFFFFFF0 ss:$0x1], $0xffff  }
0xbb: {  	v3 =	vld.idx.msk [tilespmem:v1+s17+$0xFFFFFFF0 ss:$0x1], $0xffff;
	_ =	sdelay $0x5  }
0xbc: {  	v2 =	vmul.f32 v3, v2;
	_ =	sdelay $0x1  }
0xbd: {  	[tilespmem:s17+$0xE130] =	vst v2  }
0xbe: {  	v2 =	vld.idx.msk [tilespmem:v0+s17+$0x0 ss:$0x1], $0xffff  }
0xbf: {  	v3 =	vld.idx.msk [tilespmem:v1+s17+$0x0 ss:$0x1], $0xffff;
	_ =	sdelay $0x5  }
0xc0: {  	v2 =	vmul.f32 v3, v2;
	_ =	sdelay $0x1  }
0xc1: {  	[tilespmem:s17+$0xE140] =	vst v2  }
0xc2: {  	v2 =	vld.idx.msk [tilespmem:v0+s17+$0x10 ss:$0x1], $0xffff  }
0xc3: {  	v3 =	vld.idx.msk [tilespmem:v1+s17+$0x10 ss:$0x1], $0xffff;
	_ =	sdelay $0x5  }
0xc4: {  	v2 =	vmul.f32 v3, v2;
	_ =	sdelay $0x1  }
0xc5: {  	[tilespmem:s17+$0xE150] =	vst v2  }
0xc6: {  	v2 =	vld.idx.msk [tilespmem:v0+s17+$0x20 ss:$0x1], $0xffff  }
0xc7: {  	v3 =	vld.idx.msk [tilespmem:v1+s17+$0x20 ss:$0x1], $0xffff;
	_ =	sdelay $0x5  }
0xc8: {  	v2 =	vmul.f32 v3, v2;
	_ =	sdelay $0x1  }
0xc9: {  	[tilespmem:s17+$0xE160] =	vst v2  }
0xca: {  	v2 =	vld.idx.msk [tilespmem:v0+s17+$0x30 ss:$0x1], $0xffff  }
0xcb: {  	v3 =	vld.idx.msk [tilespmem:v1+s17+$0x30 ss:$0x1], $0xffff;
	_ =	sdelay $0x5  }
0xcc: {  	v2 =	vmul.f32 v3, v2;
	_ =	sdelay $0x1  }
0xcd: {  	[tilespmem:s17+$0xE170] =	vst v2  }
0xce: {  	v2 =	vld [tilespmem:s5+$0xFFFFFF80]  }
0xcf: {  	v3 =	vld [tilespmem:s5+$0xFFFFFF70]  }
0xd0: {  	v4 =	vld [tilespmem:s22+$0xFFFFFF70]  }
0xd1: {  	v5 =	vld [tilespmem:s22+$0xFFFFFF60]  }
0xd2: {  	v6 =	vld [tilespmem:s5+$0xFFFFFF60]  }
0xd3: {  	v7 =	vld [tilespmem:s22+$0xFFFFFF80]  }
0xd4: {  	v8 =	vld [tilespmem:s5+$0xFFFFFF90]  }
0xd5: {  	v3 =	vand.u32 v4, v3;
	v4 =	vld [tilespmem:s22+$0xFFFFFF90]  }
0xd6: {  	v9 =	vshrl.u32 v3, $0x1  }
0xd7: {  	v5 =	vand.u32 v5, v6;
	v6 =	vand.u32 $0x55555555, v9  }
0xd8: {  	v9 =	vshrl.u32 v5, $0x1;
	v3 =	vsub.s32 v3, v6;
	v2 =	vand.u32 v7, v2  }
0xd9: {  	v6 =	vand.u32 $0x55555555, v9;
	v7 =	vshrl.u32 v3, $0x2;
	v9 =	vshrl.u32 v2, $0x1  }
0xda: {  	v5 =	vsub.s32 v5, v6;
	v6 =	vand.u32 $0x33333333, v7;
	v4 =	vand.u32 v4, v8  }
0xdb: {  	v8 =	vand.u32 $0x55555555, v9;
	v7 =	vand.u32 $0x33333333, v5;
	v5 =	vshrl.u32 v5, $0x2  }
0xdc: {  	v3 =	vand.u32 $0x33333333, v3;
	v2 =	vsub.s32 v2, v8;
	v5 =	vand.u32 $0x33333333, v5;
	v8 =	vld [tilespmem:s22+$0xFFFFFFA0]  }
0xdd: {  	v5 =	vadd.s32 v7, v5;
	v7 =	vand.u32 $0x33333333, v2;
	v2 =	vshrl.u32 v2, $0x2;
	v9 =	vld [tilespmem:s5+$0xFFFFFFB0]  }
0xde: {  	v3 =	vadd.s32 v3, v6;
	v10 =	vshrl.u32 v5, $0x4;
	v2 =	vand.u32 $0x33333333, v2;
	v6 =	vld [tilespmem:s5+$0xFFFFFFA0]  }
0xdf: {  	v5 =	vadd.s32 v5, v10;
	v10 =	vshrl.u32 v3, $0x4;
	v2 =	vadd.s32 v7, v2;
	v7 =	vld [tilespmem:s22+$0xFFFFFFB0]  }
0xe0: {  	v5 =	vand.u32 $0xF0F0F0F, v5;
	v3 =	vadd.s32 v3, v10;
	v10 =	vshrl.u32 v2, $0x4  }
0xe1: {  	v3 =	vand.u32 $0xF0F0F0F, v3;
	v2 =	vadd.s32 v2, v10;
	v10 =	vshrl.u32 v4, $0x1  }
0xe2: {  	v3 =	vadd.s32 v5, v3;
	v2 =	vand.u32 $0xF0F0F0F, v2;
	v5 =	vand.u32 $0x55555555, v10;
	v10 =	vld [tilespmem:s22+$0xFFFFFFC0]  }
0xe3: {  	v2 =	vadd.s32 v2, v3;
	v3 =	vsub.s32 v4, v5;
	v4 =	vand.u32 v8, v6  }
0xe4: {  	v5 =	vshrl.u32 v3, $0x2;
	v6 =	vshrl.u32 v4, $0x1;
	v7 =	vand.u32 v7, v9  }
0xe5: {  	v3 =	vand.u32 $0x33333333, v3;
	v5 =	vand.u32 $0x33333333, v5;
	v6 =	vand.u32 $0x55555555, v6  }
0xe6: {  	v3 =	vadd.s32 v3, v5;
	v4 =	vsub.s32 v4, v6;
	v5 =	vshrl.u32 v7, $0x1  }
0xe7: {  	v6 =	vshrl.u32 v3, $0x4;
	v8 =	vshrl.u32 v4, $0x2;
	v5 =	vand.u32 $0x55555555, v5;
	v9 =	vld [tilespmem:s5+$0xFFFFFFC0]  }
0xe8: {  	v4 =	vand.u32 $0x33333333, v4;
	v3 =	vadd.s32 v3, v6;
	v6 =	vand.u32 $0x33333333, v8;
	v8 =	vld [tilespmem:s22+$0xFFFFFFD0]  }
0xe9: {  	v5 =	vsub.s32 v7, v5;
	v3 =	vand.u32 $0xF0F0F0F, v3;
	v4 =	vadd.s32 v4, v6;
	v6 =	vld [tilespmem:s5+$0xFFFFFFD0]  }
0xea: {  	v7 =	vshrl.u32 v5, $0x2;
	v2 =	vadd.s32 v3, v2;
	v3 =	vshrl.u32 v4, $0x4;
	v11 =	vld [tilespmem:s22+$0xFFFFFFE0]  }
0xeb: {  	v3 =	vadd.s32 v4, v3;
	v4 =	vand.u32 $0x33333333, v5;
	v5 =	vand.u32 $0x33333333, v7  }
0xec: {  	v3 =	vand.u32 $0xF0F0F0F, v3;
	v4 =	vadd.s32 v4, v5;
	v5 =	vand.u32 v10, v9  }
0xed: {  	v2 =	vadd.s32 v3, v2;
	v3 =	vshrl.u32 v4, $0x4;
	v7 =	vshrl.u32 v5, $0x1;
	v9 =	vld [tilespmem:s5+$0xFFFFFFE0]  }
0xee: {  	v3 =	vadd.s32 v4, v3;
	v4 =	vand.u32 $0x55555555, v7;
	v6 =	vand.u32 v8, v6  }
0xef: {  	v3 =	vand.u32 $0xF0F0F0F, v3;
	v4 =	vsub.s32 v5, v4;
	v5 =	vshrl.u32 v6, $0x1;
	v7 =	vld [tilespmem:s22+$0xFFFFFFF0]  }
0xf0: {  	v2 =	vadd.s32 v3, v2;
	v3 =	vshrl.u32 v4, $0x2;
	v5 =	vand.u32 $0x55555555, v5  }
0xf1: {  	v4 =	vand.u32 $0x33333333, v4;
	v3 =	vand.u32 $0x33333333, v3;
	v5 =	vsub.s32 v6, v5  }
0xf2: {  	v3 =	vadd.s32 v4, v3;
	v4 =	vshrl.u32 v5, $0x2;
	v6 =	vand.u32 v11, v9;
	v8 =	vld [tilespmem:s5+$0xFFFFFFF0]  }
0xf3: {  	v5 =	vand.u32 $0x33333333, v5;
	v9 =	vshrl.u32 v3, $0x4;
	v4 =	vand.u32 $0x33333333, v4;
	v10 =	vld [tilespmem:s5+$0x0]  }
0xf4: {  	v3 =	vadd.s32 v3, v9;
	v4 =	vadd.s32 v5, v4;
	v5 =	vshrl.u32 v6, $0x1;
	v9 =	vld [tilespmem:s22+$0x0]  }
0xf5: {  	v3 =	vand.u32 $0xF0F0F0F, v3;
	v11 =	vshrl.u32 v4, $0x4;
	v5 =	vand.u32 $0x55555555, v5  }
0xf6: {  	v2 =	vadd.s32 v3, v2;
	v3 =	vadd.s32 v4, v11;
	v4 =	vsub.s32 v6, v5;
	v5 =	vld [tilespmem:s22+$0x10]  }
0xf7: {  	v3 =	vand.u32 $0xF0F0F0F, v3;
	v6 =	vshrl.u32 v4, $0x2;
	v7 =	vand.u32 v7, v8;
	v8 =	vld [tilespmem:s5+$0x10]  }
0xf8: {  	v2 =	vadd.s32 v3, v2;
	v3 =	vand.u32 $0x33333333, v4;
	v4 =	vand.u32 $0x33333333, v6;
	v6 =	vld [tilespmem:s5+$0x20]  }
0xf9: {  	v3 =	vadd.s32 v3, v4;
	v4 =	vshrl.u32 v7, $0x1;
	v9 =	vand.u32 v9, v10;
	v10 =	vld [tilespmem:s22+$0x20]  }
0xfa: {  	v11 =	vshrl.u32 v3, $0x4;
	v4 =	vand.u32 $0x55555555, v4;
	v12 =	vshrl.u32 v9, $0x1  }
0xfb: {  	v3 =	vadd.s32 v3, v11;
	v4 =	vsub.s32 v7, v4;
	v7 =	vand.u32 $0x55555555, v12  }
0xfc: {  	v3 =	vand.u32 $0xF0F0F0F, v3;
	v11 =	vshrl.u32 v4, $0x2;
	v5 =	vand.u32 v5, v8  }
0xfd: {  	v2 =	vadd.s32 v3, v2;
	v3 =	vand.u32 $0x33333333, v11;
	v8 =	vshrl.u32 v5, $0x1;
	v11 =	vld [tilespmem:s5+$0x30]  }
0xfe: {  	v4 =	vand.u32 $0x33333333, v4;
	v7 =	vsub.s32 v9, v7;
	v6 =	vand.u32 v10, v6;
	v9 =	vld [tilespmem:s22+$0x30]  }
0xff: {  	v10 =	vand.u32 $0x33333333, v7;
	v8 =	vand.u32 $0x55555555, v8;
	v12 =	vshrl.u32 v6, $0x1  }
0x100: {  	v7 =	vshrl.u32 v7, $0x2;
	v5 =	vsub.s32 v5, v8;
	v8 =	vand.u32 $0x55555555, v12  }
0x101: {  	v12 =	vand.u32 $0x33333333, v5;
	v5 =	vshrl.u32 v5, $0x2;
	v6 =	vsub.s32 v6, v8;
	v8 =	vld [tilespmem:s5+$0x40]  }
0x102: {  	v5 =	vand.u32 $0x33333333, v5;
	v13 =	vand.u32 $0x33333333, v6;
	v6 =	vshrl.u32 v6, $0x2;
	v14 =	vld [tilespmem:s22+$0x40]  }
0x103: {  	v5 =	vadd.s32 v12, v5;
	v6 =	vand.u32 $0x33333333, v6;
	v9 =	vand.u32 v9, v11  }
0x104: {  	v7 =	vand.u32 $0x33333333, v7;
	v11 =	vshrl.u32 v5, $0x4;
	v6 =	vadd.s32 v13, v6  }
0x105: {  	v3 =	vadd.s32 v4, v3;
	v4 =	vadd.s32 v5, v11;
	v5 =	vshrl.u32 v6, $0x4  }
0x106: {  	v11 =	vshrl.u32 v3, $0x4;
	v4 =	vand.u32 $0xF0F0F0F, v4;
	v5 =	vadd.s32 v6, v5;
	v6 =	vld [tilespmem:s22+$0x50]  }
0x107: {  	v7 =	vadd.s32 v10, v7;
	v5 =	vand.u32 $0xF0F0F0F, v5;
	v8 =	vand.u32 v14, v8;
	v10 =	vld [tilespmem:s5+$0x50]  }
0x108: {  	v12 =	vshrl.u32 v9, $0x1;
	v3 =	vadd.s32 v3, v11;
	v11 =	vshrl.u32 v7, $0x4  }
0x109: {  	v3 =	vand.u32 $0xF0F0F0F, v3;
	v7 =	vadd.s32 v7, v11;
	v11 =	vshrl.u32 v8, $0x1  }
0x10a: {  	v12 =	vand.u32 $0x55555555, v12;
	v7 =	vand.u32 $0xF0F0F0F, v7;
	v11 =	vand.u32 $0x55555555, v11;
	v13 =	vld [tilespmem:s5+$0x60]  }
0x10b: {  	v2 =	vadd.s32 v3, v2;
	v3 =	vsub.s32 v9, v12;
	v8 =	vsub.s32 v8, v11;
	v9 =	vld [tilespmem:s22+$0x60]  }
0x10c: {  	v2 =	vadd.s32 v7, v2;
	v7 =	vshrl.u32 v3, $0x2;
	v6 =	vand.u32 v6, v10  }
0x10d: {  	v2 =	vadd.s32 v4, v2;
	v4 =	vand.u32 $0x33333333, v7;
	v7 =	vshrl.u32 v6, $0x1;
	v10 =	vld [tilespmem:s22+$0x70]  }
0x10e: {  	v3 =	vand.u32 $0x33333333, v3;
	v2 =	vadd.s32 v5, v2;
	v5 =	vand.u32 $0x55555555, v7  }
0x10f: {  	v3 =	vadd.s32 v3, v4;
	v4 =	vand.u32 $0x33333333, v8;
	v7 =	vshrl.u32 v8, $0x2  }
0x110: {  	v7 =	vand.u32 $0x33333333, v7;
	v5 =	vsub.s32 v6, v5;
	v6 =	vand.u32 v9, v13  }
0x111: {  	v4 =	vadd.s32 v4, v7;
	v7 =	vand.u32 $0x33333333, v5;
	v8 =	vshrl.u32 v6, $0x1  }
0x112: {  	v9 =	vshrl.u32 v3, $0x4;
	v11 =	vshrl.u32 v4, $0x4;
	v8 =	vand.u32 $0x55555555, v8;
	v12 =	vld [tilespmem:s5+$0x90]  }
0x113: {  	v5 =	vshrl.u32 v5, $0x2;
	v4 =	vadd.s32 v4, v11;
	v6 =	vsub.s32 v6, v8;
	v8 =	vld [tilespmem:s5+$0x80]  }
0x114: {  	v5 =	vand.u32 $0x33333333, v5;
	v11 =	vand.u32 $0x33333333, v6;
	v6 =	vshrl.u32 v6, $0x2;
	v13 =	vld [tilespmem:s5+$0x70]  }
0x115: {  	v5 =	vadd.s32 v7, v5;
	v4 =	vand.u32 $0xF0F0F0F, v4;
	v6 =	vand.u32 $0x33333333, v6;
	v7 =	vld [tilespmem:s22+$0x80]  }
0x116: {  	v3 =	vadd.s32 v3, v9;
	v9 =	vshrl.u32 v5, $0x4;
	v6 =	vadd.s32 v11, v6;
	v11 =	vld [tilespmem:s22+$0x90]  }
0x117: {  	v3 =	vand.u32 $0xF0F0F0F, v3;
	v5 =	vadd.s32 v5, v9;
	v9 =	vshrl.u32 v6, $0x4  }
0x118: {  	v2 =	vadd.s32 v3, v2;
	v3 =	vand.u32 $0xF0F0F0F, v5;
	v5 =	vadd.s32 v6, v9  }
0x119: {  	v2 =	vadd.s32 v4, v2;
	v4 =	vand.u32 $0xF0F0F0F, v5;
	v5 =	vand.u32 v10, v13  }
0x11a: {  	v2 =	vadd.s32 v3, v2;
	v3 =	vshrl.u32 v5, $0x1;
	v6 =	vand.u32 v7, v8  }
0x11b: {  	v2 =	vadd.s32 v4, v2;
	v3 =	vand.u32 $0x55555555, v3;
	v4 =	vshrl.u32 v6, $0x1  }
0x11c: {  	v3 =	vsub.s32 v5, v3;
	v4 =	vand.u32 $0x55555555, v4;
	v5 =	vand.u32 v11, v12  }
0x11d: {  	v7 =	vshrl.u32 v3, $0x2;
	v4 =	vsub.s32 v6, v4;
	v6 =	vshrl.u32 v5, $0x1  }
0x11e: {  	v3 =	vand.u32 $0x33333333, v3;
	v7 =	vand.u32 $0x33333333, v7;
	v8 =	vshrl.u32 v4, $0x2  }
0x11f: {  	v4 =	vand.u32 $0x33333333, v4;
	v3 =	vadd.s32 v3, v7;
	v7 =	vand.u32 $0x33333333, v8  }
0x120: {  	v6 =	vand.u32 $0x55555555, v6;
	v8 =	vshrl.u32 v3, $0x4;
	v4 =	vadd.s32 v4, v7  }
0x121: {  	v5 =	vsub.s32 v5, v6;
	v3 =	vadd.s32 v3, v8;
	v7 =	vshrl.u32 v4, $0x4  }
0x122: {  	v6 =	vshrl.u32 v5, $0x2;
	v3 =	vand.u32 $0xF0F0F0F, v3;
	v4 =	vadd.s32 v4, v7  }
0x123: {  	v2 =	vadd.s32 v3, v2;
	v3 =	vand.u32 $0xF0F0F0F, v4;
	v4 =	vand.u32 $0x33333333, v6  }
0x124: {  	v2 =	vadd.s32 v3, v2;
	v3 =	vand.u32 $0x33333333, v5  }
0x125: {  	v3 =	vadd.s32 v3, v4  }
0x126: {  	v4 =	vshrl.u32 v3, $0x4  }
0x127: {  	v3 =	vadd.s32 v3, v4  }
0x128: {  	v3 =	vand.u32 $0xF0F0F0F, v3  }
0x129: {  	v2 =	vadd.s32 v3, v2  }
0x12a: {  	v2 =	vmul.u32 $0x1010101, v2;
	_ =	sdelay $0x1  }
0x12b: {  	v2 =	vshrl.u32 v2, $0x18  }
0x12c: {  	s17 =	sshra.s32 s25, $0x2;
	[tilespmem:s23+$0x0] =	vst v2  }
0x12d: {  	v2 =	vld.idx.msk [tilespmem:v0+s17+$0xFFFFFFC0 ss:$0x1], $0xffff  }
0x12e: {  	v3 =	vld.idx.msk [tilespmem:v1+s17+$0xFFFFFFC0 ss:$0x1], $0xffff;
	_ =	sdelay $0x5  }
.Ltmp0:
0x12f: {  	v2 =	vmul.f32 v3, v2;
	(pc) =	sbr.rel @p1 .LBB2_3-.Ltmp0, $4  }
0x130: {  	_ = 	snop  }
0x131: {  	[tilespmem:s17+$0xE100] =	vst v2  }
0x132: {  	v2 =	vld.idx.msk [tilespmem:v0+s17+$0xFFFFFFD0 ss:$0x1], $0xffff  }
0x133: {  	v3 =	vld.idx.msk [tilespmem:v1+s17+$0xFFFFFFD0 ss:$0x1], $0xffff  }
0x134: {  	_ =	sdelay $0x3  }
0x135: {  	v2 =	vmul.f32 v3, v2;
	_ =	sdelay $0x1  }
0x136: {  	[tilespmem:s17+$0xE110] =	vst v2  }
0x137: {  	v2 =	vld.idx.msk [tilespmem:v0+s17+$0xFFFFFFE0 ss:$0x1], $0xffff  }
0x138: {  	v57 =	vld.idx.msk [tilespmem:v1+s17+$0xFFFFFFE0 ss:$0x1], $0xffff;
	_ =	sdelay $0x4  }
0x139: {  	v2 =	vmul.f32 v57, v2;
	_ =	sdelay $0x1  }
0x13a: {  	[tilespmem:s17+$0xE120] =	vst v2  }
0x13b: {  	v2 =	vld.idx.msk [tilespmem:v0+s17+$0xFFFFFFF0 ss:$0x1], $0xffff  }
0x13c: {  	v58 =	vld.idx.msk [tilespmem:v1+s17+$0xFFFFFFF0 ss:$0x1], $0xffff;
	_ =	sdelay $0x4  }
0x13d: {  	v2 =	vmul.f32 v58, v2;
	_ =	sdelay $0x1  }
0x13e: {  	[tilespmem:s17+$0xE130] =	vst v2  }
0x13f: {  	v2 =	vld.idx.msk [tilespmem:v0+s17+$0x0 ss:$0x1], $0xffff  }
0x140: {  	v59 =	vld.idx.msk [tilespmem:v1+s17+$0x0 ss:$0x1], $0xffff;
	_ =	sdelay $0x4  }
0x141: {  	v2 =	vmul.f32 v59, v2;
	_ =	sdelay $0x1  }
0x142: {  	[tilespmem:s17+$0xE140] =	vst v2  }
0x143: {  	v2 =	vld.idx.msk [tilespmem:v0+s17+$0x10 ss:$0x1], $0xffff  }
0x144: {  	v60 =	vld.idx.msk [tilespmem:v1+s17+$0x10 ss:$0x1], $0xffff;
	_ =	sdelay $0x4  }
0x145: {  	v2 =	vmul.f32 v60, v2;
	_ =	sdelay $0x1  }
0x146: {  	[tilespmem:s17+$0xE150] =	vst v2  }
0x147: {  	v2 =	vld.idx.msk [tilespmem:v0+s17+$0x20 ss:$0x1], $0xffff  }
0x148: {  	v61 =	vld.idx.msk [tilespmem:v1+s17+$0x20 ss:$0x1], $0xffff;
	_ =	sdelay $0x4  }
0x149: {  	v2 =	vmul.f32 v61, v2;
	_ =	sdelay $0x1  }
0x14a: {  	[tilespmem:s17+$0xE160] =	vst v2  }
0x14b: {  	v62 =	vld.idx.msk [tilespmem:v0+s17+$0x30 ss:$0x1], $0xffff  }
0x14c: {  	v63 =	vld.idx.msk [tilespmem:v1+s17+$0x30 ss:$0x1], $0xffff;
	_ =	sdelay $0x3  }
0x14d: {  	s5 =	sshll.u32 s31, $0x5  }
0x14e: {  	s5 =	sadd.s32 s10, s5;
	v0 =	vmul.f32 v63, v62  }
0x14f: {  	s19 =	sshll.u32 s5, $0x4  }
0x150: {  	s25 =	sadd.s32 s11, s19;
	[tilespmem:s17+$0xE170] =	vst v0  }
0x151: {  	[hbm4b:s25+s3] =	stream.linear.scatter [tilespmem:s28], [sflag:$0x2], $0x1000, $0x38;
	[tilespmem:$0xF300] =	vst v63  }
0x152: {  	_ =	swait.ge [sflag:s18], $0x1000  }
0x153: {  	p1 =	sne.s32 s0, $0x40;
	s5 =	sshll.u32 s5, $0x1;
	[sflag:s18] =	ssyncset.done $0x0  }
.Ltmp1:
0x154: {  	s5 =	sadd.s32 s9, s5;
	[sflag:s18] =	ssyncadd.s32 $0xFFFFF000;
	(pc) =	sbr.rel @p1 .LBB2_2-.Ltmp1, $4  }
0x155: {  	[hbm4b:s5+s3] =	stream.linear.scatter [tilespmem:s29], [sflag:$0x2], $0x200, $0x38;
	[tilespmem:$0xF300] =	vst v63  }
0x156: {  	_ =	swait.ge [sflag:s18], $0x200  }
0x157: {  	[sflag:s18] =	ssyncset.done $0x0  }
0x158: {  	p0 =	por !p0, !p0;
	s31 =	smov.u32 s0;
	[sflag:s18] =	ssyncadd.s32 $0xFFFFFE00  }
0x159: {  	_ =	swait.ge [sflag:s26], $0x2800  }
0x15a: {  	[sflag:s26] =	ssyncset.done $0x0  }
0x15b: {  	[sflag:s26] =	ssyncadd.s32 $0xFFFFD800  }
0x15c: {  	_ =	swait.ge [sflag:s26], $0x2800  }
0x15d: {  	[sflag:s26] =	ssyncset.done $0x0  }
0x15e: {  	s30 =	sadd.s32 $0x1, s30;
	[sflag:s26] =	ssyncadd.s32 $0xFFFFD800  }
0x15f: {  	p0 =	sne.s32 s30, s16;
	_ =	swait.ge [sflag:s26], $0x1000  }
.Ltmp2:
0x160: {  	[sflag:s26] =	ssyncset.done $0x0;
	(pc) =	sbr.rel @p0 .LBB2_1-.Ltmp2, $4  }
0x161: {  	[sflag:s26] =	ssyncadd.s32 $0xFFFFF000  }
0x162: {  	_ =	swait.ge [sflag:s26], $0x1000  }
0x163: {  	[sflag:s26] =	ssyncset.done $0x0  }
0x164: {  	[sflag:s26] =	ssyncadd.s32 $0xFFFFF000  }
0x165: {  	_ =	sfence.sel $0x180000  }
0x166: {  	[bflag:$0x0] =	sbarrier.arrive $0xFFFF  }
0x167: {  	_ =	strace $0x9000004A  }
0x168: {  	s0 =	stileid.u32;
	[bflag:$0x2] =	sbarrier.arrive $0xFFFF  }
0x169: {  	p0 =	sne.s32 s0, $0x0;
	s0 =	rddreg [dreg:$0x3]  }
0x16a: {  	s0 =	sadd.s32 @!p0 $0x100000, s0  }
0x16b: {  	[sflag:s0] =	ssyncadd.tile.s32 @!p0 $0x1;
	_ =	shalt  }
.Lfunc_end2:
_tile_overlayer_lowered:
.L_overlay_start_2:
0x16c: {  	(tag) =	ssettag $0x2  }
0x16d: {  	s0 =	rddreg [dreg:$0x0];
	s2 =	stileid.u32  }
0x16e: {  	s1 =	rddreg [dreg:$0x1];
	p0 =	sne.s32 s2, $0x0  }
0x16f: {  	s3 =	rddreg [dreg:$0x2];
	[bflag:$0x3] =	sbarrier.arrive $0xFFFF;
	s2 =	simm.s32 @!p0 $0x1C02  }
0x170: {  	[timem:s3], [sflag:s2] =	dma.local @!p0 [hbm:s0], s1  }
0x171: {  	s0 =	simm.s32 @!p0 $0x2  }
0x172: {  	_ =	swait.ge @!p0 [sflag:s0], s1  }
0x173: {  	s1 =	ssub.s32 @!p0 $0x0, s1;
	[sflag:s0] =	ssyncset.done @!p0 $0x0  }
0x174: {  	[sflag:s0] =	ssyncadd.s32 @!p0 s1  }
0x175: {  	[bflag:$0x3] =	sbarrier.arrive $0xFFFF  }
0x176: {  	_ =	shalt  }

</sc_bundles>
